<compile_context>
chip_gen: v7x
topology: tpu7x:2x2x1
jax: 0.10.2.dev20260603
libtpu: 0.0.44.dev20260713+nightly
codegen_flags: <defaults>
</compile_context>

<pallas_src>
import functools

import jax
import jax.numpy as jnp
from jax import lax
from jax.experimental import pallas as pl
from jax.experimental.pallas import tpu as pltpu
from jax.experimental.pallas import tpu_sc as plsc

_B = 2
_N = 40000
_DIM = 768
_G = 256
_M = 64
_NPAD = 40960
_ROWS = _NPAD // 128


def _fps_body(x_ref, cent_ref, dist_ref):
    flat = (lax.broadcasted_iota(jnp.int32, (_ROWS, 128), 0) * 128
            + lax.broadcasted_iota(jnp.int32, (_ROWS, 128), 1))
    valid = flat < _N
    lane_iota = lax.broadcasted_iota(jnp.int32, (1, 128), 1)
    for b in range(_B):
        dist_ref[b] = jnp.where(valid, jnp.float32(1e10), jnp.float32(-1.0))

    def step(i, fars):
        new_fars = []
        for b in range(_B):
            far = fars[b]
            row = far // 128
            lane = far - row * 128
            xr = x_ref[b, 0, pl.ds(row, 1), :]
            yr = x_ref[b, 1, pl.ds(row, 1), :]
            zr = x_ref[b, 2, pl.ds(row, 1), :]
            sel = lane_iota == lane
            cx = jnp.sum(jnp.where(sel, xr, 0.0))
            cy = jnp.sum(jnp.where(sel, yr, 0.0))
            cz = jnp.sum(jnp.where(sel, zr, 0.0))
            c2 = cx * cx + cy * cy + cz * cz
            rowvec = jnp.where(
                lane_iota == 0, cx,
                jnp.where(lane_iota == 1, cy,
                          jnp.where(lane_iota == 2, cz,
                                    jnp.where(lane_iota == 3, c2, 0.0))))
            cent_ref[pl.ds(b * _G + i, 1), :] = rowvec
            dx = x_ref[b, 0] - cx
            dy = x_ref[b, 1] - cy
            dz = x_ref[b, 2] - cz
            d = (dx * dx + dy * dy) + dz * dz
            nd = jnp.minimum(dist_ref[b], d)
            dist_ref[b] = nd
            maxv = jnp.max(jnp.max(nd, axis=0, keepdims=True))
            newfar = jnp.min(jnp.where(nd == maxv, flat, jnp.int32(2**30)))
            new_fars.append(newfar)
        return tuple(new_fars)

    lax.fori_loop(0, _G, step, tuple(jnp.int32(0) for _ in range(_B)))


def _run_fps(xpad):
    return pl.pallas_call(
        _fps_body,
        out_shape=jax.ShapeDtypeStruct((_B * _G, 128), jnp.float32),
        scratch_shapes=[pltpu.VMEM((_B, _ROWS, 128), jnp.float32)],
    )(xpad)


_FMAX = 3.4028235e38
_RT = 64
_NT = 5120


def _d2_body(cent_ref, xt_ref, x2_ref, d2_ref, cm_ref):
    lane8 = lax.broadcasted_iota(jnp.int32, (_RT, 8), 1)
    lhs = jnp.where(lane8 < 3, cent_ref[:, 0:8], 0.0)
    e = lax.dot_general(lhs, xt_ref[0], (((1,), (0,)), ((), ())),
                        precision=lax.Precision.DEFAULT,
                        preferred_element_type=jnp.float32)
    c2 = cent_ref[:, 3:4]
    d2 = (c2 - 2.0 * e) + x2_ref[0]
    col = lax.broadcasted_iota(jnp.int32, (_RT, _NT), 1) + pl.program_id(1) * _NT
    d2 = jnp.where(col < _N, d2, jnp.float32(_FMAX))
    d2r = d2.reshape(_RT, _NT // 128, 128)
    d2_ref[...] = d2r
    cm_ref[0] = jnp.min(d2r, axis=2)


def _run_d2(cent2, xtp, x2p):
    gr = _B * _G // _RT
    gn = _NPAD // _NT
    return pl.pallas_call(
        _d2_body,
        grid=(gr, gn),
        in_specs=[
            pl.BlockSpec((_RT, 128), lambda r, n: (r, 0)),
            pl.BlockSpec((1, 8, _NT), lambda r, n: (r // (gr // _B), 0, n)),
            pl.BlockSpec((1, 1, _NT), lambda r, n: (r // (gr // _B), 0, n)),
        ],
        out_specs=[
            pl.BlockSpec((_RT, _NT // 128, 128), lambda r, n: (r, n, 0)),
            pl.BlockSpec((1, _RT, _NT // 128), lambda r, n: (n, r, 0)),
        ],
        out_shape=[
            jax.ShapeDtypeStruct((_B * _G, _ROWS, 128), jnp.float32),
            jax.ShapeDtypeStruct((gn, _B * _G, _NT // 128), jnp.float32),
        ],
    )(cent2, xtp, x2p)


_CAP = 2048
_NROW = _B * _G
_IMAX = 2147483647


def _key_i32(v):
    s = plsc.bitcast(v, jnp.int32)
    sh = lax.shift_right_arithmetic(s, 31)
    return s ^ (sh & _IMAX)


def _unkey_i32(k):
    sh = lax.shift_right_arithmetic(k, 31)
    return k ^ (sh & _IMAX)


def _bcast_last(x):
    return x.at[jnp.full((16,), 15, jnp.int32)].get(mode="promise_in_bounds")


def _vmax_all_i32(x):
    return _bcast_last(plsc.cummax(x))


def _vmin_all_i32(x):
    return ~_bcast_last(plsc.cummax(~x))


def _sc_body(d2_hbm, cm_hbm, cent_hbm, feats_hbm, xyzp_hbm,
             fts_hbm, nxyz_hbm,
             drow, cmv, candi, candk, seli, frows, acc, xrows, xr16, cvec,
             sem1, sem2):
    nc = 2
    wid = lax.axis_index("s") * nc + lax.axis_index("c")
    iota = jnp.arange(16, dtype=jnp.int32)

    def do_row(i, _):
        r = wid * 16 + i
        b = r // _G
        pltpu.sync_copy(d2_hbm.at[r], drow)
        pltpu.sync_copy(cm_hbm.at[r], cmv)
        pltpu.sync_copy(cent_hbm.at[r], cvec)

        gms = []
        for k in range(4):
            g = cmv[pl.ds(k * 16, 16)]
            for j in range(1, 5):
                g = jnp.minimum(g, cmv[pl.ds((k + 4 * j) * 16, 16)])
            gms.append(g)
        gmax = jnp.maximum(jnp.maximum(gms[0], gms[1]),
                           jnp.maximum(gms[2], gms[3]))
        ktv = _vmax_all_i32(_key_i32(gmax))
        tv = plsc.bitcast(_unkey_i32(ktv), jnp.float32)

        def fbody(c, offv):
            base = c * 128
            for k in range(8):
                v = drow[c, pl.ds(k * 16, 16)]
                m = v <= tv
                cs = plsc.cumsum(m.astype(jnp.int32))
                pos = jnp.minimum(offv + cs - 1, _CAP - 1)
                plsc.store_scatter(candi, [pos], iota + (base + k * 16),
                                   mask=m)
                offv = offv + plsc.all_reduce_population_count(m)
            return offv

        offv = lax.fori_loop(0, _ROWS, fbody, jnp.zeros((16,), jnp.int32))
        cntv = jnp.minimum(offv, _CAP)
        count = cntv[0]
        nv = (count + 15) // 16

        def kbody(j, _):
            lanepos = iota + j * 16
            ok = lanepos < cntv
            idxv = candi[pl.ds(j * 16, 16)]
            vv = plsc.load_gather(drow, [idxv >> 7, idxv & 127], mask=ok)
            kk = jnp.where(ok, _key_i32(vv), _IMAX)
            candk[pl.ds(j * 16, 16)] = kk
            return 0

        lax.fori_loop(0, nv, kbody, 0)
        for k in range(3):
            candk[pl.ds((nv + k) * 16, 16)] = jnp.full((16,), _IMAX,
                                                       jnp.int32)
        nvb = (nv + 3) // 4

        def sbody(s, _):
            def p1(jb, carry):
                mv, bj = carry
                for k in range(4):
                    j = jb * 4 + k
                    v = candk[pl.ds(j * 16, 16)]
                    upd = v < mv
                    mv = jnp.where(upd, v, mv)
                    bj = jnp.where(upd, jnp.full((16,), j, jnp.int32), bj)
                return mv, bj

            mv, bj = lax.fori_loop(
                0, nvb, p1,
                (jnp.full((16,), _IMAX, jnp.int32),
                 jnp.zeros((16,), jnp.int32)))
            mkv = _vmin_all_i32(mv)
            posv = bj * 16 + iota
            pm = jnp.where(mv == mkv, posv, _IMAX)
            p = _vmin_all_i32(pm)[0]
            jv = p // 16
            lane = p - jv * 16
            kvv = candk[pl.ds(jv * 16, 16)]
            candk[pl.ds(jv * 16, 16)] = jnp.where(iota == lane, _IMAX, kvv)
            iv = candi[pl.ds(jv * 16, 16)]
            oi = plsc.cumsum(jnp.where(iota == lane, iv, 0))[15]
            jv2 = s // 16
            old = seli[pl.ds(jv2 * 16, 16)]
            seli[pl.ds(jv2 * 16, 16)] = jnp.where(
                iota == (s - jv2 * 16), oi + b * _N, old)
            return 0

        lax.fori_loop(0, _M, sbody, 0)

        cp1 = pltpu.async_copy(feats_hbm.at[seli], frows, sem1)
        cp2 = pltpu.async_copy(xyzp_hbm.at[seli], xrows, sem2)
        for dblk in range(_DIM // 16):
            acc[pl.ds(dblk * 16, 16)] = jnp.zeros((16,), jnp.float32)
        cp1.wait()

        def abody(m, _):
            for dblk in range(_DIM // 16):
                sl = pl.ds(dblk * 16, 16)
                plsc.addupdate(acc.at[sl], frows[m, sl])
            return 0

        lax.fori_loop(0, _M, abody, 0, unroll=4)
        for dblk in range(_DIM // 16):
            sl = pl.ds(dblk * 16, 16)
            acc[sl] = acc[sl] * jnp.float32(1.0 / _M)
        pltpu.sync_copy(acc, fts_hbm.at[r])

        cp2.wait()
        cmask = jnp.where(iota < 3, cvec[...], jnp.float32(0.0))

        def xbody(m, _):
            xr16[m, pl.ds(0, 16)] = xrows[m, pl.ds(0, 16)] - cmask
            return 0

        lax.fori_loop(0, _M, xbody, 0)
        pltpu.sync_copy(xr16, nxyz_hbm.at[r])
        return 0

    lax.fori_loop(0, 16, do_row, 0)


def _run_sc(d2p, cm, cent16, featsf, xyzp):
    mesh = plsc.VectorSubcoreMesh(core_axis_name="c", subcore_axis_name="s")
    f = pl.kernel(
        _sc_body,
        out_type=[
            jax.ShapeDtypeStruct((_NROW, _DIM), jnp.float32),
            jax.ShapeDtypeStruct((_NROW, _M, 16), jnp.float32),
        ],
        mesh=mesh,
        compiler_params=pltpu.CompilerParams(needs_layout_passes=False),
        scratch_types=[
            pltpu.VMEM((_ROWS, 128), jnp.float32),
            pltpu.VMEM((_ROWS,), jnp.float32),
            pltpu.VMEM((_CAP,), jnp.int32),
            pltpu.VMEM((_CAP + 48,), jnp.int32),
            pltpu.VMEM((_M,), jnp.int32),
            pltpu.VMEM((_M, _DIM), jnp.float32),
            pltpu.VMEM((_DIM,), jnp.float32),
            pltpu.VMEM((_M, 128), jnp.float32),
            pltpu.VMEM((_M, 16), jnp.float32),
            pltpu.VMEM((16,), jnp.float32),
            pltpu.SemaphoreType.DMA,
            pltpu.SemaphoreType.DMA,
        ],
    )
    return f(d2p, cm, cent16, featsf, xyzp)


def kernel(xyzs, pointcloud_features, level):
    Bb = _B
    xyz = xyzs[:, :_N, :]
    feats = pointcloud_features[:, :_N, :]

    xt = jnp.transpose(xyz, (0, 2, 1))
    xpad = jnp.pad(xt, ((0, 0), (0, 0), (0, _NPAD - _N)))
    xpad = xpad.reshape(_B, 3, _ROWS, 128)
    cent = _run_fps(xpad)
    center = cent[:, :3].reshape(_B, _G, 3)

    c2 = jnp.sum(center ** 2, axis=-1).reshape(_B * _G)
    lane = jnp.arange(128)[None, :]
    cent2 = jnp.where(lane == 3, c2[:, None], cent)
    xtp = jnp.pad(xt, ((0, 0), (0, 5), (0, _NPAD - _N)))
    x2p = jnp.pad(jnp.sum(xyz ** 2, axis=-1),
                  ((0, 0), (0, _NPAD - _N))).reshape(_B, 1, _NPAD)
    d2p, cm3 = _run_d2(cent2, xtp, x2p)
    cm = jnp.transpose(cm3, (1, 0, 2)).reshape(_NROW, _ROWS)

    cent16 = cent[:, :16]
    featsf = feats.reshape(_B * _N, _DIM)
    xyzp = jnp.pad(xyz.reshape(_B * _N, 3), ((0, 0), (0, 125)))
    fts, nx16 = _run_sc(d2p, cm, cent16, featsf, xyzp)

    scene_fts = fts.reshape(_B, _G, _DIM)
    nxyz = nx16[:, :, :3].reshape(_B, _G, _M, 3)
    all_fts_mask = jnp.ones((Bb, _G), dtype=pointcloud_features.dtype)
    return scene_fts, all_fts_mask, center, nxyz

# --- scband reference (transcript-rebuilt; emitter-appended) ---
"""Pipeline reference for scband-openscene-encoder-18021682774450 (READ-ONLY COPY).

The authoritative reference and input builder live on the scoring server;
editing this copy changes nothing except your own understanding.
"""

import jax, jax.numpy as jnp
import numpy as np

B = 2
N = 40000
DIM = 768
NUM_GROUP = 256
GROUP_SIZE = 64
N_POINTS = 40000


def fps(xyz, n_samples):
    # farthest point sampling; xyz: (B, N, 3) -> (B, n_samples) int32 indices
    Bb, Nn, _ = xyz.shape
    centroids = jnp.zeros((Bb, n_samples), dtype=jnp.int32)
    distance = jnp.full((Bb, Nn), 1e10, dtype=xyz.dtype)
    farthest = jnp.zeros((Bb,), dtype=jnp.int32)

    def body(i, carry):
        centroids, distance, farthest = carry
        centroids = centroids.at[:, i].set(farthest)
        centroid = xyz[jnp.arange(Bb), farthest][:, None, :]  # (B, 1, 3)
        dist = jnp.sum((xyz - centroid) ** 2, axis=-1)  # (B, N)
        distance = jnp.minimum(distance, dist)
        farthest = jnp.argmax(distance, axis=-1).astype(jnp.int32)
        return centroids, distance, farthest

    centroids, _, _ = jax.lax.fori_loop(0, n_samples, body, (centroids, distance, farthest))
    return centroids


def group(points, num_group, group_size):
    # points: (B, N, 3 + C). Point-BERT style Group: FPS centers on xyz, KNN grouping,
    # gather full (xyz + feature) neighborhoods, center-normalize the xyz channels.
    xyz = points[..., :3]
    Bb = points.shape[0]
    fps_idx = fps(jax.lax.stop_gradient(xyz), num_group)  # (B, G)
    bidx = jnp.arange(Bb)[:, None]
    center = xyz[bidx, fps_idx]  # (B, G, 3)
    # squared euclidean distances center->all points: (B, G, N)
    d2 = (jnp.sum(center ** 2, axis=-1)[:, :, None]
          - 2.0 * jnp.einsum('bgc,bnc->bgn', center, xyz)
          + jnp.sum(xyz ** 2, axis=-1)[:, None, :])
    _, idx = jax.lax.top_k(-jax.lax.stop_gradient(d2), group_size)  # (B, G, M) KNN indices
    bidx2 = jnp.arange(Bb)[:, None, None]
    neighborhood = points[bidx2, idx]  # (B, G, M, 3 + C)
    nxyz = neighborhood[..., :3] - center[:, :, None, :]
    neighborhood = jnp.concatenate([nxyz, neighborhood[..., 3:]], axis=-1)
    return neighborhood, center


def setup_inputs(seed: int = 0) -> dict:
    key = jax.random.key(seed)
    k1, k2 = jax.random.split(key)
    xyzs = jax.random.uniform(k1, (B, N, 3), dtype=jnp.float32) * 10.0
    pointcloud_features = jax.random.normal(k2, (B, N, DIM), dtype=jnp.float32)
    # level is a list of strings in the torch module; all entries are 'scene' here,
    # represented by the batch-size int (the reference closes over the all-scene case).
    return {"xyzs": xyzs, "pointcloud_features": pointcloud_features, "level": B}


def reference(xyzs, pointcloud_features, level):
    Bb, _, dim = pointcloud_features.shape
    # all batch elements are level == 'scene' -> scene_idx == [0..B-1]
    xyz = xyzs[:, :N_POINTS, :]
    scene_fts_in = pointcloud_features[:, :N_POINTS, :]
    scene_pointclouds = jnp.concatenate([xyz, scene_fts_in], axis=-1)
    scene_neighborhood, scene_center = group(scene_pointclouds, NUM_GROUP, GROUP_SIZE)
    neighborhood_xyz = scene_neighborhood[..., :3]
    scene_fts = scene_neighborhood[..., 3:].mean(-2)  # (B, G, dim)
    all_fts = scene_fts  # scatter into zeros at scene_idx == identity here
    all_fts_mask = jnp.ones((Bb, NUM_GROUP), dtype=pointcloud_features.dtype)
    return all_fts, all_fts_mask, scene_center, neighborhood_xyz

if __name__ == "__main__":
    import jax
    _d = setup_inputs()
    print(jax.jit(kernel)(*tuple(_d.values())))

</pallas_src>

<mosaic_0001>
#map = affine_map<(d0, d1) -> (0, 0, 0)>
#map1 = affine_map<(d0, d1) -> (0, 0)>
module attributes {stable_mosaic.version = 14 : i64} {
  func.func @_sc_body(%arg0: i32, %arg1: i32, %arg2: memref<512x320x128xf32, #tpu.memory_space<hbm>>, %arg3: memref<512x320xf32, #tpu.memory_space<hbm>>, %arg4: memref<512x16xf32, #tpu.memory_space<hbm>>, %arg5: memref<80000x768xf32, #tpu.memory_space<hbm>>, %arg6: memref<80000x128xf32, #tpu.memory_space<hbm>>, %arg7: memref<512x768xf32, #tpu.memory_space<hbm>>, %arg8: memref<512x64x16xf32, #tpu.memory_space<hbm>>, %arg9: memref<320x128xf32, #tpu.memory_space<vmem>>, %arg10: memref<320xf32, #tpu.memory_space<vmem>>, %arg11: memref<2048xi32, #tpu.memory_space<vmem>>, %arg12: memref<2096xi32, #tpu.memory_space<vmem>>, %arg13: memref<64xi32, #tpu.memory_space<vmem>>, %arg14: memref<64x768xf32, #tpu.memory_space<vmem>>, %arg15: memref<768xf32, #tpu.memory_space<vmem>>, %arg16: memref<64x128xf32, #tpu.memory_space<vmem>>, %arg17: memref<64x16xf32, #tpu.memory_space<vmem>>, %arg18: memref<16xf32, #tpu.memory_space<vmem>>, %arg19: memref<!tpu.dma_semaphore, #tpu.memory_space<semaphore_mem>>, %arg20: memref<!tpu.dma_semaphore, #tpu.memory_space<semaphore_mem>>) attributes {dimension_semantics = [#tpu.dimension_semantics<core_parallel>, #tpu.dimension_semantics<subcore_parallel>], iteration_bounds = array<i64: 2, 16>, scalar_prefetch = 0 : i64, scratch_operands = 12 : i64, tpu.core_type = #tpu.core_type<sc_vector_subcore>, window_params = [{transform_indices = #map}, {transform_indices = #map1}, {transform_indices = #map1}, {transform_indices = #map1}, {transform_indices = #map1}, {transform_indices = #map1}, {transform_indices = #map}]} {
    %mul3A = arith.constant 2 : i32
    %mul3A_0 = arith.muli %arg1, %mul3A : i32
    %add3A = arith.addi %mul3A_0, %arg0 : i32
    %iota3A = tpu.iota {dimensions = array<i32: 0>} : vector<16xi32>
    %scan3A = arith.constant 0 : i32
    %scan3A_1 = arith.constant 0 : i32
    %scan3A_2 = arith.constant 16 : i32
    %scan3A_3 = arith.addi %scan3A_1, %scan3A_2 : i32
    %scan3A_4 = arith.constant 1 : i32
    %scan3A_5 = scf.for %scan3A_7 = %scan3A_1 to %scan3A_3 step %scan3A_4 iter_args(%scan3A_8 = %scan3A) -> (i32)  : i32 {
      %mul3A_9 = arith.constant 16 : i32
      %mul3A_10 = arith.muli %add3A, %mul3A_9 : i32
      %add3A_11 = arith.addi %mul3A_10, %scan3A_7 : i32
      %jit3A = arith.constant 256 : i32
      %div3A = arith.divsi %add3A_11, %jit3A : i32
      %sign3A = arith.constant 0 : i32
      %sign3A_12 = arith.cmpi sgt, %add3A_11, %sign3A : i32
      %sign3A_13 = arith.extui %sign3A_12 : i1 to i32
      %sign3A_14 = arith.constant 0 : i32
      %sign3A_15 = arith.cmpi slt, %add3A_11, %sign3A_14 : i32
      %sign3A_16 = arith.extui %sign3A_15 : i1 to i32
      %sign3A_17 = arith.subi %sign3A_13, %sign3A_16 : i32
      %sign3A_18 = arith.constant 0 : i32
      %sign3A_19 = arith.cmpi sgt, %jit3A, %sign3A_18 : i32
      %sign3A_20 = arith.extui %sign3A_19 : i1 to i32
      %sign3A_21 = arith.constant 0 : i32
      %sign3A_22 = arith.cmpi slt, %jit3A, %sign3A_21 : i32
      %sign3A_23 = arith.extui %sign3A_22 : i1 to i32
      %sign3A_24 = arith.subi %sign3A_20, %sign3A_23 : i32
      %ne3A = arith.cmpi ne, %sign3A_17, %sign3A_24 : i32
      %rem3A = arith.remsi %add3A_11, %jit3A : i32
      %ne3A_25 = arith.constant 0 : i32
      %ne3A_26 = arith.cmpi ne, %rem3A, %ne3A_25 : i32
      %and3A = arith.andi %ne3A, %ne3A_26 : i1
      %sub3A = arith.constant 1 : i32
      %sub3A_27 = arith.subi %div3A, %sub3A : i32
      %select_n3A = arith.select %and3A, %sub3A_27, %div3A : i32
      "tpu.region"() ({
        %run_scoped3A = tpu.sem_alloc : memref<!tpu.dma_semaphore, #tpu.memory_space<semaphore_mem>>
        %dma_start3A_777 = arith.constant 0 : i32
        %dma_start3A_778 = arith.constant 0 : i32
        %dma_start3A_779 = tpu.memref_slice %arg2[%add3A_11, %dma_start3A_777, %dma_start3A_778] : memref<512x320x128xf32, #tpu.memory_space<hbm>> -> memref<1x320x128xf32, #tpu.memory_space<hbm>>
        %dma_start3A_780 = tpu.memref_squeeze %dma_start3A_779 : memref<1x320x128xf32, #tpu.memory_space<hbm>> -> memref<320x128xf32, #tpu.memory_space<hbm>>
        %dma_start3A_781 = arith.constant 0 : i32
        %dma_start3A_782 = arith.constant 0 : i32
        %dma_start3A_783 = tpu.memref_slice %arg2[%add3A_11, %dma_start3A_781, %dma_start3A_782] : memref<512x320x128xf32, #tpu.memory_space<hbm>> -> memref<1x320x128xf32, #tpu.memory_space<hbm>>
        %dma_start3A_784 = tpu.memref_squeeze %dma_start3A_783 : memref<1x320x128xf32, #tpu.memory_space<hbm>> -> memref<320x128xf32, #tpu.memory_space<hbm>>
        tpu.enqueue_dma source(%dma_start3A_784 : memref<320x128xf32, #tpu.memory_space<hbm>>) target(%arg9 : memref<320x128xf32, #tpu.memory_space<vmem>>) target_semaphore(%run_scoped3A : memref<!tpu.dma_semaphore, #tpu.memory_space<semaphore_mem>>)
        %dma_wait3A_785 = arith.constant 0 : i32
        %dma_wait3A_786 = arith.constant 0 : i32
        %dma_wait3A_787 = tpu.memref_slice %arg2[%add3A_11, %dma_wait3A_785, %dma_wait3A_786] : memref<512x320x128xf32, #tpu.memory_space<hbm>> -> memref<1x320x128xf32, #tpu.memory_space<hbm>>
        %dma_wait3A_788 = tpu.memref_squeeze %dma_wait3A_787 : memref<1x320x128xf32, #tpu.memory_space<hbm>> -> memref<320x128xf32, #tpu.memory_space<hbm>>
        %dma_wait3A_789 = arith.constant 0 : i32
        %dma_wait3A_790 = arith.constant 0 : i32
        %dma_wait3A_791 = tpu.memref_slice %arg2[%add3A_11, %dma_wait3A_789, %dma_wait3A_790] : memref<512x320x128xf32, #tpu.memory_space<hbm>> -> memref<1x320x128xf32, #tpu.memory_space<hbm>>
        %dma_wait3A_792 = tpu.memref_squeeze %dma_wait3A_791 : memref<1x320x128xf32, #tpu.memory_space<hbm>> -> memref<320x128xf32, #tpu.memory_space<hbm>>
        tpu.wait_dma2 semaphore(%run_scoped3A : memref<!tpu.dma_semaphore, #tpu.memory_space<semaphore_mem>>) src(%dma_wait3A_792 : memref<320x128xf32, #tpu.memory_space<hbm>>) dst(%arg9 : memref<320x128xf32, #tpu.memory_space<vmem>>)
        tpu.yield
      }) : () -> ()
      "tpu.region"() ({
        %run_scoped3A = tpu.sem_alloc : memref<!tpu.dma_semaphore, #tpu.memory_space<semaphore_mem>>
        %dma_start3A_777 = arith.constant 0 : i32
        %dma_start3A_778 = tpu.memref_slice %arg3[%add3A_11, %dma_start3A_777] : memref<512x320xf32, #tpu.memory_space<hbm>> -> memref<1x320xf32, #tpu.memory_space<hbm>>
        %dma_start3A_779 = tpu.memref_squeeze %dma_start3A_778 : memref<1x320xf32, #tpu.memory_space<hbm>> -> memref<320xf32, #tpu.memory_space<hbm>>
        %dma_start3A_780 = arith.constant 0 : i32
        %dma_start3A_781 = tpu.memref_slice %arg3[%add3A_11, %dma_start3A_780] : memref<512x320xf32, #tpu.memory_space<hbm>> -> memref<1x320xf32, #tpu.memory_space<hbm>>
        %dma_start3A_782 = tpu.memref_squeeze %dma_start3A_781 : memref<1x320xf32, #tpu.memory_space<hbm>> -> memref<320xf32, #tpu.memory_space<hbm>>
        tpu.enqueue_dma source(%dma_start3A_782 : memref<320xf32, #tpu.memory_space<hbm>>) target(%arg10 : memref<320xf32, #tpu.memory_space<vmem>>) target_semaphore(%run_scoped3A : memref<!tpu.dma_semaphore, #tpu.memory_space<semaphore_mem>>)
        %dma_wait3A_783 = arith.constant 0 : i32
        %dma_wait3A_784 = tpu.memref_slice %arg3[%add3A_11, %dma_wait3A_783] : memref<512x320xf32, #tpu.memory_space<hbm>> -> memref<1x320xf32, #tpu.memory_space<hbm>>
        %dma_wait3A_785 = tpu.memref_squeeze %dma_wait3A_784 : memref<1x320xf32, #tpu.memory_space<hbm>> -> memref<320xf32, #tpu.memory_space<hbm>>
        %dma_wait3A_786 = arith.constant 0 : i32
        %dma_wait3A_787 = tpu.memref_slice %arg3[%add3A_11, %dma_wait3A_786] : memref<512x320xf32, #tpu.memory_space<hbm>> -> memref<1x320xf32, #tpu.memory_space<hbm>>
        %dma_wait3A_788 = tpu.memref_squeeze %dma_wait3A_787 : memref<1x320xf32, #tpu.memory_space<hbm>> -> memref<320xf32, #tpu.memory_space<hbm>>
        tpu.wait_dma2 semaphore(%run_scoped3A : memref<!tpu.dma_semaphore, #tpu.memory_space<semaphore_mem>>) src(%dma_wait3A_788 : memref<320xf32, #tpu.memory_space<hbm>>) dst(%arg10 : memref<320xf32, #tpu.memory_space<vmem>>)
        tpu.yield
      }) : () -> ()
      "tpu.region"() ({
        %run_scoped3A = tpu.sem_alloc : memref<!tpu.dma_semaphore, #tpu.memory_space<semaphore_mem>>
        %dma_start3A_777 = arith.constant 0 : i32
        %dma_start3A_778 = tpu.memref_slice %arg4[%add3A_11, %dma_start3A_777] : memref<512x16xf32, #tpu.memory_space<hbm>> -> memref<1x16xf32, #tpu.memory_space<hbm>>
        %dma_start3A_779 = tpu.memref_squeeze %dma_start3A_778 : memref<1x16xf32, #tpu.memory_space<hbm>> -> memref<16xf32, #tpu.memory_space<hbm>>
        %dma_start3A_780 = arith.constant 0 : i32
        %dma_start3A_781 = tpu.memref_slice %arg4[%add3A_11, %dma_start3A_780] : memref<512x16xf32, #tpu.memory_space<hbm>> -> memref<1x16xf32, #tpu.memory_space<hbm>>
        %dma_start3A_782 = tpu.memref_squeeze %dma_start3A_781 : memref<1x16xf32, #tpu.memory_space<hbm>> -> memref<16xf32, #tpu.memory_space<hbm>>
        tpu.enqueue_dma source(%dma_start3A_782 : memref<16xf32, #tpu.memory_space<hbm>>) target(%arg18 : memref<16xf32, #tpu.memory_space<vmem>>) target_semaphore(%run_scoped3A : memref<!tpu.dma_semaphore, #tpu.memory_space<semaphore_mem>>)
        %dma_wait3A_783 = arith.constant 0 : i32
        %dma_wait3A_784 = tpu.memref_slice %arg4[%add3A_11, %dma_wait3A_783] : memref<512x16xf32, #tpu.memory_space<hbm>> -> memref<1x16xf32, #tpu.memory_space<hbm>>
        %dma_wait3A_785 = tpu.memref_squeeze %dma_wait3A_784 : memref<1x16xf32, #tpu.memory_space<hbm>> -> memref<16xf32, #tpu.memory_space<hbm>>
        %dma_wait3A_786 = arith.constant 0 : i32
        %dma_wait3A_787 = tpu.memref_slice %arg4[%add3A_11, %dma_wait3A_786] : memref<512x16xf32, #tpu.memory_space<hbm>> -> memref<1x16xf32, #tpu.memory_space<hbm>>
        %dma_wait3A_788 = tpu.memref_squeeze %dma_wait3A_787 : memref<1x16xf32, #tpu.memory_space<hbm>> -> memref<16xf32, #tpu.memory_space<hbm>>
        tpu.wait_dma2 semaphore(%run_scoped3A : memref<!tpu.dma_semaphore, #tpu.memory_space<semaphore_mem>>) src(%dma_wait3A_788 : memref<16xf32, #tpu.memory_space<hbm>>) dst(%arg18 : memref<16xf32, #tpu.memory_space<vmem>>)
        tpu.yield
      }) : () -> ()
      %get3A = arith.constant 0 : index
      %get3A_28 = tpu.vector_load %arg10[%get3A] {strides = array<i32>} : memref<320xf32, #tpu.memory_space<vmem>>, vector<16xf32>,
      %get3A_29 = arith.constant 64 : index
      %get3A_30 = tpu.vector_load %arg10[%get3A_29] {strides = array<i32>} : memref<320xf32, #tpu.memory_space<vmem>>, vector<16xf32>,
      %min3A = arith.minimumf %get3A_28, %get3A_30 : vector<16xf32>
      %get3A_31 = arith.constant 128 : index
      %get3A_32 = tpu.vector_load %arg10[%get3A_31] {strides = array<i32>} : memref<320xf32, #tpu.memory_space<vmem>>, vector<16xf32>,
      %min3A_33 = arith.minimumf %min3A, %get3A_32 : vector<16xf32>
      %get3A_34 = arith.constant 192 : index
      %get3A_35 = tpu.vector_load %arg10[%get3A_34] {strides = array<i32>} : memref<320xf32, #tpu.memory_space<vmem>>, vector<16xf32>,
      %min3A_36 = arith.minimumf %min3A_33, %get3A_35 : vector<16xf32>
      %get3A_37 = arith.constant 256 : index
      %get3A_38 = tpu.vector_load %arg10[%get3A_37] {strides = array<i32>} : memref<320xf32, #tpu.memory_space<vmem>>, vector<16xf32>,
      %min3A_39 = arith.minimumf %min3A_36, %get3A_38 : vector<16xf32>
      %get3A_40 = arith.constant 16 : index
      %get3A_41 = tpu.vector_load %arg10[%get3A_40] {strides = array<i32>} : memref<320xf32, #tpu.memory_space<vmem>>, vector<16xf32>,
      %get3A_42 = arith.constant 80 : index
      %get3A_43 = tpu.vector_load %arg10[%get3A_42] {strides = array<i32>} : memref<320xf32, #tpu.memory_space<vmem>>, vector<16xf32>,
      %min3A_44 = arith.minimumf %get3A_41, %get3A_43 : vector<16xf32>
      %get3A_45 = arith.constant 144 : index
      %get3A_46 = tpu.vector_load %arg10[%get3A_45] {strides = array<i32>} : memref<320xf32, #tpu.memory_space<vmem>>, vector<16xf32>,
      %min3A_47 = arith.minimumf %min3A_44, %get3A_46 : vector<16xf32>
      %get3A_48 = arith.constant 208 : index
      %get3A_49 = tpu.vector_load %arg10[%get3A_48] {strides = array<i32>} : memref<320xf32, #tpu.memory_space<vmem>>, vector<16xf32>,
      %min3A_50 = arith.minimumf %min3A_47, %get3A_49 : vector<16xf32>
      %get3A_51 = arith.constant 272 : index
      %get3A_52 = tpu.vector_load %arg10[%get3A_51] {strides = array<i32>} : memref<320xf32, #tpu.memory_space<vmem>>, vector<16xf32>,
      %min3A_53 = arith.minimumf %min3A_50, %get3A_52 : vector<16xf32>
      %get3A_54 = arith.constant 32 : index
      %get3A_55 = tpu.vector_load %arg10[%get3A_54] {strides = array<i32>} : memref<320xf32, #tpu.memory_space<vmem>>, vector<16xf32>,
      %get3A_56 = arith.constant 96 : index
      %get3A_57 = tpu.vector_load %arg10[%get3A_56] {strides = array<i32>} : memref<320xf32, #tpu.memory_space<vmem>>, vector<16xf32>,
      %min3A_58 = arith.minimumf %get3A_55, %get3A_57 : vector<16xf32>
      %get3A_59 = arith.constant 160 : index
      %get3A_60 = tpu.vector_load %arg10[%get3A_59] {strides = array<i32>} : memref<320xf32, #tpu.memory_space<vmem>>, vector<16xf32>,
      %min3A_61 = arith.minimumf %min3A_58, %get3A_60 : vector<16xf32>
      %get3A_62 = arith.constant 224 : index
      %get3A_63 = tpu.vector_load %arg10[%get3A_62] {strides = array<i32>} : memref<320xf32, #tpu.memory_space<vmem>>, vector<16xf32>,
      %min3A_64 = arith.minimumf %min3A_61, %get3A_63 : vector<16xf32>
      %get3A_65 = arith.constant 288 : index
      %get3A_66 = tpu.vector_load %arg10[%get3A_65] {strides = array<i32>} : memref<320xf32, #tpu.memory_space<vmem>>, vector<16xf32>,
      %min3A_67 = arith.minimumf %min3A_64, %get3A_66 : vector<16xf32>
      %get3A_68 = arith.constant 48 : index
      %get3A_69 = tpu.vector_load %arg10[%get3A_68] {strides = array<i32>} : memref<320xf32, #tpu.memory_space<vmem>>, vector<16xf32>,
      %get3A_70 = arith.constant 112 : index
      %get3A_71 = tpu.vector_load %arg10[%get3A_70] {strides = array<i32>} : memref<320xf32, #tpu.memory_space<vmem>>, vector<16xf32>,
      %min3A_72 = arith.minimumf %get3A_69, %get3A_71 : vector<16xf32>
      %get3A_73 = arith.constant 176 : index
      %get3A_74 = tpu.vector_load %arg10[%get3A_73] {strides = array<i32>} : memref<320xf32, #tpu.memory_space<vmem>>, vector<16xf32>,
      %min3A_75 = arith.minimumf %min3A_72, %get3A_74 : vector<16xf32>
      %get3A_76 = arith.constant 240 : index
      %get3A_77 = tpu.vector_load %arg10[%get3A_76] {strides = array<i32>} : memref<320xf32, #tpu.memory_space<vmem>>, vector<16xf32>,
      %min3A_78 = arith.minimumf %min3A_75, %get3A_77 : vector<16xf32>
      %get3A_79 = arith.constant 304 : index
      %get3A_80 = tpu.vector_load %arg10[%get3A_79] {strides = array<i32>} : memref<320xf32, #tpu.memory_space<vmem>>, vector<16xf32>,
      %min3A_81 = arith.minimumf %min3A_78, %get3A_80 : vector<16xf32>
      %max3A = arith.maximumf %min3A_39, %min3A_53 : vector<16xf32>
      %max3A_82 = arith.maximumf %min3A_67, %min3A_81 : vector<16xf32>
      %max3A_83 = arith.maximumf %max3A, %max3A_82 : vector<16xf32>
      %bitcast3A = vector.bitcast %max3A_83 : vector<16xf32> to vector<16xi32>
      %shift_right_arithmetic3A = arith.constant 31 : i32
      %shift_right_arithmetic3A_84 = vector.broadcast %shift_right_arithmetic3A : i32 to vector<16xi32>
      %shift_right_arithmetic3A_85 = arith.shrsi %bitcast3A, %shift_right_arithmetic3A_84 : vector<16xi32>
      %and3A_86 = arith.constant 2147483647 : i32
      %and3A_87 = vector.broadcast %and3A_86 : i32 to vector<16xi32>
      %and3A_88 = arith.andi %shift_right_arithmetic3A_85, %and3A_87 : vector<16xi32>
      %xor3A = arith.xori %bitcast3A, %and3A_88 : vector<16xi32>
      %broadcast_in_dim3A = arith.constant true
      %broadcast_in_dim3A_89 = vector.broadcast %broadcast_in_dim3A : i1 to vector<16xi1>
      %masked_cummax3A = arith.constant -2147483648 : i32
      %masked_cummax3A_90 = vector.broadcast %masked_cummax3A : i32 to vector<16xi32>
      %masked_cummax3A_91 = arith.xori %xor3A, %masked_cummax3A_90 : vector<16xi32>
      %masked_cummax3A_92 = tpu.scan <max>, %masked_cummax3A_91 masked %broadcast_in_dim3A_89 : vector<16xi32>, vector<16xi1> -> vector<16xi32>
      %masked_cummax3A_93 = arith.xori %masked_cummax3A_92, %masked_cummax3A_90 : vector<16xi32>
      %broadcast_in_dim3A_94 = arith.constant 15 : i32
      %broadcast_in_dim3A_95 = vector.broadcast %broadcast_in_dim3A_94 : i32 to vector<16xi32>
      %lt3A = arith.constant 0 : i32
      %lt3A_96 = vector.broadcast %lt3A : i32 to vector<16xi32>
      %lt3A_97 = arith.cmpi slt, %broadcast_in_dim3A_95, %lt3A_96 : vector<16xi32>
      %add3A_98 = arith.constant 16 : i32
      %add3A_99 = vector.broadcast %add3A_98 : i32 to vector<16xi32>
      %add3A_100 = arith.addi %broadcast_in_dim3A_95, %add3A_99 : vector<16xi32>
      %select_n3A_101 = arith.select %lt3A_97, %add3A_100, %broadcast_in_dim3A_95 : vector<16xi1>, vector<16xi32>
      %broadcast_in_dim3A_102 = vector.shape_cast %select_n3A_101 : vector<16xi32> to vector<16x1xi32>
      %gather3A = vector.shape_cast %broadcast_in_dim3A_102 : vector<16x1xi32> to vector<16xi32>
      %gather3A_103 = tpu.dynamic_gather %masked_cummax3A_93[%gather3A] in [0] : vector<16xi32>, vector<16xi32> -> vector<16xi32>
      %shift_right_arithmetic3A_104 = arith.constant 31 : i32
      %shift_right_arithmetic3A_105 = vector.broadcast %shift_right_arithmetic3A_104 : i32 to vector<16xi32>
      %shift_right_arithmetic3A_106 = arith.shrsi %gather3A_103, %shift_right_arithmetic3A_105 : vector<16xi32>
      %and3A_107 = arith.constant 2147483647 : i32
      %and3A_108 = vector.broadcast %and3A_107 : i32 to vector<16xi32>
      %and3A_109 = arith.andi %shift_right_arithmetic3A_106, %and3A_108 : vector<16xi32>
      %xor3A_110 = arith.xori %gather3A_103, %and3A_109 : vector<16xi32>
      %bitcast3A_111 = vector.bitcast %xor3A_110 : vector<16xi32> to vector<16xf32>
      %broadcast_in_dim3A_112 = arith.constant 0 : i32
      %broadcast_in_dim3A_113 = vector.broadcast %broadcast_in_dim3A_112 : i32 to vector<16xi32>
      %scan3A_114 = arith.constant 0 : i32
      %scan3A_115 = arith.constant 320 : i32
      %scan3A_116 = arith.addi %scan3A_114, %scan3A_115 : i32
      %scan3A_117 = arith.constant 1 : i32
      %scan3A_118 = scf.for %scan3A_777 = %scan3A_114 to %scan3A_116 step %scan3A_117 iter_args(%scan3A_778 = %broadcast_in_dim3A_113) -> (vector<16xi32>)  : i32 {
        %mul3A_779 = arith.constant 128 : i32
        %mul3A_780 = arith.muli %scan3A_777, %mul3A_779 : i32
        %get3A_781 = arith.index_cast %scan3A_777 : i32 to index
        %get3A_782 = arith.constant 0 : index
        %get3A_783 = tpu.vector_load %arg9[%get3A_781, %get3A_782] {strides = array<i32>} : memref<320x128xf32, #tpu.memory_space<vmem>>, vector<16xf32>,
        %le3A = arith.cmpf ole, %get3A_783, %bitcast3A_111 : vector<16xf32>
        %convert_element_type3A = arith.extui %le3A : vector<16xi1> to vector<16xi32>
        %broadcast_in_dim3A_784 = arith.constant true
        %broadcast_in_dim3A_785 = vector.broadcast %broadcast_in_dim3A_784 : i1 to vector<16xi1>
        %masked_cumsum3A = tpu.scan <sum>, %convert_element_type3A masked %broadcast_in_dim3A_785 : vector<16xi32>, vector<16xi1> -> vector<16xi32>
        %add3A_786 = arith.addi %scan3A_778, %masked_cumsum3A : vector<16xi32>
        %sub3A_787 = arith.constant 1 : i32
        %sub3A_788 = vector.broadcast %sub3A_787 : i32 to vector<16xi32>
        %sub3A_789 = arith.subi %add3A_786, %sub3A_788 : vector<16xi32>
        %min3A_790 = arith.constant 2047 : i32
        %min3A_791 = vector.broadcast %min3A_790 : i32 to vector<16xi32>
        %min3A_792 = arith.minsi %sub3A_789, %min3A_791 : vector<16xi32>
        %add3A_793 = arith.constant 0 : i32
        %add3A_794 = arith.addi %mul3A_780, %add3A_793 : i32
        %add3A_795 = vector.broadcast %add3A_794 : i32 to vector<16xi32>
        %add3A_796 = arith.addi %iota3A, %add3A_795 : vector<16xi32>
        tpu.vector_store_idx %arg11[%min3A_792], %add3A_796 masked %le3A : memref<2048xi32, #tpu.memory_space<vmem>>[vector<16xi32>], vector<16xi32>, vector<16xi1>
        %all_reduce_population_count3A = tpu.all_reduce %le3A {dim = 0 : i64, kind = #tpu.reduction_kind<sum>} : vector<16xi1> -> vector<16xi32>
        %add3A_797 = arith.addi %scan3A_778, %all_reduce_population_count3A : vector<16xi32>
        %get3A_798 = arith.index_cast %scan3A_777 : i32 to index
        %get3A_799 = arith.constant 16 : index
        %get3A_800 = tpu.vector_load %arg9[%get3A_798, %get3A_799] {strides = array<i32>} : memref<320x128xf32, #tpu.memory_space<vmem>>, vector<16xf32>,
        %le3A_801 = arith.cmpf ole, %get3A_800, %bitcast3A_111 : vector<16xf32>
        %convert_element_type3A_802 = arith.extui %le3A_801 : vector<16xi1> to vector<16xi32>
        %broadcast_in_dim3A_803 = arith.constant true
        %broadcast_in_dim3A_804 = vector.broadcast %broadcast_in_dim3A_803 : i1 to vector<16xi1>
        %masked_cumsum3A_805 = tpu.scan <sum>, %convert_element_type3A_802 masked %broadcast_in_dim3A_804 : vector<16xi32>, vector<16xi1> -> vector<16xi32>
        %add3A_806 = arith.addi %add3A_797, %masked_cumsum3A_805 : vector<16xi32>
        %sub3A_807 = arith.constant 1 : i32
        %sub3A_808 = vector.broadcast %sub3A_807 : i32 to vector<16xi32>
        %sub3A_809 = arith.subi %add3A_806, %sub3A_808 : vector<16xi32>
        %min3A_810 = arith.constant 2047 : i32
        %min3A_811 = vector.broadcast %min3A_810 : i32 to vector<16xi32>
        %min3A_812 = arith.minsi %sub3A_809, %min3A_811 : vector<16xi32>
        %add3A_813 = arith.constant 16 : i32
        %add3A_814 = arith.addi %mul3A_780, %add3A_813 : i32
        %add3A_815 = vector.broadcast %add3A_814 : i32 to vector<16xi32>
        %add3A_816 = arith.addi %iota3A, %add3A_815 : vector<16xi32>
        tpu.vector_store_idx %arg11[%min3A_812], %add3A_816 masked %le3A_801 : memref<2048xi32, #tpu.memory_space<vmem>>[vector<16xi32>], vector<16xi32>, vector<16xi1>
        %all_reduce_population_count3A_817 = tpu.all_reduce %le3A_801 {dim = 0 : i64, kind = #tpu.reduction_kind<sum>} : vector<16xi1> -> vector<16xi32>
        %add3A_818 = arith.addi %add3A_797, %all_reduce_population_count3A_817 : vector<16xi32>
        %get3A_819 = arith.index_cast %scan3A_777 : i32 to index
        %get3A_820 = arith.constant 32 : index
        %get3A_821 = tpu.vector_load %arg9[%get3A_819, %get3A_820] {strides = array<i32>} : memref<320x128xf32, #tpu.memory_space<vmem>>, vector<16xf32>,
        %le3A_822 = arith.cmpf ole, %get3A_821, %bitcast3A_111 : vector<16xf32>
        %convert_element_type3A_823 = arith.extui %le3A_822 : vector<16xi1> to vector<16xi32>
        %broadcast_in_dim3A_824 = arith.constant true
        %broadcast_in_dim3A_825 = vector.broadcast %broadcast_in_dim3A_824 : i1 to vector<16xi1>
        %masked_cumsum3A_826 = tpu.scan <sum>, %convert_element_type3A_823 masked %broadcast_in_dim3A_825 : vector<16xi32>, vector<16xi1> -> vector<16xi32>
        %add3A_827 = arith.addi %add3A_818, %masked_cumsum3A_826 : vector<16xi32>
        %sub3A_828 = arith.constant 1 : i32
        %sub3A_829 = vector.broadcast %sub3A_828 : i32 to vector<16xi32>
        %sub3A_830 = arith.subi %add3A_827, %sub3A_829 : vector<16xi32>
        %min3A_831 = arith.constant 2047 : i32
        %min3A_832 = vector.broadcast %min3A_831 : i32 to vector<16xi32>
        %min3A_833 = arith.minsi %sub3A_830, %min3A_832 : vector<16xi32>
        %add3A_834 = arith.constant 32 : i32
        %add3A_835 = arith.addi %mul3A_780, %add3A_834 : i32
        %add3A_836 = vector.broadcast %add3A_835 : i32 to vector<16xi32>
        %add3A_837 = arith.addi %iota3A, %add3A_836 : vector<16xi32>
        tpu.vector_store_idx %arg11[%min3A_833], %add3A_837 masked %le3A_822 : memref<2048xi32, #tpu.memory_space<vmem>>[vector<16xi32>], vector<16xi32>, vector<16xi1>
        %all_reduce_population_count3A_838 = tpu.all_reduce %le3A_822 {dim = 0 : i64, kind = #tpu.reduction_kind<sum>} : vector<16xi1> -> vector<16xi32>
        %add3A_839 = arith.addi %add3A_818, %all_reduce_population_count3A_838 : vector<16xi32>
        %get3A_840 = arith.index_cast %scan3A_777 : i32 to index
        %get3A_841 = arith.constant 48 : index
        %get3A_842 = tpu.vector_load %arg9[%get3A_840, %get3A_841] {strides = array<i32>} : memref<320x128xf32, #tpu.memory_space<vmem>>, vector<16xf32>,
        %le3A_843 = arith.cmpf ole, %get3A_842, %bitcast3A_111 : vector<16xf32>
        %convert_element_type3A_844 = arith.extui %le3A_843 : vector<16xi1> to vector<16xi32>
        %broadcast_in_dim3A_845 = arith.constant true
        %broadcast_in_dim3A_846 = vector.broadcast %broadcast_in_dim3A_845 : i1 to vector<16xi1>
        %masked_cumsum3A_847 = tpu.scan <sum>, %convert_element_type3A_844 masked %broadcast_in_dim3A_846 : vector<16xi32>, vector<16xi1> -> vector<16xi32>
        %add3A_848 = arith.addi %add3A_839, %masked_cumsum3A_847 : vector<16xi32>
        %sub3A_849 = arith.constant 1 : i32
        %sub3A_850 = vector.broadcast %sub3A_849 : i32 to vector<16xi32>
        %sub3A_851 = arith.subi %add3A_848, %sub3A_850 : vector<16xi32>
        %min3A_852 = arith.constant 2047 : i32
        %min3A_853 = vector.broadcast %min3A_852 : i32 to vector<16xi32>
        %min3A_854 = arith.minsi %sub3A_851, %min3A_853 : vector<16xi32>
        %add3A_855 = arith.constant 48 : i32
        %add3A_856 = arith.addi %mul3A_780, %add3A_855 : i32
        %add3A_857 = vector.broadcast %add3A_856 : i32 to vector<16xi32>
        %add3A_858 = arith.addi %iota3A, %add3A_857 : vector<16xi32>
        tpu.vector_store_idx %arg11[%min3A_854], %add3A_858 masked %le3A_843 : memref<2048xi32, #tpu.memory_space<vmem>>[vector<16xi32>], vector<16xi32>, vector<16xi1>
        %all_reduce_population_count3A_859 = tpu.all_reduce %le3A_843 {dim = 0 : i64, kind = #tpu.reduction_kind<sum>} : vector<16xi1> -> vector<16xi32>
        %add3A_860 = arith.addi %add3A_839, %all_reduce_population_count3A_859 : vector<16xi32>
        %get3A_861 = arith.index_cast %scan3A_777 : i32 to index
        %get3A_862 = arith.constant 64 : index
        %get3A_863 = tpu.vector_load %arg9[%get3A_861, %get3A_862] {strides = array<i32>} : memref<320x128xf32, #tpu.memory_space<vmem>>, vector<16xf32>,
        %le3A_864 = arith.cmpf ole, %get3A_863, %bitcast3A_111 : vector<16xf32>
        %convert_element_type3A_865 = arith.extui %le3A_864 : vector<16xi1> to vector<16xi32>
        %broadcast_in_dim3A_866 = arith.constant true
        %broadcast_in_dim3A_867 = vector.broadcast %broadcast_in_dim3A_866 : i1 to vector<16xi1>
        %masked_cumsum3A_868 = tpu.scan <sum>, %convert_element_type3A_865 masked %broadcast_in_dim3A_867 : vector<16xi32>, vector<16xi1> -> vector<16xi32>
        %add3A_869 = arith.addi %add3A_860, %masked_cumsum3A_868 : vector<16xi32>
        %sub3A_870 = arith.constant 1 : i32
        %sub3A_871 = vector.broadcast %sub3A_870 : i32 to vector<16xi32>
        %sub3A_872 = arith.subi %add3A_869, %sub3A_871 : vector<16xi32>
        %min3A_873 = arith.constant 2047 : i32
        %min3A_874 = vector.broadcast %min3A_873 : i32 to vector<16xi32>
        %min3A_875 = arith.minsi %sub3A_872, %min3A_874 : vector<16xi32>
        %add3A_876 = arith.constant 64 : i32
        %add3A_877 = arith.addi %mul3A_780, %add3A_876 : i32
        %add3A_878 = vector.broadcast %add3A_877 : i32 to vector<16xi32>
        %add3A_879 = arith.addi %iota3A, %add3A_878 : vector<16xi32>
        tpu.vector_store_idx %arg11[%min3A_875], %add3A_879 masked %le3A_864 : memref<2048xi32, #tpu.memory_space<vmem>>[vector<16xi32>], vector<16xi32>, vector<16xi1>
        %all_reduce_population_count3A_880 = tpu.all_reduce %le3A_864 {dim = 0 : i64, kind = #tpu.reduction_kind<sum>} : vector<16xi1> -> vector<16xi32>
        %add3A_881 = arith.addi %add3A_860, %all_reduce_population_count3A_880 : vector<16xi32>
        %get3A_882 = arith.index_cast %scan3A_777 : i32 to index
        %get3A_883 = arith.constant 80 : index
        %get3A_884 = tpu.vector_load %arg9[%get3A_882, %get3A_883] {strides = array<i32>} : memref<320x128xf32, #tpu.memory_space<vmem>>, vector<16xf32>,
        %le3A_885 = arith.cmpf ole, %get3A_884, %bitcast3A_111 : vector<16xf32>
        %convert_element_type3A_886 = arith.extui %le3A_885 : vector<16xi1> to vector<16xi32>
        %broadcast_in_dim3A_887 = arith.constant true
        %broadcast_in_dim3A_888 = vector.broadcast %broadcast_in_dim3A_887 : i1 to vector<16xi1>
        %masked_cumsum3A_889 = tpu.scan <sum>, %convert_element_type3A_886 masked %broadcast_in_dim3A_888 : vector<16xi32>, vector<16xi1> -> vector<16xi32>
        %add3A_890 = arith.addi %add3A_881, %masked_cumsum3A_889 : vector<16xi32>
        %sub3A_891 = arith.constant 1 : i32
        %sub3A_892 = vector.broadcast %sub3A_891 : i32 to vector<16xi32>
        %sub3A_893 = arith.subi %add3A_890, %sub3A_892 : vector<16xi32>
        %min3A_894 = arith.constant 2047 : i32
        %min3A_895 = vector.broadcast %min3A_894 : i32 to vector<16xi32>
        %min3A_896 = arith.minsi %sub3A_893, %min3A_895 : vector<16xi32>
        %add3A_897 = arith.constant 80 : i32
        %add3A_898 = arith.addi %mul3A_780, %add3A_897 : i32
        %add3A_899 = vector.broadcast %add3A_898 : i32 to vector<16xi32>
        %add3A_900 = arith.addi %iota3A, %add3A_899 : vector<16xi32>
        tpu.vector_store_idx %arg11[%min3A_896], %add3A_900 masked %le3A_885 : memref<2048xi32, #tpu.memory_space<vmem>>[vector<16xi32>], vector<16xi32>, vector<16xi1>
        %all_reduce_population_count3A_901 = tpu.all_reduce %le3A_885 {dim = 0 : i64, kind = #tpu.reduction_kind<sum>} : vector<16xi1> -> vector<16xi32>
        %add3A_902 = arith.addi %add3A_881, %all_reduce_population_count3A_901 : vector<16xi32>
        %get3A_903 = arith.index_cast %scan3A_777 : i32 to index
        %get3A_904 = arith.constant 96 : index
        %get3A_905 = tpu.vector_load %arg9[%get3A_903, %get3A_904] {strides = array<i32>} : memref<320x128xf32, #tpu.memory_space<vmem>>, vector<16xf32>,
        %le3A_906 = arith.cmpf ole, %get3A_905, %bitcast3A_111 : vector<16xf32>
        %convert_element_type3A_907 = arith.extui %le3A_906 : vector<16xi1> to vector<16xi32>
        %broadcast_in_dim3A_908 = arith.constant true
        %broadcast_in_dim3A_909 = vector.broadcast %broadcast_in_dim3A_908 : i1 to vector<16xi1>
        %masked_cumsum3A_910 = tpu.scan <sum>, %convert_element_type3A_907 masked %broadcast_in_dim3A_909 : vector<16xi32>, vector<16xi1> -> vector<16xi32>
        %add3A_911 = arith.addi %add3A_902, %masked_cumsum3A_910 : vector<16xi32>
        %sub3A_912 = arith.constant 1 : i32
        %sub3A_913 = vector.broadcast %sub3A_912 : i32 to vector<16xi32>
        %sub3A_914 = arith.subi %add3A_911, %sub3A_913 : vector<16xi32>
        %min3A_915 = arith.constant 2047 : i32
        %min3A_916 = vector.broadcast %min3A_915 : i32 to vector<16xi32>
        %min3A_917 = arith.minsi %sub3A_914, %min3A_916 : vector<16xi32>
        %add3A_918 = arith.constant 96 : i32
        %add3A_919 = arith.addi %mul3A_780, %add3A_918 : i32
        %add3A_920 = vector.broadcast %add3A_919 : i32 to vector<16xi32>
        %add3A_921 = arith.addi %iota3A, %add3A_920 : vector<16xi32>
        tpu.vector_store_idx %arg11[%min3A_917], %add3A_921 masked %le3A_906 : memref<2048xi32, #tpu.memory_space<vmem>>[vector<16xi32>], vector<16xi32>, vector<16xi1>
        %all_reduce_population_count3A_922 = tpu.all_reduce %le3A_906 {dim = 0 : i64, kind = #tpu.reduction_kind<sum>} : vector<16xi1> -> vector<16xi32>
        %add3A_923 = arith.addi %add3A_902, %all_reduce_population_count3A_922 : vector<16xi32>
        %get3A_924 = arith.index_cast %scan3A_777 : i32 to index
        %get3A_925 = arith.constant 112 : index
        %get3A_926 = tpu.vector_load %arg9[%get3A_924, %get3A_925] {strides = array<i32>} : memref<320x128xf32, #tpu.memory_space<vmem>>, vector<16xf32>,
        %le3A_927 = arith.cmpf ole, %get3A_926, %bitcast3A_111 : vector<16xf32>
        %convert_element_type3A_928 = arith.extui %le3A_927 : vector<16xi1> to vector<16xi32>
        %broadcast_in_dim3A_929 = arith.constant true
        %broadcast_in_dim3A_930 = vector.broadcast %broadcast_in_dim3A_929 : i1 to vector<16xi1>
        %masked_cumsum3A_931 = tpu.scan <sum>, %convert_element_type3A_928 masked %broadcast_in_dim3A_930 : vector<16xi32>, vector<16xi1> -> vector<16xi32>
        %add3A_932 = arith.addi %add3A_923, %masked_cumsum3A_931 : vector<16xi32>
        %sub3A_933 = arith.constant 1 : i32
        %sub3A_934 = vector.broadcast %sub3A_933 : i32 to vector<16xi32>
        %sub3A_935 = arith.subi %add3A_932, %sub3A_934 : vector<16xi32>
        %min3A_936 = arith.constant 2047 : i32
        %min3A_937 = vector.broadcast %min3A_936 : i32 to vector<16xi32>
        %min3A_938 = arith.minsi %sub3A_935, %min3A_937 : vector<16xi32>
        %add3A_939 = arith.constant 112 : i32
        %add3A_940 = arith.addi %mul3A_780, %add3A_939 : i32
        %add3A_941 = vector.broadcast %add3A_940 : i32 to vector<16xi32>
        %add3A_942 = arith.addi %iota3A, %add3A_941 : vector<16xi32>
        tpu.vector_store_idx %arg11[%min3A_938], %add3A_942 masked %le3A_927 : memref<2048xi32, #tpu.memory_space<vmem>>[vector<16xi32>], vector<16xi32>, vector<16xi1>
        %all_reduce_population_count3A_943 = tpu.all_reduce %le3A_927 {dim = 0 : i64, kind = #tpu.reduction_kind<sum>} : vector<16xi1> -> vector<16xi32>
        %add3A_944 = arith.addi %add3A_923, %all_reduce_population_count3A_943 : vector<16xi32>
        scf.yield %add3A_944 : vector<16xi32>
      }
      %scan3A_119 = arith.constant 320 : i32
      %min3A_120 = arith.constant 2048 : i32
      %min3A_121 = vector.broadcast %min3A_120 : i32 to vector<16xi32>
      %min3A_122 = arith.minsi %scan3A_118, %min3A_121 : vector<16xi32>
      %slice3A = vector.extract_strided_slice %min3A_122 {offsets = [0], sizes = [1], strides = [1]} : vector<16xi32> to vector<1xi32>
      %squeeze3A = vector.extract %slice3A[0] : i32 from vector<1xi32>
      %add3A_123 = arith.constant 15 : i32
      %add3A_124 = arith.addi %squeeze3A, %add3A_123 : i32
      %jit3A_125 = arith.constant 16 : i32
      %div3A_126 = arith.divsi %add3A_124, %jit3A_125 : i32
      %sign3A_127 = arith.constant 0 : i32
      %sign3A_128 = arith.cmpi sgt, %add3A_124, %sign3A_127 : i32
      %sign3A_129 = arith.extui %sign3A_128 : i1 to i32
      %sign3A_130 = arith.constant 0 : i32
      %sign3A_131 = arith.cmpi slt, %add3A_124, %sign3A_130 : i32
      %sign3A_132 = arith.extui %sign3A_131 : i1 to i32
      %sign3A_133 = arith.subi %sign3A_129, %sign3A_132 : i32
      %sign3A_134 = arith.constant 0 : i32
      %sign3A_135 = arith.cmpi sgt, %jit3A_125, %sign3A_134 : i32
      %sign3A_136 = arith.extui %sign3A_135 : i1 to i32
      %sign3A_137 = arith.constant 0 : i32
      %sign3A_138 = arith.cmpi slt, %jit3A_125, %sign3A_137 : i32
      %sign3A_139 = arith.extui %sign3A_138 : i1 to i32
      %sign3A_140 = arith.subi %sign3A_136, %sign3A_139 : i32
      %ne3A_141 = arith.cmpi ne, %sign3A_133, %sign3A_140 : i32
      %rem3A_142 = arith.remsi %add3A_124, %jit3A_125 : i32
      %ne3A_143 = arith.constant 0 : i32
      %ne3A_144 = arith.cmpi ne, %rem3A_142, %ne3A_143 : i32
      %and3A_145 = arith.andi %ne3A_141, %ne3A_144 : i1
      %sub3A_146 = arith.constant 1 : i32
      %sub3A_147 = arith.subi %div3A_126, %sub3A_146 : i32
      %select_n3A_148 = arith.select %and3A_145, %sub3A_147, %div3A_126 : i32
      %while3A = arith.constant 0 : i32
      %while3A_149 = arith.constant 0 : i32
      %while3A_150 = arith.subi %select_n3A_148, %while3A : i32
      %while3A_151 = arith.addi %while3A, %while3A_150 : i32
      %while3A_152 = arith.constant 1 : i32
      %while3A_153 = arith.divsi %while3A_150, %while3A_152 : i32
      %while3A_154 = arith.muli %while3A_153, %while3A_152 : i32
      %while3A_155 = arith.addi %while3A, %while3A_154 : i32
      %while3A_156 = arith.constant 1 : i32
      %while3A_157 = scf.for %while3A_777 = %while3A to %while3A_155 step %while3A_156 iter_args(%while3A_778 = %while3A_149) -> (i32)  : i32 {
        %mul3A_779 = arith.constant 16 : i32
        %mul3A_780 = arith.muli %while3A_777, %mul3A_779 : i32
        %add3A_781 = vector.broadcast %mul3A_780 : i32 to vector<16xi32>
        %add3A_782 = arith.addi %iota3A, %add3A_781 : vector<16xi32>
        %lt3A_783 = arith.cmpi slt, %add3A_782, %min3A_122 : vector<16xi32>
        %mul3A_784 = arith.constant 16 : i32
        %mul3A_785 = arith.muli %while3A_777, %mul3A_784 : i32
        %get3A_786 = arith.index_cast %mul3A_785 : i32 to index
        %get3A_787 = tpu.vector_load %arg11[%get3A_786] {strides = array<i32>} : memref<2048xi32, #tpu.memory_space<vmem>>, vector<16xi32>,
        %shift_right_arithmetic3A_788 = arith.constant 7 : i32
        %shift_right_arithmetic3A_789 = vector.broadcast %shift_right_arithmetic3A_788 : i32 to vector<16xi32>
        %shift_right_arithmetic3A_790 = arith.shrsi %get3A_787, %shift_right_arithmetic3A_789 : vector<16xi32>
        %and3A_791 = arith.constant 127 : i32
        %and3A_792 = vector.broadcast %and3A_791 : i32 to vector<16xi32>
        %and3A_793 = arith.andi %get3A_787, %and3A_792 : vector<16xi32>
        %gather3A_794 = tpu.vector_load_idx %arg9[%shift_right_arithmetic3A_790, %and3A_793] masked %lt3A_783 : memref<320x128xf32, #tpu.memory_space<vmem>>[vector<16xi32>, vector<16xi32>], vector<16xf32>, vector<16xi1>
        %bitcast3A_795 = vector.bitcast %gather3A_794 : vector<16xf32> to vector<16xi32>
        %shift_right_arithmetic3A_796 = arith.constant 31 : i32
        %shift_right_arithmetic3A_797 = vector.broadcast %shift_right_arithmetic3A_796 : i32 to vector<16xi32>
        %shift_right_arithmetic3A_798 = arith.shrsi %bitcast3A_795, %shift_right_arithmetic3A_797 : vector<16xi32>
        %and3A_799 = arith.constant 2147483647 : i32
        %and3A_800 = vector.broadcast %and3A_799 : i32 to vector<16xi32>
        %and3A_801 = arith.andi %shift_right_arithmetic3A_798, %and3A_800 : vector<16xi32>
        %xor3A_802 = arith.xori %bitcast3A_795, %and3A_801 : vector<16xi32>
        %jit3A_803 = arith.constant 2147483647 : i32
        %broadcast_in_dim3A_804 = vector.broadcast %jit3A_803 : i32 to vector<16xi32>
        %select_n3A_805 = arith.select %lt3A_783, %xor3A_802, %broadcast_in_dim3A_804 : vector<16xi1>, vector<16xi32>
        %mul3A_806 = arith.constant 16 : i32
        %mul3A_807 = arith.muli %while3A_777, %mul3A_806 : i32
        %swap3A_808 = arith.index_cast %mul3A_807 : i32 to index
        %swap3A_809 = tpu.vector_load %arg12[%swap3A_808] {strides = array<i32>} : memref<2096xi32, #tpu.memory_space<vmem>>, vector<16xi32>,
        tpu.vector_store %arg12[%swap3A_808], %select_n3A_805 {strides = array<i32>} : memref<2096xi32, #tpu.memory_space<vmem>>, vector<16xi32>,
        %while3A_810 = arith.constant 0 : i32
        scf.yield %while3A_810 : i32
      }
      %while3A_158 = arith.constant 1 : i32
      %while3A_159 = scf.for %while3A_777 = %while3A_155 to %while3A_151 step %while3A_158 iter_args(%while3A_778 = %while3A_157) -> (i32)  : i32 {
        %mul3A_779 = arith.constant 16 : i32
        %mul3A_780 = arith.muli %while3A_777, %mul3A_779 : i32
        %add3A_781 = vector.broadcast %mul3A_780 : i32 to vector<16xi32>
        %add3A_782 = arith.addi %iota3A, %add3A_781 : vector<16xi32>
        %lt3A_783 = arith.cmpi slt, %add3A_782, %min3A_122 : vector<16xi32>
        %mul3A_784 = arith.constant 16 : i32
        %mul3A_785 = arith.muli %while3A_777, %mul3A_784 : i32
        %get3A_786 = arith.index_cast %mul3A_785 : i32 to index
        %get3A_787 = tpu.vector_load %arg11[%get3A_786] {strides = array<i32>} : memref<2048xi32, #tpu.memory_space<vmem>>, vector<16xi32>,
        %shift_right_arithmetic3A_788 = arith.constant 7 : i32
        %shift_right_arithmetic3A_789 = vector.broadcast %shift_right_arithmetic3A_788 : i32 to vector<16xi32>
        %shift_right_arithmetic3A_790 = arith.shrsi %get3A_787, %shift_right_arithmetic3A_789 : vector<16xi32>
        %and3A_791 = arith.constant 127 : i32
        %and3A_792 = vector.broadcast %and3A_791 : i32 to vector<16xi32>
        %and3A_793 = arith.andi %get3A_787, %and3A_792 : vector<16xi32>
        %gather3A_794 = tpu.vector_load_idx %arg9[%shift_right_arithmetic3A_790, %and3A_793] masked %lt3A_783 : memref<320x128xf32, #tpu.memory_space<vmem>>[vector<16xi32>, vector<16xi32>], vector<16xf32>, vector<16xi1>
        %bitcast3A_795 = vector.bitcast %gather3A_794 : vector<16xf32> to vector<16xi32>
        %shift_right_arithmetic3A_796 = arith.constant 31 : i32
        %shift_right_arithmetic3A_797 = vector.broadcast %shift_right_arithmetic3A_796 : i32 to vector<16xi32>
        %shift_right_arithmetic3A_798 = arith.shrsi %bitcast3A_795, %shift_right_arithmetic3A_797 : vector<16xi32>
        %and3A_799 = arith.constant 2147483647 : i32
        %and3A_800 = vector.broadcast %and3A_799 : i32 to vector<16xi32>
        %and3A_801 = arith.andi %shift_right_arithmetic3A_798, %and3A_800 : vector<16xi32>
        %xor3A_802 = arith.xori %bitcast3A_795, %and3A_801 : vector<16xi32>
        %jit3A_803 = arith.constant 2147483647 : i32
        %broadcast_in_dim3A_804 = vector.broadcast %jit3A_803 : i32 to vector<16xi32>
        %select_n3A_805 = arith.select %lt3A_783, %xor3A_802, %broadcast_in_dim3A_804 : vector<16xi1>, vector<16xi32>
        %mul3A_806 = arith.constant 16 : i32
        %mul3A_807 = arith.muli %while3A_777, %mul3A_806 : i32
        %swap3A_808 = arith.index_cast %mul3A_807 : i32 to index
        %swap3A_809 = tpu.vector_load %arg12[%swap3A_808] {strides = array<i32>} : memref<2096xi32, #tpu.memory_space<vmem>>, vector<16xi32>,
        tpu.vector_store %arg12[%swap3A_808], %select_n3A_805 {strides = array<i32>} : memref<2096xi32, #tpu.memory_space<vmem>>, vector<16xi32>,
        %while3A_810 = arith.constant 0 : i32
        scf.yield %while3A_810 : i32
      }
      %broadcast_in_dim3A_160 = arith.constant 2147483647 : i32
      %broadcast_in_dim3A_161 = vector.broadcast %broadcast_in_dim3A_160 : i32 to vector<16xi32>
      %add3A_162 = arith.constant 0 : i32
      %add3A_163 = arith.addi %select_n3A_148, %add3A_162 : i32
      %mul3A_164 = arith.constant 16 : i32
      %mul3A_165 = arith.muli %add3A_163, %mul3A_164 : i32
      %swap3A = arith.index_cast %mul3A_165 : i32 to index
      %swap3A_166 = tpu.vector_load %arg12[%swap3A] {strides = array<i32>} : memref<2096xi32, #tpu.memory_space<vmem>>, vector<16xi32>,
      tpu.vector_store %arg12[%swap3A], %broadcast_in_dim3A_161 {strides = array<i32>} : memref<2096xi32, #tpu.memory_space<vmem>>, vector<16xi32>,
      %broadcast_in_dim3A_167 = arith.constant 2147483647 : i32
      %broadcast_in_dim3A_168 = vector.broadcast %broadcast_in_dim3A_167 : i32 to vector<16xi32>
      %add3A_169 = arith.constant 1 : i32
      %add3A_170 = arith.addi %select_n3A_148, %add3A_169 : i32
      %mul3A_171 = arith.constant 16 : i32
      %mul3A_172 = arith.muli %add3A_170, %mul3A_171 : i32
      %swap3A_173 = arith.index_cast %mul3A_172 : i32 to index
      %swap3A_174 = tpu.vector_load %arg12[%swap3A_173] {strides = array<i32>} : memref<2096xi32, #tpu.memory_space<vmem>>, vector<16xi32>,
      tpu.vector_store %arg12[%swap3A_173], %broadcast_in_dim3A_168 {strides = array<i32>} : memref<2096xi32, #tpu.memory_space<vmem>>, vector<16xi32>,
      %broadcast_in_dim3A_175 = arith.constant 2147483647 : i32
      %broadcast_in_dim3A_176 = vector.broadcast %broadcast_in_dim3A_175 : i32 to vector<16xi32>
      %add3A_177 = arith.constant 2 : i32
      %add3A_178 = arith.addi %select_n3A_148, %add3A_177 : i32
      %mul3A_179 = arith.constant 16 : i32
      %mul3A_180 = arith.muli %add3A_178, %mul3A_179 : i32
      %swap3A_181 = arith.index_cast %mul3A_180 : i32 to index
      %swap3A_182 = tpu.vector_load %arg12[%swap3A_181] {strides = array<i32>} : memref<2096xi32, #tpu.memory_space<vmem>>, vector<16xi32>,
      tpu.vector_store %arg12[%swap3A_181], %broadcast_in_dim3A_176 {strides = array<i32>} : memref<2096xi32, #tpu.memory_space<vmem>>, vector<16xi32>,
      %add3A_183 = arith.constant 3 : i32
      %add3A_184 = arith.addi %select_n3A_148, %add3A_183 : i32
      %jit3A_185 = arith.constant 4 : i32
      %div3A_186 = arith.divsi %add3A_184, %jit3A_185 : i32
      %sign3A_187 = arith.constant 0 : i32
      %sign3A_188 = arith.cmpi sgt, %add3A_184, %sign3A_187 : i32
      %sign3A_189 = arith.extui %sign3A_188 : i1 to i32
      %sign3A_190 = arith.constant 0 : i32
      %sign3A_191 = arith.cmpi slt, %add3A_184, %sign3A_190 : i32
      %sign3A_192 = arith.extui %sign3A_191 : i1 to i32
      %sign3A_193 = arith.subi %sign3A_189, %sign3A_192 : i32
      %sign3A_194 = arith.constant 0 : i32
      %sign3A_195 = arith.cmpi sgt, %jit3A_185, %sign3A_194 : i32
      %sign3A_196 = arith.extui %sign3A_195 : i1 to i32
      %sign3A_197 = arith.constant 0 : i32
      %sign3A_198 = arith.cmpi slt, %jit3A_185, %sign3A_197 : i32
      %sign3A_199 = arith.extui %sign3A_198 : i1 to i32
      %sign3A_200 = arith.subi %sign3A_196, %sign3A_199 : i32
      %ne3A_201 = arith.cmpi ne, %sign3A_193, %sign3A_200 : i32
      %rem3A_202 = arith.remsi %add3A_184, %jit3A_185 : i32
      %ne3A_203 = arith.constant 0 : i32
      %ne3A_204 = arith.cmpi ne, %rem3A_202, %ne3A_203 : i32
      %and3A_205 = arith.andi %ne3A_201, %ne3A_204 : i1
      %sub3A_206 = arith.constant 1 : i32
      %sub3A_207 = arith.subi %div3A_186, %sub3A_206 : i32
      %select_n3A_208 = arith.select %and3A_205, %sub3A_207, %div3A_186 : i32
      %scan3A_209 = arith.constant 0 : i32
      %scan3A_210 = arith.constant 0 : i32
      %scan3A_211 = arith.constant 64 : i32
      %scan3A_212 = arith.addi %scan3A_210, %scan3A_211 : i32
      %scan3A_213 = arith.constant 1 : i32
      %scan3A_214 = scf.for %scan3A_777 = %scan3A_210 to %scan3A_212 step %scan3A_213 iter_args(%scan3A_778 = %scan3A_209) -> (i32)  : i32 {
        %broadcast_in_dim3A_779 = arith.constant 2147483647 : i32
        %broadcast_in_dim3A_780 = vector.broadcast %broadcast_in_dim3A_779 : i32 to vector<16xi32>
        %broadcast_in_dim3A_781 = arith.constant 0 : i32
        %broadcast_in_dim3A_782 = vector.broadcast %broadcast_in_dim3A_781 : i32 to vector<16xi32>
        %while3A_783 = arith.constant 0 : i32
        %while3A_784 = arith.subi %select_n3A_208, %while3A_783 : i32
        %while3A_785 = arith.addi %while3A_783, %while3A_784 : i32
        %while3A_786 = arith.constant 1 : i32
        %while3A_787 = arith.divsi %while3A_784, %while3A_786 : i32
        %while3A_788 = arith.muli %while3A_787, %while3A_786 : i32
        %while3A_789 = arith.addi %while3A_783, %while3A_788 : i32
        %while3A_790 = arith.constant 1 : i32
        %while3A_791:2 = scf.for %while3A_944 = %while3A_783 to %while3A_789 step %while3A_790 iter_args(%while3A_945 = %broadcast_in_dim3A_780, %while3A_946 = %broadcast_in_dim3A_782) -> (vector<16xi32>, vector<16xi32>)  : i32 {
          %mul3A_947 = arith.constant 4 : i32
          %mul3A_948 = arith.muli %while3A_944, %mul3A_947 : i32
          %add3A_949 = arith.constant 0 : i32
          %add3A_950 = arith.addi %mul3A_948, %add3A_949 : i32
          %mul3A_951 = arith.constant 16 : i32
          %mul3A_952 = arith.muli %add3A_950, %mul3A_951 : i32
          %get3A_953 = arith.index_cast %mul3A_952 : i32 to index
          %get3A_954 = tpu.vector_load %arg12[%get3A_953] {strides = array<i32>} : memref<2096xi32, #tpu.memory_space<vmem>>, vector<16xi32>,
          %lt3A_955 = arith.cmpi slt, %get3A_954, %while3A_945 : vector<16xi32>
          %select_n3A_956 = arith.select %lt3A_955, %get3A_954, %while3A_945 : vector<16xi1>, vector<16xi32>
          %broadcast_in_dim3A_957 = vector.broadcast %add3A_950 : i32 to vector<16xi32>
          %select_n3A_958 = arith.select %lt3A_955, %broadcast_in_dim3A_957, %while3A_946 : vector<16xi1>, vector<16xi32>
          %mul3A_959 = arith.constant 4 : i32
          %mul3A_960 = arith.muli %while3A_944, %mul3A_959 : i32
          %add3A_961 = arith.constant 1 : i32
          %add3A_962 = arith.addi %mul3A_960, %add3A_961 : i32
          %mul3A_963 = arith.constant 16 : i32
          %mul3A_964 = arith.muli %add3A_962, %mul3A_963 : i32
          %get3A_965 = arith.index_cast %mul3A_964 : i32 to index
          %get3A_966 = tpu.vector_load %arg12[%get3A_965] {strides = array<i32>} : memref<2096xi32, #tpu.memory_space<vmem>>, vector<16xi32>,
          %lt3A_967 = arith.cmpi slt, %get3A_966, %select_n3A_956 : vector<16xi32>
          %select_n3A_968 = arith.select %lt3A_967, %get3A_966, %select_n3A_956 : vector<16xi1>, vector<16xi32>
          %broadcast_in_dim3A_969 = vector.broadcast %add3A_962 : i32 to vector<16xi32>
          %select_n3A_970 = arith.select %lt3A_967, %broadcast_in_dim3A_969, %select_n3A_958 : vector<16xi1>, vector<16xi32>
          %mul3A_971 = arith.constant 4 : i32
          %mul3A_972 = arith.muli %while3A_944, %mul3A_971 : i32
          %add3A_973 = arith.constant 2 : i32
          %add3A_974 = arith.addi %mul3A_972, %add3A_973 : i32
          %mul3A_975 = arith.constant 16 : i32
          %mul3A_976 = arith.muli %add3A_974, %mul3A_975 : i32
          %get3A_977 = arith.index_cast %mul3A_976 : i32 to index
          %get3A_978 = tpu.vector_load %arg12[%get3A_977] {strides = array<i32>} : memref<2096xi32, #tpu.memory_space<vmem>>, vector<16xi32>,
          %lt3A_979 = arith.cmpi slt, %get3A_978, %select_n3A_968 : vector<16xi32>
          %select_n3A_980 = arith.select %lt3A_979, %get3A_978, %select_n3A_968 : vector<16xi1>, vector<16xi32>
          %broadcast_in_dim3A_981 = vector.broadcast %add3A_974 : i32 to vector<16xi32>
          %select_n3A_982 = arith.select %lt3A_979, %broadcast_in_dim3A_981, %select_n3A_970 : vector<16xi1>, vector<16xi32>
          %mul3A_983 = arith.constant 4 : i32
          %mul3A_984 = arith.muli %while3A_944, %mul3A_983 : i32
          %add3A_985 = arith.constant 3 : i32
          %add3A_986 = arith.addi %mul3A_984, %add3A_985 : i32
          %mul3A_987 = arith.constant 16 : i32
          %mul3A_988 = arith.muli %add3A_986, %mul3A_987 : i32
          %get3A_989 = arith.index_cast %mul3A_988 : i32 to index
          %get3A_990 = tpu.vector_load %arg12[%get3A_989] {strides = array<i32>} : memref<2096xi32, #tpu.memory_space<vmem>>, vector<16xi32>,
          %lt3A_991 = arith.cmpi slt, %get3A_990, %select_n3A_980 : vector<16xi32>
          %select_n3A_992 = arith.select %lt3A_991, %get3A_990, %select_n3A_980 : vector<16xi1>, vector<16xi32>
          %broadcast_in_dim3A_993 = vector.broadcast %add3A_986 : i32 to vector<16xi32>
          %select_n3A_994 = arith.select %lt3A_991, %broadcast_in_dim3A_993, %select_n3A_982 : vector<16xi1>, vector<16xi32>
          scf.yield %select_n3A_992, %select_n3A_994 : vector<16xi32>, vector<16xi32>
        }
        %while3A_792 = arith.constant 1 : i32
        %while3A_793:2 = scf.for %while3A_944 = %while3A_789 to %while3A_785 step %while3A_792 iter_args(%while3A_945 = %while3A_791#0, %while3A_946 = %while3A_791#1) -> (vector<16xi32>, vector<16xi32>)  : i32 {
          %mul3A_947 = arith.constant 4 : i32
          %mul3A_948 = arith.muli %while3A_944, %mul3A_947 : i32
          %add3A_949 = arith.constant 0 : i32
          %add3A_950 = arith.addi %mul3A_948, %add3A_949 : i32
          %mul3A_951 = arith.constant 16 : i32
          %mul3A_952 = arith.muli %add3A_950, %mul3A_951 : i32
          %get3A_953 = arith.index_cast %mul3A_952 : i32 to index
          %get3A_954 = tpu.vector_load %arg12[%get3A_953] {strides = array<i32>} : memref<2096xi32, #tpu.memory_space<vmem>>, vector<16xi32>,
          %lt3A_955 = arith.cmpi slt, %get3A_954, %while3A_945 : vector<16xi32>
          %select_n3A_956 = arith.select %lt3A_955, %get3A_954, %while3A_945 : vector<16xi1>, vector<16xi32>
          %broadcast_in_dim3A_957 = vector.broadcast %add3A_950 : i32 to vector<16xi32>
          %select_n3A_958 = arith.select %lt3A_955, %broadcast_in_dim3A_957, %while3A_946 : vector<16xi1>, vector<16xi32>
          %mul3A_959 = arith.constant 4 : i32
          %mul3A_960 = arith.muli %while3A_944, %mul3A_959 : i32
          %add3A_961 = arith.constant 1 : i32
          %add3A_962 = arith.addi %mul3A_960, %add3A_961 : i32
          %mul3A_963 = arith.constant 16 : i32
          %mul3A_964 = arith.muli %add3A_962, %mul3A_963 : i32
          %get3A_965 = arith.index_cast %mul3A_964 : i32 to index
          %get3A_966 = tpu.vector_load %arg12[%get3A_965] {strides = array<i32>} : memref<2096xi32, #tpu.memory_space<vmem>>, vector<16xi32>,
          %lt3A_967 = arith.cmpi slt, %get3A_966, %select_n3A_956 : vector<16xi32>
          %select_n3A_968 = arith.select %lt3A_967, %get3A_966, %select_n3A_956 : vector<16xi1>, vector<16xi32>
          %broadcast_in_dim3A_969 = vector.broadcast %add3A_962 : i32 to vector<16xi32>
          %select_n3A_970 = arith.select %lt3A_967, %broadcast_in_dim3A_969, %select_n3A_958 : vector<16xi1>, vector<16xi32>
          %mul3A_971 = arith.constant 4 : i32
          %mul3A_972 = arith.muli %while3A_944, %mul3A_971 : i32
          %add3A_973 = arith.constant 2 : i32
          %add3A_974 = arith.addi %mul3A_972, %add3A_973 : i32
          %mul3A_975 = arith.constant 16 : i32
          %mul3A_976 = arith.muli %add3A_974, %mul3A_975 : i32
          %get3A_977 = arith.index_cast %mul3A_976 : i32 to index
          %get3A_978 = tpu.vector_load %arg12[%get3A_977] {strides = array<i32>} : memref<2096xi32, #tpu.memory_space<vmem>>, vector<16xi32>,
          %lt3A_979 = arith.cmpi slt, %get3A_978, %select_n3A_968 : vector<16xi32>
          %select_n3A_980 = arith.select %lt3A_979, %get3A_978, %select_n3A_968 : vector<16xi1>, vector<16xi32>
          %broadcast_in_dim3A_981 = vector.broadcast %add3A_974 : i32 to vector<16xi32>
          %select_n3A_982 = arith.select %lt3A_979, %broadcast_in_dim3A_981, %select_n3A_970 : vector<16xi1>, vector<16xi32>
          %mul3A_983 = arith.constant 4 : i32
          %mul3A_984 = arith.muli %while3A_944, %mul3A_983 : i32
          %add3A_985 = arith.constant 3 : i32
          %add3A_986 = arith.addi %mul3A_984, %add3A_985 : i32
          %mul3A_987 = arith.constant 16 : i32
          %mul3A_988 = arith.muli %add3A_986, %mul3A_987 : i32
          %get3A_989 = arith.index_cast %mul3A_988 : i32 to index
          %get3A_990 = tpu.vector_load %arg12[%get3A_989] {strides = array<i32>} : memref<2096xi32, #tpu.memory_space<vmem>>, vector<16xi32>,
          %lt3A_991 = arith.cmpi slt, %get3A_990, %select_n3A_980 : vector<16xi32>
          %select_n3A_992 = arith.select %lt3A_991, %get3A_990, %select_n3A_980 : vector<16xi1>, vector<16xi32>
          %broadcast_in_dim3A_993 = vector.broadcast %add3A_986 : i32 to vector<16xi32>
          %select_n3A_994 = arith.select %lt3A_991, %broadcast_in_dim3A_993, %select_n3A_982 : vector<16xi1>, vector<16xi32>
          scf.yield %select_n3A_992, %select_n3A_994 : vector<16xi32>, vector<16xi32>
        }
        %not3A = arith.constant dense<-1> : vector<16xi32>
        %not3A_794 = arith.xori %while3A_793#0, %not3A : vector<16xi32>
        %broadcast_in_dim3A_795 = arith.constant true
        %broadcast_in_dim3A_796 = vector.broadcast %broadcast_in_dim3A_795 : i1 to vector<16xi1>
        %masked_cummax3A_797 = arith.constant -2147483648 : i32
        %masked_cummax3A_798 = vector.broadcast %masked_cummax3A_797 : i32 to vector<16xi32>
        %masked_cummax3A_799 = arith.xori %not3A_794, %masked_cummax3A_798 : vector<16xi32>
        %masked_cummax3A_800 = tpu.scan <max>, %masked_cummax3A_799 masked %broadcast_in_dim3A_796 : vector<16xi32>, vector<16xi1> -> vector<16xi32>
        %masked_cummax3A_801 = arith.xori %masked_cummax3A_800, %masked_cummax3A_798 : vector<16xi32>
        %broadcast_in_dim3A_802 = arith.constant 15 : i32
        %broadcast_in_dim3A_803 = vector.broadcast %broadcast_in_dim3A_802 : i32 to vector<16xi32>
        %lt3A_804 = arith.constant 0 : i32
        %lt3A_805 = vector.broadcast %lt3A_804 : i32 to vector<16xi32>
        %lt3A_806 = arith.cmpi slt, %broadcast_in_dim3A_803, %lt3A_805 : vector<16xi32>
        %add3A_807 = arith.constant 16 : i32
        %add3A_808 = vector.broadcast %add3A_807 : i32 to vector<16xi32>
        %add3A_809 = arith.addi %broadcast_in_dim3A_803, %add3A_808 : vector<16xi32>
        %select_n3A_810 = arith.select %lt3A_806, %add3A_809, %broadcast_in_dim3A_803 : vector<16xi1>, vector<16xi32>
        %broadcast_in_dim3A_811 = vector.shape_cast %select_n3A_810 : vector<16xi32> to vector<16x1xi32>
        %gather3A_812 = vector.shape_cast %broadcast_in_dim3A_811 : vector<16x1xi32> to vector<16xi32>
        %gather3A_813 = tpu.dynamic_gather %masked_cummax3A_801[%gather3A_812] in [0] : vector<16xi32>, vector<16xi32> -> vector<16xi32>
        %not3A_814 = arith.constant dense<-1> : vector<16xi32>
        %not3A_815 = arith.xori %gather3A_813, %not3A_814 : vector<16xi32>
        %mul3A_816 = arith.constant 16 : i32
        %mul3A_817 = vector.broadcast %mul3A_816 : i32 to vector<16xi32>
        %mul3A_818 = arith.muli %while3A_793#1, %mul3A_817 : vector<16xi32>
        %add3A_819 = arith.addi %mul3A_818, %iota3A : vector<16xi32>
        %eq3A = arith.cmpi eq, %while3A_793#0, %not3A_815 : vector<16xi32>
        %jit3A_820 = arith.constant 2147483647 : i32
        %broadcast_in_dim3A_821 = vector.broadcast %jit3A_820 : i32 to vector<16xi32>
        %select_n3A_822 = arith.select %eq3A, %add3A_819, %broadcast_in_dim3A_821 : vector<16xi1>, vector<16xi32>
        %not3A_823 = arith.constant dense<-1> : vector<16xi32>
        %not3A_824 = arith.xori %select_n3A_822, %not3A_823 : vector<16xi32>
        %broadcast_in_dim3A_825 = arith.constant true
        %broadcast_in_dim3A_826 = vector.broadcast %broadcast_in_dim3A_825 : i1 to vector<16xi1>
        %masked_cummax3A_827 = arith.constant -2147483648 : i32
        %masked_cummax3A_828 = vector.broadcast %masked_cummax3A_827 : i32 to vector<16xi32>
        %masked_cummax3A_829 = arith.xori %not3A_824, %masked_cummax3A_828 : vector<16xi32>
        %masked_cummax3A_830 = tpu.scan <max>, %masked_cummax3A_829 masked %broadcast_in_dim3A_826 : vector<16xi32>, vector<16xi1> -> vector<16xi32>
        %masked_cummax3A_831 = arith.xori %masked_cummax3A_830, %masked_cummax3A_828 : vector<16xi32>
        %broadcast_in_dim3A_832 = arith.constant 15 : i32
        %broadcast_in_dim3A_833 = vector.broadcast %broadcast_in_dim3A_832 : i32 to vector<16xi32>
        %lt3A_834 = arith.constant 0 : i32
        %lt3A_835 = vector.broadcast %lt3A_834 : i32 to vector<16xi32>
        %lt3A_836 = arith.cmpi slt, %broadcast_in_dim3A_833, %lt3A_835 : vector<16xi32>
        %add3A_837 = arith.constant 16 : i32
        %add3A_838 = vector.broadcast %add3A_837 : i32 to vector<16xi32>
        %add3A_839 = arith.addi %broadcast_in_dim3A_833, %add3A_838 : vector<16xi32>
        %select_n3A_840 = arith.select %lt3A_836, %add3A_839, %broadcast_in_dim3A_833 : vector<16xi1>, vector<16xi32>
        %broadcast_in_dim3A_841 = vector.shape_cast %select_n3A_840 : vector<16xi32> to vector<16x1xi32>
        %gather3A_842 = vector.shape_cast %broadcast_in_dim3A_841 : vector<16x1xi32> to vector<16xi32>
        %gather3A_843 = tpu.dynamic_gather %masked_cummax3A_831[%gather3A_842] in [0] : vector<16xi32>, vector<16xi32> -> vector<16xi32>
        %not3A_844 = arith.constant dense<-1> : vector<16xi32>
        %not3A_845 = arith.xori %gather3A_843, %not3A_844 : vector<16xi32>
        %slice3A_846 = vector.extract_strided_slice %not3A_845 {offsets = [0], sizes = [1], strides = [1]} : vector<16xi32> to vector<1xi32>
        %squeeze3A_847 = vector.extract %slice3A_846[0] : i32 from vector<1xi32>
        %jit3A_848 = arith.constant 16 : i32
        %div3A_849 = arith.divsi %squeeze3A_847, %jit3A_848 : i32
        %sign3A_850 = arith.constant 0 : i32
        %sign3A_851 = arith.cmpi sgt, %squeeze3A_847, %sign3A_850 : i32
        %sign3A_852 = arith.extui %sign3A_851 : i1 to i32
        %sign3A_853 = arith.constant 0 : i32
        %sign3A_854 = arith.cmpi slt, %squeeze3A_847, %sign3A_853 : i32
        %sign3A_855 = arith.extui %sign3A_854 : i1 to i32
        %sign3A_856 = arith.subi %sign3A_852, %sign3A_855 : i32
        %sign3A_857 = arith.constant 0 : i32
        %sign3A_858 = arith.cmpi sgt, %jit3A_848, %sign3A_857 : i32
        %sign3A_859 = arith.extui %sign3A_858 : i1 to i32
        %sign3A_860 = arith.constant 0 : i32
        %sign3A_861 = arith.cmpi slt, %jit3A_848, %sign3A_860 : i32
        %sign3A_862 = arith.extui %sign3A_861 : i1 to i32
        %sign3A_863 = arith.subi %sign3A_859, %sign3A_862 : i32
        %ne3A_864 = arith.cmpi ne, %sign3A_856, %sign3A_863 : i32
        %rem3A_865 = arith.remsi %squeeze3A_847, %jit3A_848 : i32
        %ne3A_866 = arith.constant 0 : i32
        %ne3A_867 = arith.cmpi ne, %rem3A_865, %ne3A_866 : i32
        %and3A_868 = arith.andi %ne3A_864, %ne3A_867 : i1
        %sub3A_869 = arith.constant 1 : i32
        %sub3A_870 = arith.subi %div3A_849, %sub3A_869 : i32
        %select_n3A_871 = arith.select %and3A_868, %sub3A_870, %div3A_849 : i32
        %mul3A_872 = arith.constant 16 : i32
        %mul3A_873 = arith.muli %select_n3A_871, %mul3A_872 : i32
        %sub3A_874 = arith.subi %squeeze3A_847, %mul3A_873 : i32
        %mul3A_875 = arith.constant 16 : i32
        %mul3A_876 = arith.muli %select_n3A_871, %mul3A_875 : i32
        %get3A_877 = arith.index_cast %mul3A_876 : i32 to index
        %get3A_878 = tpu.vector_load %arg12[%get3A_877] {strides = array<i32>} : memref<2096xi32, #tpu.memory_space<vmem>>, vector<16xi32>,
        %eq3A_879 = vector.broadcast %sub3A_874 : i32 to vector<16xi32>
        %eq3A_880 = arith.cmpi eq, %iota3A, %eq3A_879 : vector<16xi32>
        %jit3A_881 = arith.constant 2147483647 : i32
        %broadcast_in_dim3A_882 = vector.broadcast %jit3A_881 : i32 to vector<16xi32>
        %select_n3A_883 = arith.select %eq3A_880, %broadcast_in_dim3A_882, %get3A_878 : vector<16xi1>, vector<16xi32>
        %mul3A_884 = arith.constant 16 : i32
        %mul3A_885 = arith.muli %select_n3A_871, %mul3A_884 : i32
        %swap3A_886 = arith.index_cast %mul3A_885 : i32 to index
        %swap3A_887 = tpu.vector_load %arg12[%swap3A_886] {strides = array<i32>} : memref<2096xi32, #tpu.memory_space<vmem>>, vector<16xi32>,
        tpu.vector_store %arg12[%swap3A_886], %select_n3A_883 {strides = array<i32>} : memref<2096xi32, #tpu.memory_space<vmem>>, vector<16xi32>,
        %mul3A_888 = arith.constant 16 : i32
        %mul3A_889 = arith.muli %select_n3A_871, %mul3A_888 : i32
        %get3A_890 = arith.index_cast %mul3A_889 : i32 to index
        %get3A_891 = tpu.vector_load %arg11[%get3A_890] {strides = array<i32>} : memref<2048xi32, #tpu.memory_space<vmem>>, vector<16xi32>,
        %eq3A_892 = vector.broadcast %sub3A_874 : i32 to vector<16xi32>
        %eq3A_893 = arith.cmpi eq, %iota3A, %eq3A_892 : vector<16xi32>
        %jit3A_894 = arith.constant 0 : i32
        %broadcast_in_dim3A_895 = vector.broadcast %jit3A_894 : i32 to vector<16xi32>
        %select_n3A_896 = arith.select %eq3A_893, %get3A_891, %broadcast_in_dim3A_895 : vector<16xi1>, vector<16xi32>
        %broadcast_in_dim3A_897 = arith.constant true
        %broadcast_in_dim3A_898 = vector.broadcast %broadcast_in_dim3A_897 : i1 to vector<16xi1>
        %masked_cumsum3A = tpu.scan <sum>, %select_n3A_896 masked %broadcast_in_dim3A_898 : vector<16xi32>, vector<16xi1> -> vector<16xi32>
        %slice3A_899 = vector.extract_strided_slice %masked_cumsum3A {offsets = [15], sizes = [1], strides = [1]} : vector<16xi32> to vector<1xi32>
        %squeeze3A_900 = vector.extract %slice3A_899[0] : i32 from vector<1xi32>
        %jit3A_901 = arith.constant 16 : i32
        %div3A_902 = arith.divsi %scan3A_777, %jit3A_901 : i32
        %sign3A_903 = arith.constant 0 : i32
        %sign3A_904 = arith.cmpi sgt, %scan3A_777, %sign3A_903 : i32
        %sign3A_905 = arith.extui %sign3A_904 : i1 to i32
        %sign3A_906 = arith.constant 0 : i32
        %sign3A_907 = arith.cmpi slt, %scan3A_777, %sign3A_906 : i32
        %sign3A_908 = arith.extui %sign3A_907 : i1 to i32
        %sign3A_909 = arith.subi %sign3A_905, %sign3A_908 : i32
        %sign3A_910 = arith.constant 0 : i32
        %sign3A_911 = arith.cmpi sgt, %jit3A_901, %sign3A_910 : i32
        %sign3A_912 = arith.extui %sign3A_911 : i1 to i32
        %sign3A_913 = arith.constant 0 : i32
        %sign3A_914 = arith.cmpi slt, %jit3A_901, %sign3A_913 : i32
        %sign3A_915 = arith.extui %sign3A_914 : i1 to i32
        %sign3A_916 = arith.subi %sign3A_912, %sign3A_915 : i32
        %ne3A_917 = arith.cmpi ne, %sign3A_909, %sign3A_916 : i32
        %rem3A_918 = arith.remsi %scan3A_777, %jit3A_901 : i32
        %ne3A_919 = arith.constant 0 : i32
        %ne3A_920 = arith.cmpi ne, %rem3A_918, %ne3A_919 : i32
        %and3A_921 = arith.andi %ne3A_917, %ne3A_920 : i1
        %sub3A_922 = arith.constant 1 : i32
        %sub3A_923 = arith.subi %div3A_902, %sub3A_922 : i32
        %select_n3A_924 = arith.select %and3A_921, %sub3A_923, %div3A_902 : i32
        %mul3A_925 = arith.constant 16 : i32
        %mul3A_926 = arith.muli %select_n3A_924, %mul3A_925 : i32
        %get3A_927 = arith.index_cast %mul3A_926 : i32 to index
        %get3A_928 = tpu.vector_load %arg13[%get3A_927] {strides = array<i32>} : memref<64xi32, #tpu.memory_space<vmem>>, vector<16xi32>,
        %mul3A_929 = arith.constant 16 : i32
        %mul3A_930 = arith.muli %select_n3A_924, %mul3A_929 : i32
        %sub3A_931 = arith.subi %scan3A_777, %mul3A_930 : i32
        %eq3A_932 = vector.broadcast %sub3A_931 : i32 to vector<16xi32>
        %eq3A_933 = arith.cmpi eq, %iota3A, %eq3A_932 : vector<16xi32>
        %mul3A_934 = arith.constant 40000 : i32
        %mul3A_935 = arith.muli %select_n3A, %mul3A_934 : i32
        %add3A_936 = arith.addi %squeeze3A_900, %mul3A_935 : i32
        %broadcast_in_dim3A_937 = vector.broadcast %add3A_936 : i32 to vector<16xi32>
        %select_n3A_938 = arith.select %eq3A_933, %broadcast_in_dim3A_937, %get3A_928 : vector<16xi1>, vector<16xi32>
        %mul3A_939 = arith.constant 16 : i32
        %mul3A_940 = arith.muli %select_n3A_924, %mul3A_939 : i32
        %swap3A_941 = arith.index_cast %mul3A_940 : i32 to index
        %swap3A_942 = tpu.vector_load %arg13[%swap3A_941] {strides = array<i32>} : memref<64xi32, #tpu.memory_space<vmem>>, vector<16xi32>,
        tpu.vector_store %arg13[%swap3A_941], %select_n3A_938 {strides = array<i32>} : memref<64xi32, #tpu.memory_space<vmem>>, vector<16xi32>,
        %scan3A_943 = arith.constant 0 : i32
        scf.yield %scan3A_943 : i32
      }
      %scan3A_215 = arith.constant 64 : i32
      %dma_start3A = arith.constant 0 : i32
      %dma_start3A_216 = arith.constant 0 : i32
      %dma_start3A_217 = tpu.memref_slice %arg5[%dma_start3A, %dma_start3A_216] : memref<80000x768xf32, #tpu.memory_space<hbm>> -> memref<80000x768xf32, #tpu.memory_space<hbm>>
      tpu.enqueue_indirect_dma source(%dma_start3A_217 : memref<80000x768xf32, #tpu.memory_space<hbm>>) target(%arg14 : memref<64x768xf32, #tpu.memory_space<vmem>>) offsets(%arg13 : memref<64xi32, #tpu.memory_space<vmem>>) semaphore(%arg19 : memref<!tpu.dma_semaphore, #tpu.memory_space<semaphore_mem>>)
      %dma_start3A_218 = arith.constant 0 : i32
      %dma_start3A_219 = arith.constant 0 : i32
      %dma_start3A_220 = tpu.memref_slice %arg6[%dma_start3A_218, %dma_start3A_219] : memref<80000x128xf32, #tpu.memory_space<hbm>> -> memref<80000x128xf32, #tpu.memory_space<hbm>>
      tpu.enqueue_indirect_dma source(%dma_start3A_220 : memref<80000x128xf32, #tpu.memory_space<hbm>>) target(%arg16 : memref<64x128xf32, #tpu.memory_space<vmem>>) offsets(%arg13 : memref<64xi32, #tpu.memory_space<vmem>>) semaphore(%arg20 : memref<!tpu.dma_semaphore, #tpu.memory_space<semaphore_mem>>)
      %broadcast_in_dim3A_221 = arith.constant 0.000000e+00 : f32
      %broadcast_in_dim3A_222 = vector.broadcast %broadcast_in_dim3A_221 : f32 to vector<16xf32>
      %swap3A_223 = arith.constant 0 : index
      %swap3A_224 = tpu.vector_load %arg15[%swap3A_223] {strides = array<i32>} : memref<768xf32, #tpu.memory_space<vmem>>, vector<16xf32>,
      tpu.vector_store %arg15[%swap3A_223], %broadcast_in_dim3A_222 {strides = array<i32>} : memref<768xf32, #tpu.memory_space<vmem>>, vector<16xf32>,
      %broadcast_in_dim3A_225 = arith.constant 0.000000e+00 : f32
      %broadcast_in_dim3A_226 = vector.broadcast %broadcast_in_dim3A_225 : f32 to vector<16xf32>
      %swap3A_227 = arith.constant 16 : index
      %swap3A_228 = tpu.vector_load %arg15[%swap3A_227] {strides = array<i32>} : memref<768xf32, #tpu.memory_space<vmem>>, vector<16xf32>,
      tpu.vector_store %arg15[%swap3A_227], %broadcast_in_dim3A_226 {strides = array<i32>} : memref<768xf32, #tpu.memory_space<vmem>>, vector<16xf32>,
      %broadcast_in_dim3A_229 = arith.constant 0.000000e+00 : f32
      %broadcast_in_dim3A_230 = vector.broadcast %broadcast_in_dim3A_229 : f32 to vector<16xf32>
      %swap3A_231 = arith.constant 32 : index
      %swap3A_232 = tpu.vector_load %arg15[%swap3A_231] {strides = array<i32>} : memref<768xf32, #tpu.memory_space<vmem>>, vector<16xf32>,
      tpu.vector_store %arg15[%swap3A_231], %broadcast_in_dim3A_230 {strides = array<i32>} : memref<768xf32, #tpu.memory_space<vmem>>, vector<16xf32>,
      %broadcast_in_dim3A_233 = arith.constant 0.000000e+00 : f32
      %broadcast_in_dim3A_234 = vector.broadcast %broadcast_in_dim3A_233 : f32 to vector<16xf32>
      %swap3A_235 = arith.constant 48 : index
      %swap3A_236 = tpu.vector_load %arg15[%swap3A_235] {strides = array<i32>} : memref<768xf32, #tpu.memory_space<vmem>>, vector<16xf32>,
      tpu.vector_store %arg15[%swap3A_235], %broadcast_in_dim3A_234 {strides = array<i32>} : memref<768xf32, #tpu.memory_space<vmem>>, vector<16xf32>,
      %broadcast_in_dim3A_237 = arith.constant 0.000000e+00 : f32
      %broadcast_in_dim3A_238 = vector.broadcast %broadcast_in_dim3A_237 : f32 to vector<16xf32>
      %swap3A_239 = arith.constant 64 : index
      %swap3A_240 = tpu.vector_load %arg15[%swap3A_239] {strides = array<i32>} : memref<768xf32, #tpu.memory_space<vmem>>, vector<16xf32>,
      tpu.vector_store %arg15[%swap3A_239], %broadcast_in_dim3A_238 {strides = array<i32>} : memref<768xf32, #tpu.memory_space<vmem>>, vector<16xf32>,
      %broadcast_in_dim3A_241 = arith.constant 0.000000e+00 : f32
      %broadcast_in_dim3A_242 = vector.broadcast %broadcast_in_dim3A_241 : f32 to vector<16xf32>
      %swap3A_243 = arith.constant 80 : index
      %swap3A_244 = tpu.vector_load %arg15[%swap3A_243] {strides = array<i32>} : memref<768xf32, #tpu.memory_space<vmem>>, vector<16xf32>,
      tpu.vector_store %arg15[%swap3A_243], %broadcast_in_dim3A_242 {strides = array<i32>} : memref<768xf32, #tpu.memory_space<vmem>>, vector<16xf32>,
      %broadcast_in_dim3A_245 = arith.constant 0.000000e+00 : f32
      %broadcast_in_dim3A_246 = vector.broadcast %broadcast_in_dim3A_245 : f32 to vector<16xf32>
      %swap3A_247 = arith.constant 96 : index
      %swap3A_248 = tpu.vector_load %arg15[%swap3A_247] {strides = array<i32>} : memref<768xf32, #tpu.memory_space<vmem>>, vector<16xf32>,
      tpu.vector_store %arg15[%swap3A_247], %broadcast_in_dim3A_246 {strides = array<i32>} : memref<768xf32, #tpu.memory_space<vmem>>, vector<16xf32>,
      %broadcast_in_dim3A_249 = arith.constant 0.000000e+00 : f32
      %broadcast_in_dim3A_250 = vector.broadcast %broadcast_in_dim3A_249 : f32 to vector<16xf32>
      %swap3A_251 = arith.constant 112 : index
      %swap3A_252 = tpu.vector_load %arg15[%swap3A_251] {strides = array<i32>} : memref<768xf32, #tpu.memory_space<vmem>>, vector<16xf32>,
      tpu.vector_store %arg15[%swap3A_251], %broadcast_in_dim3A_250 {strides = array<i32>} : memref<768xf32, #tpu.memory_space<vmem>>, vector<16xf32>,
      %broadcast_in_dim3A_253 = arith.constant 0.000000e+00 : f32
      %broadcast_in_dim3A_254 = vector.broadcast %broadcast_in_dim3A_253 : f32 to vector<16xf32>
      %swap3A_255 = arith.constant 128 : index
      %swap3A_256 = tpu.vector_load %arg15[%swap3A_255] {strides = array<i32>} : memref<768xf32, #tpu.memory_space<vmem>>, vector<16xf32>,
      tpu.vector_store %arg15[%swap3A_255], %broadcast_in_dim3A_254 {strides = array<i32>} : memref<768xf32, #tpu.memory_space<vmem>>, vector<16xf32>,
      %broadcast_in_dim3A_257 = arith.constant 0.000000e+00 : f32
      %broadcast_in_dim3A_258 = vector.broadcast %broadcast_in_dim3A_257 : f32 to vector<16xf32>
      %swap3A_259 = arith.constant 144 : index
      %swap3A_260 = tpu.vector_load %arg15[%swap3A_259] {strides = array<i32>} : memref<768xf32, #tpu.memory_space<vmem>>, vector<16xf32>,
      tpu.vector_store %arg15[%swap3A_259], %broadcast_in_dim3A_258 {strides = array<i32>} : memref<768xf32, #tpu.memory_space<vmem>>, vector<16xf32>,
      %broadcast_in_dim3A_261 = arith.constant 0.000000e+00 : f32
      %broadcast_in_dim3A_262 = vector.broadcast %broadcast_in_dim3A_261 : f32 to vector<16xf32>
      %swap3A_263 = arith.constant 160 : index
      %swap3A_264 = tpu.vector_load %arg15[%swap3A_263] {strides = array<i32>} : memref<768xf32, #tpu.memory_space<vmem>>, vector<16xf32>,
      tpu.vector_store %arg15[%swap3A_263], %broadcast_in_dim3A_262 {strides = array<i32>} : memref<768xf32, #tpu.memory_space<vmem>>, vector<16xf32>,
      %broadcast_in_dim3A_265 = arith.constant 0.000000e+00 : f32
      %broadcast_in_dim3A_266 = vector.broadcast %broadcast_in_dim3A_265 : f32 to vector<16xf32>
      %swap3A_267 = arith.constant 176 : index
      %swap3A_268 = tpu.vector_load %arg15[%swap3A_267] {strides = array<i32>} : memref<768xf32, #tpu.memory_space<vmem>>, vector<16xf32>,
      tpu.vector_store %arg15[%swap3A_267], %broadcast_in_dim3A_266 {strides = array<i32>} : memref<768xf32, #tpu.memory_space<vmem>>, vector<16xf32>,
      %broadcast_in_dim3A_269 = arith.constant 0.000000e+00 : f32
      %broadcast_in_dim3A_270 = vector.broadcast %broadcast_in_dim3A_269 : f32 to vector<16xf32>
      %swap3A_271 = arith.constant 192 : index
      %swap3A_272 = tpu.vector_load %arg15[%swap3A_271] {strides = array<i32>} : memref<768xf32, #tpu.memory_space<vmem>>, vector<16xf32>,
      tpu.vector_store %arg15[%swap3A_271], %broadcast_in_dim3A_270 {strides = array<i32>} : memref<768xf32, #tpu.memory_space<vmem>>, vector<16xf32>,
      %broadcast_in_dim3A_273 = arith.constant 0.000000e+00 : f32
      %broadcast_in_dim3A_274 = vector.broadcast %broadcast_in_dim3A_273 : f32 to vector<16xf32>
      %swap3A_275 = arith.constant 208 : index
      %swap3A_276 = tpu.vector_load %arg15[%swap3A_275] {strides = array<i32>} : memref<768xf32, #tpu.memory_space<vmem>>, vector<16xf32>,
      tpu.vector_store %arg15[%swap3A_275], %broadcast_in_dim3A_274 {strides = array<i32>} : memref<768xf32, #tpu.memory_space<vmem>>, vector<16xf32>,
      %broadcast_in_dim3A_277 = arith.constant 0.000000e+00 : f32
      %broadcast_in_dim3A_278 = vector.broadcast %broadcast_in_dim3A_277 : f32 to vector<16xf32>
      %swap3A_279 = arith.constant 224 : index
      %swap3A_280 = tpu.vector_load %arg15[%swap3A_279] {strides = array<i32>} : memref<768xf32, #tpu.memory_space<vmem>>, vector<16xf32>,
      tpu.vector_store %arg15[%swap3A_279], %broadcast_in_dim3A_278 {strides = array<i32>} : memref<768xf32, #tpu.memory_space<vmem>>, vector<16xf32>,
      %broadcast_in_dim3A_281 = arith.constant 0.000000e+00 : f32
      %broadcast_in_dim3A_282 = vector.broadcast %broadcast_in_dim3A_281 : f32 to vector<16xf32>
      %swap3A_283 = arith.constant 240 : index
      %swap3A_284 = tpu.vector_load %arg15[%swap3A_283] {strides = array<i32>} : memref<768xf32, #tpu.memory_space<vmem>>, vector<16xf32>,
      tpu.vector_store %arg15[%swap3A_283], %broadcast_in_dim3A_282 {strides = array<i32>} : memref<768xf32, #tpu.memory_space<vmem>>, vector<16xf32>,
      %broadcast_in_dim3A_285 = arith.constant 0.000000e+00 : f32
      %broadcast_in_dim3A_286 = vector.broadcast %broadcast_in_dim3A_285 : f32 to vector<16xf32>
      %swap3A_287 = arith.constant 256 : index
      %swap3A_288 = tpu.vector_load %arg15[%swap3A_287] {strides = array<i32>} : memref<768xf32, #tpu.memory_space<vmem>>, vector<16xf32>,
      tpu.vector_store %arg15[%swap3A_287], %broadcast_in_dim3A_286 {strides = array<i32>} : memref<768xf32, #tpu.memory_space<vmem>>, vector<16xf32>,
      %broadcast_in_dim3A_289 = arith.constant 0.000000e+00 : f32
      %broadcast_in_dim3A_290 = vector.broadcast %broadcast_in_dim3A_289 : f32 to vector<16xf32>
      %swap3A_291 = arith.constant 272 : index
      %swap3A_292 = tpu.vector_load %arg15[%swap3A_291] {strides = array<i32>} : memref<768xf32, #tpu.memory_space<vmem>>, vector<16xf32>,
      tpu.vector_store %arg15[%swap3A_291], %broadcast_in_dim3A_290 {strides = array<i32>} : memref<768xf32, #tpu.memory_space<vmem>>, vector<16xf32>,
      %broadcast_in_dim3A_293 = arith.constant 0.000000e+00 : f32
      %broadcast_in_dim3A_294 = vector.broadcast %broadcast_in_dim3A_293 : f32 to vector<16xf32>
      %swap3A_295 = arith.constant 288 : index
      %swap3A_296 = tpu.vector_load %arg15[%swap3A_295] {strides = array<i32>} : memref<768xf32, #tpu.memory_space<vmem>>, vector<16xf32>,
      tpu.vector_store %arg15[%swap3A_295], %broadcast_in_dim3A_294 {strides = array<i32>} : memref<768xf32, #tpu.memory_space<vmem>>, vector<16xf32>,
      %broadcast_in_dim3A_297 = arith.constant 0.000000e+00 : f32
      %broadcast_in_dim3A_298 = vector.broadcast %broadcast_in_dim3A_297 : f32 to vector<16xf32>
      %swap3A_299 = arith.constant 304 : index
      %swap3A_300 = tpu.vector_load %arg15[%swap3A_299] {strides = array<i32>} : memref<768xf32, #tpu.memory_space<vmem>>, vector<16xf32>,
      tpu.vector_store %arg15[%swap3A_299], %broadcast_in_dim3A_298 {strides = array<i32>} : memref<768xf32, #tpu.memory_space<vmem>>, vector<16xf32>,
      %broadcast_in_dim3A_301 = arith.constant 0.000000e+00 : f32
      %broadcast_in_dim3A_302 = vector.broadcast %broadcast_in_dim3A_301 : f32 to vector<16xf32>
      %swap3A_303 = arith.constant 320 : index
      %swap3A_304 = tpu.vector_load %arg15[%swap3A_303] {strides = array<i32>} : memref<768xf32, #tpu.memory_space<vmem>>, vector<16xf32>,
      tpu.vector_store %arg15[%swap3A_303], %broadcast_in_dim3A_302 {strides = array<i32>} : memref<768xf32, #tpu.memory_space<vmem>>, vector<16xf32>,
      %broadcast_in_dim3A_305 = arith.constant 0.000000e+00 : f32
      %broadcast_in_dim3A_306 = vector.broadcast %broadcast_in_dim3A_305 : f32 to vector<16xf32>
      %swap3A_307 = arith.constant 336 : index
      %swap3A_308 = tpu.vector_load %arg15[%swap3A_307] {strides = array<i32>} : memref<768xf32, #tpu.memory_space<vmem>>, vector<16xf32>,
      tpu.vector_store %arg15[%swap3A_307], %broadcast_in_dim3A_306 {strides = array<i32>} : memref<768xf32, #tpu.memory_space<vmem>>, vector<16xf32>,
      %broadcast_in_dim3A_309 = arith.constant 0.000000e+00 : f32
      %broadcast_in_dim3A_310 = vector.broadcast %broadcast_in_dim3A_309 : f32 to vector<16xf32>
      %swap3A_311 = arith.constant 352 : index
      %swap3A_312 = tpu.vector_load %arg15[%swap3A_311] {strides = array<i32>} : memref<768xf32, #tpu.memory_space<vmem>>, vector<16xf32>,
      tpu.vector_store %arg15[%swap3A_311], %broadcast_in_dim3A_310 {strides = array<i32>} : memref<768xf32, #tpu.memory_space<vmem>>, vector<16xf32>,
      %broadcast_in_dim3A_313 = arith.constant 0.000000e+00 : f32
      %broadcast_in_dim3A_314 = vector.broadcast %broadcast_in_dim3A_313 : f32 to vector<16xf32>
      %swap3A_315 = arith.constant 368 : index
      %swap3A_316 = tpu.vector_load %arg15[%swap3A_315] {strides = array<i32>} : memref<768xf32, #tpu.memory_space<vmem>>, vector<16xf32>,
      tpu.vector_store %arg15[%swap3A_315], %broadcast_in_dim3A_314 {strides = array<i32>} : memref<768xf32, #tpu.memory_space<vmem>>, vector<16xf32>,
      %broadcast_in_dim3A_317 = arith.constant 0.000000e+00 : f32
      %broadcast_in_dim3A_318 = vector.broadcast %broadcast_in_dim3A_317 : f32 to vector<16xf32>
      %swap3A_319 = arith.constant 384 : index
      %swap3A_320 = tpu.vector_load %arg15[%swap3A_319] {strides = array<i32>} : memref<768xf32, #tpu.memory_space<vmem>>, vector<16xf32>,
      tpu.vector_store %arg15[%swap3A_319], %broadcast_in_dim3A_318 {strides = array<i32>} : memref<768xf32, #tpu.memory_space<vmem>>, vector<16xf32>,
      %broadcast_in_dim3A_321 = arith.constant 0.000000e+00 : f32
      %broadcast_in_dim3A_322 = vector.broadcast %broadcast_in_dim3A_321 : f32 to vector<16xf32>
      %swap3A_323 = arith.constant 400 : index
      %swap3A_324 = tpu.vector_load %arg15[%swap3A_323] {strides = array<i32>} : memref<768xf32, #tpu.memory_space<vmem>>, vector<16xf32>,
      tpu.vector_store %arg15[%swap3A_323], %broadcast_in_dim3A_322 {strides = array<i32>} : memref<768xf32, #tpu.memory_space<vmem>>, vector<16xf32>,
      %broadcast_in_dim3A_325 = arith.constant 0.000000e+00 : f32
      %broadcast_in_dim3A_326 = vector.broadcast %broadcast_in_dim3A_325 : f32 to vector<16xf32>
      %swap3A_327 = arith.constant 416 : index
      %swap3A_328 = tpu.vector_load %arg15[%swap3A_327] {strides = array<i32>} : memref<768xf32, #tpu.memory_space<vmem>>, vector<16xf32>,
      tpu.vector_store %arg15[%swap3A_327], %broadcast_in_dim3A_326 {strides = array<i32>} : memref<768xf32, #tpu.memory_space<vmem>>, vector<16xf32>,
      %broadcast_in_dim3A_329 = arith.constant 0.000000e+00 : f32
      %broadcast_in_dim3A_330 = vector.broadcast %broadcast_in_dim3A_329 : f32 to vector<16xf32>
      %swap3A_331 = arith.constant 432 : index
      %swap3A_332 = tpu.vector_load %arg15[%swap3A_331] {strides = array<i32>} : memref<768xf32, #tpu.memory_space<vmem>>, vector<16xf32>,
      tpu.vector_store %arg15[%swap3A_331], %broadcast_in_dim3A_330 {strides = array<i32>} : memref<768xf32, #tpu.memory_space<vmem>>, vector<16xf32>,
      %broadcast_in_dim3A_333 = arith.constant 0.000000e+00 : f32
      %broadcast_in_dim3A_334 = vector.broadcast %broadcast_in_dim3A_333 : f32 to vector<16xf32>
      %swap3A_335 = arith.constant 448 : index
      %swap3A_336 = tpu.vector_load %arg15[%swap3A_335] {strides = array<i32>} : memref<768xf32, #tpu.memory_space<vmem>>, vector<16xf32>,
      tpu.vector_store %arg15[%swap3A_335], %broadcast_in_dim3A_334 {strides = array<i32>} : memref<768xf32, #tpu.memory_space<vmem>>, vector<16xf32>,
      %broadcast_in_dim3A_337 = arith.constant 0.000000e+00 : f32
      %broadcast_in_dim3A_338 = vector.broadcast %broadcast_in_dim3A_337 : f32 to vector<16xf32>
      %swap3A_339 = arith.constant 464 : index
      %swap3A_340 = tpu.vector_load %arg15[%swap3A_339] {strides = array<i32>} : memref<768xf32, #tpu.memory_space<vmem>>, vector<16xf32>,
      tpu.vector_store %arg15[%swap3A_339], %broadcast_in_dim3A_338 {strides = array<i32>} : memref<768xf32, #tpu.memory_space<vmem>>, vector<16xf32>,
      %broadcast_in_dim3A_341 = arith.constant 0.000000e+00 : f32
      %broadcast_in_dim3A_342 = vector.broadcast %broadcast_in_dim3A_341 : f32 to vector<16xf32>
      %swap3A_343 = arith.constant 480 : index
      %swap3A_344 = tpu.vector_load %arg15[%swap3A_343] {strides = array<i32>} : memref<768xf32, #tpu.memory_space<vmem>>, vector<16xf32>,
      tpu.vector_store %arg15[%swap3A_343], %broadcast_in_dim3A_342 {strides = array<i32>} : memref<768xf32, #tpu.memory_space<vmem>>, vector<16xf32>,
      %broadcast_in_dim3A_345 = arith.constant 0.000000e+00 : f32
      %broadcast_in_dim3A_346 = vector.broadcast %broadcast_in_dim3A_345 : f32 to vector<16xf32>
      %swap3A_347 = arith.constant 496 : index
      %swap3A_348 = tpu.vector_load %arg15[%swap3A_347] {strides = array<i32>} : memref<768xf32, #tpu.memory_space<vmem>>, vector<16xf32>,
      tpu.vector_store %arg15[%swap3A_347], %broadcast_in_dim3A_346 {strides = array<i32>} : memref<768xf32, #tpu.memory_space<vmem>>, vector<16xf32>,
      %broadcast_in_dim3A_349 = arith.constant 0.000000e+00 : f32
      %broadcast_in_dim3A_350 = vector.broadcast %broadcast_in_dim3A_349 : f32 to vector<16xf32>
      %swap3A_351 = arith.constant 512 : index
      %swap3A_352 = tpu.vector_load %arg15[%swap3A_351] {strides = array<i32>} : memref<768xf32, #tpu.memory_space<vmem>>, vector<16xf32>,
      tpu.vector_store %arg15[%swap3A_351], %broadcast_in_dim3A_350 {strides = array<i32>} : memref<768xf32, #tpu.memory_space<vmem>>, vector<16xf32>,
      %broadcast_in_dim3A_353 = arith.constant 0.000000e+00 : f32
      %broadcast_in_dim3A_354 = vector.broadcast %broadcast_in_dim3A_353 : f32 to vector<16xf32>
      %swap3A_355 = arith.constant 528 : index
      %swap3A_356 = tpu.vector_load %arg15[%swap3A_355] {strides = array<i32>} : memref<768xf32, #tpu.memory_space<vmem>>, vector<16xf32>,
      tpu.vector_store %arg15[%swap3A_355], %broadcast_in_dim3A_354 {strides = array<i32>} : memref<768xf32, #tpu.memory_space<vmem>>, vector<16xf32>,
      %broadcast_in_dim3A_357 = arith.constant 0.000000e+00 : f32
      %broadcast_in_dim3A_358 = vector.broadcast %broadcast_in_dim3A_357 : f32 to vector<16xf32>
      %swap3A_359 = arith.constant 544 : index
      %swap3A_360 = tpu.vector_load %arg15[%swap3A_359] {strides = array<i32>} : memref<768xf32, #tpu.memory_space<vmem>>, vector<16xf32>,
      tpu.vector_store %arg15[%swap3A_359], %broadcast_in_dim3A_358 {strides = array<i32>} : memref<768xf32, #tpu.memory_space<vmem>>, vector<16xf32>,
      %broadcast_in_dim3A_361 = arith.constant 0.000000e+00 : f32
      %broadcast_in_dim3A_362 = vector.broadcast %broadcast_in_dim3A_361 : f32 to vector<16xf32>
      %swap3A_363 = arith.constant 560 : index
      %swap3A_364 = tpu.vector_load %arg15[%swap3A_363] {strides = array<i32>} : memref<768xf32, #tpu.memory_space<vmem>>, vector<16xf32>,
      tpu.vector_store %arg15[%swap3A_363], %broadcast_in_dim3A_362 {strides = array<i32>} : memref<768xf32, #tpu.memory_space<vmem>>, vector<16xf32>,
      %broadcast_in_dim3A_365 = arith.constant 0.000000e+00 : f32
      %broadcast_in_dim3A_366 = vector.broadcast %broadcast_in_dim3A_365 : f32 to vector<16xf32>
      %swap3A_367 = arith.constant 576 : index
      %swap3A_368 = tpu.vector_load %arg15[%swap3A_367] {strides = array<i32>} : memref<768xf32, #tpu.memory_space<vmem>>, vector<16xf32>,
      tpu.vector_store %arg15[%swap3A_367], %broadcast_in_dim3A_366 {strides = array<i32>} : memref<768xf32, #tpu.memory_space<vmem>>, vector<16xf32>,
      %broadcast_in_dim3A_369 = arith.constant 0.000000e+00 : f32
      %broadcast_in_dim3A_370 = vector.broadcast %broadcast_in_dim3A_369 : f32 to vector<16xf32>
      %swap3A_371 = arith.constant 592 : index
      %swap3A_372 = tpu.vector_load %arg15[%swap3A_371] {strides = array<i32>} : memref<768xf32, #tpu.memory_space<vmem>>, vector<16xf32>,
      tpu.vector_store %arg15[%swap3A_371], %broadcast_in_dim3A_370 {strides = array<i32>} : memref<768xf32, #tpu.memory_space<vmem>>, vector<16xf32>,
      %broadcast_in_dim3A_373 = arith.constant 0.000000e+00 : f32
      %broadcast_in_dim3A_374 = vector.broadcast %broadcast_in_dim3A_373 : f32 to vector<16xf32>
      %swap3A_375 = arith.constant 608 : index
      %swap3A_376 = tpu.vector_load %arg15[%swap3A_375] {strides = array<i32>} : memref<768xf32, #tpu.memory_space<vmem>>, vector<16xf32>,
      tpu.vector_store %arg15[%swap3A_375], %broadcast_in_dim3A_374 {strides = array<i32>} : memref<768xf32, #tpu.memory_space<vmem>>, vector<16xf32>,
      %broadcast_in_dim3A_377 = arith.constant 0.000000e+00 : f32
      %broadcast_in_dim3A_378 = vector.broadcast %broadcast_in_dim3A_377 : f32 to vector<16xf32>
      %swap3A_379 = arith.constant 624 : index
      %swap3A_380 = tpu.vector_load %arg15[%swap3A_379] {strides = array<i32>} : memref<768xf32, #tpu.memory_space<vmem>>, vector<16xf32>,
      tpu.vector_store %arg15[%swap3A_379], %broadcast_in_dim3A_378 {strides = array<i32>} : memref<768xf32, #tpu.memory_space<vmem>>, vector<16xf32>,
      %broadcast_in_dim3A_381 = arith.constant 0.000000e+00 : f32
      %broadcast_in_dim3A_382 = vector.broadcast %broadcast_in_dim3A_381 : f32 to vector<16xf32>
      %swap3A_383 = arith.constant 640 : index
      %swap3A_384 = tpu.vector_load %arg15[%swap3A_383] {strides = array<i32>} : memref<768xf32, #tpu.memory_space<vmem>>, vector<16xf32>,
      tpu.vector_store %arg15[%swap3A_383], %broadcast_in_dim3A_382 {strides = array<i32>} : memref<768xf32, #tpu.memory_space<vmem>>, vector<16xf32>,
      %broadcast_in_dim3A_385 = arith.constant 0.000000e+00 : f32
      %broadcast_in_dim3A_386 = vector.broadcast %broadcast_in_dim3A_385 : f32 to vector<16xf32>
      %swap3A_387 = arith.constant 656 : index
      %swap3A_388 = tpu.vector_load %arg15[%swap3A_387] {strides = array<i32>} : memref<768xf32, #tpu.memory_space<vmem>>, vector<16xf32>,
      tpu.vector_store %arg15[%swap3A_387], %broadcast_in_dim3A_386 {strides = array<i32>} : memref<768xf32, #tpu.memory_space<vmem>>, vector<16xf32>,
      %broadcast_in_dim3A_389 = arith.constant 0.000000e+00 : f32
      %broadcast_in_dim3A_390 = vector.broadcast %broadcast_in_dim3A_389 : f32 to vector<16xf32>
      %swap3A_391 = arith.constant 672 : index
      %swap3A_392 = tpu.vector_load %arg15[%swap3A_391] {strides = array<i32>} : memref<768xf32, #tpu.memory_space<vmem>>, vector<16xf32>,
      tpu.vector_store %arg15[%swap3A_391], %broadcast_in_dim3A_390 {strides = array<i32>} : memref<768xf32, #tpu.memory_space<vmem>>, vector<16xf32>,
      %broadcast_in_dim3A_393 = arith.constant 0.000000e+00 : f32
      %broadcast_in_dim3A_394 = vector.broadcast %broadcast_in_dim3A_393 : f32 to vector<16xf32>
      %swap3A_395 = arith.constant 688 : index
      %swap3A_396 = tpu.vector_load %arg15[%swap3A_395] {strides = array<i32>} : memref<768xf32, #tpu.memory_space<vmem>>, vector<16xf32>,
      tpu.vector_store %arg15[%swap3A_395], %broadcast_in_dim3A_394 {strides = array<i32>} : memref<768xf32, #tpu.memory_space<vmem>>, vector<16xf32>,
      %broadcast_in_dim3A_397 = arith.constant 0.000000e+00 : f32
      %broadcast_in_dim3A_398 = vector.broadcast %broadcast_in_dim3A_397 : f32 to vector<16xf32>
      %swap3A_399 = arith.constant 704 : index
      %swap3A_400 = tpu.vector_load %arg15[%swap3A_399] {strides = array<i32>} : memref<768xf32, #tpu.memory_space<vmem>>, vector<16xf32>,
      tpu.vector_store %arg15[%swap3A_399], %broadcast_in_dim3A_398 {strides = array<i32>} : memref<768xf32, #tpu.memory_space<vmem>>, vector<16xf32>,
      %broadcast_in_dim3A_401 = arith.constant 0.000000e+00 : f32
      %broadcast_in_dim3A_402 = vector.broadcast %broadcast_in_dim3A_401 : f32 to vector<16xf32>
      %swap3A_403 = arith.constant 720 : index
      %swap3A_404 = tpu.vector_load %arg15[%swap3A_403] {strides = array<i32>} : memref<768xf32, #tpu.memory_space<vmem>>, vector<16xf32>,
      tpu.vector_store %arg15[%swap3A_403], %broadcast_in_dim3A_402 {strides = array<i32>} : memref<768xf32, #tpu.memory_space<vmem>>, vector<16xf32>,
      %broadcast_in_dim3A_405 = arith.constant 0.000000e+00 : f32
      %broadcast_in_dim3A_406 = vector.broadcast %broadcast_in_dim3A_405 : f32 to vector<16xf32>
      %swap3A_407 = arith.constant 736 : index
      %swap3A_408 = tpu.vector_load %arg15[%swap3A_407] {strides = array<i32>} : memref<768xf32, #tpu.memory_space<vmem>>, vector<16xf32>,
      tpu.vector_store %arg15[%swap3A_407], %broadcast_in_dim3A_406 {strides = array<i32>} : memref<768xf32, #tpu.memory_space<vmem>>, vector<16xf32>,
      %broadcast_in_dim3A_409 = arith.constant 0.000000e+00 : f32
      %broadcast_in_dim3A_410 = vector.broadcast %broadcast_in_dim3A_409 : f32 to vector<16xf32>
      %swap3A_411 = arith.constant 752 : index
      %swap3A_412 = tpu.vector_load %arg15[%swap3A_411] {strides = array<i32>} : memref<768xf32, #tpu.memory_space<vmem>>, vector<16xf32>,
      tpu.vector_store %arg15[%swap3A_411], %broadcast_in_dim3A_410 {strides = array<i32>} : memref<768xf32, #tpu.memory_space<vmem>>, vector<16xf32>,
      %dma_wait3A = arith.constant 0 : i32
      %dma_wait3A_413 = arith.constant 0 : i32
      %dma_wait3A_414 = tpu.memref_slice %arg5[%dma_wait3A, %dma_wait3A_413] : memref<80000x768xf32, #tpu.memory_space<hbm>> -> memref<80000x768xf32, #tpu.memory_space<hbm>>
      tpu.wait_indirect_dma semaphore(%arg19 : memref<!tpu.dma_semaphore, #tpu.memory_space<semaphore_mem>>) src(%dma_wait3A_414 : memref<80000x768xf32, #tpu.memory_space<hbm>>) dst(%arg14 : memref<64x768xf32, #tpu.memory_space<vmem>>)
      %scan3A_415 = arith.constant 0 : i32
      %scan3A_416 = arith.constant 0 : i32
      %scan3A_417 = arith.constant 64 : i32
      %scan3A_418 = arith.addi %scan3A_416, %scan3A_417 : i32
      %scan3A_419 = arith.constant 4 : i32
      %scan3A_420 = scf.for %scan3A_777 = %scan3A_416 to %scan3A_418 step %scan3A_419 iter_args(%scan3A_778 = %scan3A_415) -> (i32)  : i32 {
        %get3A_779 = arith.index_cast %scan3A_777 : i32 to index
        %get3A_780 = arith.constant 0 : index
        %get3A_781 = tpu.vector_load %arg14[%get3A_779, %get3A_780] {strides = array<i32>} : memref<64x768xf32, #tpu.memory_space<vmem>>, vector<16xf32>,
        %swap3A_782 = arith.constant 0 : index
        %swap3A_783 = tpu.vector_load %arg15[%swap3A_782] {strides = array<i32>} : memref<768xf32, #tpu.memory_space<vmem>>, vector<16xf32>,
        tpu.vector_store %arg15[%swap3A_782], %get3A_781 {add = true, strides = array<i32>} : memref<768xf32, #tpu.memory_space<vmem>>, vector<16xf32>,
        %get3A_784 = arith.index_cast %scan3A_777 : i32 to index
        %get3A_785 = arith.constant 16 : index
        %get3A_786 = tpu.vector_load %arg14[%get3A_784, %get3A_785] {strides = array<i32>} : memref<64x768xf32, #tpu.memory_space<vmem>>, vector<16xf32>,
        %swap3A_787 = arith.constant 16 : index
        %swap3A_788 = tpu.vector_load %arg15[%swap3A_787] {strides = array<i32>} : memref<768xf32, #tpu.memory_space<vmem>>, vector<16xf32>,
        tpu.vector_store %arg15[%swap3A_787], %get3A_786 {add = true, strides = array<i32>} : memref<768xf32, #tpu.memory_space<vmem>>, vector<16xf32>,
        %get3A_789 = arith.index_cast %scan3A_777 : i32 to index
        %get3A_790 = arith.constant 32 : index
        %get3A_791 = tpu.vector_load %arg14[%get3A_789, %get3A_790] {strides = array<i32>} : memref<64x768xf32, #tpu.memory_space<vmem>>, vector<16xf32>,
        %swap3A_792 = arith.constant 32 : index
        %swap3A_793 = tpu.vector_load %arg15[%swap3A_792] {strides = array<i32>} : memref<768xf32, #tpu.memory_space<vmem>>, vector<16xf32>,
        tpu.vector_store %arg15[%swap3A_792], %get3A_791 {add = true, strides = array<i32>} : memref<768xf32, #tpu.memory_space<vmem>>, vector<16xf32>,
        %get3A_794 = arith.index_cast %scan3A_777 : i32 to index
        %get3A_795 = arith.constant 48 : index
        %get3A_796 = tpu.vector_load %arg14[%get3A_794, %get3A_795] {strides = array<i32>} : memref<64x768xf32, #tpu.memory_space<vmem>>, vector<16xf32>,
        %swap3A_797 = arith.constant 48 : index
        %swap3A_798 = tpu.vector_load %arg15[%swap3A_797] {strides = array<i32>} : memref<768xf32, #tpu.memory_space<vmem>>, vector<16xf32>,
        tpu.vector_store %arg15[%swap3A_797], %get3A_796 {add = true, strides = array<i32>} : memref<768xf32, #tpu.memory_space<vmem>>, vector<16xf32>,
        %get3A_799 = arith.index_cast %scan3A_777 : i32 to index
        %get3A_800 = arith.constant 64 : index
        %get3A_801 = tpu.vector_load %arg14[%get3A_799, %get3A_800] {strides = array<i32>} : memref<64x768xf32, #tpu.memory_space<vmem>>, vector<16xf32>,
        %swap3A_802 = arith.constant 64 : index
        %swap3A_803 = tpu.vector_load %arg15[%swap3A_802] {strides = array<i32>} : memref<768xf32, #tpu.memory_space<vmem>>, vector<16xf32>,
        tpu.vector_store %arg15[%swap3A_802], %get3A_801 {add = true, strides = array<i32>} : memref<768xf32, #tpu.memory_space<vmem>>, vector<16xf32>,
        %get3A_804 = arith.index_cast %scan3A_777 : i32 to index
        %get3A_805 = arith.constant 80 : index
        %get3A_806 = tpu.vector_load %arg14[%get3A_804, %get3A_805] {strides = array<i32>} : memref<64x768xf32, #tpu.memory_space<vmem>>, vector<16xf32>,
        %swap3A_807 = arith.constant 80 : index
        %swap3A_808 = tpu.vector_load %arg15[%swap3A_807] {strides = array<i32>} : memref<768xf32, #tpu.memory_space<vmem>>, vector<16xf32>,
        tpu.vector_store %arg15[%swap3A_807], %get3A_806 {add = true, strides = array<i32>} : memref<768xf32, #tpu.memory_space<vmem>>, vector<16xf32>,
        %get3A_809 = arith.index_cast %scan3A_777 : i32 to index
        %get3A_810 = arith.constant 96 : index
        %get3A_811 = tpu.vector_load %arg14[%get3A_809, %get3A_810] {strides = array<i32>} : memref<64x768xf32, #tpu.memory_space<vmem>>, vector<16xf32>,
        %swap3A_812 = arith.constant 96 : index
        %swap3A_813 = tpu.vector_load %arg15[%swap3A_812] {strides = array<i32>} : memref<768xf32, #tpu.memory_space<vmem>>, vector<16xf32>,
        tpu.vector_store %arg15[%swap3A_812], %get3A_811 {add = true, strides = array<i32>} : memref<768xf32, #tpu.memory_space<vmem>>, vector<16xf32>,
        %get3A_814 = arith.index_cast %scan3A_777 : i32 to index
        %get3A_815 = arith.constant 112 : index
        %get3A_816 = tpu.vector_load %arg14[%get3A_814, %get3A_815] {strides = array<i32>} : memref<64x768xf32, #tpu.memory_space<vmem>>, vector<16xf32>,
        %swap3A_817 = arith.constant 112 : index
        %swap3A_818 = tpu.vector_load %arg15[%swap3A_817] {strides = array<i32>} : memref<768xf32, #tpu.memory_space<vmem>>, vector<16xf32>,
        tpu.vector_store %arg15[%swap3A_817], %get3A_816 {add = true, strides = array<i32>} : memref<768xf32, #tpu.memory_space<vmem>>, vector<16xf32>,
        %get3A_819 = arith.index_cast %scan3A_777 : i32 to index
        %get3A_820 = arith.constant 128 : index
        %get3A_821 = tpu.vector_load %arg14[%get3A_819, %get3A_820] {strides = array<i32>} : memref<64x768xf32, #tpu.memory_space<vmem>>, vector<16xf32>,
        %swap3A_822 = arith.constant 128 : index
        %swap3A_823 = tpu.vector_load %arg15[%swap3A_822] {strides = array<i32>} : memref<768xf32, #tpu.memory_space<vmem>>, vector<16xf32>,
        tpu.vector_store %arg15[%swap3A_822], %get3A_821 {add = true, strides = array<i32>} : memref<768xf32, #tpu.memory_space<vmem>>, vector<16xf32>,
        %get3A_824 = arith.index_cast %scan3A_777 : i32 to index
        %get3A_825 = arith.constant 144 : index
        %get3A_826 = tpu.vector_load %arg14[%get3A_824, %get3A_825] {strides = array<i32>} : memref<64x768xf32, #tpu.memory_space<vmem>>, vector<16xf32>,
        %swap3A_827 = arith.constant 144 : index
        %swap3A_828 = tpu.vector_load %arg15[%swap3A_827] {strides = array<i32>} : memref<768xf32, #tpu.memory_space<vmem>>, vector<16xf32>,
        tpu.vector_store %arg15[%swap3A_827], %get3A_826 {add = true, strides = array<i32>} : memref<768xf32, #tpu.memory_space<vmem>>, vector<16xf32>,
        %get3A_829 = arith.index_cast %scan3A_777 : i32 to index
        %get3A_830 = arith.constant 160 : index
        %get3A_831 = tpu.vector_load %arg14[%get3A_829, %get3A_830] {strides = array<i32>} : memref<64x768xf32, #tpu.memory_space<vmem>>, vector<16xf32>,
        %swap3A_832 = arith.constant 160 : index
        %swap3A_833 = tpu.vector_load %arg15[%swap3A_832] {strides = array<i32>} : memref<768xf32, #tpu.memory_space<vmem>>, vector<16xf32>,
        tpu.vector_store %arg15[%swap3A_832], %get3A_831 {add = true, strides = array<i32>} : memref<768xf32, #tpu.memory_space<vmem>>, vector<16xf32>,
        %get3A_834 = arith.index_cast %scan3A_777 : i32 to index
        %get3A_835 = arith.constant 176 : index
        %get3A_836 = tpu.vector_load %arg14[%get3A_834, %get3A_835] {strides = array<i32>} : memref<64x768xf32, #tpu.memory_space<vmem>>, vector<16xf32>,
        %swap3A_837 = arith.constant 176 : index
        %swap3A_838 = tpu.vector_load %arg15[%swap3A_837] {strides = array<i32>} : memref<768xf32, #tpu.memory_space<vmem>>, vector<16xf32>,
        tpu.vector_store %arg15[%swap3A_837], %get3A_836 {add = true, strides = array<i32>} : memref<768xf32, #tpu.memory_space<vmem>>, vector<16xf32>,
        %get3A_839 = arith.index_cast %scan3A_777 : i32 to index
        %get3A_840 = arith.constant 192 : index
        %get3A_841 = tpu.vector_load %arg14[%get3A_839, %get3A_840] {strides = array<i32>} : memref<64x768xf32, #tpu.memory_space<vmem>>, vector<16xf32>,
        %swap3A_842 = arith.constant 192 : index
        %swap3A_843 = tpu.vector_load %arg15[%swap3A_842] {strides = array<i32>} : memref<768xf32, #tpu.memory_space<vmem>>, vector<16xf32>,
        tpu.vector_store %arg15[%swap3A_842], %get3A_841 {add = true, strides = array<i32>} : memref<768xf32, #tpu.memory_space<vmem>>, vector<16xf32>,
        %get3A_844 = arith.index_cast %scan3A_777 : i32 to index
        %get3A_845 = arith.constant 208 : index
        %get3A_846 = tpu.vector_load %arg14[%get3A_844, %get3A_845] {strides = array<i32>} : memref<64x768xf32, #tpu.memory_space<vmem>>, vector<16xf32>,
        %swap3A_847 = arith.constant 208 : index
        %swap3A_848 = tpu.vector_load %arg15[%swap3A_847] {strides = array<i32>} : memref<768xf32, #tpu.memory_space<vmem>>, vector<16xf32>,
        tpu.vector_store %arg15[%swap3A_847], %get3A_846 {add = true, strides = array<i32>} : memref<768xf32, #tpu.memory_space<vmem>>, vector<16xf32>,
        %get3A_849 = arith.index_cast %scan3A_777 : i32 to index
        %get3A_850 = arith.constant 224 : index
        %get3A_851 = tpu.vector_load %arg14[%get3A_849, %get3A_850] {strides = array<i32>} : memref<64x768xf32, #tpu.memory_space<vmem>>, vector<16xf32>,
        %swap3A_852 = arith.constant 224 : index
        %swap3A_853 = tpu.vector_load %arg15[%swap3A_852] {strides = array<i32>} : memref<768xf32, #tpu.memory_space<vmem>>, vector<16xf32>,
        tpu.vector_store %arg15[%swap3A_852], %get3A_851 {add = true, strides = array<i32>} : memref<768xf32, #tpu.memory_space<vmem>>, vector<16xf32>,
        %get3A_854 = arith.index_cast %scan3A_777 : i32 to index
        %get3A_855 = arith.constant 240 : index
        %get3A_856 = tpu.vector_load %arg14[%get3A_854, %get3A_855] {strides = array<i32>} : memref<64x768xf32, #tpu.memory_space<vmem>>, vector<16xf32>,
        %swap3A_857 = arith.constant 240 : index
        %swap3A_858 = tpu.vector_load %arg15[%swap3A_857] {strides = array<i32>} : memref<768xf32, #tpu.memory_space<vmem>>, vector<16xf32>,
        tpu.vector_store %arg15[%swap3A_857], %get3A_856 {add = true, strides = array<i32>} : memref<768xf32, #tpu.memory_space<vmem>>, vector<16xf32>,
        %get3A_859 = arith.index_cast %scan3A_777 : i32 to index
        %get3A_860 = arith.constant 256 : index
        %get3A_861 = tpu.vector_load %arg14[%get3A_859, %get3A_860] {strides = array<i32>} : memref<64x768xf32, #tpu.memory_space<vmem>>, vector<16xf32>,
        %swap3A_862 = arith.constant 256 : index
        %swap3A_863 = tpu.vector_load %arg15[%swap3A_862] {strides = array<i32>} : memref<768xf32, #tpu.memory_space<vmem>>, vector<16xf32>,
        tpu.vector_store %arg15[%swap3A_862], %get3A_861 {add = true, strides = array<i32>} : memref<768xf32, #tpu.memory_space<vmem>>, vector<16xf32>,
        %get3A_864 = arith.index_cast %scan3A_777 : i32 to index
        %get3A_865 = arith.constant 272 : index
        %get3A_866 = tpu.vector_load %arg14[%get3A_864, %get3A_865] {strides = array<i32>} : memref<64x768xf32, #tpu.memory_space<vmem>>, vector<16xf32>,
        %swap3A_867 = arith.constant 272 : index
        %swap3A_868 = tpu.vector_load %arg15[%swap3A_867] {strides = array<i32>} : memref<768xf32, #tpu.memory_space<vmem>>, vector<16xf32>,
        tpu.vector_store %arg15[%swap3A_867], %get3A_866 {add = true, strides = array<i32>} : memref<768xf32, #tpu.memory_space<vmem>>, vector<16xf32>,
        %get3A_869 = arith.index_cast %scan3A_777 : i32 to index
        %get3A_870 = arith.constant 288 : index
        %get3A_871 = tpu.vector_load %arg14[%get3A_869, %get3A_870] {strides = array<i32>} : memref<64x768xf32, #tpu.memory_space<vmem>>, vector<16xf32>,
        %swap3A_872 = arith.constant 288 : index
        %swap3A_873 = tpu.vector_load %arg15[%swap3A_872] {strides = array<i32>} : memref<768xf32, #tpu.memory_space<vmem>>, vector<16xf32>,
        tpu.vector_store %arg15[%swap3A_872], %get3A_871 {add = true, strides = array<i32>} : memref<768xf32, #tpu.memory_space<vmem>>, vector<16xf32>,
        %get3A_874 = arith.index_cast %scan3A_777 : i32 to index
        %get3A_875 = arith.constant 304 : index
        %get3A_876 = tpu.vector_load %arg14[%get3A_874, %get3A_875] {strides = array<i32>} : memref<64x768xf32, #tpu.memory_space<vmem>>, vector<16xf32>,
        %swap3A_877 = arith.constant 304 : index
        %swap3A_878 = tpu.vector_load %arg15[%swap3A_877] {strides = array<i32>} : memref<768xf32, #tpu.memory_space<vmem>>, vector<16xf32>,
        tpu.vector_store %arg15[%swap3A_877], %get3A_876 {add = true, strides = array<i32>} : memref<768xf32, #tpu.memory_space<vmem>>, vector<16xf32>,
        %get3A_879 = arith.index_cast %scan3A_777 : i32 to index
        %get3A_880 = arith.constant 320 : index
        %get3A_881 = tpu.vector_load %arg14[%get3A_879, %get3A_880] {strides = array<i32>} : memref<64x768xf32, #tpu.memory_space<vmem>>, vector<16xf32>,
        %swap3A_882 = arith.constant 320 : index
        %swap3A_883 = tpu.vector_load %arg15[%swap3A_882] {strides = array<i32>} : memref<768xf32, #tpu.memory_space<vmem>>, vector<16xf32>,
        tpu.vector_store %arg15[%swap3A_882], %get3A_881 {add = true, strides = array<i32>} : memref<768xf32, #tpu.memory_space<vmem>>, vector<16xf32>,
        %get3A_884 = arith.index_cast %scan3A_777 : i32 to index
        %get3A_885 = arith.constant 336 : index
        %get3A_886 = tpu.vector_load %arg14[%get3A_884, %get3A_885] {strides = array<i32>} : memref<64x768xf32, #tpu.memory_space<vmem>>, vector<16xf32>,
        %swap3A_887 = arith.constant 336 : index
        %swap3A_888 = tpu.vector_load %arg15[%swap3A_887] {strides = array<i32>} : memref<768xf32, #tpu.memory_space<vmem>>, vector<16xf32>,
        tpu.vector_store %arg15[%swap3A_887], %get3A_886 {add = true, strides = array<i32>} : memref<768xf32, #tpu.memory_space<vmem>>, vector<16xf32>,
        %get3A_889 = arith.index_cast %scan3A_777 : i32 to index
        %get3A_890 = arith.constant 352 : index
        %get3A_891 = tpu.vector_load %arg14[%get3A_889, %get3A_890] {strides = array<i32>} : memref<64x768xf32, #tpu.memory_space<vmem>>, vector<16xf32>,
        %swap3A_892 = arith.constant 352 : index
        %swap3A_893 = tpu.vector_load %arg15[%swap3A_892] {strides = array<i32>} : memref<768xf32, #tpu.memory_space<vmem>>, vector<16xf32>,
        tpu.vector_store %arg15[%swap3A_892], %get3A_891 {add = true, strides = array<i32>} : memref<768xf32, #tpu.memory_space<vmem>>, vector<16xf32>,
        %get3A_894 = arith.index_cast %scan3A_777 : i32 to index
        %get3A_895 = arith.constant 368 : index
        %get3A_896 = tpu.vector_load %arg14[%get3A_894, %get3A_895] {strides = array<i32>} : memref<64x768xf32, #tpu.memory_space<vmem>>, vector<16xf32>,
        %swap3A_897 = arith.constant 368 : index
        %swap3A_898 = tpu.vector_load %arg15[%swap3A_897] {strides = array<i32>} : memref<768xf32, #tpu.memory_space<vmem>>, vector<16xf32>,
        tpu.vector_store %arg15[%swap3A_897], %get3A_896 {add = true, strides = array<i32>} : memref<768xf32, #tpu.memory_space<vmem>>, vector<16xf32>,
        %get3A_899 = arith.index_cast %scan3A_777 : i32 to index
        %get3A_900 = arith.constant 384 : index
        %get3A_901 = tpu.vector_load %arg14[%get3A_899, %get3A_900] {strides = array<i32>} : memref<64x768xf32, #tpu.memory_space<vmem>>, vector<16xf32>,
        %swap3A_902 = arith.constant 384 : index
        %swap3A_903 = tpu.vector_load %arg15[%swap3A_902] {strides = array<i32>} : memref<768xf32, #tpu.memory_space<vmem>>, vector<16xf32>,
        tpu.vector_store %arg15[%swap3A_902], %get3A_901 {add = true, strides = array<i32>} : memref<768xf32, #tpu.memory_space<vmem>>, vector<16xf32>,
        %get3A_904 = arith.index_cast %scan3A_777 : i32 to index
        %get3A_905 = arith.constant 400 : index
        %get3A_906 = tpu.vector_load %arg14[%get3A_904, %get3A_905] {strides = array<i32>} : memref<64x768xf32, #tpu.memory_space<vmem>>, vector<16xf32>,
        %swap3A_907 = arith.constant 400 : index
        %swap3A_908 = tpu.vector_load %arg15[%swap3A_907] {strides = array<i32>} : memref<768xf32, #tpu.memory_space<vmem>>, vector<16xf32>,
        tpu.vector_store %arg15[%swap3A_907], %get3A_906 {add = true, strides = array<i32>} : memref<768xf32, #tpu.memory_space<vmem>>, vector<16xf32>,
        %get3A_909 = arith.index_cast %scan3A_777 : i32 to index
        %get3A_910 = arith.constant 416 : index
        %get3A_911 = tpu.vector_load %arg14[%get3A_909, %get3A_910] {strides = array<i32>} : memref<64x768xf32, #tpu.memory_space<vmem>>, vector<16xf32>,
        %swap3A_912 = arith.constant 416 : index
        %swap3A_913 = tpu.vector_load %arg15[%swap3A_912] {strides = array<i32>} : memref<768xf32, #tpu.memory_space<vmem>>, vector<16xf32>,
        tpu.vector_store %arg15[%swap3A_912], %get3A_911 {add = true, strides = array<i32>} : memref<768xf32, #tpu.memory_space<vmem>>, vector<16xf32>,
        %get3A_914 = arith.index_cast %scan3A_777 : i32 to index
        %get3A_915 = arith.constant 432 : index
        %get3A_916 = tpu.vector_load %arg14[%get3A_914, %get3A_915] {strides = array<i32>} : memref<64x768xf32, #tpu.memory_space<vmem>>, vector<16xf32>,
        %swap3A_917 = arith.constant 432 : index
        %swap3A_918 = tpu.vector_load %arg15[%swap3A_917] {strides = array<i32>} : memref<768xf32, #tpu.memory_space<vmem>>, vector<16xf32>,
        tpu.vector_store %arg15[%swap3A_917], %get3A_916 {add = true, strides = array<i32>} : memref<768xf32, #tpu.memory_space<vmem>>, vector<16xf32>,
        %get3A_919 = arith.index_cast %scan3A_777 : i32 to index
        %get3A_920 = arith.constant 448 : index
        %get3A_921 = tpu.vector_load %arg14[%get3A_919, %get3A_920] {strides = array<i32>} : memref<64x768xf32, #tpu.memory_space<vmem>>, vector<16xf32>,
        %swap3A_922 = arith.constant 448 : index
        %swap3A_923 = tpu.vector_load %arg15[%swap3A_922] {strides = array<i32>} : memref<768xf32, #tpu.memory_space<vmem>>, vector<16xf32>,
        tpu.vector_store %arg15[%swap3A_922], %get3A_921 {add = true, strides = array<i32>} : memref<768xf32, #tpu.memory_space<vmem>>, vector<16xf32>,
        %get3A_924 = arith.index_cast %scan3A_777 : i32 to index
        %get3A_925 = arith.constant 464 : index
        %get3A_926 = tpu.vector_load %arg14[%get3A_924, %get3A_925] {strides = array<i32>} : memref<64x768xf32, #tpu.memory_space<vmem>>, vector<16xf32>,
        %swap3A_927 = arith.constant 464 : index
        %swap3A_928 = tpu.vector_load %arg15[%swap3A_927] {strides = array<i32>} : memref<768xf32, #tpu.memory_space<vmem>>, vector<16xf32>,
        tpu.vector_store %arg15[%swap3A_927], %get3A_926 {add = true, strides = array<i32>} : memref<768xf32, #tpu.memory_space<vmem>>, vector<16xf32>,
        %get3A_929 = arith.index_cast %scan3A_777 : i32 to index
        %get3A_930 = arith.constant 480 : index
        %get3A_931 = tpu.vector_load %arg14[%get3A_929, %get3A_930] {strides = array<i32>} : memref<64x768xf32, #tpu.memory_space<vmem>>, vector<16xf32>,
        %swap3A_932 = arith.constant 480 : index
        %swap3A_933 = tpu.vector_load %arg15[%swap3A_932] {strides = array<i32>} : memref<768xf32, #tpu.memory_space<vmem>>, vector<16xf32>,
        tpu.vector_store %arg15[%swap3A_932], %get3A_931 {add = true, strides = array<i32>} : memref<768xf32, #tpu.memory_space<vmem>>, vector<16xf32>,
        %get3A_934 = arith.index_cast %scan3A_777 : i32 to index
        %get3A_935 = arith.constant 496 : index
        %get3A_936 = tpu.vector_load %arg14[%get3A_934, %get3A_935] {strides = array<i32>} : memref<64x768xf32, #tpu.memory_space<vmem>>, vector<16xf32>,
        %swap3A_937 = arith.constant 496 : index
        %swap3A_938 = tpu.vector_load %arg15[%swap3A_937] {strides = array<i32>} : memref<768xf32, #tpu.memory_space<vmem>>, vector<16xf32>,
        tpu.vector_store %arg15[%swap3A_937], %get3A_936 {add = true, strides = array<i32>} : memref<768xf32, #tpu.memory_space<vmem>>, vector<16xf32>,
        %get3A_939 = arith.index_cast %scan3A_777 : i32 to index
        %get3A_940 = arith.constant 512 : index
        %get3A_941 = tpu.vector_load %arg14[%get3A_939, %get3A_940] {strides = array<i32>} : memref<64x768xf32, #tpu.memory_space<vmem>>, vector<16xf32>,
        %swap3A_942 = arith.constant 512 : index
        %swap3A_943 = tpu.vector_load %arg15[%swap3A_942] {strides = array<i32>} : memref<768xf32, #tpu.memory_space<vmem>>, vector<16xf32>,
        tpu.vector_store %arg15[%swap3A_942], %get3A_941 {add = true, strides = array<i32>} : memref<768xf32, #tpu.memory_space<vmem>>, vector<16xf32>,
        %get3A_944 = arith.index_cast %scan3A_777 : i32 to index
        %get3A_945 = arith.constant 528 : index
        %get3A_946 = tpu.vector_load %arg14[%get3A_944, %get3A_945] {strides = array<i32>} : memref<64x768xf32, #tpu.memory_space<vmem>>, vector<16xf32>,
        %swap3A_947 = arith.constant 528 : index
        %swap3A_948 = tpu.vector_load %arg15[%swap3A_947] {strides = array<i32>} : memref<768xf32, #tpu.memory_space<vmem>>, vector<16xf32>,
        tpu.vector_store %arg15[%swap3A_947], %get3A_946 {add = true, strides = array<i32>} : memref<768xf32, #tpu.memory_space<vmem>>, vector<16xf32>,
        %get3A_949 = arith.index_cast %scan3A_777 : i32 to index
        %get3A_950 = arith.constant 544 : index
        %get3A_951 = tpu.vector_load %arg14[%get3A_949, %get3A_950] {strides = array<i32>} : memref<64x768xf32, #tpu.memory_space<vmem>>, vector<16xf32>,
        %swap3A_952 = arith.constant 544 : index
        %swap3A_953 = tpu.vector_load %arg15[%swap3A_952] {strides = array<i32>} : memref<768xf32, #tpu.memory_space<vmem>>, vector<16xf32>,
        tpu.vector_store %arg15[%swap3A_952], %get3A_951 {add = true, strides = array<i32>} : memref<768xf32, #tpu.memory_space<vmem>>, vector<16xf32>,
        %get3A_954 = arith.index_cast %scan3A_777 : i32 to index
        %get3A_955 = arith.constant 560 : index
        %get3A_956 = tpu.vector_load %arg14[%get3A_954, %get3A_955] {strides = array<i32>} : memref<64x768xf32, #tpu.memory_space<vmem>>, vector<16xf32>,
        %swap3A_957 = arith.constant 560 : index
        %swap3A_958 = tpu.vector_load %arg15[%swap3A_957] {strides = array<i32>} : memref<768xf32, #tpu.memory_space<vmem>>, vector<16xf32>,
        tpu.vector_store %arg15[%swap3A_957], %get3A_956 {add = true, strides = array<i32>} : memref<768xf32, #tpu.memory_space<vmem>>, vector<16xf32>,
        %get3A_959 = arith.index_cast %scan3A_777 : i32 to index
        %get3A_960 = arith.constant 576 : index
        %get3A_961 = tpu.vector_load %arg14[%get3A_959, %get3A_960] {strides = array<i32>} : memref<64x768xf32, #tpu.memory_space<vmem>>, vector<16xf32>,
        %swap3A_962 = arith.constant 576 : index
        %swap3A_963 = tpu.vector_load %arg15[%swap3A_962] {strides = array<i32>} : memref<768xf32, #tpu.memory_space<vmem>>, vector<16xf32>,
        tpu.vector_store %arg15[%swap3A_962], %get3A_961 {add = true, strides = array<i32>} : memref<768xf32, #tpu.memory_space<vmem>>, vector<16xf32>,
        %get3A_964 = arith.index_cast %scan3A_777 : i32 to index
        %get3A_965 = arith.constant 592 : index
        %get3A_966 = tpu.vector_load %arg14[%get3A_964, %get3A_965] {strides = array<i32>} : memref<64x768xf32, #tpu.memory_space<vmem>>, vector<16xf32>,
        %swap3A_967 = arith.constant 592 : index
        %swap3A_968 = tpu.vector_load %arg15[%swap3A_967] {strides = array<i32>} : memref<768xf32, #tpu.memory_space<vmem>>, vector<16xf32>,
        tpu.vector_store %arg15[%swap3A_967], %get3A_966 {add = true, strides = array<i32>} : memref<768xf32, #tpu.memory_space<vmem>>, vector<16xf32>,
        %get3A_969 = arith.index_cast %scan3A_777 : i32 to index
        %get3A_970 = arith.constant 608 : index
        %get3A_971 = tpu.vector_load %arg14[%get3A_969, %get3A_970] {strides = array<i32>} : memref<64x768xf32, #tpu.memory_space<vmem>>, vector<16xf32>,
        %swap3A_972 = arith.constant 608 : index
        %swap3A_973 = tpu.vector_load %arg15[%swap3A_972] {strides = array<i32>} : memref<768xf32, #tpu.memory_space<vmem>>, vector<16xf32>,
        tpu.vector_store %arg15[%swap3A_972], %get3A_971 {add = true, strides = array<i32>} : memref<768xf32, #tpu.memory_space<vmem>>, vector<16xf32>,
        %get3A_974 = arith.index_cast %scan3A_777 : i32 to index
        %get3A_975 = arith.constant 624 : index
        %get3A_976 = tpu.vector_load %arg14[%get3A_974, %get3A_975] {strides = array<i32>} : memref<64x768xf32, #tpu.memory_space<vmem>>, vector<16xf32>,
        %swap3A_977 = arith.constant 624 : index
        %swap3A_978 = tpu.vector_load %arg15[%swap3A_977] {strides = array<i32>} : memref<768xf32, #tpu.memory_space<vmem>>, vector<16xf32>,
        tpu.vector_store %arg15[%swap3A_977], %get3A_976 {add = true, strides = array<i32>} : memref<768xf32, #tpu.memory_space<vmem>>, vector<16xf32>,
        %get3A_979 = arith.index_cast %scan3A_777 : i32 to index
        %get3A_980 = arith.constant 640 : index
        %get3A_981 = tpu.vector_load %arg14[%get3A_979, %get3A_980] {strides = array<i32>} : memref<64x768xf32, #tpu.memory_space<vmem>>, vector<16xf32>,
        %swap3A_982 = arith.constant 640 : index
        %swap3A_983 = tpu.vector_load %arg15[%swap3A_982] {strides = array<i32>} : memref<768xf32, #tpu.memory_space<vmem>>, vector<16xf32>,
        tpu.vector_store %arg15[%swap3A_982], %get3A_981 {add = true, strides = array<i32>} : memref<768xf32, #tpu.memory_space<vmem>>, vector<16xf32>,
        %get3A_984 = arith.index_cast %scan3A_777 : i32 to index
        %get3A_985 = arith.constant 656 : index
        %get3A_986 = tpu.vector_load %arg14[%get3A_984, %get3A_985] {strides = array<i32>} : memref<64x768xf32, #tpu.memory_space<vmem>>, vector<16xf32>,
        %swap3A_987 = arith.constant 656 : index
        %swap3A_988 = tpu.vector_load %arg15[%swap3A_987] {strides = array<i32>} : memref<768xf32, #tpu.memory_space<vmem>>, vector<16xf32>,
        tpu.vector_store %arg15[%swap3A_987], %get3A_986 {add = true, strides = array<i32>} : memref<768xf32, #tpu.memory_space<vmem>>, vector<16xf32>,
        %get3A_989 = arith.index_cast %scan3A_777 : i32 to index
        %get3A_990 = arith.constant 672 : index
        %get3A_991 = tpu.vector_load %arg14[%get3A_989, %get3A_990] {strides = array<i32>} : memref<64x768xf32, #tpu.memory_space<vmem>>, vector<16xf32>,
        %swap3A_992 = arith.constant 672 : index
        %swap3A_993 = tpu.vector_load %arg15[%swap3A_992] {strides = array<i32>} : memref<768xf32, #tpu.memory_space<vmem>>, vector<16xf32>,
        tpu.vector_store %arg15[%swap3A_992], %get3A_991 {add = true, strides = array<i32>} : memref<768xf32, #tpu.memory_space<vmem>>, vector<16xf32>,
        %get3A_994 = arith.index_cast %scan3A_777 : i32 to index
        %get3A_995 = arith.constant 688 : index
        %get3A_996 = tpu.vector_load %arg14[%get3A_994, %get3A_995] {strides = array<i32>} : memref<64x768xf32, #tpu.memory_space<vmem>>, vector<16xf32>,
        %swap3A_997 = arith.constant 688 : index
        %swap3A_998 = tpu.vector_load %arg15[%swap3A_997] {strides = array<i32>} : memref<768xf32, #tpu.memory_space<vmem>>, vector<16xf32>,
        tpu.vector_store %arg15[%swap3A_997], %get3A_996 {add = true, strides = array<i32>} : memref<768xf32, #tpu.memory_space<vmem>>, vector<16xf32>,
        %get3A_999 = arith.index_cast %scan3A_777 : i32 to index
        %get3A_1000 = arith.constant 704 : index
        %get3A_1001 = tpu.vector_load %arg14[%get3A_999, %get3A_1000] {strides = array<i32>} : memref<64x768xf32, #tpu.memory_space<vmem>>, vector<16xf32>,
        %swap3A_1002 = arith.constant 704 : index
        %swap3A_1003 = tpu.vector_load %arg15[%swap3A_1002] {strides = array<i32>} : memref<768xf32, #tpu.memory_space<vmem>>, vector<16xf32>,
        tpu.vector_store %arg15[%swap3A_1002], %get3A_1001 {add = true, strides = array<i32>} : memref<768xf32, #tpu.memory_space<vmem>>, vector<16xf32>,
        %get3A_1004 = arith.index_cast %scan3A_777 : i32 to index
        %get3A_1005 = arith.constant 720 : index
        %get3A_1006 = tpu.vector_load %arg14[%get3A_1004, %get3A_1005] {strides = array<i32>} : memref<64x768xf32, #tpu.memory_space<vmem>>, vector<16xf32>,
        %swap3A_1007 = arith.constant 720 : index
        %swap3A_1008 = tpu.vector_load %arg15[%swap3A_1007] {strides = array<i32>} : memref<768xf32, #tpu.memory_space<vmem>>, vector<16xf32>,
        tpu.vector_store %arg15[%swap3A_1007], %get3A_1006 {add = true, strides = array<i32>} : memref<768xf32, #tpu.memory_space<vmem>>, vector<16xf32>,
        %get3A_1009 = arith.index_cast %scan3A_777 : i32 to index
        %get3A_1010 = arith.constant 736 : index
        %get3A_1011 = tpu.vector_load %arg14[%get3A_1009, %get3A_1010] {strides = array<i32>} : memref<64x768xf32, #tpu.memory_space<vmem>>, vector<16xf32>,
        %swap3A_1012 = arith.constant 736 : index
        %swap3A_1013 = tpu.vector_load %arg15[%swap3A_1012] {strides = array<i32>} : memref<768xf32, #tpu.memory_space<vmem>>, vector<16xf32>,
        tpu.vector_store %arg15[%swap3A_1012], %get3A_1011 {add = true, strides = array<i32>} : memref<768xf32, #tpu.memory_space<vmem>>, vector<16xf32>,
        %get3A_1014 = arith.index_cast %scan3A_777 : i32 to index
        %get3A_1015 = arith.constant 752 : index
        %get3A_1016 = tpu.vector_load %arg14[%get3A_1014, %get3A_1015] {strides = array<i32>} : memref<64x768xf32, #tpu.memory_space<vmem>>, vector<16xf32>,
        %swap3A_1017 = arith.constant 752 : index
        %swap3A_1018 = tpu.vector_load %arg15[%swap3A_1017] {strides = array<i32>} : memref<768xf32, #tpu.memory_space<vmem>>, vector<16xf32>,
        tpu.vector_store %arg15[%swap3A_1017], %get3A_1016 {add = true, strides = array<i32>} : memref<768xf32, #tpu.memory_space<vmem>>, vector<16xf32>,
        %scan3A_1019 = arith.constant 0 : i32
        %scan3A_1020 = arith.constant 1 : i32
        %scan3A_1021 = arith.addi %scan3A_777, %scan3A_1020 : i32
        %get3A_1022 = arith.index_cast %scan3A_1021 : i32 to index
        %get3A_1023 = arith.constant 0 : index
        %get3A_1024 = tpu.vector_load %arg14[%get3A_1022, %get3A_1023] {strides = array<i32>} : memref<64x768xf32, #tpu.memory_space<vmem>>, vector<16xf32>,
        %swap3A_1025 = arith.constant 0 : index
        %swap3A_1026 = tpu.vector_load %arg15[%swap3A_1025] {strides = array<i32>} : memref<768xf32, #tpu.memory_space<vmem>>, vector<16xf32>,
        tpu.vector_store %arg15[%swap3A_1025], %get3A_1024 {add = true, strides = array<i32>} : memref<768xf32, #tpu.memory_space<vmem>>, vector<16xf32>,
        %get3A_1027 = arith.index_cast %scan3A_1021 : i32 to index
        %get3A_1028 = arith.constant 16 : index
        %get3A_1029 = tpu.vector_load %arg14[%get3A_1027, %get3A_1028] {strides = array<i32>} : memref<64x768xf32, #tpu.memory_space<vmem>>, vector<16xf32>,
        %swap3A_1030 = arith.constant 16 : index
        %swap3A_1031 = tpu.vector_load %arg15[%swap3A_1030] {strides = array<i32>} : memref<768xf32, #tpu.memory_space<vmem>>, vector<16xf32>,
        tpu.vector_store %arg15[%swap3A_1030], %get3A_1029 {add = true, strides = array<i32>} : memref<768xf32, #tpu.memory_space<vmem>>, vector<16xf32>,
        %get3A_1032 = arith.index_cast %scan3A_1021 : i32 to index
        %get3A_1033 = arith.constant 32 : index
        %get3A_1034 = tpu.vector_load %arg14[%get3A_1032, %get3A_1033] {strides = array<i32>} : memref<64x768xf32, #tpu.memory_space<vmem>>, vector<16xf32>,
        %swap3A_1035 = arith.constant 32 : index
        %swap3A_1036 = tpu.vector_load %arg15[%swap3A_1035] {strides = array<i32>} : memref<768xf32, #tpu.memory_space<vmem>>, vector<16xf32>,
        tpu.vector_store %arg15[%swap3A_1035], %get3A_1034 {add = true, strides = array<i32>} : memref<768xf32, #tpu.memory_space<vmem>>, vector<16xf32>,
        %get3A_1037 = arith.index_cast %scan3A_1021 : i32 to index
        %get3A_1038 = arith.constant 48 : index
        %get3A_1039 = tpu.vector_load %arg14[%get3A_1037, %get3A_1038] {strides = array<i32>} : memref<64x768xf32, #tpu.memory_space<vmem>>, vector<16xf32>,
        %swap3A_1040 = arith.constant 48 : index
        %swap3A_1041 = tpu.vector_load %arg15[%swap3A_1040] {strides = array<i32>} : memref<768xf32, #tpu.memory_space<vmem>>, vector<16xf32>,
        tpu.vector_store %arg15[%swap3A_1040], %get3A_1039 {add = true, strides = array<i32>} : memref<768xf32, #tpu.memory_space<vmem>>, vector<16xf32>,
        %get3A_1042 = arith.index_cast %scan3A_1021 : i32 to index
        %get3A_1043 = arith.constant 64 : index
        %get3A_1044 = tpu.vector_load %arg14[%get3A_1042, %get3A_1043] {strides = array<i32>} : memref<64x768xf32, #tpu.memory_space<vmem>>, vector<16xf32>,
        %swap3A_1045 = arith.constant 64 : index
        %swap3A_1046 = tpu.vector_load %arg15[%swap3A_1045] {strides = array<i32>} : memref<768xf32, #tpu.memory_space<vmem>>, vector<16xf32>,
        tpu.vector_store %arg15[%swap3A_1045], %get3A_1044 {add = true, strides = array<i32>} : memref<768xf32, #tpu.memory_space<vmem>>, vector<16xf32>,
        %get3A_1047 = arith.index_cast %scan3A_1021 : i32 to index
        %get3A_1048 = arith.constant 80 : index
        %get3A_1049 = tpu.vector_load %arg14[%get3A_1047, %get3A_1048] {strides = array<i32>} : memref<64x768xf32, #tpu.memory_space<vmem>>, vector<16xf32>,
        %swap3A_1050 = arith.constant 80 : index
        %swap3A_1051 = tpu.vector_load %arg15[%swap3A_1050] {strides = array<i32>} : memref<768xf32, #tpu.memory_space<vmem>>, vector<16xf32>,
        tpu.vector_store %arg15[%swap3A_1050], %get3A_1049 {add = true, strides = array<i32>} : memref<768xf32, #tpu.memory_space<vmem>>, vector<16xf32>,
        %get3A_1052 = arith.index_cast %scan3A_1021 : i32 to index
        %get3A_1053 = arith.constant 96 : index
        %get3A_1054 = tpu.vector_load %arg14[%get3A_1052, %get3A_1053] {strides = array<i32>} : memref<64x768xf32, #tpu.memory_space<vmem>>, vector<16xf32>,
        %swap3A_1055 = arith.constant 96 : index
        %swap3A_1056 = tpu.vector_load %arg15[%swap3A_1055] {strides = array<i32>} : memref<768xf32, #tpu.memory_space<vmem>>, vector<16xf32>,
        tpu.vector_store %arg15[%swap3A_1055], %get3A_1054 {add = true, strides = array<i32>} : memref<768xf32, #tpu.memory_space<vmem>>, vector<16xf32>,
        %get3A_1057 = arith.index_cast %scan3A_1021 : i32 to index
        %get3A_1058 = arith.constant 112 : index
        %get3A_1059 = tpu.vector_load %arg14[%get3A_1057, %get3A_1058] {strides = array<i32>} : memref<64x768xf32, #tpu.memory_space<vmem>>, vector<16xf32>,
        %swap3A_1060 = arith.constant 112 : index
        %swap3A_1061 = tpu.vector_load %arg15[%swap3A_1060] {strides = array<i32>} : memref<768xf32, #tpu.memory_space<vmem>>, vector<16xf32>,
        tpu.vector_store %arg15[%swap3A_1060], %get3A_1059 {add = true, strides = array<i32>} : memref<768xf32, #tpu.memory_space<vmem>>, vector<16xf32>,
        %get3A_1062 = arith.index_cast %scan3A_1021 : i32 to index
        %get3A_1063 = arith.constant 128 : index
        %get3A_1064 = tpu.vector_load %arg14[%get3A_1062, %get3A_1063] {strides = array<i32>} : memref<64x768xf32, #tpu.memory_space<vmem>>, vector<16xf32>,
        %swap3A_1065 = arith.constant 128 : index
        %swap3A_1066 = tpu.vector_load %arg15[%swap3A_1065] {strides = array<i32>} : memref<768xf32, #tpu.memory_space<vmem>>, vector<16xf32>,
        tpu.vector_store %arg15[%swap3A_1065], %get3A_1064 {add = true, strides = array<i32>} : memref<768xf32, #tpu.memory_space<vmem>>, vector<16xf32>,
        %get3A_1067 = arith.index_cast %scan3A_1021 : i32 to index
        %get3A_1068 = arith.constant 144 : index
        %get3A_1069 = tpu.vector_load %arg14[%get3A_1067, %get3A_1068] {strides = array<i32>} : memref<64x768xf32, #tpu.memory_space<vmem>>, vector<16xf32>,
        %swap3A_1070 = arith.constant 144 : index
        %swap3A_1071 = tpu.vector_load %arg15[%swap3A_1070] {strides = array<i32>} : memref<768xf32, #tpu.memory_space<vmem>>, vector<16xf32>,
        tpu.vector_store %arg15[%swap3A_1070], %get3A_1069 {add = true, strides = array<i32>} : memref<768xf32, #tpu.memory_space<vmem>>, vector<16xf32>,
        %get3A_1072 = arith.index_cast %scan3A_1021 : i32 to index
        %get3A_1073 = arith.constant 160 : index
        %get3A_1074 = tpu.vector_load %arg14[%get3A_1072, %get3A_1073] {strides = array<i32>} : memref<64x768xf32, #tpu.memory_space<vmem>>, vector<16xf32>,
        %swap3A_1075 = arith.constant 160 : index
        %swap3A_1076 = tpu.vector_load %arg15[%swap3A_1075] {strides = array<i32>} : memref<768xf32, #tpu.memory_space<vmem>>, vector<16xf32>,
        tpu.vector_store %arg15[%swap3A_1075], %get3A_1074 {add = true, strides = array<i32>} : memref<768xf32, #tpu.memory_space<vmem>>, vector<16xf32>,
        %get3A_1077 = arith.index_cast %scan3A_1021 : i32 to index
        %get3A_1078 = arith.constant 176 : index
        %get3A_1079 = tpu.vector_load %arg14[%get3A_1077, %get3A_1078] {strides = array<i32>} : memref<64x768xf32, #tpu.memory_space<vmem>>, vector<16xf32>,
        %swap3A_1080 = arith.constant 176 : index
        %swap3A_1081 = tpu.vector_load %arg15[%swap3A_1080] {strides = array<i32>} : memref<768xf32, #tpu.memory_space<vmem>>, vector<16xf32>,
        tpu.vector_store %arg15[%swap3A_1080], %get3A_1079 {add = true, strides = array<i32>} : memref<768xf32, #tpu.memory_space<vmem>>, vector<16xf32>,
        %get3A_1082 = arith.index_cast %scan3A_1021 : i32 to index
        %get3A_1083 = arith.constant 192 : index
        %get3A_1084 = tpu.vector_load %arg14[%get3A_1082, %get3A_1083] {strides = array<i32>} : memref<64x768xf32, #tpu.memory_space<vmem>>, vector<16xf32>,
        %swap3A_1085 = arith.constant 192 : index
        %swap3A_1086 = tpu.vector_load %arg15[%swap3A_1085] {strides = array<i32>} : memref<768xf32, #tpu.memory_space<vmem>>, vector<16xf32>,
        tpu.vector_store %arg15[%swap3A_1085], %get3A_1084 {add = true, strides = array<i32>} : memref<768xf32, #tpu.memory_space<vmem>>, vector<16xf32>,
        %get3A_1087 = arith.index_cast %scan3A_1021 : i32 to index
        %get3A_1088 = arith.constant 208 : index
        %get3A_1089 = tpu.vector_load %arg14[%get3A_1087, %get3A_1088] {strides = array<i32>} : memref<64x768xf32, #tpu.memory_space<vmem>>, vector<16xf32>,
        %swap3A_1090 = arith.constant 208 : index
        %swap3A_1091 = tpu.vector_load %arg15[%swap3A_1090] {strides = array<i32>} : memref<768xf32, #tpu.memory_space<vmem>>, vector<16xf32>,
        tpu.vector_store %arg15[%swap3A_1090], %get3A_1089 {add = true, strides = array<i32>} : memref<768xf32, #tpu.memory_space<vmem>>, vector<16xf32>,
        %get3A_1092 = arith.index_cast %scan3A_1021 : i32 to index
        %get3A_1093 = arith.constant 224 : index
        %get3A_1094 = tpu.vector_load %arg14[%get3A_1092, %get3A_1093] {strides = array<i32>} : memref<64x768xf32, #tpu.memory_space<vmem>>, vector<16xf32>,
        %swap3A_1095 = arith.constant 224 : index
        %swap3A_1096 = tpu.vector_load %arg15[%swap3A_1095] {strides = array<i32>} : memref<768xf32, #tpu.memory_space<vmem>>, vector<16xf32>,
        tpu.vector_store %arg15[%swap3A_1095], %get3A_1094 {add = true, strides = array<i32>} : memref<768xf32, #tpu.memory_space<vmem>>, vector<16xf32>,
        %get3A_1097 = arith.index_cast %scan3A_1021 : i32 to index
        %get3A_1098 = arith.constant 240 : index
        %get3A_1099 = tpu.vector_load %arg14[%get3A_1097, %get3A_1098] {strides = array<i32>} : memref<64x768xf32, #tpu.memory_space<vmem>>, vector<16xf32>,
        %swap3A_1100 = arith.constant 240 : index
        %swap3A_1101 = tpu.vector_load %arg15[%swap3A_1100] {strides = array<i32>} : memref<768xf32, #tpu.memory_space<vmem>>, vector<16xf32>,
        tpu.vector_store %arg15[%swap3A_1100], %get3A_1099 {add = true, strides = array<i32>} : memref<768xf32, #tpu.memory_space<vmem>>, vector<16xf32>,
        %get3A_1102 = arith.index_cast %scan3A_1021 : i32 to index
        %get3A_1103 = arith.constant 256 : index
        %get3A_1104 = tpu.vector_load %arg14[%get3A_1102, %get3A_1103] {strides = array<i32>} : memref<64x768xf32, #tpu.memory_space<vmem>>, vector<16xf32>,
        %swap3A_1105 = arith.constant 256 : index
        %swap3A_1106 = tpu.vector_load %arg15[%swap3A_1105] {strides = array<i32>} : memref<768xf32, #tpu.memory_space<vmem>>, vector<16xf32>,
        tpu.vector_store %arg15[%swap3A_1105], %get3A_1104 {add = true, strides = array<i32>} : memref<768xf32, #tpu.memory_space<vmem>>, vector<16xf32>,
        %get3A_1107 = arith.index_cast %scan3A_1021 : i32 to index
        %get3A_1108 = arith.constant 272 : index
        %get3A_1109 = tpu.vector_load %arg14[%get3A_1107, %get3A_1108] {strides = array<i32>} : memref<64x768xf32, #tpu.memory_space<vmem>>, vector<16xf32>,
        %swap3A_1110 = arith.constant 272 : index
        %swap3A_1111 = tpu.vector_load %arg15[%swap3A_1110] {strides = array<i32>} : memref<768xf32, #tpu.memory_space<vmem>>, vector<16xf32>,
        tpu.vector_store %arg15[%swap3A_1110], %get3A_1109 {add = true, strides = array<i32>} : memref<768xf32, #tpu.memory_space<vmem>>, vector<16xf32>,
        %get3A_1112 = arith.index_cast %scan3A_1021 : i32 to index
        %get3A_1113 = arith.constant 288 : index
        %get3A_1114 = tpu.vector_load %arg14[%get3A_1112, %get3A_1113] {strides = array<i32>} : memref<64x768xf32, #tpu.memory_space<vmem>>, vector<16xf32>,
        %swap3A_1115 = arith.constant 288 : index
        %swap3A_1116 = tpu.vector_load %arg15[%swap3A_1115] {strides = array<i32>} : memref<768xf32, #tpu.memory_space<vmem>>, vector<16xf32>,
        tpu.vector_store %arg15[%swap3A_1115], %get3A_1114 {add = true, strides = array<i32>} : memref<768xf32, #tpu.memory_space<vmem>>, vector<16xf32>,
        %get3A_1117 = arith.index_cast %scan3A_1021 : i32 to index
        %get3A_1118 = arith.constant 304 : index
        %get3A_1119 = tpu.vector_load %arg14[%get3A_1117, %get3A_1118] {strides = array<i32>} : memref<64x768xf32, #tpu.memory_space<vmem>>, vector<16xf32>,
        %swap3A_1120 = arith.constant 304 : index
        %swap3A_1121 = tpu.vector_load %arg15[%swap3A_1120] {strides = array<i32>} : memref<768xf32, #tpu.memory_space<vmem>>, vector<16xf32>,
        tpu.vector_store %arg15[%swap3A_1120], %get3A_1119 {add = true, strides = array<i32>} : memref<768xf32, #tpu.memory_space<vmem>>, vector<16xf32>,
        %get3A_1122 = arith.index_cast %scan3A_1021 : i32 to index
        %get3A_1123 = arith.constant 320 : index
        %get3A_1124 = tpu.vector_load %arg14[%get3A_1122, %get3A_1123] {strides = array<i32>} : memref<64x768xf32, #tpu.memory_space<vmem>>, vector<16xf32>,
        %swap3A_1125 = arith.constant 320 : index
        %swap3A_1126 = tpu.vector_load %arg15[%swap3A_1125] {strides = array<i32>} : memref<768xf32, #tpu.memory_space<vmem>>, vector<16xf32>,
        tpu.vector_store %arg15[%swap3A_1125], %get3A_1124 {add = true, strides = array<i32>} : memref<768xf32, #tpu.memory_space<vmem>>, vector<16xf32>,
        %get3A_1127 = arith.index_cast %scan3A_1021 : i32 to index
        %get3A_1128 = arith.constant 336 : index
        %get3A_1129 = tpu.vector_load %arg14[%get3A_1127, %get3A_1128] {strides = array<i32>} : memref<64x768xf32, #tpu.memory_space<vmem>>, vector<16xf32>,
        %swap3A_1130 = arith.constant 336 : index
        %swap3A_1131 = tpu.vector_load %arg15[%swap3A_1130] {strides = array<i32>} : memref<768xf32, #tpu.memory_space<vmem>>, vector<16xf32>,
        tpu.vector_store %arg15[%swap3A_1130], %get3A_1129 {add = true, strides = array<i32>} : memref<768xf32, #tpu.memory_space<vmem>>, vector<16xf32>,
        %get3A_1132 = arith.index_cast %scan3A_1021 : i32 to index
        %get3A_1133 = arith.constant 352 : index
        %get3A_1134 = tpu.vector_load %arg14[%get3A_1132, %get3A_1133] {strides = array<i32>} : memref<64x768xf32, #tpu.memory_space<vmem>>, vector<16xf32>,
        %swap3A_1135 = arith.constant 352 : index
        %swap3A_1136 = tpu.vector_load %arg15[%swap3A_1135] {strides = array<i32>} : memref<768xf32, #tpu.memory_space<vmem>>, vector<16xf32>,
        tpu.vector_store %arg15[%swap3A_1135], %get3A_1134 {add = true, strides = array<i32>} : memref<768xf32, #tpu.memory_space<vmem>>, vector<16xf32>,
        %get3A_1137 = arith.index_cast %scan3A_1021 : i32 to index
        %get3A_1138 = arith.constant 368 : index
        %get3A_1139 = tpu.vector_load %arg14[%get3A_1137, %get3A_1138] {strides = array<i32>} : memref<64x768xf32, #tpu.memory_space<vmem>>, vector<16xf32>,
        %swap3A_1140 = arith.constant 368 : index
        %swap3A_1141 = tpu.vector_load %arg15[%swap3A_1140] {strides = array<i32>} : memref<768xf32, #tpu.memory_space<vmem>>, vector<16xf32>,
        tpu.vector_store %arg15[%swap3A_1140], %get3A_1139 {add = true, strides = array<i32>} : memref<768xf32, #tpu.memory_space<vmem>>, vector<16xf32>,
        %get3A_1142 = arith.index_cast %scan3A_1021 : i32 to index
        %get3A_1143 = arith.constant 384 : index
        %get3A_1144 = tpu.vector_load %arg14[%get3A_1142, %get3A_1143] {strides = array<i32>} : memref<64x768xf32, #tpu.memory_space<vmem>>, vector<16xf32>,
        %swap3A_1145 = arith.constant 384 : index
        %swap3A_1146 = tpu.vector_load %arg15[%swap3A_1145] {strides = array<i32>} : memref<768xf32, #tpu.memory_space<vmem>>, vector<16xf32>,
        tpu.vector_store %arg15[%swap3A_1145], %get3A_1144 {add = true, strides = array<i32>} : memref<768xf32, #tpu.memory_space<vmem>>, vector<16xf32>,
        %get3A_1147 = arith.index_cast %scan3A_1021 : i32 to index
        %get3A_1148 = arith.constant 400 : index
        %get3A_1149 = tpu.vector_load %arg14[%get3A_1147, %get3A_1148] {strides = array<i32>} : memref<64x768xf32, #tpu.memory_space<vmem>>, vector<16xf32>,
        %swap3A_1150 = arith.constant 400 : index
        %swap3A_1151 = tpu.vector_load %arg15[%swap3A_1150] {strides = array<i32>} : memref<768xf32, #tpu.memory_space<vmem>>, vector<16xf32>,
        tpu.vector_store %arg15[%swap3A_1150], %get3A_1149 {add = true, strides = array<i32>} : memref<768xf32, #tpu.memory_space<vmem>>, vector<16xf32>,
        %get3A_1152 = arith.index_cast %scan3A_1021 : i32 to index
        %get3A_1153 = arith.constant 416 : index
        %get3A_1154 = tpu.vector_load %arg14[%get3A_1152, %get3A_1153] {strides = array<i32>} : memref<64x768xf32, #tpu.memory_space<vmem>>, vector<16xf32>,
        %swap3A_1155 = arith.constant 416 : index
        %swap3A_1156 = tpu.vector_load %arg15[%swap3A_1155] {strides = array<i32>} : memref<768xf32, #tpu.memory_space<vmem>>, vector<16xf32>,
        tpu.vector_store %arg15[%swap3A_1155], %get3A_1154 {add = true, strides = array<i32>} : memref<768xf32, #tpu.memory_space<vmem>>, vector<16xf32>,
        %get3A_1157 = arith.index_cast %scan3A_1021 : i32 to index
        %get3A_1158 = arith.constant 432 : index
        %get3A_1159 = tpu.vector_load %arg14[%get3A_1157, %get3A_1158] {strides = array<i32>} : memref<64x768xf32, #tpu.memory_space<vmem>>, vector<16xf32>,
        %swap3A_1160 = arith.constant 432 : index
        %swap3A_1161 = tpu.vector_load %arg15[%swap3A_1160] {strides = array<i32>} : memref<768xf32, #tpu.memory_space<vmem>>, vector<16xf32>,
        tpu.vector_store %arg15[%swap3A_1160], %get3A_1159 {add = true, strides = array<i32>} : memref<768xf32, #tpu.memory_space<vmem>>, vector<16xf32>,
        %get3A_1162 = arith.index_cast %scan3A_1021 : i32 to index
        %get3A_1163 = arith.constant 448 : index
        %get3A_1164 = tpu.vector_load %arg14[%get3A_1162, %get3A_1163] {strides = array<i32>} : memref<64x768xf32, #tpu.memory_space<vmem>>, vector<16xf32>,
        %swap3A_1165 = arith.constant 448 : index
        %swap3A_1166 = tpu.vector_load %arg15[%swap3A_1165] {strides = array<i32>} : memref<768xf32, #tpu.memory_space<vmem>>, vector<16xf32>,
        tpu.vector_store %arg15[%swap3A_1165], %get3A_1164 {add = true, strides = array<i32>} : memref<768xf32, #tpu.memory_space<vmem>>, vector<16xf32>,
        %get3A_1167 = arith.index_cast %scan3A_1021 : i32 to index
        %get3A_1168 = arith.constant 464 : index
        %get3A_1169 = tpu.vector_load %arg14[%get3A_1167, %get3A_1168] {strides = array<i32>} : memref<64x768xf32, #tpu.memory_space<vmem>>, vector<16xf32>,
        %swap3A_1170 = arith.constant 464 : index
        %swap3A_1171 = tpu.vector_load %arg15[%swap3A_1170] {strides = array<i32>} : memref<768xf32, #tpu.memory_space<vmem>>, vector<16xf32>,
        tpu.vector_store %arg15[%swap3A_1170], %get3A_1169 {add = true, strides = array<i32>} : memref<768xf32, #tpu.memory_space<vmem>>, vector<16xf32>,
        %get3A_1172 = arith.index_cast %scan3A_1021 : i32 to index
        %get3A_1173 = arith.constant 480 : index
        %get3A_1174 = tpu.vector_load %arg14[%get3A_1172, %get3A_1173] {strides = array<i32>} : memref<64x768xf32, #tpu.memory_space<vmem>>, vector<16xf32>,
        %swap3A_1175 = arith.constant 480 : index
        %swap3A_1176 = tpu.vector_load %arg15[%swap3A_1175] {strides = array<i32>} : memref<768xf32, #tpu.memory_space<vmem>>, vector<16xf32>,
        tpu.vector_store %arg15[%swap3A_1175], %get3A_1174 {add = true, strides = array<i32>} : memref<768xf32, #tpu.memory_space<vmem>>, vector<16xf32>,
        %get3A_1177 = arith.index_cast %scan3A_1021 : i32 to index
        %get3A_1178 = arith.constant 496 : index
        %get3A_1179 = tpu.vector_load %arg14[%get3A_1177, %get3A_1178] {strides = array<i32>} : memref<64x768xf32, #tpu.memory_space<vmem>>, vector<16xf32>,
        %swap3A_1180 = arith.constant 496 : index
        %swap3A_1181 = tpu.vector_load %arg15[%swap3A_1180] {strides = array<i32>} : memref<768xf32, #tpu.memory_space<vmem>>, vector<16xf32>,
        tpu.vector_store %arg15[%swap3A_1180], %get3A_1179 {add = true, strides = array<i32>} : memref<768xf32, #tpu.memory_space<vmem>>, vector<16xf32>,
        %get3A_1182 = arith.index_cast %scan3A_1021 : i32 to index
        %get3A_1183 = arith.constant 512 : index
        %get3A_1184 = tpu.vector_load %arg14[%get3A_1182, %get3A_1183] {strides = array<i32>} : memref<64x768xf32, #tpu.memory_space<vmem>>, vector<16xf32>,
        %swap3A_1185 = arith.constant 512 : index
        %swap3A_1186 = tpu.vector_load %arg15[%swap3A_1185] {strides = array<i32>} : memref<768xf32, #tpu.memory_space<vmem>>, vector<16xf32>,
        tpu.vector_store %arg15[%swap3A_1185], %get3A_1184 {add = true, strides = array<i32>} : memref<768xf32, #tpu.memory_space<vmem>>, vector<16xf32>,
        %get3A_1187 = arith.index_cast %scan3A_1021 : i32 to index
        %get3A_1188 = arith.constant 528 : index
        %get3A_1189 = tpu.vector_load %arg14[%get3A_1187, %get3A_1188] {strides = array<i32>} : memref<64x768xf32, #tpu.memory_space<vmem>>, vector<16xf32>,
        %swap3A_1190 = arith.constant 528 : index
        %swap3A_1191 = tpu.vector_load %arg15[%swap3A_1190] {strides = array<i32>} : memref<768xf32, #tpu.memory_space<vmem>>, vector<16xf32>,
        tpu.vector_store %arg15[%swap3A_1190], %get3A_1189 {add = true, strides = array<i32>} : memref<768xf32, #tpu.memory_space<vmem>>, vector<16xf32>,
        %get3A_1192 = arith.index_cast %scan3A_1021 : i32 to index
        %get3A_1193 = arith.constant 544 : index
        %get3A_1194 = tpu.vector_load %arg14[%get3A_1192, %get3A_1193] {strides = array<i32>} : memref<64x768xf32, #tpu.memory_space<vmem>>, vector<16xf32>,
        %swap3A_1195 = arith.constant 544 : index
        %swap3A_1196 = tpu.vector_load %arg15[%swap3A_1195] {strides = array<i32>} : memref<768xf32, #tpu.memory_space<vmem>>, vector<16xf32>,
        tpu.vector_store %arg15[%swap3A_1195], %get3A_1194 {add = true, strides = array<i32>} : memref<768xf32, #tpu.memory_space<vmem>>, vector<16xf32>,
        %get3A_1197 = arith.index_cast %scan3A_1021 : i32 to index
        %get3A_1198 = arith.constant 560 : index
        %get3A_1199 = tpu.vector_load %arg14[%get3A_1197, %get3A_1198] {strides = array<i32>} : memref<64x768xf32, #tpu.memory_space<vmem>>, vector<16xf32>,
        %swap3A_1200 = arith.constant 560 : index
        %swap3A_1201 = tpu.vector_load %arg15[%swap3A_1200] {strides = array<i32>} : memref<768xf32, #tpu.memory_space<vmem>>, vector<16xf32>,
        tpu.vector_store %arg15[%swap3A_1200], %get3A_1199 {add = true, strides = array<i32>} : memref<768xf32, #tpu.memory_space<vmem>>, vector<16xf32>,
        %get3A_1202 = arith.index_cast %scan3A_1021 : i32 to index
        %get3A_1203 = arith.constant 576 : index
        %get3A_1204 = tpu.vector_load %arg14[%get3A_1202, %get3A_1203] {strides = array<i32>} : memref<64x768xf32, #tpu.memory_space<vmem>>, vector<16xf32>,
        %swap3A_1205 = arith.constant 576 : index
        %swap3A_1206 = tpu.vector_load %arg15[%swap3A_1205] {strides = array<i32>} : memref<768xf32, #tpu.memory_space<vmem>>, vector<16xf32>,
        tpu.vector_store %arg15[%swap3A_1205], %get3A_1204 {add = true, strides = array<i32>} : memref<768xf32, #tpu.memory_space<vmem>>, vector<16xf32>,
        %get3A_1207 = arith.index_cast %scan3A_1021 : i32 to index
        %get3A_1208 = arith.constant 592 : index
        %get3A_1209 = tpu.vector_load %arg14[%get3A_1207, %get3A_1208] {strides = array<i32>} : memref<64x768xf32, #tpu.memory_space<vmem>>, vector<16xf32>,
        %swap3A_1210 = arith.constant 592 : index
        %swap3A_1211 = tpu.vector_load %arg15[%swap3A_1210] {strides = array<i32>} : memref<768xf32, #tpu.memory_space<vmem>>, vector<16xf32>,
        tpu.vector_store %arg15[%swap3A_1210], %get3A_1209 {add = true, strides = array<i32>} : memref<768xf32, #tpu.memory_space<vmem>>, vector<16xf32>,
        %get3A_1212 = arith.index_cast %scan3A_1021 : i32 to index
        %get3A_1213 = arith.constant 608 : index
        %get3A_1214 = tpu.vector_load %arg14[%get3A_1212, %get3A_1213] {strides = array<i32>} : memref<64x768xf32, #tpu.memory_space<vmem>>, vector<16xf32>,
        %swap3A_1215 = arith.constant 608 : index
        %swap3A_1216 = tpu.vector_load %arg15[%swap3A_1215] {strides = array<i32>} : memref<768xf32, #tpu.memory_space<vmem>>, vector<16xf32>,
        tpu.vector_store %arg15[%swap3A_1215], %get3A_1214 {add = true, strides = array<i32>} : memref<768xf32, #tpu.memory_space<vmem>>, vector<16xf32>,
        %get3A_1217 = arith.index_cast %scan3A_1021 : i32 to index
        %get3A_1218 = arith.constant 624 : index
        %get3A_1219 = tpu.vector_load %arg14[%get3A_1217, %get3A_1218] {strides = array<i32>} : memref<64x768xf32, #tpu.memory_space<vmem>>, vector<16xf32>,
        %swap3A_1220 = arith.constant 624 : index
        %swap3A_1221 = tpu.vector_load %arg15[%swap3A_1220] {strides = array<i32>} : memref<768xf32, #tpu.memory_space<vmem>>, vector<16xf32>,
        tpu.vector_store %arg15[%swap3A_1220], %get3A_1219 {add = true, strides = array<i32>} : memref<768xf32, #tpu.memory_space<vmem>>, vector<16xf32>,
        %get3A_1222 = arith.index_cast %scan3A_1021 : i32 to index
        %get3A_1223 = arith.constant 640 : index
        %get3A_1224 = tpu.vector_load %arg14[%get3A_1222, %get3A_1223] {strides = array<i32>} : memref<64x768xf32, #tpu.memory_space<vmem>>, vector<16xf32>,
        %swap3A_1225 = arith.constant 640 : index
        %swap3A_1226 = tpu.vector_load %arg15[%swap3A_1225] {strides = array<i32>} : memref<768xf32, #tpu.memory_space<vmem>>, vector<16xf32>,
        tpu.vector_store %arg15[%swap3A_1225], %get3A_1224 {add = true, strides = array<i32>} : memref<768xf32, #tpu.memory_space<vmem>>, vector<16xf32>,
        %get3A_1227 = arith.index_cast %scan3A_1021 : i32 to index
        %get3A_1228 = arith.constant 656 : index
        %get3A_1229 = tpu.vector_load %arg14[%get3A_1227, %get3A_1228] {strides = array<i32>} : memref<64x768xf32, #tpu.memory_space<vmem>>, vector<16xf32>,
        %swap3A_1230 = arith.constant 656 : index
        %swap3A_1231 = tpu.vector_load %arg15[%swap3A_1230] {strides = array<i32>} : memref<768xf32, #tpu.memory_space<vmem>>, vector<16xf32>,
        tpu.vector_store %arg15[%swap3A_1230], %get3A_1229 {add = true, strides = array<i32>} : memref<768xf32, #tpu.memory_space<vmem>>, vector<16xf32>,
        %get3A_1232 = arith.index_cast %scan3A_1021 : i32 to index
        %get3A_1233 = arith.constant 672 : index
        %get3A_1234 = tpu.vector_load %arg14[%get3A_1232, %get3A_1233] {strides = array<i32>} : memref<64x768xf32, #tpu.memory_space<vmem>>, vector<16xf32>,
        %swap3A_1235 = arith.constant 672 : index
        %swap3A_1236 = tpu.vector_load %arg15[%swap3A_1235] {strides = array<i32>} : memref<768xf32, #tpu.memory_space<vmem>>, vector<16xf32>,
        tpu.vector_store %arg15[%swap3A_1235], %get3A_1234 {add = true, strides = array<i32>} : memref<768xf32, #tpu.memory_space<vmem>>, vector<16xf32>,
        %get3A_1237 = arith.index_cast %scan3A_1021 : i32 to index
        %get3A_1238 = arith.constant 688 : index
        %get3A_1239 = tpu.vector_load %arg14[%get3A_1237, %get3A_1238] {strides = array<i32>} : memref<64x768xf32, #tpu.memory_space<vmem>>, vector<16xf32>,
        %swap3A_1240 = arith.constant 688 : index
        %swap3A_1241 = tpu.vector_load %arg15[%swap3A_1240] {strides = array<i32>} : memref<768xf32, #tpu.memory_space<vmem>>, vector<16xf32>,
        tpu.vector_store %arg15[%swap3A_1240], %get3A_1239 {add = true, strides = array<i32>} : memref<768xf32, #tpu.memory_space<vmem>>, vector<16xf32>,
        %get3A_1242 = arith.index_cast %scan3A_1021 : i32 to index
        %get3A_1243 = arith.constant 704 : index
        %get3A_1244 = tpu.vector_load %arg14[%get3A_1242, %get3A_1243] {strides = array<i32>} : memref<64x768xf32, #tpu.memory_space<vmem>>, vector<16xf32>,
        %swap3A_1245 = arith.constant 704 : index
        %swap3A_1246 = tpu.vector_load %arg15[%swap3A_1245] {strides = array<i32>} : memref<768xf32, #tpu.memory_space<vmem>>, vector<16xf32>,
        tpu.vector_store %arg15[%swap3A_1245], %get3A_1244 {add = true, strides = array<i32>} : memref<768xf32, #tpu.memory_space<vmem>>, vector<16xf32>,
        %get3A_1247 = arith.index_cast %scan3A_1021 : i32 to index
        %get3A_1248 = arith.constant 720 : index
        %get3A_1249 = tpu.vector_load %arg14[%get3A_1247, %get3A_1248] {strides = array<i32>} : memref<64x768xf32, #tpu.memory_space<vmem>>, vector<16xf32>,
        %swap3A_1250 = arith.constant 720 : index
        %swap3A_1251 = tpu.vector_load %arg15[%swap3A_1250] {strides = array<i32>} : memref<768xf32, #tpu.memory_space<vmem>>, vector<16xf32>,
        tpu.vector_store %arg15[%swap3A_1250], %get3A_1249 {add = true, strides = array<i32>} : memref<768xf32, #tpu.memory_space<vmem>>, vector<16xf32>,
        %get3A_1252 = arith.index_cast %scan3A_1021 : i32 to index
        %get3A_1253 = arith.constant 736 : index
        %get3A_1254 = tpu.vector_load %arg14[%get3A_1252, %get3A_1253] {strides = array<i32>} : memref<64x768xf32, #tpu.memory_space<vmem>>, vector<16xf32>,
        %swap3A_1255 = arith.constant 736 : index
        %swap3A_1256 = tpu.vector_load %arg15[%swap3A_1255] {strides = array<i32>} : memref<768xf32, #tpu.memory_space<vmem>>, vector<16xf32>,
        tpu.vector_store %arg15[%swap3A_1255], %get3A_1254 {add = true, strides = array<i32>} : memref<768xf32, #tpu.memory_space<vmem>>, vector<16xf32>,
        %get3A_1257 = arith.index_cast %scan3A_1021 : i32 to index
        %get3A_1258 = arith.constant 752 : index
        %get3A_1259 = tpu.vector_load %arg14[%get3A_1257, %get3A_1258] {strides = array<i32>} : memref<64x768xf32, #tpu.memory_space<vmem>>, vector<16xf32>,
        %swap3A_1260 = arith.constant 752 : index
        %swap3A_1261 = tpu.vector_load %arg15[%swap3A_1260] {strides = array<i32>} : memref<768xf32, #tpu.memory_space<vmem>>, vector<16xf32>,
        tpu.vector_store %arg15[%swap3A_1260], %get3A_1259 {add = true, strides = array<i32>} : memref<768xf32, #tpu.memory_space<vmem>>, vector<16xf32>,
        %scan3A_1262 = arith.constant 0 : i32
        %scan3A_1263 = arith.constant 2 : i32
        %scan3A_1264 = arith.addi %scan3A_777, %scan3A_1263 : i32
        %get3A_1265 = arith.index_cast %scan3A_1264 : i32 to index
        %get3A_1266 = arith.constant 0 : index
        %get3A_1267 = tpu.vector_load %arg14[%get3A_1265, %get3A_1266] {strides = array<i32>} : memref<64x768xf32, #tpu.memory_space<vmem>>, vector<16xf32>,
        %swap3A_1268 = arith.constant 0 : index
        %swap3A_1269 = tpu.vector_load %arg15[%swap3A_1268] {strides = array<i32>} : memref<768xf32, #tpu.memory_space<vmem>>, vector<16xf32>,
        tpu.vector_store %arg15[%swap3A_1268], %get3A_1267 {add = true, strides = array<i32>} : memref<768xf32, #tpu.memory_space<vmem>>, vector<16xf32>,
        %get3A_1270 = arith.index_cast %scan3A_1264 : i32 to index
        %get3A_1271 = arith.constant 16 : index
        %get3A_1272 = tpu.vector_load %arg14[%get3A_1270, %get3A_1271] {strides = array<i32>} : memref<64x768xf32, #tpu.memory_space<vmem>>, vector<16xf32>,
        %swap3A_1273 = arith.constant 16 : index
        %swap3A_1274 = tpu.vector_load %arg15[%swap3A_1273] {strides = array<i32>} : memref<768xf32, #tpu.memory_space<vmem>>, vector<16xf32>,
        tpu.vector_store %arg15[%swap3A_1273], %get3A_1272 {add = true, strides = array<i32>} : memref<768xf32, #tpu.memory_space<vmem>>, vector<16xf32>,
        %get3A_1275 = arith.index_cast %scan3A_1264 : i32 to index
        %get3A_1276 = arith.constant 32 : index
        %get3A_1277 = tpu.vector_load %arg14[%get3A_1275, %get3A_1276] {strides = array<i32>} : memref<64x768xf32, #tpu.memory_space<vmem>>, vector<16xf32>,
        %swap3A_1278 = arith.constant 32 : index
        %swap3A_1279 = tpu.vector_load %arg15[%swap3A_1278] {strides = array<i32>} : memref<768xf32, #tpu.memory_space<vmem>>, vector<16xf32>,
        tpu.vector_store %arg15[%swap3A_1278], %get3A_1277 {add = true, strides = array<i32>} : memref<768xf32, #tpu.memory_space<vmem>>, vector<16xf32>,
        %get3A_1280 = arith.index_cast %scan3A_1264 : i32 to index
        %get3A_1281 = arith.constant 48 : index
        %get3A_1282 = tpu.vector_load %arg14[%get3A_1280, %get3A_1281] {strides = array<i32>} : memref<64x768xf32, #tpu.memory_space<vmem>>, vector<16xf32>,
        %swap3A_1283 = arith.constant 48 : index
        %swap3A_1284 = tpu.vector_load %arg15[%swap3A_1283] {strides = array<i32>} : memref<768xf32, #tpu.memory_space<vmem>>, vector<16xf32>,
        tpu.vector_store %arg15[%swap3A_1283], %get3A_1282 {add = true, strides = array<i32>} : memref<768xf32, #tpu.memory_space<vmem>>, vector<16xf32>,
        %get3A_1285 = arith.index_cast %scan3A_1264 : i32 to index
        %get3A_1286 = arith.constant 64 : index
        %get3A_1287 = tpu.vector_load %arg14[%get3A_1285, %get3A_1286] {strides = array<i32>} : memref<64x768xf32, #tpu.memory_space<vmem>>, vector<16xf32>,
        %swap3A_1288 = arith.constant 64 : index
        %swap3A_1289 = tpu.vector_load %arg15[%swap3A_1288] {strides = array<i32>} : memref<768xf32, #tpu.memory_space<vmem>>, vector<16xf32>,
        tpu.vector_store %arg15[%swap3A_1288], %get3A_1287 {add = true, strides = array<i32>} : memref<768xf32, #tpu.memory_space<vmem>>, vector<16xf32>,
        %get3A_1290 = arith.index_cast %scan3A_1264 : i32 to index
        %get3A_1291 = arith.constant 80 : index
        %get3A_1292 = tpu.vector_load %arg14[%get3A_1290, %get3A_1291] {strides = array<i32>} : memref<64x768xf32, #tpu.memory_space<vmem>>, vector<16xf32>,
        %swap3A_1293 = arith.constant 80 : index
        %swap3A_1294 = tpu.vector_load %arg15[%swap3A_1293] {strides = array<i32>} : memref<768xf32, #tpu.memory_space<vmem>>, vector<16xf32>,
        tpu.vector_store %arg15[%swap3A_1293], %get3A_1292 {add = true, strides = array<i32>} : memref<768xf32, #tpu.memory_space<vmem>>, vector<16xf32>,
        %get3A_1295 = arith.index_cast %scan3A_1264 : i32 to index
        %get3A_1296 = arith.constant 96 : index
        %get3A_1297 = tpu.vector_load %arg14[%get3A_1295, %get3A_1296] {strides = array<i32>} : memref<64x768xf32, #tpu.memory_space<vmem>>, vector<16xf32>,
        %swap3A_1298 = arith.constant 96 : index
        %swap3A_1299 = tpu.vector_load %arg15[%swap3A_1298] {strides = array<i32>} : memref<768xf32, #tpu.memory_space<vmem>>, vector<16xf32>,
        tpu.vector_store %arg15[%swap3A_1298], %get3A_1297 {add = true, strides = array<i32>} : memref<768xf32, #tpu.memory_space<vmem>>, vector<16xf32>,
        %get3A_1300 = arith.index_cast %scan3A_1264 : i32 to index
        %get3A_1301 = arith.constant 112 : index
        %get3A_1302 = tpu.vector_load %arg14[%get3A_1300, %get3A_1301] {strides = array<i32>} : memref<64x768xf32, #tpu.memory_space<vmem>>, vector<16xf32>,
        %swap3A_1303 = arith.constant 112 : index
        %swap3A_1304 = tpu.vector_load %arg15[%swap3A_1303] {strides = array<i32>} : memref<768xf32, #tpu.memory_space<vmem>>, vector<16xf32>,
        tpu.vector_store %arg15[%swap3A_1303], %get3A_1302 {add = true, strides = array<i32>} : memref<768xf32, #tpu.memory_space<vmem>>, vector<16xf32>,
        %get3A_1305 = arith.index_cast %scan3A_1264 : i32 to index
        %get3A_1306 = arith.constant 128 : index
        %get3A_1307 = tpu.vector_load %arg14[%get3A_1305, %get3A_1306] {strides = array<i32>} : memref<64x768xf32, #tpu.memory_space<vmem>>, vector<16xf32>,
        %swap3A_1308 = arith.constant 128 : index
        %swap3A_1309 = tpu.vector_load %arg15[%swap3A_1308] {strides = array<i32>} : memref<768xf32, #tpu.memory_space<vmem>>, vector<16xf32>,
        tpu.vector_store %arg15[%swap3A_1308], %get3A_1307 {add = true, strides = array<i32>} : memref<768xf32, #tpu.memory_space<vmem>>, vector<16xf32>,
        %get3A_1310 = arith.index_cast %scan3A_1264 : i32 to index
        %get3A_1311 = arith.constant 144 : index
        %get3A_1312 = tpu.vector_load %arg14[%get3A_1310, %get3A_1311] {strides = array<i32>} : memref<64x768xf32, #tpu.memory_space<vmem>>, vector<16xf32>,
        %swap3A_1313 = arith.constant 144 : index
        %swap3A_1314 = tpu.vector_load %arg15[%swap3A_1313] {strides = array<i32>} : memref<768xf32, #tpu.memory_space<vmem>>, vector<16xf32>,
        tpu.vector_store %arg15[%swap3A_1313], %get3A_1312 {add = true, strides = array<i32>} : memref<768xf32, #tpu.memory_space<vmem>>, vector<16xf32>,
        %get3A_1315 = arith.index_cast %scan3A_1264 : i32 to index
        %get3A_1316 = arith.constant 160 : index
        %get3A_1317 = tpu.vector_load %arg14[%get3A_1315, %get3A_1316] {strides = array<i32>} : memref<64x768xf32, #tpu.memory_space<vmem>>, vector<16xf32>,
        %swap3A_1318 = arith.constant 160 : index
        %swap3A_1319 = tpu.vector_load %arg15[%swap3A_1318] {strides = array<i32>} : memref<768xf32, #tpu.memory_space<vmem>>, vector<16xf32>,
        tpu.vector_store %arg15[%swap3A_1318], %get3A_1317 {add = true, strides = array<i32>} : memref<768xf32, #tpu.memory_space<vmem>>, vector<16xf32>,
        %get3A_1320 = arith.index_cast %scan3A_1264 : i32 to index
        %get3A_1321 = arith.constant 176 : index
        %get3A_1322 = tpu.vector_load %arg14[%get3A_1320, %get3A_1321] {strides = array<i32>} : memref<64x768xf32, #tpu.memory_space<vmem>>, vector<16xf32>,
        %swap3A_1323 = arith.constant 176 : index
        %swap3A_1324 = tpu.vector_load %arg15[%swap3A_1323] {strides = array<i32>} : memref<768xf32, #tpu.memory_space<vmem>>, vector<16xf32>,
        tpu.vector_store %arg15[%swap3A_1323], %get3A_1322 {add = true, strides = array<i32>} : memref<768xf32, #tpu.memory_space<vmem>>, vector<16xf32>,
        %get3A_1325 = arith.index_cast %scan3A_1264 : i32 to index
        %get3A_1326 = arith.constant 192 : index
        %get3A_1327 = tpu.vector_load %arg14[%get3A_1325, %get3A_1326] {strides = array<i32>} : memref<64x768xf32, #tpu.memory_space<vmem>>, vector<16xf32>,
        %swap3A_1328 = arith.constant 192 : index
        %swap3A_1329 = tpu.vector_load %arg15[%swap3A_1328] {strides = array<i32>} : memref<768xf32, #tpu.memory_space<vmem>>, vector<16xf32>,
        tpu.vector_store %arg15[%swap3A_1328], %get3A_1327 {add = true, strides = array<i32>} : memref<768xf32, #tpu.memory_space<vmem>>, vector<16xf32>,
        %get3A_1330 = arith.index_cast %scan3A_1264 : i32 to index
        %get3A_1331 = arith.constant 208 : index
        %get3A_1332 = tpu.vector_load %arg14[%get3A_1330, %get3A_1331] {strides = array<i32>} : memref<64x768xf32, #tpu.memory_space<vmem>>, vector<16xf32>,
        %swap3A_1333 = arith.constant 208 : index
        %swap3A_1334 = tpu.vector_load %arg15[%swap3A_1333] {strides = array<i32>} : memref<768xf32, #tpu.memory_space<vmem>>, vector<16xf32>,
        tpu.vector_store %arg15[%swap3A_1333], %get3A_1332 {add = true, strides = array<i32>} : memref<768xf32, #tpu.memory_space<vmem>>, vector<16xf32>,
        %get3A_1335 = arith.index_cast %scan3A_1264 : i32 to index
        %get3A_1336 = arith.constant 224 : index
        %get3A_1337 = tpu.vector_load %arg14[%get3A_1335, %get3A_1336] {strides = array<i32>} : memref<64x768xf32, #tpu.memory_space<vmem>>, vector<16xf32>,
        %swap3A_1338 = arith.constant 224 : index
        %swap3A_1339 = tpu.vector_load %arg15[%swap3A_1338] {strides = array<i32>} : memref<768xf32, #tpu.memory_space<vmem>>, vector<16xf32>,
        tpu.vector_store %arg15[%swap3A_1338], %get3A_1337 {add = true, strides = array<i32>} : memref<768xf32, #tpu.memory_space<vmem>>, vector<16xf32>,
        %get3A_1340 = arith.index_cast %scan3A_1264 : i32 to index
        %get3A_1341 = arith.constant 240 : index
        %get3A_1342 = tpu.vector_load %arg14[%get3A_1340, %get3A_1341] {strides = array<i32>} : memref<64x768xf32, #tpu.memory_space<vmem>>, vector<16xf32>,
        %swap3A_1343 = arith.constant 240 : index
        %swap3A_1344 = tpu.vector_load %arg15[%swap3A_1343] {strides = array<i32>} : memref<768xf32, #tpu.memory_space<vmem>>, vector<16xf32>,
        tpu.vector_store %arg15[%swap3A_1343], %get3A_1342 {add = true, strides = array<i32>} : memref<768xf32, #tpu.memory_space<vmem>>, vector<16xf32>,
        %get3A_1345 = arith.index_cast %scan3A_1264 : i32 to index
        %get3A_1346 = arith.constant 256 : index
        %get3A_1347 = tpu.vector_load %arg14[%get3A_1345, %get3A_1346] {strides = array<i32>} : memref<64x768xf32, #tpu.memory_space<vmem>>, vector<16xf32>,
        %swap3A_1348 = arith.constant 256 : index
        %swap3A_1349 = tpu.vector_load %arg15[%swap3A_1348] {strides = array<i32>} : memref<768xf32, #tpu.memory_space<vmem>>, vector<16xf32>,
        tpu.vector_store %arg15[%swap3A_1348], %get3A_1347 {add = true, strides = array<i32>} : memref<768xf32, #tpu.memory_space<vmem>>, vector<16xf32>,
        %get3A_1350 = arith.index_cast %scan3A_1264 : i32 to index
        %get3A_1351 = arith.constant 272 : index
        %get3A_1352 = tpu.vector_load %arg14[%get3A_1350, %get3A_1351] {strides = array<i32>} : memref<64x768xf32, #tpu.memory_space<vmem>>, vector<16xf32>,
        %swap3A_1353 = arith.constant 272 : index
        %swap3A_1354 = tpu.vector_load %arg15[%swap3A_1353] {strides = array<i32>} : memref<768xf32, #tpu.memory_space<vmem>>, vector<16xf32>,
        tpu.vector_store %arg15[%swap3A_1353], %get3A_1352 {add = true, strides = array<i32>} : memref<768xf32, #tpu.memory_space<vmem>>, vector<16xf32>,
        %get3A_1355 = arith.index_cast %scan3A_1264 : i32 to index
        %get3A_1356 = arith.constant 288 : index
        %get3A_1357 = tpu.vector_load %arg14[%get3A_1355, %get3A_1356] {strides = array<i32>} : memref<64x768xf32, #tpu.memory_space<vmem>>, vector<16xf32>,
        %swap3A_1358 = arith.constant 288 : index
        %swap3A_1359 = tpu.vector_load %arg15[%swap3A_1358] {strides = array<i32>} : memref<768xf32, #tpu.memory_space<vmem>>, vector<16xf32>,
        tpu.vector_store %arg15[%swap3A_1358], %get3A_1357 {add = true, strides = array<i32>} : memref<768xf32, #tpu.memory_space<vmem>>, vector<16xf32>,
        %get3A_1360 = arith.index_cast %scan3A_1264 : i32 to index
        %get3A_1361 = arith.constant 304 : index
        %get3A_1362 = tpu.vector_load %arg14[%get3A_1360, %get3A_1361] {strides = array<i32>} : memref<64x768xf32, #tpu.memory_space<vmem>>, vector<16xf32>,
        %swap3A_1363 = arith.constant 304 : index
        %swap3A_1364 = tpu.vector_load %arg15[%swap3A_1363] {strides = array<i32>} : memref<768xf32, #tpu.memory_space<vmem>>, vector<16xf32>,
        tpu.vector_store %arg15[%swap3A_1363], %get3A_1362 {add = true, strides = array<i32>} : memref<768xf32, #tpu.memory_space<vmem>>, vector<16xf32>,
        %get3A_1365 = arith.index_cast %scan3A_1264 : i32 to index
        %get3A_1366 = arith.constant 320 : index
        %get3A_1367 = tpu.vector_load %arg14[%get3A_1365, %get3A_1366] {strides = array<i32>} : memref<64x768xf32, #tpu.memory_space<vmem>>, vector<16xf32>,
        %swap3A_1368 = arith.constant 320 : index
        %swap3A_1369 = tpu.vector_load %arg15[%swap3A_1368] {strides = array<i32>} : memref<768xf32, #tpu.memory_space<vmem>>, vector<16xf32>,
        tpu.vector_store %arg15[%swap3A_1368], %get3A_1367 {add = true, strides = array<i32>} : memref<768xf32, #tpu.memory_space<vmem>>, vector<16xf32>,
        %get3A_1370 = arith.index_cast %scan3A_1264 : i32 to index
        %get3A_1371 = arith.constant 336 : index
        %get3A_1372 = tpu.vector_load %arg14[%get3A_1370, %get3A_1371] {strides = array<i32>} : memref<64x768xf32, #tpu.memory_space<vmem>>, vector<16xf32>,
        %swap3A_1373 = arith.constant 336 : index
        %swap3A_1374 = tpu.vector_load %arg15[%swap3A_1373] {strides = array<i32>} : memref<768xf32, #tpu.memory_space<vmem>>, vector<16xf32>,
        tpu.vector_store %arg15[%swap3A_1373], %get3A_1372 {add = true, strides = array<i32>} : memref<768xf32, #tpu.memory_space<vmem>>, vector<16xf32>,
        %get3A_1375 = arith.index_cast %scan3A_1264 : i32 to index
        %get3A_1376 = arith.constant 352 : index
        %get3A_1377 = tpu.vector_load %arg14[%get3A_1375, %get3A_1376] {strides = array<i32>} : memref<64x768xf32, #tpu.memory_space<vmem>>, vector<16xf32>,
        %swap3A_1378 = arith.constant 352 : index
        %swap3A_1379 = tpu.vector_load %arg15[%swap3A_1378] {strides = array<i32>} : memref<768xf32, #tpu.memory_space<vmem>>, vector<16xf32>,
        tpu.vector_store %arg15[%swap3A_1378], %get3A_1377 {add = true, strides = array<i32>} : memref<768xf32, #tpu.memory_space<vmem>>, vector<16xf32>,
        %get3A_1380 = arith.index_cast %scan3A_1264 : i32 to index
        %get3A_1381 = arith.constant 368 : index
        %get3A_1382 = tpu.vector_load %arg14[%get3A_1380, %get3A_1381] {strides = array<i32>} : memref<64x768xf32, #tpu.memory_space<vmem>>, vector<16xf32>,
        %swap3A_1383 = arith.constant 368 : index
        %swap3A_1384 = tpu.vector_load %arg15[%swap3A_1383] {strides = array<i32>} : memref<768xf32, #tpu.memory_space<vmem>>, vector<16xf32>,
        tpu.vector_store %arg15[%swap3A_1383], %get3A_1382 {add = true, strides = array<i32>} : memref<768xf32, #tpu.memory_space<vmem>>, vector<16xf32>,
        %get3A_1385 = arith.index_cast %scan3A_1264 : i32 to index
        %get3A_1386 = arith.constant 384 : index
        %get3A_1387 = tpu.vector_load %arg14[%get3A_1385, %get3A_1386] {strides = array<i32>} : memref<64x768xf32, #tpu.memory_space<vmem>>, vector<16xf32>,
        %swap3A_1388 = arith.constant 384 : index
        %swap3A_1389 = tpu.vector_load %arg15[%swap3A_1388] {strides = array<i32>} : memref<768xf32, #tpu.memory_space<vmem>>, vector<16xf32>,
        tpu.vector_store %arg15[%swap3A_1388], %get3A_1387 {add = true, strides = array<i32>} : memref<768xf32, #tpu.memory_space<vmem>>, vector<16xf32>,
        %get3A_1390 = arith.index_cast %scan3A_1264 : i32 to index
        %get3A_1391 = arith.constant 400 : index
        %get3A_1392 = tpu.vector_load %arg14[%get3A_1390, %get3A_1391] {strides = array<i32>} : memref<64x768xf32, #tpu.memory_space<vmem>>, vector<16xf32>,
        %swap3A_1393 = arith.constant 400 : index
        %swap3A_1394 = tpu.vector_load %arg15[%swap3A_1393] {strides = array<i32>} : memref<768xf32, #tpu.memory_space<vmem>>, vector<16xf32>,
        tpu.vector_store %arg15[%swap3A_1393], %get3A_1392 {add = true, strides = array<i32>} : memref<768xf32, #tpu.memory_space<vmem>>, vector<16xf32>,
        %get3A_1395 = arith.index_cast %scan3A_1264 : i32 to index
        %get3A_1396 = arith.constant 416 : index
        %get3A_1397 = tpu.vector_load %arg14[%get3A_1395, %get3A_1396] {strides = array<i32>} : memref<64x768xf32, #tpu.memory_space<vmem>>, vector<16xf32>,
        %swap3A_1398 = arith.constant 416 : index
        %swap3A_1399 = tpu.vector_load %arg15[%swap3A_1398] {strides = array<i32>} : memref<768xf32, #tpu.memory_space<vmem>>, vector<16xf32>,
        tpu.vector_store %arg15[%swap3A_1398], %get3A_1397 {add = true, strides = array<i32>} : memref<768xf32, #tpu.memory_space<vmem>>, vector<16xf32>,
        %get3A_1400 = arith.index_cast %scan3A_1264 : i32 to index
        %get3A_1401 = arith.constant 432 : index
        %get3A_1402 = tpu.vector_load %arg14[%get3A_1400, %get3A_1401] {strides = array<i32>} : memref<64x768xf32, #tpu.memory_space<vmem>>, vector<16xf32>,
        %swap3A_1403 = arith.constant 432 : index
        %swap3A_1404 = tpu.vector_load %arg15[%swap3A_1403] {strides = array<i32>} : memref<768xf32, #tpu.memory_space<vmem>>, vector<16xf32>,
        tpu.vector_store %arg15[%swap3A_1403], %get3A_1402 {add = true, strides = array<i32>} : memref<768xf32, #tpu.memory_space<vmem>>, vector<16xf32>,
        %get3A_1405 = arith.index_cast %scan3A_1264 : i32 to index
        %get3A_1406 = arith.constant 448 : index
        %get3A_1407 = tpu.vector_load %arg14[%get3A_1405, %get3A_1406] {strides = array<i32>} : memref<64x768xf32, #tpu.memory_space<vmem>>, vector<16xf32>,
        %swap3A_1408 = arith.constant 448 : index
        %swap3A_1409 = tpu.vector_load %arg15[%swap3A_1408] {strides = array<i32>} : memref<768xf32, #tpu.memory_space<vmem>>, vector<16xf32>,
        tpu.vector_store %arg15[%swap3A_1408], %get3A_1407 {add = true, strides = array<i32>} : memref<768xf32, #tpu.memory_space<vmem>>, vector<16xf32>,
        %get3A_1410 = arith.index_cast %scan3A_1264 : i32 to index
        %get3A_1411 = arith.constant 464 : index
        %get3A_1412 = tpu.vector_load %arg14[%get3A_1410, %get3A_1411] {strides = array<i32>} : memref<64x768xf32, #tpu.memory_space<vmem>>, vector<16xf32>,
        %swap3A_1413 = arith.constant 464 : index
        %swap3A_1414 = tpu.vector_load %arg15[%swap3A_1413] {strides = array<i32>} : memref<768xf32, #tpu.memory_space<vmem>>, vector<16xf32>,
        tpu.vector_store %arg15[%swap3A_1413], %get3A_1412 {add = true, strides = array<i32>} : memref<768xf32, #tpu.memory_space<vmem>>, vector<16xf32>,
        %get3A_1415 = arith.index_cast %scan3A_1264 : i32 to index
        %get3A_1416 = arith.constant 480 : index
        %get3A_1417 = tpu.vector_load %arg14[%get3A_1415, %get3A_1416] {strides = array<i32>} : memref<64x768xf32, #tpu.memory_space<vmem>>, vector<16xf32>,
        %swap3A_1418 = arith.constant 480 : index
        %swap3A_1419 = tpu.vector_load %arg15[%swap3A_1418] {strides = array<i32>} : memref<768xf32, #tpu.memory_space<vmem>>, vector<16xf32>,
        tpu.vector_store %arg15[%swap3A_1418], %get3A_1417 {add = true, strides = array<i32>} : memref<768xf32, #tpu.memory_space<vmem>>, vector<16xf32>,
        %get3A_1420 = arith.index_cast %scan3A_1264 : i32 to index
        %get3A_1421 = arith.constant 496 : index
        %get3A_1422 = tpu.vector_load %arg14[%get3A_1420, %get3A_1421] {strides = array<i32>} : memref<64x768xf32, #tpu.memory_space<vmem>>, vector<16xf32>,
        %swap3A_1423 = arith.constant 496 : index
        %swap3A_1424 = tpu.vector_load %arg15[%swap3A_1423] {strides = array<i32>} : memref<768xf32, #tpu.memory_space<vmem>>, vector<16xf32>,
        tpu.vector_store %arg15[%swap3A_1423], %get3A_1422 {add = true, strides = array<i32>} : memref<768xf32, #tpu.memory_space<vmem>>, vector<16xf32>,
        %get3A_1425 = arith.index_cast %scan3A_1264 : i32 to index
        %get3A_1426 = arith.constant 512 : index
        %get3A_1427 = tpu.vector_load %arg14[%get3A_1425, %get3A_1426] {strides = array<i32>} : memref<64x768xf32, #tpu.memory_space<vmem>>, vector<16xf32>,
        %swap3A_1428 = arith.constant 512 : index
        %swap3A_1429 = tpu.vector_load %arg15[%swap3A_1428] {strides = array<i32>} : memref<768xf32, #tpu.memory_space<vmem>>, vector<16xf32>,
        tpu.vector_store %arg15[%swap3A_1428], %get3A_1427 {add = true, strides = array<i32>} : memref<768xf32, #tpu.memory_space<vmem>>, vector<16xf32>,
        %get3A_1430 = arith.index_cast %scan3A_1264 : i32 to index
        %get3A_1431 = arith.constant 528 : index
        %get3A_1432 = tpu.vector_load %arg14[%get3A_1430, %get3A_1431] {strides = array<i32>} : memref<64x768xf32, #tpu.memory_space<vmem>>, vector<16xf32>,
        %swap3A_1433 = arith.constant 528 : index
        %swap3A_1434 = tpu.vector_load %arg15[%swap3A_1433] {strides = array<i32>} : memref<768xf32, #tpu.memory_space<vmem>>, vector<16xf32>,
        tpu.vector_store %arg15[%swap3A_1433], %get3A_1432 {add = true, strides = array<i32>} : memref<768xf32, #tpu.memory_space<vmem>>, vector<16xf32>,
        %get3A_1435 = arith.index_cast %scan3A_1264 : i32 to index
        %get3A_1436 = arith.constant 544 : index
        %get3A_1437 = tpu.vector_load %arg14[%get3A_1435, %get3A_1436] {strides = array<i32>} : memref<64x768xf32, #tpu.memory_space<vmem>>, vector<16xf32>,
        %swap3A_1438 = arith.constant 544 : index
        %swap3A_1439 = tpu.vector_load %arg15[%swap3A_1438] {strides = array<i32>} : memref<768xf32, #tpu.memory_space<vmem>>, vector<16xf32>,
        tpu.vector_store %arg15[%swap3A_1438], %get3A_1437 {add = true, strides = array<i32>} : memref<768xf32, #tpu.memory_space<vmem>>, vector<16xf32>,
        %get3A_1440 = arith.index_cast %scan3A_1264 : i32 to index
        %get3A_1441 = arith.constant 560 : index
        %get3A_1442 = tpu.vector_load %arg14[%get3A_1440, %get3A_1441] {strides = array<i32>} : memref<64x768xf32, #tpu.memory_space<vmem>>, vector<16xf32>,
        %swap3A_1443 = arith.constant 560 : index
        %swap3A_1444 = tpu.vector_load %arg15[%swap3A_1443] {strides = array<i32>} : memref<768xf32, #tpu.memory_space<vmem>>, vector<16xf32>,
        tpu.vector_store %arg15[%swap3A_1443], %get3A_1442 {add = true, strides = array<i32>} : memref<768xf32, #tpu.memory_space<vmem>>, vector<16xf32>,
        %get3A_1445 = arith.index_cast %scan3A_1264 : i32 to index
        %get3A_1446 = arith.constant 576 : index
        %get3A_1447 = tpu.vector_load %arg14[%get3A_1445, %get3A_1446] {strides = array<i32>} : memref<64x768xf32, #tpu.memory_space<vmem>>, vector<16xf32>,
        %swap3A_1448 = arith.constant 576 : index
        %swap3A_1449 = tpu.vector_load %arg15[%swap3A_1448] {strides = array<i32>} : memref<768xf32, #tpu.memory_space<vmem>>, vector<16xf32>,
        tpu.vector_store %arg15[%swap3A_1448], %get3A_1447 {add = true, strides = array<i32>} : memref<768xf32, #tpu.memory_space<vmem>>, vector<16xf32>,
        %get3A_1450 = arith.index_cast %scan3A_1264 : i32 to index
        %get3A_1451 = arith.constant 592 : index
        %get3A_1452 = tpu.vector_load %arg14[%get3A_1450, %get3A_1451] {strides = array<i32>} : memref<64x768xf32, #tpu.memory_space<vmem>>, vector<16xf32>,
        %swap3A_1453 = arith.constant 592 : index
        %swap3A_1454 = tpu.vector_load %arg15[%swap3A_1453] {strides = array<i32>} : memref<768xf32, #tpu.memory_space<vmem>>, vector<16xf32>,
        tpu.vector_store %arg15[%swap3A_1453], %get3A_1452 {add = true, strides = array<i32>} : memref<768xf32, #tpu.memory_space<vmem>>, vector<16xf32>,
        %get3A_1455 = arith.index_cast %scan3A_1264 : i32 to index
        %get3A_1456 = arith.constant 608 : index
        %get3A_1457 = tpu.vector_load %arg14[%get3A_1455, %get3A_1456] {strides = array<i32>} : memref<64x768xf32, #tpu.memory_space<vmem>>, vector<16xf32>,
        %swap3A_1458 = arith.constant 608 : index
        %swap3A_1459 = tpu.vector_load %arg15[%swap3A_1458] {strides = array<i32>} : memref<768xf32, #tpu.memory_space<vmem>>, vector<16xf32>,
        tpu.vector_store %arg15[%swap3A_1458], %get3A_1457 {add = true, strides = array<i32>} : memref<768xf32, #tpu.memory_space<vmem>>, vector<16xf32>,
        %get3A_1460 = arith.index_cast %scan3A_1264 : i32 to index
        %get3A_1461 = arith.constant 624 : index
        %get3A_1462 = tpu.vector_load %arg14[%get3A_1460, %get3A_1461] {strides = array<i32>} : memref<64x768xf32, #tpu.memory_space<vmem>>, vector<16xf32>,
        %swap3A_1463 = arith.constant 624 : index
        %swap3A_1464 = tpu.vector_load %arg15[%swap3A_1463] {strides = array<i32>} : memref<768xf32, #tpu.memory_space<vmem>>, vector<16xf32>,
        tpu.vector_store %arg15[%swap3A_1463], %get3A_1462 {add = true, strides = array<i32>} : memref<768xf32, #tpu.memory_space<vmem>>, vector<16xf32>,
        %get3A_1465 = arith.index_cast %scan3A_1264 : i32 to index
        %get3A_1466 = arith.constant 640 : index
        %get3A_1467 = tpu.vector_load %arg14[%get3A_1465, %get3A_1466] {strides = array<i32>} : memref<64x768xf32, #tpu.memory_space<vmem>>, vector<16xf32>,
        %swap3A_1468 = arith.constant 640 : index
        %swap3A_1469 = tpu.vector_load %arg15[%swap3A_1468] {strides = array<i32>} : memref<768xf32, #tpu.memory_space<vmem>>, vector<16xf32>,
        tpu.vector_store %arg15[%swap3A_1468], %get3A_1467 {add = true, strides = array<i32>} : memref<768xf32, #tpu.memory_space<vmem>>, vector<16xf32>,
        %get3A_1470 = arith.index_cast %scan3A_1264 : i32 to index
        %get3A_1471 = arith.constant 656 : index
        %get3A_1472 = tpu.vector_load %arg14[%get3A_1470, %get3A_1471] {strides = array<i32>} : memref<64x768xf32, #tpu.memory_space<vmem>>, vector<16xf32>,
        %swap3A_1473 = arith.constant 656 : index
        %swap3A_1474 = tpu.vector_load %arg15[%swap3A_1473] {strides = array<i32>} : memref<768xf32, #tpu.memory_space<vmem>>, vector<16xf32>,
        tpu.vector_store %arg15[%swap3A_1473], %get3A_1472 {add = true, strides = array<i32>} : memref<768xf32, #tpu.memory_space<vmem>>, vector<16xf32>,
        %get3A_1475 = arith.index_cast %scan3A_1264 : i32 to index
        %get3A_1476 = arith.constant 672 : index
        %get3A_1477 = tpu.vector_load %arg14[%get3A_1475, %get3A_1476] {strides = array<i32>} : memref<64x768xf32, #tpu.memory_space<vmem>>, vector<16xf32>,
        %swap3A_1478 = arith.constant 672 : index
        %swap3A_1479 = tpu.vector_load %arg15[%swap3A_1478] {strides = array<i32>} : memref<768xf32, #tpu.memory_space<vmem>>, vector<16xf32>,
        tpu.vector_store %arg15[%swap3A_1478], %get3A_1477 {add = true, strides = array<i32>} : memref<768xf32, #tpu.memory_space<vmem>>, vector<16xf32>,
        %get3A_1480 = arith.index_cast %scan3A_1264 : i32 to index
        %get3A_1481 = arith.constant 688 : index
        %get3A_1482 = tpu.vector_load %arg14[%get3A_1480, %get3A_1481] {strides = array<i32>} : memref<64x768xf32, #tpu.memory_space<vmem>>, vector<16xf32>,
        %swap3A_1483 = arith.constant 688 : index
        %swap3A_1484 = tpu.vector_load %arg15[%swap3A_1483] {strides = array<i32>} : memref<768xf32, #tpu.memory_space<vmem>>, vector<16xf32>,
        tpu.vector_store %arg15[%swap3A_1483], %get3A_1482 {add = true, strides = array<i32>} : memref<768xf32, #tpu.memory_space<vmem>>, vector<16xf32>,
        %get3A_1485 = arith.index_cast %scan3A_1264 : i32 to index
        %get3A_1486 = arith.constant 704 : index
        %get3A_1487 = tpu.vector_load %arg14[%get3A_1485, %get3A_1486] {strides = array<i32>} : memref<64x768xf32, #tpu.memory_space<vmem>>, vector<16xf32>,
        %swap3A_1488 = arith.constant 704 : index
        %swap3A_1489 = tpu.vector_load %arg15[%swap3A_1488] {strides = array<i32>} : memref<768xf32, #tpu.memory_space<vmem>>, vector<16xf32>,
        tpu.vector_store %arg15[%swap3A_1488], %get3A_1487 {add = true, strides = array<i32>} : memref<768xf32, #tpu.memory_space<vmem>>, vector<16xf32>,
        %get3A_1490 = arith.index_cast %scan3A_1264 : i32 to index
        %get3A_1491 = arith.constant 720 : index
        %get3A_1492 = tpu.vector_load %arg14[%get3A_1490, %get3A_1491] {strides = array<i32>} : memref<64x768xf32, #tpu.memory_space<vmem>>, vector<16xf32>,
        %swap3A_1493 = arith.constant 720 : index
        %swap3A_1494 = tpu.vector_load %arg15[%swap3A_1493] {strides = array<i32>} : memref<768xf32, #tpu.memory_space<vmem>>, vector<16xf32>,
        tpu.vector_store %arg15[%swap3A_1493], %get3A_1492 {add = true, strides = array<i32>} : memref<768xf32, #tpu.memory_space<vmem>>, vector<16xf32>,
        %get3A_1495 = arith.index_cast %scan3A_1264 : i32 to index
        %get3A_1496 = arith.constant 736 : index
        %get3A_1497 = tpu.vector_load %arg14[%get3A_1495, %get3A_1496] {strides = array<i32>} : memref<64x768xf32, #tpu.memory_space<vmem>>, vector<16xf32>,
        %swap3A_1498 = arith.constant 736 : index
        %swap3A_1499 = tpu.vector_load %arg15[%swap3A_1498] {strides = array<i32>} : memref<768xf32, #tpu.memory_space<vmem>>, vector<16xf32>,
        tpu.vector_store %arg15[%swap3A_1498], %get3A_1497 {add = true, strides = array<i32>} : memref<768xf32, #tpu.memory_space<vmem>>, vector<16xf32>,
        %get3A_1500 = arith.index_cast %scan3A_1264 : i32 to index
        %get3A_1501 = arith.constant 752 : index
        %get3A_1502 = tpu.vector_load %arg14[%get3A_1500, %get3A_1501] {strides = array<i32>} : memref<64x768xf32, #tpu.memory_space<vmem>>, vector<16xf32>,
        %swap3A_1503 = arith.constant 752 : index
        %swap3A_1504 = tpu.vector_load %arg15[%swap3A_1503] {strides = array<i32>} : memref<768xf32, #tpu.memory_space<vmem>>, vector<16xf32>,
        tpu.vector_store %arg15[%swap3A_1503], %get3A_1502 {add = true, strides = array<i32>} : memref<768xf32, #tpu.memory_space<vmem>>, vector<16xf32>,
        %scan3A_1505 = arith.constant 0 : i32
        %scan3A_1506 = arith.constant 3 : i32
        %scan3A_1507 = arith.addi %scan3A_777, %scan3A_1506 : i32
        %get3A_1508 = arith.index_cast %scan3A_1507 : i32 to index
        %get3A_1509 = arith.constant 0 : index
        %get3A_1510 = tpu.vector_load %arg14[%get3A_1508, %get3A_1509] {strides = array<i32>} : memref<64x768xf32, #tpu.memory_space<vmem>>, vector<16xf32>,
        %swap3A_1511 = arith.constant 0 : index
        %swap3A_1512 = tpu.vector_load %arg15[%swap3A_1511] {strides = array<i32>} : memref<768xf32, #tpu.memory_space<vmem>>, vector<16xf32>,
        tpu.vector_store %arg15[%swap3A_1511], %get3A_1510 {add = true, strides = array<i32>} : memref<768xf32, #tpu.memory_space<vmem>>, vector<16xf32>,
        %get3A_1513 = arith.index_cast %scan3A_1507 : i32 to index
        %get3A_1514 = arith.constant 16 : index
        %get3A_1515 = tpu.vector_load %arg14[%get3A_1513, %get3A_1514] {strides = array<i32>} : memref<64x768xf32, #tpu.memory_space<vmem>>, vector<16xf32>,
        %swap3A_1516 = arith.constant 16 : index
        %swap3A_1517 = tpu.vector_load %arg15[%swap3A_1516] {strides = array<i32>} : memref<768xf32, #tpu.memory_space<vmem>>, vector<16xf32>,
        tpu.vector_store %arg15[%swap3A_1516], %get3A_1515 {add = true, strides = array<i32>} : memref<768xf32, #tpu.memory_space<vmem>>, vector<16xf32>,
        %get3A_1518 = arith.index_cast %scan3A_1507 : i32 to index
        %get3A_1519 = arith.constant 32 : index
        %get3A_1520 = tpu.vector_load %arg14[%get3A_1518, %get3A_1519] {strides = array<i32>} : memref<64x768xf32, #tpu.memory_space<vmem>>, vector<16xf32>,
        %swap3A_1521 = arith.constant 32 : index
        %swap3A_1522 = tpu.vector_load %arg15[%swap3A_1521] {strides = array<i32>} : memref<768xf32, #tpu.memory_space<vmem>>, vector<16xf32>,
        tpu.vector_store %arg15[%swap3A_1521], %get3A_1520 {add = true, strides = array<i32>} : memref<768xf32, #tpu.memory_space<vmem>>, vector<16xf32>,
        %get3A_1523 = arith.index_cast %scan3A_1507 : i32 to index
        %get3A_1524 = arith.constant 48 : index
        %get3A_1525 = tpu.vector_load %arg14[%get3A_1523, %get3A_1524] {strides = array<i32>} : memref<64x768xf32, #tpu.memory_space<vmem>>, vector<16xf32>,
        %swap3A_1526 = arith.constant 48 : index
        %swap3A_1527 = tpu.vector_load %arg15[%swap3A_1526] {strides = array<i32>} : memref<768xf32, #tpu.memory_space<vmem>>, vector<16xf32>,
        tpu.vector_store %arg15[%swap3A_1526], %get3A_1525 {add = true, strides = array<i32>} : memref<768xf32, #tpu.memory_space<vmem>>, vector<16xf32>,
        %get3A_1528 = arith.index_cast %scan3A_1507 : i32 to index
        %get3A_1529 = arith.constant 64 : index
        %get3A_1530 = tpu.vector_load %arg14[%get3A_1528, %get3A_1529] {strides = array<i32>} : memref<64x768xf32, #tpu.memory_space<vmem>>, vector<16xf32>,
        %swap3A_1531 = arith.constant 64 : index
        %swap3A_1532 = tpu.vector_load %arg15[%swap3A_1531] {strides = array<i32>} : memref<768xf32, #tpu.memory_space<vmem>>, vector<16xf32>,
        tpu.vector_store %arg15[%swap3A_1531], %get3A_1530 {add = true, strides = array<i32>} : memref<768xf32, #tpu.memory_space<vmem>>, vector<16xf32>,
        %get3A_1533 = arith.index_cast %scan3A_1507 : i32 to index
        %get3A_1534 = arith.constant 80 : index
        %get3A_1535 = tpu.vector_load %arg14[%get3A_1533, %get3A_1534] {strides = array<i32>} : memref<64x768xf32, #tpu.memory_space<vmem>>, vector<16xf32>,
        %swap3A_1536 = arith.constant 80 : index
        %swap3A_1537 = tpu.vector_load %arg15[%swap3A_1536] {strides = array<i32>} : memref<768xf32, #tpu.memory_space<vmem>>, vector<16xf32>,
        tpu.vector_store %arg15[%swap3A_1536], %get3A_1535 {add = true, strides = array<i32>} : memref<768xf32, #tpu.memory_space<vmem>>, vector<16xf32>,
        %get3A_1538 = arith.index_cast %scan3A_1507 : i32 to index
        %get3A_1539 = arith.constant 96 : index
        %get3A_1540 = tpu.vector_load %arg14[%get3A_1538, %get3A_1539] {strides = array<i32>} : memref<64x768xf32, #tpu.memory_space<vmem>>, vector<16xf32>,
        %swap3A_1541 = arith.constant 96 : index
        %swap3A_1542 = tpu.vector_load %arg15[%swap3A_1541] {strides = array<i32>} : memref<768xf32, #tpu.memory_space<vmem>>, vector<16xf32>,
        tpu.vector_store %arg15[%swap3A_1541], %get3A_1540 {add = true, strides = array<i32>} : memref<768xf32, #tpu.memory_space<vmem>>, vector<16xf32>,
        %get3A_1543 = arith.index_cast %scan3A_1507 : i32 to index
        %get3A_1544 = arith.constant 112 : index
        %get3A_1545 = tpu.vector_load %arg14[%get3A_1543, %get3A_1544] {strides = array<i32>} : memref<64x768xf32, #tpu.memory_space<vmem>>, vector<16xf32>,
        %swap3A_1546 = arith.constant 112 : index
        %swap3A_1547 = tpu.vector_load %arg15[%swap3A_1546] {strides = array<i32>} : memref<768xf32, #tpu.memory_space<vmem>>, vector<16xf32>,
        tpu.vector_store %arg15[%swap3A_1546], %get3A_1545 {add = true, strides = array<i32>} : memref<768xf32, #tpu.memory_space<vmem>>, vector<16xf32>,
        %get3A_1548 = arith.index_cast %scan3A_1507 : i32 to index
        %get3A_1549 = arith.constant 128 : index
        %get3A_1550 = tpu.vector_load %arg14[%get3A_1548, %get3A_1549] {strides = array<i32>} : memref<64x768xf32, #tpu.memory_space<vmem>>, vector<16xf32>,
        %swap3A_1551 = arith.constant 128 : index
        %swap3A_1552 = tpu.vector_load %arg15[%swap3A_1551] {strides = array<i32>} : memref<768xf32, #tpu.memory_space<vmem>>, vector<16xf32>,
        tpu.vector_store %arg15[%swap3A_1551], %get3A_1550 {add = true, strides = array<i32>} : memref<768xf32, #tpu.memory_space<vmem>>, vector<16xf32>,
        %get3A_1553 = arith.index_cast %scan3A_1507 : i32 to index
        %get3A_1554 = arith.constant 144 : index
        %get3A_1555 = tpu.vector_load %arg14[%get3A_1553, %get3A_1554] {strides = array<i32>} : memref<64x768xf32, #tpu.memory_space<vmem>>, vector<16xf32>,
        %swap3A_1556 = arith.constant 144 : index
        %swap3A_1557 = tpu.vector_load %arg15[%swap3A_1556] {strides = array<i32>} : memref<768xf32, #tpu.memory_space<vmem>>, vector<16xf32>,
        tpu.vector_store %arg15[%swap3A_1556], %get3A_1555 {add = true, strides = array<i32>} : memref<768xf32, #tpu.memory_space<vmem>>, vector<16xf32>,
        %get3A_1558 = arith.index_cast %scan3A_1507 : i32 to index
        %get3A_1559 = arith.constant 160 : index
        %get3A_1560 = tpu.vector_load %arg14[%get3A_1558, %get3A_1559] {strides = array<i32>} : memref<64x768xf32, #tpu.memory_space<vmem>>, vector<16xf32>,
        %swap3A_1561 = arith.constant 160 : index
        %swap3A_1562 = tpu.vector_load %arg15[%swap3A_1561] {strides = array<i32>} : memref<768xf32, #tpu.memory_space<vmem>>, vector<16xf32>,
        tpu.vector_store %arg15[%swap3A_1561], %get3A_1560 {add = true, strides = array<i32>} : memref<768xf32, #tpu.memory_space<vmem>>, vector<16xf32>,
        %get3A_1563 = arith.index_cast %scan3A_1507 : i32 to index
        %get3A_1564 = arith.constant 176 : index
        %get3A_1565 = tpu.vector_load %arg14[%get3A_1563, %get3A_1564] {strides = array<i32>} : memref<64x768xf32, #tpu.memory_space<vmem>>, vector<16xf32>,
        %swap3A_1566 = arith.constant 176 : index
        %swap3A_1567 = tpu.vector_load %arg15[%swap3A_1566] {strides = array<i32>} : memref<768xf32, #tpu.memory_space<vmem>>, vector<16xf32>,
        tpu.vector_store %arg15[%swap3A_1566], %get3A_1565 {add = true, strides = array<i32>} : memref<768xf32, #tpu.memory_space<vmem>>, vector<16xf32>,
        %get3A_1568 = arith.index_cast %scan3A_1507 : i32 to index
        %get3A_1569 = arith.constant 192 : index
        %get3A_1570 = tpu.vector_load %arg14[%get3A_1568, %get3A_1569] {strides = array<i32>} : memref<64x768xf32, #tpu.memory_space<vmem>>, vector<16xf32>,
        %swap3A_1571 = arith.constant 192 : index
        %swap3A_1572 = tpu.vector_load %arg15[%swap3A_1571] {strides = array<i32>} : memref<768xf32, #tpu.memory_space<vmem>>, vector<16xf32>,
        tpu.vector_store %arg15[%swap3A_1571], %get3A_1570 {add = true, strides = array<i32>} : memref<768xf32, #tpu.memory_space<vmem>>, vector<16xf32>,
        %get3A_1573 = arith.index_cast %scan3A_1507 : i32 to index
        %get3A_1574 = arith.constant 208 : index
        %get3A_1575 = tpu.vector_load %arg14[%get3A_1573, %get3A_1574] {strides = array<i32>} : memref<64x768xf32, #tpu.memory_space<vmem>>, vector<16xf32>,
        %swap3A_1576 = arith.constant 208 : index
        %swap3A_1577 = tpu.vector_load %arg15[%swap3A_1576] {strides = array<i32>} : memref<768xf32, #tpu.memory_space<vmem>>, vector<16xf32>,
        tpu.vector_store %arg15[%swap3A_1576], %get3A_1575 {add = true, strides = array<i32>} : memref<768xf32, #tpu.memory_space<vmem>>, vector<16xf32>,
        %get3A_1578 = arith.index_cast %scan3A_1507 : i32 to index
        %get3A_1579 = arith.constant 224 : index
        %get3A_1580 = tpu.vector_load %arg14[%get3A_1578, %get3A_1579] {strides = array<i32>} : memref<64x768xf32, #tpu.memory_space<vmem>>, vector<16xf32>,
        %swap3A_1581 = arith.constant 224 : index
        %swap3A_1582 = tpu.vector_load %arg15[%swap3A_1581] {strides = array<i32>} : memref<768xf32, #tpu.memory_space<vmem>>, vector<16xf32>,
        tpu.vector_store %arg15[%swap3A_1581], %get3A_1580 {add = true, strides = array<i32>} : memref<768xf32, #tpu.memory_space<vmem>>, vector<16xf32>,
        %get3A_1583 = arith.index_cast %scan3A_1507 : i32 to index
        %get3A_1584 = arith.constant 240 : index
        %get3A_1585 = tpu.vector_load %arg14[%get3A_1583, %get3A_1584] {strides = array<i32>} : memref<64x768xf32, #tpu.memory_space<vmem>>, vector<16xf32>,
        %swap3A_1586 = arith.constant 240 : index
        %swap3A_1587 = tpu.vector_load %arg15[%swap3A_1586] {strides = array<i32>} : memref<768xf32, #tpu.memory_space<vmem>>, vector<16xf32>,
        tpu.vector_store %arg15[%swap3A_1586], %get3A_1585 {add = true, strides = array<i32>} : memref<768xf32, #tpu.memory_space<vmem>>, vector<16xf32>,
        %get3A_1588 = arith.index_cast %scan3A_1507 : i32 to index
        %get3A_1589 = arith.constant 256 : index
        %get3A_1590 = tpu.vector_load %arg14[%get3A_1588, %get3A_1589] {strides = array<i32>} : memref<64x768xf32, #tpu.memory_space<vmem>>, vector<16xf32>,
        %swap3A_1591 = arith.constant 256 : index
        %swap3A_1592 = tpu.vector_load %arg15[%swap3A_1591] {strides = array<i32>} : memref<768xf32, #tpu.memory_space<vmem>>, vector<16xf32>,
        tpu.vector_store %arg15[%swap3A_1591], %get3A_1590 {add = true, strides = array<i32>} : memref<768xf32, #tpu.memory_space<vmem>>, vector<16xf32>,
        %get3A_1593 = arith.index_cast %scan3A_1507 : i32 to index
        %get3A_1594 = arith.constant 272 : index
        %get3A_1595 = tpu.vector_load %arg14[%get3A_1593, %get3A_1594] {strides = array<i32>} : memref<64x768xf32, #tpu.memory_space<vmem>>, vector<16xf32>,
        %swap3A_1596 = arith.constant 272 : index
        %swap3A_1597 = tpu.vector_load %arg15[%swap3A_1596] {strides = array<i32>} : memref<768xf32, #tpu.memory_space<vmem>>, vector<16xf32>,
        tpu.vector_store %arg15[%swap3A_1596], %get3A_1595 {add = true, strides = array<i32>} : memref<768xf32, #tpu.memory_space<vmem>>, vector<16xf32>,
        %get3A_1598 = arith.index_cast %scan3A_1507 : i32 to index
        %get3A_1599 = arith.constant 288 : index
        %get3A_1600 = tpu.vector_load %arg14[%get3A_1598, %get3A_1599] {strides = array<i32>} : memref<64x768xf32, #tpu.memory_space<vmem>>, vector<16xf32>,
        %swap3A_1601 = arith.constant 288 : index
        %swap3A_1602 = tpu.vector_load %arg15[%swap3A_1601] {strides = array<i32>} : memref<768xf32, #tpu.memory_space<vmem>>, vector<16xf32>,
        tpu.vector_store %arg15[%swap3A_1601], %get3A_1600 {add = true, strides = array<i32>} : memref<768xf32, #tpu.memory_space<vmem>>, vector<16xf32>,
        %get3A_1603 = arith.index_cast %scan3A_1507 : i32 to index
        %get3A_1604 = arith.constant 304 : index
        %get3A_1605 = tpu.vector_load %arg14[%get3A_1603, %get3A_1604] {strides = array<i32>} : memref<64x768xf32, #tpu.memory_space<vmem>>, vector<16xf32>,
        %swap3A_1606 = arith.constant 304 : index
        %swap3A_1607 = tpu.vector_load %arg15[%swap3A_1606] {strides = array<i32>} : memref<768xf32, #tpu.memory_space<vmem>>, vector<16xf32>,
        tpu.vector_store %arg15[%swap3A_1606], %get3A_1605 {add = true, strides = array<i32>} : memref<768xf32, #tpu.memory_space<vmem>>, vector<16xf32>,
        %get3A_1608 = arith.index_cast %scan3A_1507 : i32 to index
        %get3A_1609 = arith.constant 320 : index
        %get3A_1610 = tpu.vector_load %arg14[%get3A_1608, %get3A_1609] {strides = array<i32>} : memref<64x768xf32, #tpu.memory_space<vmem>>, vector<16xf32>,
        %swap3A_1611 = arith.constant 320 : index
        %swap3A_1612 = tpu.vector_load %arg15[%swap3A_1611] {strides = array<i32>} : memref<768xf32, #tpu.memory_space<vmem>>, vector<16xf32>,
        tpu.vector_store %arg15[%swap3A_1611], %get3A_1610 {add = true, strides = array<i32>} : memref<768xf32, #tpu.memory_space<vmem>>, vector<16xf32>,
        %get3A_1613 = arith.index_cast %scan3A_1507 : i32 to index
        %get3A_1614 = arith.constant 336 : index
        %get3A_1615 = tpu.vector_load %arg14[%get3A_1613, %get3A_1614] {strides = array<i32>} : memref<64x768xf32, #tpu.memory_space<vmem>>, vector<16xf32>,
        %swap3A_1616 = arith.constant 336 : index
        %swap3A_1617 = tpu.vector_load %arg15[%swap3A_1616] {strides = array<i32>} : memref<768xf32, #tpu.memory_space<vmem>>, vector<16xf32>,
        tpu.vector_store %arg15[%swap3A_1616], %get3A_1615 {add = true, strides = array<i32>} : memref<768xf32, #tpu.memory_space<vmem>>, vector<16xf32>,
        %get3A_1618 = arith.index_cast %scan3A_1507 : i32 to index
        %get3A_1619 = arith.constant 352 : index
        %get3A_1620 = tpu.vector_load %arg14[%get3A_1618, %get3A_1619] {strides = array<i32>} : memref<64x768xf32, #tpu.memory_space<vmem>>, vector<16xf32>,
        %swap3A_1621 = arith.constant 352 : index
        %swap3A_1622 = tpu.vector_load %arg15[%swap3A_1621] {strides = array<i32>} : memref<768xf32, #tpu.memory_space<vmem>>, vector<16xf32>,
        tpu.vector_store %arg15[%swap3A_1621], %get3A_1620 {add = true, strides = array<i32>} : memref<768xf32, #tpu.memory_space<vmem>>, vector<16xf32>,
        %get3A_1623 = arith.index_cast %scan3A_1507 : i32 to index
        %get3A_1624 = arith.constant 368 : index
        %get3A_1625 = tpu.vector_load %arg14[%get3A_1623, %get3A_1624] {strides = array<i32>} : memref<64x768xf32, #tpu.memory_space<vmem>>, vector<16xf32>,
        %swap3A_1626 = arith.constant 368 : index
        %swap3A_1627 = tpu.vector_load %arg15[%swap3A_1626] {strides = array<i32>} : memref<768xf32, #tpu.memory_space<vmem>>, vector<16xf32>,
        tpu.vector_store %arg15[%swap3A_1626], %get3A_1625 {add = true, strides = array<i32>} : memref<768xf32, #tpu.memory_space<vmem>>, vector<16xf32>,
        %get3A_1628 = arith.index_cast %scan3A_1507 : i32 to index
        %get3A_1629 = arith.constant 384 : index
        %get3A_1630 = tpu.vector_load %arg14[%get3A_1628, %get3A_1629] {strides = array<i32>} : memref<64x768xf32, #tpu.memory_space<vmem>>, vector<16xf32>,
        %swap3A_1631 = arith.constant 384 : index
        %swap3A_1632 = tpu.vector_load %arg15[%swap3A_1631] {strides = array<i32>} : memref<768xf32, #tpu.memory_space<vmem>>, vector<16xf32>,
        tpu.vector_store %arg15[%swap3A_1631], %get3A_1630 {add = true, strides = array<i32>} : memref<768xf32, #tpu.memory_space<vmem>>, vector<16xf32>,
        %get3A_1633 = arith.index_cast %scan3A_1507 : i32 to index
        %get3A_1634 = arith.constant 400 : index
        %get3A_1635 = tpu.vector_load %arg14[%get3A_1633, %get3A_1634] {strides = array<i32>} : memref<64x768xf32, #tpu.memory_space<vmem>>, vector<16xf32>,
        %swap3A_1636 = arith.constant 400 : index
        %swap3A_1637 = tpu.vector_load %arg15[%swap3A_1636] {strides = array<i32>} : memref<768xf32, #tpu.memory_space<vmem>>, vector<16xf32>,
        tpu.vector_store %arg15[%swap3A_1636], %get3A_1635 {add = true, strides = array<i32>} : memref<768xf32, #tpu.memory_space<vmem>>, vector<16xf32>,
        %get3A_1638 = arith.index_cast %scan3A_1507 : i32 to index
        %get3A_1639 = arith.constant 416 : index
        %get3A_1640 = tpu.vector_load %arg14[%get3A_1638, %get3A_1639] {strides = array<i32>} : memref<64x768xf32, #tpu.memory_space<vmem>>, vector<16xf32>,
        %swap3A_1641 = arith.constant 416 : index
        %swap3A_1642 = tpu.vector_load %arg15[%swap3A_1641] {strides = array<i32>} : memref<768xf32, #tpu.memory_space<vmem>>, vector<16xf32>,
        tpu.vector_store %arg15[%swap3A_1641], %get3A_1640 {add = true, strides = array<i32>} : memref<768xf32, #tpu.memory_space<vmem>>, vector<16xf32>,
        %get3A_1643 = arith.index_cast %scan3A_1507 : i32 to index
        %get3A_1644 = arith.constant 432 : index
        %get3A_1645 = tpu.vector_load %arg14[%get3A_1643, %get3A_1644] {strides = array<i32>} : memref<64x768xf32, #tpu.memory_space<vmem>>, vector<16xf32>,
        %swap3A_1646 = arith.constant 432 : index
        %swap3A_1647 = tpu.vector_load %arg15[%swap3A_1646] {strides = array<i32>} : memref<768xf32, #tpu.memory_space<vmem>>, vector<16xf32>,
        tpu.vector_store %arg15[%swap3A_1646], %get3A_1645 {add = true, strides = array<i32>} : memref<768xf32, #tpu.memory_space<vmem>>, vector<16xf32>,
        %get3A_1648 = arith.index_cast %scan3A_1507 : i32 to index
        %get3A_1649 = arith.constant 448 : index
        %get3A_1650 = tpu.vector_load %arg14[%get3A_1648, %get3A_1649] {strides = array<i32>} : memref<64x768xf32, #tpu.memory_space<vmem>>, vector<16xf32>,
        %swap3A_1651 = arith.constant 448 : index
        %swap3A_1652 = tpu.vector_load %arg15[%swap3A_1651] {strides = array<i32>} : memref<768xf32, #tpu.memory_space<vmem>>, vector<16xf32>,
        tpu.vector_store %arg15[%swap3A_1651], %get3A_1650 {add = true, strides = array<i32>} : memref<768xf32, #tpu.memory_space<vmem>>, vector<16xf32>,
        %get3A_1653 = arith.index_cast %scan3A_1507 : i32 to index
        %get3A_1654 = arith.constant 464 : index
        %get3A_1655 = tpu.vector_load %arg14[%get3A_1653, %get3A_1654] {strides = array<i32>} : memref<64x768xf32, #tpu.memory_space<vmem>>, vector<16xf32>,
        %swap3A_1656 = arith.constant 464 : index
        %swap3A_1657 = tpu.vector_load %arg15[%swap3A_1656] {strides = array<i32>} : memref<768xf32, #tpu.memory_space<vmem>>, vector<16xf32>,
        tpu.vector_store %arg15[%swap3A_1656], %get3A_1655 {add = true, strides = array<i32>} : memref<768xf32, #tpu.memory_space<vmem>>, vector<16xf32>,
        %get3A_1658 = arith.index_cast %scan3A_1507 : i32 to index
        %get3A_1659 = arith.constant 480 : index
        %get3A_1660 = tpu.vector_load %arg14[%get3A_1658, %get3A_1659] {strides = array<i32>} : memref<64x768xf32, #tpu.memory_space<vmem>>, vector<16xf32>,
        %swap3A_1661 = arith.constant 480 : index
        %swap3A_1662 = tpu.vector_load %arg15[%swap3A_1661] {strides = array<i32>} : memref<768xf32, #tpu.memory_space<vmem>>, vector<16xf32>,
        tpu.vector_store %arg15[%swap3A_1661], %get3A_1660 {add = true, strides = array<i32>} : memref<768xf32, #tpu.memory_space<vmem>>, vector<16xf32>,
        %get3A_1663 = arith.index_cast %scan3A_1507 : i32 to index
        %get3A_1664 = arith.constant 496 : index
        %get3A_1665 = tpu.vector_load %arg14[%get3A_1663, %get3A_1664] {strides = array<i32>} : memref<64x768xf32, #tpu.memory_space<vmem>>, vector<16xf32>,
        %swap3A_1666 = arith.constant 496 : index
        %swap3A_1667 = tpu.vector_load %arg15[%swap3A_1666] {strides = array<i32>} : memref<768xf32, #tpu.memory_space<vmem>>, vector<16xf32>,
        tpu.vector_store %arg15[%swap3A_1666], %get3A_1665 {add = true, strides = array<i32>} : memref<768xf32, #tpu.memory_space<vmem>>, vector<16xf32>,
        %get3A_1668 = arith.index_cast %scan3A_1507 : i32 to index
        %get3A_1669 = arith.constant 512 : index
        %get3A_1670 = tpu.vector_load %arg14[%get3A_1668, %get3A_1669] {strides = array<i32>} : memref<64x768xf32, #tpu.memory_space<vmem>>, vector<16xf32>,
        %swap3A_1671 = arith.constant 512 : index
        %swap3A_1672 = tpu.vector_load %arg15[%swap3A_1671] {strides = array<i32>} : memref<768xf32, #tpu.memory_space<vmem>>, vector<16xf32>,
        tpu.vector_store %arg15[%swap3A_1671], %get3A_1670 {add = true, strides = array<i32>} : memref<768xf32, #tpu.memory_space<vmem>>, vector<16xf32>,
        %get3A_1673 = arith.index_cast %scan3A_1507 : i32 to index
        %get3A_1674 = arith.constant 528 : index
        %get3A_1675 = tpu.vector_load %arg14[%get3A_1673, %get3A_1674] {strides = array<i32>} : memref<64x768xf32, #tpu.memory_space<vmem>>, vector<16xf32>,
        %swap3A_1676 = arith.constant 528 : index
        %swap3A_1677 = tpu.vector_load %arg15[%swap3A_1676] {strides = array<i32>} : memref<768xf32, #tpu.memory_space<vmem>>, vector<16xf32>,
        tpu.vector_store %arg15[%swap3A_1676], %get3A_1675 {add = true, strides = array<i32>} : memref<768xf32, #tpu.memory_space<vmem>>, vector<16xf32>,
        %get3A_1678 = arith.index_cast %scan3A_1507 : i32 to index
        %get3A_1679 = arith.constant 544 : index
        %get3A_1680 = tpu.vector_load %arg14[%get3A_1678, %get3A_1679] {strides = array<i32>} : memref<64x768xf32, #tpu.memory_space<vmem>>, vector<16xf32>,
        %swap3A_1681 = arith.constant 544 : index
        %swap3A_1682 = tpu.vector_load %arg15[%swap3A_1681] {strides = array<i32>} : memref<768xf32, #tpu.memory_space<vmem>>, vector<16xf32>,
        tpu.vector_store %arg15[%swap3A_1681], %get3A_1680 {add = true, strides = array<i32>} : memref<768xf32, #tpu.memory_space<vmem>>, vector<16xf32>,
        %get3A_1683 = arith.index_cast %scan3A_1507 : i32 to index
        %get3A_1684 = arith.constant 560 : index
        %get3A_1685 = tpu.vector_load %arg14[%get3A_1683, %get3A_1684] {strides = array<i32>} : memref<64x768xf32, #tpu.memory_space<vmem>>, vector<16xf32>,
        %swap3A_1686 = arith.constant 560 : index
        %swap3A_1687 = tpu.vector_load %arg15[%swap3A_1686] {strides = array<i32>} : memref<768xf32, #tpu.memory_space<vmem>>, vector<16xf32>,
        tpu.vector_store %arg15[%swap3A_1686], %get3A_1685 {add = true, strides = array<i32>} : memref<768xf32, #tpu.memory_space<vmem>>, vector<16xf32>,
        %get3A_1688 = arith.index_cast %scan3A_1507 : i32 to index
        %get3A_1689 = arith.constant 576 : index
        %get3A_1690 = tpu.vector_load %arg14[%get3A_1688, %get3A_1689] {strides = array<i32>} : memref<64x768xf32, #tpu.memory_space<vmem>>, vector<16xf32>,
        %swap3A_1691 = arith.constant 576 : index
        %swap3A_1692 = tpu.vector_load %arg15[%swap3A_1691] {strides = array<i32>} : memref<768xf32, #tpu.memory_space<vmem>>, vector<16xf32>,
        tpu.vector_store %arg15[%swap3A_1691], %get3A_1690 {add = true, strides = array<i32>} : memref<768xf32, #tpu.memory_space<vmem>>, vector<16xf32>,
        %get3A_1693 = arith.index_cast %scan3A_1507 : i32 to index
        %get3A_1694 = arith.constant 592 : index
        %get3A_1695 = tpu.vector_load %arg14[%get3A_1693, %get3A_1694] {strides = array<i32>} : memref<64x768xf32, #tpu.memory_space<vmem>>, vector<16xf32>,
        %swap3A_1696 = arith.constant 592 : index
        %swap3A_1697 = tpu.vector_load %arg15[%swap3A_1696] {strides = array<i32>} : memref<768xf32, #tpu.memory_space<vmem>>, vector<16xf32>,
        tpu.vector_store %arg15[%swap3A_1696], %get3A_1695 {add = true, strides = array<i32>} : memref<768xf32, #tpu.memory_space<vmem>>, vector<16xf32>,
        %get3A_1698 = arith.index_cast %scan3A_1507 : i32 to index
        %get3A_1699 = arith.constant 608 : index
        %get3A_1700 = tpu.vector_load %arg14[%get3A_1698, %get3A_1699] {strides = array<i32>} : memref<64x768xf32, #tpu.memory_space<vmem>>, vector<16xf32>,
        %swap3A_1701 = arith.constant 608 : index
        %swap3A_1702 = tpu.vector_load %arg15[%swap3A_1701] {strides = array<i32>} : memref<768xf32, #tpu.memory_space<vmem>>, vector<16xf32>,
        tpu.vector_store %arg15[%swap3A_1701], %get3A_1700 {add = true, strides = array<i32>} : memref<768xf32, #tpu.memory_space<vmem>>, vector<16xf32>,
        %get3A_1703 = arith.index_cast %scan3A_1507 : i32 to index
        %get3A_1704 = arith.constant 624 : index
        %get3A_1705 = tpu.vector_load %arg14[%get3A_1703, %get3A_1704] {strides = array<i32>} : memref<64x768xf32, #tpu.memory_space<vmem>>, vector<16xf32>,
        %swap3A_1706 = arith.constant 624 : index
        %swap3A_1707 = tpu.vector_load %arg15[%swap3A_1706] {strides = array<i32>} : memref<768xf32, #tpu.memory_space<vmem>>, vector<16xf32>,
        tpu.vector_store %arg15[%swap3A_1706], %get3A_1705 {add = true, strides = array<i32>} : memref<768xf32, #tpu.memory_space<vmem>>, vector<16xf32>,
        %get3A_1708 = arith.index_cast %scan3A_1507 : i32 to index
        %get3A_1709 = arith.constant 640 : index
        %get3A_1710 = tpu.vector_load %arg14[%get3A_1708, %get3A_1709] {strides = array<i32>} : memref<64x768xf32, #tpu.memory_space<vmem>>, vector<16xf32>,
        %swap3A_1711 = arith.constant 640 : index
        %swap3A_1712 = tpu.vector_load %arg15[%swap3A_1711] {strides = array<i32>} : memref<768xf32, #tpu.memory_space<vmem>>, vector<16xf32>,
        tpu.vector_store %arg15[%swap3A_1711], %get3A_1710 {add = true, strides = array<i32>} : memref<768xf32, #tpu.memory_space<vmem>>, vector<16xf32>,
        %get3A_1713 = arith.index_cast %scan3A_1507 : i32 to index
        %get3A_1714 = arith.constant 656 : index
        %get3A_1715 = tpu.vector_load %arg14[%get3A_1713, %get3A_1714] {strides = array<i32>} : memref<64x768xf32, #tpu.memory_space<vmem>>, vector<16xf32>,
        %swap3A_1716 = arith.constant 656 : index
        %swap3A_1717 = tpu.vector_load %arg15[%swap3A_1716] {strides = array<i32>} : memref<768xf32, #tpu.memory_space<vmem>>, vector<16xf32>,
        tpu.vector_store %arg15[%swap3A_1716], %get3A_1715 {add = true, strides = array<i32>} : memref<768xf32, #tpu.memory_space<vmem>>, vector<16xf32>,
        %get3A_1718 = arith.index_cast %scan3A_1507 : i32 to index
        %get3A_1719 = arith.constant 672 : index
        %get3A_1720 = tpu.vector_load %arg14[%get3A_1718, %get3A_1719] {strides = array<i32>} : memref<64x768xf32, #tpu.memory_space<vmem>>, vector<16xf32>,
        %swap3A_1721 = arith.constant 672 : index
        %swap3A_1722 = tpu.vector_load %arg15[%swap3A_1721] {strides = array<i32>} : memref<768xf32, #tpu.memory_space<vmem>>, vector<16xf32>,
        tpu.vector_store %arg15[%swap3A_1721], %get3A_1720 {add = true, strides = array<i32>} : memref<768xf32, #tpu.memory_space<vmem>>, vector<16xf32>,
        %get3A_1723 = arith.index_cast %scan3A_1507 : i32 to index
        %get3A_1724 = arith.constant 688 : index
        %get3A_1725 = tpu.vector_load %arg14[%get3A_1723, %get3A_1724] {strides = array<i32>} : memref<64x768xf32, #tpu.memory_space<vmem>>, vector<16xf32>,
        %swap3A_1726 = arith.constant 688 : index
        %swap3A_1727 = tpu.vector_load %arg15[%swap3A_1726] {strides = array<i32>} : memref<768xf32, #tpu.memory_space<vmem>>, vector<16xf32>,
        tpu.vector_store %arg15[%swap3A_1726], %get3A_1725 {add = true, strides = array<i32>} : memref<768xf32, #tpu.memory_space<vmem>>, vector<16xf32>,
        %get3A_1728 = arith.index_cast %scan3A_1507 : i32 to index
        %get3A_1729 = arith.constant 704 : index
        %get3A_1730 = tpu.vector_load %arg14[%get3A_1728, %get3A_1729] {strides = array<i32>} : memref<64x768xf32, #tpu.memory_space<vmem>>, vector<16xf32>,
        %swap3A_1731 = arith.constant 704 : index
        %swap3A_1732 = tpu.vector_load %arg15[%swap3A_1731] {strides = array<i32>} : memref<768xf32, #tpu.memory_space<vmem>>, vector<16xf32>,
        tpu.vector_store %arg15[%swap3A_1731], %get3A_1730 {add = true, strides = array<i32>} : memref<768xf32, #tpu.memory_space<vmem>>, vector<16xf32>,
        %get3A_1733 = arith.index_cast %scan3A_1507 : i32 to index
        %get3A_1734 = arith.constant 720 : index
        %get3A_1735 = tpu.vector_load %arg14[%get3A_1733, %get3A_1734] {strides = array<i32>} : memref<64x768xf32, #tpu.memory_space<vmem>>, vector<16xf32>,
        %swap3A_1736 = arith.constant 720 : index
        %swap3A_1737 = tpu.vector_load %arg15[%swap3A_1736] {strides = array<i32>} : memref<768xf32, #tpu.memory_space<vmem>>, vector<16xf32>,
        tpu.vector_store %arg15[%swap3A_1736], %get3A_1735 {add = true, strides = array<i32>} : memref<768xf32, #tpu.memory_space<vmem>>, vector<16xf32>,
        %get3A_1738 = arith.index_cast %scan3A_1507 : i32 to index
        %get3A_1739 = arith.constant 736 : index
        %get3A_1740 = tpu.vector_load %arg14[%get3A_1738, %get3A_1739] {strides = array<i32>} : memref<64x768xf32, #tpu.memory_space<vmem>>, vector<16xf32>,
        %swap3A_1741 = arith.constant 736 : index
        %swap3A_1742 = tpu.vector_load %arg15[%swap3A_1741] {strides = array<i32>} : memref<768xf32, #tpu.memory_space<vmem>>, vector<16xf32>,
        tpu.vector_store %arg15[%swap3A_1741], %get3A_1740 {add = true, strides = array<i32>} : memref<768xf32, #tpu.memory_space<vmem>>, vector<16xf32>,
        %get3A_1743 = arith.index_cast %scan3A_1507 : i32 to index
        %get3A_1744 = arith.constant 752 : index
        %get3A_1745 = tpu.vector_load %arg14[%get3A_1743, %get3A_1744] {strides = array<i32>} : memref<64x768xf32, #tpu.memory_space<vmem>>, vector<16xf32>,
        %swap3A_1746 = arith.constant 752 : index
        %swap3A_1747 = tpu.vector_load %arg15[%swap3A_1746] {strides = array<i32>} : memref<768xf32, #tpu.memory_space<vmem>>, vector<16xf32>,
        tpu.vector_store %arg15[%swap3A_1746], %get3A_1745 {add = true, strides = array<i32>} : memref<768xf32, #tpu.memory_space<vmem>>, vector<16xf32>,
        %scan3A_1748 = arith.constant 0 : i32
        scf.yield %scan3A_1748 : i32
      }
      %scan3A_421 = arith.constant 64 : i32
      %get3A_422 = arith.constant 0 : index
      %get3A_423 = tpu.vector_load %arg15[%get3A_422] {strides = array<i32>} : memref<768xf32, #tpu.memory_space<vmem>>, vector<16xf32>,
      %mul3A_424 = arith.constant 1.562500e-02 : f32
      %mul3A_425 = vector.broadcast %mul3A_424 : f32 to vector<16xf32>
      %mul3A_426 = arith.mulf %get3A_423, %mul3A_425 : vector<16xf32>
      %swap3A_427 = arith.constant 0 : index
      %swap3A_428 = tpu.vector_load %arg15[%swap3A_427] {strides = array<i32>} : memref<768xf32, #tpu.memory_space<vmem>>, vector<16xf32>,
      tpu.vector_store %arg15[%swap3A_427], %mul3A_426 {strides = array<i32>} : memref<768xf32, #tpu.memory_space<vmem>>, vector<16xf32>,
      %get3A_429 = arith.constant 16 : index
      %get3A_430 = tpu.vector_load %arg15[%get3A_429] {strides = array<i32>} : memref<768xf32, #tpu.memory_space<vmem>>, vector<16xf32>,
      %mul3A_431 = arith.constant 1.562500e-02 : f32
      %mul3A_432 = vector.broadcast %mul3A_431 : f32 to vector<16xf32>
      %mul3A_433 = arith.mulf %get3A_430, %mul3A_432 : vector<16xf32>
      %swap3A_434 = arith.constant 16 : index
      %swap3A_435 = tpu.vector_load %arg15[%swap3A_434] {strides = array<i32>} : memref<768xf32, #tpu.memory_space<vmem>>, vector<16xf32>,
      tpu.vector_store %arg15[%swap3A_434], %mul3A_433 {strides = array<i32>} : memref<768xf32, #tpu.memory_space<vmem>>, vector<16xf32>,
      %get3A_436 = arith.constant 32 : index
      %get3A_437 = tpu.vector_load %arg15[%get3A_436] {strides = array<i32>} : memref<768xf32, #tpu.memory_space<vmem>>, vector<16xf32>,
      %mul3A_438 = arith.constant 1.562500e-02 : f32
      %mul3A_439 = vector.broadcast %mul3A_438 : f32 to vector<16xf32>
      %mul3A_440 = arith.mulf %get3A_437, %mul3A_439 : vector<16xf32>
      %swap3A_441 = arith.constant 32 : index
      %swap3A_442 = tpu.vector_load %arg15[%swap3A_441] {strides = array<i32>} : memref<768xf32, #tpu.memory_space<vmem>>, vector<16xf32>,
      tpu.vector_store %arg15[%swap3A_441], %mul3A_440 {strides = array<i32>} : memref<768xf32, #tpu.memory_space<vmem>>, vector<16xf32>,
      %get3A_443 = arith.constant 48 : index
      %get3A_444 = tpu.vector_load %arg15[%get3A_443] {strides = array<i32>} : memref<768xf32, #tpu.memory_space<vmem>>, vector<16xf32>,
      %mul3A_445 = arith.constant 1.562500e-02 : f32
      %mul3A_446 = vector.broadcast %mul3A_445 : f32 to vector<16xf32>
      %mul3A_447 = arith.mulf %get3A_444, %mul3A_446 : vector<16xf32>
      %swap3A_448 = arith.constant 48 : index
      %swap3A_449 = tpu.vector_load %arg15[%swap3A_448] {strides = array<i32>} : memref<768xf32, #tpu.memory_space<vmem>>, vector<16xf32>,
      tpu.vector_store %arg15[%swap3A_448], %mul3A_447 {strides = array<i32>} : memref<768xf32, #tpu.memory_space<vmem>>, vector<16xf32>,
      %get3A_450 = arith.constant 64 : index
      %get3A_451 = tpu.vector_load %arg15[%get3A_450] {strides = array<i32>} : memref<768xf32, #tpu.memory_space<vmem>>, vector<16xf32>,
      %mul3A_452 = arith.constant 1.562500e-02 : f32
      %mul3A_453 = vector.broadcast %mul3A_452 : f32 to vector<16xf32>
      %mul3A_454 = arith.mulf %get3A_451, %mul3A_453 : vector<16xf32>
      %swap3A_455 = arith.constant 64 : index
      %swap3A_456 = tpu.vector_load %arg15[%swap3A_455] {strides = array<i32>} : memref<768xf32, #tpu.memory_space<vmem>>, vector<16xf32>,
      tpu.vector_store %arg15[%swap3A_455], %mul3A_454 {strides = array<i32>} : memref<768xf32, #tpu.memory_space<vmem>>, vector<16xf32>,
      %get3A_457 = arith.constant 80 : index
      %get3A_458 = tpu.vector_load %arg15[%get3A_457] {strides = array<i32>} : memref<768xf32, #tpu.memory_space<vmem>>, vector<16xf32>,
      %mul3A_459 = arith.constant 1.562500e-02 : f32
      %mul3A_460 = vector.broadcast %mul3A_459 : f32 to vector<16xf32>
      %mul3A_461 = arith.mulf %get3A_458, %mul3A_460 : vector<16xf32>
      %swap3A_462 = arith.constant 80 : index
      %swap3A_463 = tpu.vector_load %arg15[%swap3A_462] {strides = array<i32>} : memref<768xf32, #tpu.memory_space<vmem>>, vector<16xf32>,
      tpu.vector_store %arg15[%swap3A_462], %mul3A_461 {strides = array<i32>} : memref<768xf32, #tpu.memory_space<vmem>>, vector<16xf32>,
      %get3A_464 = arith.constant 96 : index
      %get3A_465 = tpu.vector_load %arg15[%get3A_464] {strides = array<i32>} : memref<768xf32, #tpu.memory_space<vmem>>, vector<16xf32>,
      %mul3A_466 = arith.constant 1.562500e-02 : f32
      %mul3A_467 = vector.broadcast %mul3A_466 : f32 to vector<16xf32>
      %mul3A_468 = arith.mulf %get3A_465, %mul3A_467 : vector<16xf32>
      %swap3A_469 = arith.constant 96 : index
      %swap3A_470 = tpu.vector_load %arg15[%swap3A_469] {strides = array<i32>} : memref<768xf32, #tpu.memory_space<vmem>>, vector<16xf32>,
      tpu.vector_store %arg15[%swap3A_469], %mul3A_468 {strides = array<i32>} : memref<768xf32, #tpu.memory_space<vmem>>, vector<16xf32>,
      %get3A_471 = arith.constant 112 : index
      %get3A_472 = tpu.vector_load %arg15[%get3A_471] {strides = array<i32>} : memref<768xf32, #tpu.memory_space<vmem>>, vector<16xf32>,
      %mul3A_473 = arith.constant 1.562500e-02 : f32
      %mul3A_474 = vector.broadcast %mul3A_473 : f32 to vector<16xf32>
      %mul3A_475 = arith.mulf %get3A_472, %mul3A_474 : vector<16xf32>
      %swap3A_476 = arith.constant 112 : index
      %swap3A_477 = tpu.vector_load %arg15[%swap3A_476] {strides = array<i32>} : memref<768xf32, #tpu.memory_space<vmem>>, vector<16xf32>,
      tpu.vector_store %arg15[%swap3A_476], %mul3A_475 {strides = array<i32>} : memref<768xf32, #tpu.memory_space<vmem>>, vector<16xf32>,
      %get3A_478 = arith.constant 128 : index
      %get3A_479 = tpu.vector_load %arg15[%get3A_478] {strides = array<i32>} : memref<768xf32, #tpu.memory_space<vmem>>, vector<16xf32>,
      %mul3A_480 = arith.constant 1.562500e-02 : f32
      %mul3A_481 = vector.broadcast %mul3A_480 : f32 to vector<16xf32>
      %mul3A_482 = arith.mulf %get3A_479, %mul3A_481 : vector<16xf32>
      %swap3A_483 = arith.constant 128 : index
      %swap3A_484 = tpu.vector_load %arg15[%swap3A_483] {strides = array<i32>} : memref<768xf32, #tpu.memory_space<vmem>>, vector<16xf32>,
      tpu.vector_store %arg15[%swap3A_483], %mul3A_482 {strides = array<i32>} : memref<768xf32, #tpu.memory_space<vmem>>, vector<16xf32>,
      %get3A_485 = arith.constant 144 : index
      %get3A_486 = tpu.vector_load %arg15[%get3A_485] {strides = array<i32>} : memref<768xf32, #tpu.memory_space<vmem>>, vector<16xf32>,
      %mul3A_487 = arith.constant 1.562500e-02 : f32
      %mul3A_488 = vector.broadcast %mul3A_487 : f32 to vector<16xf32>
      %mul3A_489 = arith.mulf %get3A_486, %mul3A_488 : vector<16xf32>
      %swap3A_490 = arith.constant 144 : index
      %swap3A_491 = tpu.vector_load %arg15[%swap3A_490] {strides = array<i32>} : memref<768xf32, #tpu.memory_space<vmem>>, vector<16xf32>,
      tpu.vector_store %arg15[%swap3A_490], %mul3A_489 {strides = array<i32>} : memref<768xf32, #tpu.memory_space<vmem>>, vector<16xf32>,
      %get3A_492 = arith.constant 160 : index
      %get3A_493 = tpu.vector_load %arg15[%get3A_492] {strides = array<i32>} : memref<768xf32, #tpu.memory_space<vmem>>, vector<16xf32>,
      %mul3A_494 = arith.constant 1.562500e-02 : f32
      %mul3A_495 = vector.broadcast %mul3A_494 : f32 to vector<16xf32>
      %mul3A_496 = arith.mulf %get3A_493, %mul3A_495 : vector<16xf32>
      %swap3A_497 = arith.constant 160 : index
      %swap3A_498 = tpu.vector_load %arg15[%swap3A_497] {strides = array<i32>} : memref<768xf32, #tpu.memory_space<vmem>>, vector<16xf32>,
      tpu.vector_store %arg15[%swap3A_497], %mul3A_496 {strides = array<i32>} : memref<768xf32, #tpu.memory_space<vmem>>, vector<16xf32>,
      %get3A_499 = arith.constant 176 : index
      %get3A_500 = tpu.vector_load %arg15[%get3A_499] {strides = array<i32>} : memref<768xf32, #tpu.memory_space<vmem>>, vector<16xf32>,
      %mul3A_501 = arith.constant 1.562500e-02 : f32
      %mul3A_502 = vector.broadcast %mul3A_501 : f32 to vector<16xf32>
      %mul3A_503 = arith.mulf %get3A_500, %mul3A_502 : vector<16xf32>
      %swap3A_504 = arith.constant 176 : index
      %swap3A_505 = tpu.vector_load %arg15[%swap3A_504] {strides = array<i32>} : memref<768xf32, #tpu.memory_space<vmem>>, vector<16xf32>,
      tpu.vector_store %arg15[%swap3A_504], %mul3A_503 {strides = array<i32>} : memref<768xf32, #tpu.memory_space<vmem>>, vector<16xf32>,
      %get3A_506 = arith.constant 192 : index
      %get3A_507 = tpu.vector_load %arg15[%get3A_506] {strides = array<i32>} : memref<768xf32, #tpu.memory_space<vmem>>, vector<16xf32>,
      %mul3A_508 = arith.constant 1.562500e-02 : f32
      %mul3A_509 = vector.broadcast %mul3A_508 : f32 to vector<16xf32>
      %mul3A_510 = arith.mulf %get3A_507, %mul3A_509 : vector<16xf32>
      %swap3A_511 = arith.constant 192 : index
      %swap3A_512 = tpu.vector_load %arg15[%swap3A_511] {strides = array<i32>} : memref<768xf32, #tpu.memory_space<vmem>>, vector<16xf32>,
      tpu.vector_store %arg15[%swap3A_511], %mul3A_510 {strides = array<i32>} : memref<768xf32, #tpu.memory_space<vmem>>, vector<16xf32>,
      %get3A_513 = arith.constant 208 : index
      %get3A_514 = tpu.vector_load %arg15[%get3A_513] {strides = array<i32>} : memref<768xf32, #tpu.memory_space<vmem>>, vector<16xf32>,
      %mul3A_515 = arith.constant 1.562500e-02 : f32
      %mul3A_516 = vector.broadcast %mul3A_515 : f32 to vector<16xf32>
      %mul3A_517 = arith.mulf %get3A_514, %mul3A_516 : vector<16xf32>
      %swap3A_518 = arith.constant 208 : index
      %swap3A_519 = tpu.vector_load %arg15[%swap3A_518] {strides = array<i32>} : memref<768xf32, #tpu.memory_space<vmem>>, vector<16xf32>,
      tpu.vector_store %arg15[%swap3A_518], %mul3A_517 {strides = array<i32>} : memref<768xf32, #tpu.memory_space<vmem>>, vector<16xf32>,
      %get3A_520 = arith.constant 224 : index
      %get3A_521 = tpu.vector_load %arg15[%get3A_520] {strides = array<i32>} : memref<768xf32, #tpu.memory_space<vmem>>, vector<16xf32>,
      %mul3A_522 = arith.constant 1.562500e-02 : f32
      %mul3A_523 = vector.broadcast %mul3A_522 : f32 to vector<16xf32>
      %mul3A_524 = arith.mulf %get3A_521, %mul3A_523 : vector<16xf32>
      %swap3A_525 = arith.constant 224 : index
      %swap3A_526 = tpu.vector_load %arg15[%swap3A_525] {strides = array<i32>} : memref<768xf32, #tpu.memory_space<vmem>>, vector<16xf32>,
      tpu.vector_store %arg15[%swap3A_525], %mul3A_524 {strides = array<i32>} : memref<768xf32, #tpu.memory_space<vmem>>, vector<16xf32>,
      %get3A_527 = arith.constant 240 : index
      %get3A_528 = tpu.vector_load %arg15[%get3A_527] {strides = array<i32>} : memref<768xf32, #tpu.memory_space<vmem>>, vector<16xf32>,
      %mul3A_529 = arith.constant 1.562500e-02 : f32
      %mul3A_530 = vector.broadcast %mul3A_529 : f32 to vector<16xf32>
      %mul3A_531 = arith.mulf %get3A_528, %mul3A_530 : vector<16xf32>
      %swap3A_532 = arith.constant 240 : index
      %swap3A_533 = tpu.vector_load %arg15[%swap3A_532] {strides = array<i32>} : memref<768xf32, #tpu.memory_space<vmem>>, vector<16xf32>,
      tpu.vector_store %arg15[%swap3A_532], %mul3A_531 {strides = array<i32>} : memref<768xf32, #tpu.memory_space<vmem>>, vector<16xf32>,
      %get3A_534 = arith.constant 256 : index
      %get3A_535 = tpu.vector_load %arg15[%get3A_534] {strides = array<i32>} : memref<768xf32, #tpu.memory_space<vmem>>, vector<16xf32>,
      %mul3A_536 = arith.constant 1.562500e-02 : f32
      %mul3A_537 = vector.broadcast %mul3A_536 : f32 to vector<16xf32>
      %mul3A_538 = arith.mulf %get3A_535, %mul3A_537 : vector<16xf32>
      %swap3A_539 = arith.constant 256 : index
      %swap3A_540 = tpu.vector_load %arg15[%swap3A_539] {strides = array<i32>} : memref<768xf32, #tpu.memory_space<vmem>>, vector<16xf32>,
      tpu.vector_store %arg15[%swap3A_539], %mul3A_538 {strides = array<i32>} : memref<768xf32, #tpu.memory_space<vmem>>, vector<16xf32>,
      %get3A_541 = arith.constant 272 : index
      %get3A_542 = tpu.vector_load %arg15[%get3A_541] {strides = array<i32>} : memref<768xf32, #tpu.memory_space<vmem>>, vector<16xf32>,
      %mul3A_543 = arith.constant 1.562500e-02 : f32
      %mul3A_544 = vector.broadcast %mul3A_543 : f32 to vector<16xf32>
      %mul3A_545 = arith.mulf %get3A_542, %mul3A_544 : vector<16xf32>
      %swap3A_546 = arith.constant 272 : index
      %swap3A_547 = tpu.vector_load %arg15[%swap3A_546] {strides = array<i32>} : memref<768xf32, #tpu.memory_space<vmem>>, vector<16xf32>,
      tpu.vector_store %arg15[%swap3A_546], %mul3A_545 {strides = array<i32>} : memref<768xf32, #tpu.memory_space<vmem>>, vector<16xf32>,
      %get3A_548 = arith.constant 288 : index
      %get3A_549 = tpu.vector_load %arg15[%get3A_548] {strides = array<i32>} : memref<768xf32, #tpu.memory_space<vmem>>, vector<16xf32>,
      %mul3A_550 = arith.constant 1.562500e-02 : f32
      %mul3A_551 = vector.broadcast %mul3A_550 : f32 to vector<16xf32>
      %mul3A_552 = arith.mulf %get3A_549, %mul3A_551 : vector<16xf32>
      %swap3A_553 = arith.constant 288 : index
      %swap3A_554 = tpu.vector_load %arg15[%swap3A_553] {strides = array<i32>} : memref<768xf32, #tpu.memory_space<vmem>>, vector<16xf32>,
      tpu.vector_store %arg15[%swap3A_553], %mul3A_552 {strides = array<i32>} : memref<768xf32, #tpu.memory_space<vmem>>, vector<16xf32>,
      %get3A_555 = arith.constant 304 : index
      %get3A_556 = tpu.vector_load %arg15[%get3A_555] {strides = array<i32>} : memref<768xf32, #tpu.memory_space<vmem>>, vector<16xf32>,
      %mul3A_557 = arith.constant 1.562500e-02 : f32
      %mul3A_558 = vector.broadcast %mul3A_557 : f32 to vector<16xf32>
      %mul3A_559 = arith.mulf %get3A_556, %mul3A_558 : vector<16xf32>
      %swap3A_560 = arith.constant 304 : index
      %swap3A_561 = tpu.vector_load %arg15[%swap3A_560] {strides = array<i32>} : memref<768xf32, #tpu.memory_space<vmem>>, vector<16xf32>,
      tpu.vector_store %arg15[%swap3A_560], %mul3A_559 {strides = array<i32>} : memref<768xf32, #tpu.memory_space<vmem>>, vector<16xf32>,
      %get3A_562 = arith.constant 320 : index
      %get3A_563 = tpu.vector_load %arg15[%get3A_562] {strides = array<i32>} : memref<768xf32, #tpu.memory_space<vmem>>, vector<16xf32>,
      %mul3A_564 = arith.constant 1.562500e-02 : f32
      %mul3A_565 = vector.broadcast %mul3A_564 : f32 to vector<16xf32>
      %mul3A_566 = arith.mulf %get3A_563, %mul3A_565 : vector<16xf32>
      %swap3A_567 = arith.constant 320 : index
      %swap3A_568 = tpu.vector_load %arg15[%swap3A_567] {strides = array<i32>} : memref<768xf32, #tpu.memory_space<vmem>>, vector<16xf32>,
      tpu.vector_store %arg15[%swap3A_567], %mul3A_566 {strides = array<i32>} : memref<768xf32, #tpu.memory_space<vmem>>, vector<16xf32>,
      %get3A_569 = arith.constant 336 : index
      %get3A_570 = tpu.vector_load %arg15[%get3A_569] {strides = array<i32>} : memref<768xf32, #tpu.memory_space<vmem>>, vector<16xf32>,
      %mul3A_571 = arith.constant 1.562500e-02 : f32
      %mul3A_572 = vector.broadcast %mul3A_571 : f32 to vector<16xf32>
      %mul3A_573 = arith.mulf %get3A_570, %mul3A_572 : vector<16xf32>
      %swap3A_574 = arith.constant 336 : index
      %swap3A_575 = tpu.vector_load %arg15[%swap3A_574] {strides = array<i32>} : memref<768xf32, #tpu.memory_space<vmem>>, vector<16xf32>,
      tpu.vector_store %arg15[%swap3A_574], %mul3A_573 {strides = array<i32>} : memref<768xf32, #tpu.memory_space<vmem>>, vector<16xf32>,
      %get3A_576 = arith.constant 352 : index
      %get3A_577 = tpu.vector_load %arg15[%get3A_576] {strides = array<i32>} : memref<768xf32, #tpu.memory_space<vmem>>, vector<16xf32>,
      %mul3A_578 = arith.constant 1.562500e-02 : f32
      %mul3A_579 = vector.broadcast %mul3A_578 : f32 to vector<16xf32>
      %mul3A_580 = arith.mulf %get3A_577, %mul3A_579 : vector<16xf32>
      %swap3A_581 = arith.constant 352 : index
      %swap3A_582 = tpu.vector_load %arg15[%swap3A_581] {strides = array<i32>} : memref<768xf32, #tpu.memory_space<vmem>>, vector<16xf32>,
      tpu.vector_store %arg15[%swap3A_581], %mul3A_580 {strides = array<i32>} : memref<768xf32, #tpu.memory_space<vmem>>, vector<16xf32>,
      %get3A_583 = arith.constant 368 : index
      %get3A_584 = tpu.vector_load %arg15[%get3A_583] {strides = array<i32>} : memref<768xf32, #tpu.memory_space<vmem>>, vector<16xf32>,
      %mul3A_585 = arith.constant 1.562500e-02 : f32
      %mul3A_586 = vector.broadcast %mul3A_585 : f32 to vector<16xf32>
      %mul3A_587 = arith.mulf %get3A_584, %mul3A_586 : vector<16xf32>
      %swap3A_588 = arith.constant 368 : index
      %swap3A_589 = tpu.vector_load %arg15[%swap3A_588] {strides = array<i32>} : memref<768xf32, #tpu.memory_space<vmem>>, vector<16xf32>,
      tpu.vector_store %arg15[%swap3A_588], %mul3A_587 {strides = array<i32>} : memref<768xf32, #tpu.memory_space<vmem>>, vector<16xf32>,
      %get3A_590 = arith.constant 384 : index
      %get3A_591 = tpu.vector_load %arg15[%get3A_590] {strides = array<i32>} : memref<768xf32, #tpu.memory_space<vmem>>, vector<16xf32>,
      %mul3A_592 = arith.constant 1.562500e-02 : f32
      %mul3A_593 = vector.broadcast %mul3A_592 : f32 to vector<16xf32>
      %mul3A_594 = arith.mulf %get3A_591, %mul3A_593 : vector<16xf32>
      %swap3A_595 = arith.constant 384 : index
      %swap3A_596 = tpu.vector_load %arg15[%swap3A_595] {strides = array<i32>} : memref<768xf32, #tpu.memory_space<vmem>>, vector<16xf32>,
      tpu.vector_store %arg15[%swap3A_595], %mul3A_594 {strides = array<i32>} : memref<768xf32, #tpu.memory_space<vmem>>, vector<16xf32>,
      %get3A_597 = arith.constant 400 : index
      %get3A_598 = tpu.vector_load %arg15[%get3A_597] {strides = array<i32>} : memref<768xf32, #tpu.memory_space<vmem>>, vector<16xf32>,
      %mul3A_599 = arith.constant 1.562500e-02 : f32
      %mul3A_600 = vector.broadcast %mul3A_599 : f32 to vector<16xf32>
      %mul3A_601 = arith.mulf %get3A_598, %mul3A_600 : vector<16xf32>
      %swap3A_602 = arith.constant 400 : index
      %swap3A_603 = tpu.vector_load %arg15[%swap3A_602] {strides = array<i32>} : memref<768xf32, #tpu.memory_space<vmem>>, vector<16xf32>,
      tpu.vector_store %arg15[%swap3A_602], %mul3A_601 {strides = array<i32>} : memref<768xf32, #tpu.memory_space<vmem>>, vector<16xf32>,
      %get3A_604 = arith.constant 416 : index
      %get3A_605 = tpu.vector_load %arg15[%get3A_604] {strides = array<i32>} : memref<768xf32, #tpu.memory_space<vmem>>, vector<16xf32>,
      %mul3A_606 = arith.constant 1.562500e-02 : f32
      %mul3A_607 = vector.broadcast %mul3A_606 : f32 to vector<16xf32>
      %mul3A_608 = arith.mulf %get3A_605, %mul3A_607 : vector<16xf32>
      %swap3A_609 = arith.constant 416 : index
      %swap3A_610 = tpu.vector_load %arg15[%swap3A_609] {strides = array<i32>} : memref<768xf32, #tpu.memory_space<vmem>>, vector<16xf32>,
      tpu.vector_store %arg15[%swap3A_609], %mul3A_608 {strides = array<i32>} : memref<768xf32, #tpu.memory_space<vmem>>, vector<16xf32>,
      %get3A_611 = arith.constant 432 : index
      %get3A_612 = tpu.vector_load %arg15[%get3A_611] {strides = array<i32>} : memref<768xf32, #tpu.memory_space<vmem>>, vector<16xf32>,
      %mul3A_613 = arith.constant 1.562500e-02 : f32
      %mul3A_614 = vector.broadcast %mul3A_613 : f32 to vector<16xf32>
      %mul3A_615 = arith.mulf %get3A_612, %mul3A_614 : vector<16xf32>
      %swap3A_616 = arith.constant 432 : index
      %swap3A_617 = tpu.vector_load %arg15[%swap3A_616] {strides = array<i32>} : memref<768xf32, #tpu.memory_space<vmem>>, vector<16xf32>,
      tpu.vector_store %arg15[%swap3A_616], %mul3A_615 {strides = array<i32>} : memref<768xf32, #tpu.memory_space<vmem>>, vector<16xf32>,
      %get3A_618 = arith.constant 448 : index
      %get3A_619 = tpu.vector_load %arg15[%get3A_618] {strides = array<i32>} : memref<768xf32, #tpu.memory_space<vmem>>, vector<16xf32>,
      %mul3A_620 = arith.constant 1.562500e-02 : f32
      %mul3A_621 = vector.broadcast %mul3A_620 : f32 to vector<16xf32>
      %mul3A_622 = arith.mulf %get3A_619, %mul3A_621 : vector<16xf32>
      %swap3A_623 = arith.constant 448 : index
      %swap3A_624 = tpu.vector_load %arg15[%swap3A_623] {strides = array<i32>} : memref<768xf32, #tpu.memory_space<vmem>>, vector<16xf32>,
      tpu.vector_store %arg15[%swap3A_623], %mul3A_622 {strides = array<i32>} : memref<768xf32, #tpu.memory_space<vmem>>, vector<16xf32>,
      %get3A_625 = arith.constant 464 : index
      %get3A_626 = tpu.vector_load %arg15[%get3A_625] {strides = array<i32>} : memref<768xf32, #tpu.memory_space<vmem>>, vector<16xf32>,
      %mul3A_627 = arith.constant 1.562500e-02 : f32
      %mul3A_628 = vector.broadcast %mul3A_627 : f32 to vector<16xf32>
      %mul3A_629 = arith.mulf %get3A_626, %mul3A_628 : vector<16xf32>
      %swap3A_630 = arith.constant 464 : index
      %swap3A_631 = tpu.vector_load %arg15[%swap3A_630] {strides = array<i32>} : memref<768xf32, #tpu.memory_space<vmem>>, vector<16xf32>,
      tpu.vector_store %arg15[%swap3A_630], %mul3A_629 {strides = array<i32>} : memref<768xf32, #tpu.memory_space<vmem>>, vector<16xf32>,
      %get3A_632 = arith.constant 480 : index
      %get3A_633 = tpu.vector_load %arg15[%get3A_632] {strides = array<i32>} : memref<768xf32, #tpu.memory_space<vmem>>, vector<16xf32>,
      %mul3A_634 = arith.constant 1.562500e-02 : f32
      %mul3A_635 = vector.broadcast %mul3A_634 : f32 to vector<16xf32>
      %mul3A_636 = arith.mulf %get3A_633, %mul3A_635 : vector<16xf32>
      %swap3A_637 = arith.constant 480 : index
      %swap3A_638 = tpu.vector_load %arg15[%swap3A_637] {strides = array<i32>} : memref<768xf32, #tpu.memory_space<vmem>>, vector<16xf32>,
      tpu.vector_store %arg15[%swap3A_637], %mul3A_636 {strides = array<i32>} : memref<768xf32, #tpu.memory_space<vmem>>, vector<16xf32>,
      %get3A_639 = arith.constant 496 : index
      %get3A_640 = tpu.vector_load %arg15[%get3A_639] {strides = array<i32>} : memref<768xf32, #tpu.memory_space<vmem>>, vector<16xf32>,
      %mul3A_641 = arith.constant 1.562500e-02 : f32
      %mul3A_642 = vector.broadcast %mul3A_641 : f32 to vector<16xf32>
      %mul3A_643 = arith.mulf %get3A_640, %mul3A_642 : vector<16xf32>
      %swap3A_644 = arith.constant 496 : index
      %swap3A_645 = tpu.vector_load %arg15[%swap3A_644] {strides = array<i32>} : memref<768xf32, #tpu.memory_space<vmem>>, vector<16xf32>,
      tpu.vector_store %arg15[%swap3A_644], %mul3A_643 {strides = array<i32>} : memref<768xf32, #tpu.memory_space<vmem>>, vector<16xf32>,
      %get3A_646 = arith.constant 512 : index
      %get3A_647 = tpu.vector_load %arg15[%get3A_646] {strides = array<i32>} : memref<768xf32, #tpu.memory_space<vmem>>, vector<16xf32>,
      %mul3A_648 = arith.constant 1.562500e-02 : f32
      %mul3A_649 = vector.broadcast %mul3A_648 : f32 to vector<16xf32>
      %mul3A_650 = arith.mulf %get3A_647, %mul3A_649 : vector<16xf32>
      %swap3A_651 = arith.constant 512 : index
      %swap3A_652 = tpu.vector_load %arg15[%swap3A_651] {strides = array<i32>} : memref<768xf32, #tpu.memory_space<vmem>>, vector<16xf32>,
      tpu.vector_store %arg15[%swap3A_651], %mul3A_650 {strides = array<i32>} : memref<768xf32, #tpu.memory_space<vmem>>, vector<16xf32>,
      %get3A_653 = arith.constant 528 : index
      %get3A_654 = tpu.vector_load %arg15[%get3A_653] {strides = array<i32>} : memref<768xf32, #tpu.memory_space<vmem>>, vector<16xf32>,
      %mul3A_655 = arith.constant 1.562500e-02 : f32
      %mul3A_656 = vector.broadcast %mul3A_655 : f32 to vector<16xf32>
      %mul3A_657 = arith.mulf %get3A_654, %mul3A_656 : vector<16xf32>
      %swap3A_658 = arith.constant 528 : index
      %swap3A_659 = tpu.vector_load %arg15[%swap3A_658] {strides = array<i32>} : memref<768xf32, #tpu.memory_space<vmem>>, vector<16xf32>,
      tpu.vector_store %arg15[%swap3A_658], %mul3A_657 {strides = array<i32>} : memref<768xf32, #tpu.memory_space<vmem>>, vector<16xf32>,
      %get3A_660 = arith.constant 544 : index
      %get3A_661 = tpu.vector_load %arg15[%get3A_660] {strides = array<i32>} : memref<768xf32, #tpu.memory_space<vmem>>, vector<16xf32>,
      %mul3A_662 = arith.constant 1.562500e-02 : f32
      %mul3A_663 = vector.broadcast %mul3A_662 : f32 to vector<16xf32>
      %mul3A_664 = arith.mulf %get3A_661, %mul3A_663 : vector<16xf32>
      %swap3A_665 = arith.constant 544 : index
      %swap3A_666 = tpu.vector_load %arg15[%swap3A_665] {strides = array<i32>} : memref<768xf32, #tpu.memory_space<vmem>>, vector<16xf32>,
      tpu.vector_store %arg15[%swap3A_665], %mul3A_664 {strides = array<i32>} : memref<768xf32, #tpu.memory_space<vmem>>, vector<16xf32>,
      %get3A_667 = arith.constant 560 : index
      %get3A_668 = tpu.vector_load %arg15[%get3A_667] {strides = array<i32>} : memref<768xf32, #tpu.memory_space<vmem>>, vector<16xf32>,
      %mul3A_669 = arith.constant 1.562500e-02 : f32
      %mul3A_670 = vector.broadcast %mul3A_669 : f32 to vector<16xf32>
      %mul3A_671 = arith.mulf %get3A_668, %mul3A_670 : vector<16xf32>
      %swap3A_672 = arith.constant 560 : index
      %swap3A_673 = tpu.vector_load %arg15[%swap3A_672] {strides = array<i32>} : memref<768xf32, #tpu.memory_space<vmem>>, vector<16xf32>,
      tpu.vector_store %arg15[%swap3A_672], %mul3A_671 {strides = array<i32>} : memref<768xf32, #tpu.memory_space<vmem>>, vector<16xf32>,
      %get3A_674 = arith.constant 576 : index
      %get3A_675 = tpu.vector_load %arg15[%get3A_674] {strides = array<i32>} : memref<768xf32, #tpu.memory_space<vmem>>, vector<16xf32>,
      %mul3A_676 = arith.constant 1.562500e-02 : f32
      %mul3A_677 = vector.broadcast %mul3A_676 : f32 to vector<16xf32>
      %mul3A_678 = arith.mulf %get3A_675, %mul3A_677 : vector<16xf32>
      %swap3A_679 = arith.constant 576 : index
      %swap3A_680 = tpu.vector_load %arg15[%swap3A_679] {strides = array<i32>} : memref<768xf32, #tpu.memory_space<vmem>>, vector<16xf32>,
      tpu.vector_store %arg15[%swap3A_679], %mul3A_678 {strides = array<i32>} : memref<768xf32, #tpu.memory_space<vmem>>, vector<16xf32>,
      %get3A_681 = arith.constant 592 : index
      %get3A_682 = tpu.vector_load %arg15[%get3A_681] {strides = array<i32>} : memref<768xf32, #tpu.memory_space<vmem>>, vector<16xf32>,
      %mul3A_683 = arith.constant 1.562500e-02 : f32
      %mul3A_684 = vector.broadcast %mul3A_683 : f32 to vector<16xf32>
      %mul3A_685 = arith.mulf %get3A_682, %mul3A_684 : vector<16xf32>
      %swap3A_686 = arith.constant 592 : index
      %swap3A_687 = tpu.vector_load %arg15[%swap3A_686] {strides = array<i32>} : memref<768xf32, #tpu.memory_space<vmem>>, vector<16xf32>,
      tpu.vector_store %arg15[%swap3A_686], %mul3A_685 {strides = array<i32>} : memref<768xf32, #tpu.memory_space<vmem>>, vector<16xf32>,
      %get3A_688 = arith.constant 608 : index
      %get3A_689 = tpu.vector_load %arg15[%get3A_688] {strides = array<i32>} : memref<768xf32, #tpu.memory_space<vmem>>, vector<16xf32>,
      %mul3A_690 = arith.constant 1.562500e-02 : f32
      %mul3A_691 = vector.broadcast %mul3A_690 : f32 to vector<16xf32>
      %mul3A_692 = arith.mulf %get3A_689, %mul3A_691 : vector<16xf32>
      %swap3A_693 = arith.constant 608 : index
      %swap3A_694 = tpu.vector_load %arg15[%swap3A_693] {strides = array<i32>} : memref<768xf32, #tpu.memory_space<vmem>>, vector<16xf32>,
      tpu.vector_store %arg15[%swap3A_693], %mul3A_692 {strides = array<i32>} : memref<768xf32, #tpu.memory_space<vmem>>, vector<16xf32>,
      %get3A_695 = arith.constant 624 : index
      %get3A_696 = tpu.vector_load %arg15[%get3A_695] {strides = array<i32>} : memref<768xf32, #tpu.memory_space<vmem>>, vector<16xf32>,
      %mul3A_697 = arith.constant 1.562500e-02 : f32
      %mul3A_698 = vector.broadcast %mul3A_697 : f32 to vector<16xf32>
      %mul3A_699 = arith.mulf %get3A_696, %mul3A_698 : vector<16xf32>
      %swap3A_700 = arith.constant 624 : index
      %swap3A_701 = tpu.vector_load %arg15[%swap3A_700] {strides = array<i32>} : memref<768xf32, #tpu.memory_space<vmem>>, vector<16xf32>,
      tpu.vector_store %arg15[%swap3A_700], %mul3A_699 {strides = array<i32>} : memref<768xf32, #tpu.memory_space<vmem>>, vector<16xf32>,
      %get3A_702 = arith.constant 640 : index
      %get3A_703 = tpu.vector_load %arg15[%get3A_702] {strides = array<i32>} : memref<768xf32, #tpu.memory_space<vmem>>, vector<16xf32>,
      %mul3A_704 = arith.constant 1.562500e-02 : f32
      %mul3A_705 = vector.broadcast %mul3A_704 : f32 to vector<16xf32>
      %mul3A_706 = arith.mulf %get3A_703, %mul3A_705 : vector<16xf32>
      %swap3A_707 = arith.constant 640 : index
      %swap3A_708 = tpu.vector_load %arg15[%swap3A_707] {strides = array<i32>} : memref<768xf32, #tpu.memory_space<vmem>>, vector<16xf32>,
      tpu.vector_store %arg15[%swap3A_707], %mul3A_706 {strides = array<i32>} : memref<768xf32, #tpu.memory_space<vmem>>, vector<16xf32>,
      %get3A_709 = arith.constant 656 : index
      %get3A_710 = tpu.vector_load %arg15[%get3A_709] {strides = array<i32>} : memref<768xf32, #tpu.memory_space<vmem>>, vector<16xf32>,
      %mul3A_711 = arith.constant 1.562500e-02 : f32
      %mul3A_712 = vector.broadcast %mul3A_711 : f32 to vector<16xf32>
      %mul3A_713 = arith.mulf %get3A_710, %mul3A_712 : vector<16xf32>
      %swap3A_714 = arith.constant 656 : index
      %swap3A_715 = tpu.vector_load %arg15[%swap3A_714] {strides = array<i32>} : memref<768xf32, #tpu.memory_space<vmem>>, vector<16xf32>,
      tpu.vector_store %arg15[%swap3A_714], %mul3A_713 {strides = array<i32>} : memref<768xf32, #tpu.memory_space<vmem>>, vector<16xf32>,
      %get3A_716 = arith.constant 672 : index
      %get3A_717 = tpu.vector_load %arg15[%get3A_716] {strides = array<i32>} : memref<768xf32, #tpu.memory_space<vmem>>, vector<16xf32>,
      %mul3A_718 = arith.constant 1.562500e-02 : f32
      %mul3A_719 = vector.broadcast %mul3A_718 : f32 to vector<16xf32>
      %mul3A_720 = arith.mulf %get3A_717, %mul3A_719 : vector<16xf32>
      %swap3A_721 = arith.constant 672 : index
      %swap3A_722 = tpu.vector_load %arg15[%swap3A_721] {strides = array<i32>} : memref<768xf32, #tpu.memory_space<vmem>>, vector<16xf32>,
      tpu.vector_store %arg15[%swap3A_721], %mul3A_720 {strides = array<i32>} : memref<768xf32, #tpu.memory_space<vmem>>, vector<16xf32>,
      %get3A_723 = arith.constant 688 : index
      %get3A_724 = tpu.vector_load %arg15[%get3A_723] {strides = array<i32>} : memref<768xf32, #tpu.memory_space<vmem>>, vector<16xf32>,
      %mul3A_725 = arith.constant 1.562500e-02 : f32
      %mul3A_726 = vector.broadcast %mul3A_725 : f32 to vector<16xf32>
      %mul3A_727 = arith.mulf %get3A_724, %mul3A_726 : vector<16xf32>
      %swap3A_728 = arith.constant 688 : index
      %swap3A_729 = tpu.vector_load %arg15[%swap3A_728] {strides = array<i32>} : memref<768xf32, #tpu.memory_space<vmem>>, vector<16xf32>,
      tpu.vector_store %arg15[%swap3A_728], %mul3A_727 {strides = array<i32>} : memref<768xf32, #tpu.memory_space<vmem>>, vector<16xf32>,
      %get3A_730 = arith.constant 704 : index
      %get3A_731 = tpu.vector_load %arg15[%get3A_730] {strides = array<i32>} : memref<768xf32, #tpu.memory_space<vmem>>, vector<16xf32>,
      %mul3A_732 = arith.constant 1.562500e-02 : f32
      %mul3A_733 = vector.broadcast %mul3A_732 : f32 to vector<16xf32>
      %mul3A_734 = arith.mulf %get3A_731, %mul3A_733 : vector<16xf32>
      %swap3A_735 = arith.constant 704 : index
      %swap3A_736 = tpu.vector_load %arg15[%swap3A_735] {strides = array<i32>} : memref<768xf32, #tpu.memory_space<vmem>>, vector<16xf32>,
      tpu.vector_store %arg15[%swap3A_735], %mul3A_734 {strides = array<i32>} : memref<768xf32, #tpu.memory_space<vmem>>, vector<16xf32>,
      %get3A_737 = arith.constant 720 : index
      %get3A_738 = tpu.vector_load %arg15[%get3A_737] {strides = array<i32>} : memref<768xf32, #tpu.memory_space<vmem>>, vector<16xf32>,
      %mul3A_739 = arith.constant 1.562500e-02 : f32
      %mul3A_740 = vector.broadcast %mul3A_739 : f32 to vector<16xf32>
      %mul3A_741 = arith.mulf %get3A_738, %mul3A_740 : vector<16xf32>
      %swap3A_742 = arith.constant 720 : index
      %swap3A_743 = tpu.vector_load %arg15[%swap3A_742] {strides = array<i32>} : memref<768xf32, #tpu.memory_space<vmem>>, vector<16xf32>,
      tpu.vector_store %arg15[%swap3A_742], %mul3A_741 {strides = array<i32>} : memref<768xf32, #tpu.memory_space<vmem>>, vector<16xf32>,
      %get3A_744 = arith.constant 736 : index
      %get3A_745 = tpu.vector_load %arg15[%get3A_744] {strides = array<i32>} : memref<768xf32, #tpu.memory_space<vmem>>, vector<16xf32>,
      %mul3A_746 = arith.constant 1.562500e-02 : f32
      %mul3A_747 = vector.broadcast %mul3A_746 : f32 to vector<16xf32>
      %mul3A_748 = arith.mulf %get3A_745, %mul3A_747 : vector<16xf32>
      %swap3A_749 = arith.constant 736 : index
      %swap3A_750 = tpu.vector_load %arg15[%swap3A_749] {strides = array<i32>} : memref<768xf32, #tpu.memory_space<vmem>>, vector<16xf32>,
      tpu.vector_store %arg15[%swap3A_749], %mul3A_748 {strides = array<i32>} : memref<768xf32, #tpu.memory_space<vmem>>, vector<16xf32>,
      %get3A_751 = arith.constant 752 : index
      %get3A_752 = tpu.vector_load %arg15[%get3A_751] {strides = array<i32>} : memref<768xf32, #tpu.memory_space<vmem>>, vector<16xf32>,
      %mul3A_753 = arith.constant 1.562500e-02 : f32
      %mul3A_754 = vector.broadcast %mul3A_753 : f32 to vector<16xf32>
      %mul3A_755 = arith.mulf %get3A_752, %mul3A_754 : vector<16xf32>
      %swap3A_756 = arith.constant 752 : index
      %swap3A_757 = tpu.vector_load %arg15[%swap3A_756] {strides = array<i32>} : memref<768xf32, #tpu.memory_space<vmem>>, vector<16xf32>,
      tpu.vector_store %arg15[%swap3A_756], %mul3A_755 {strides = array<i32>} : memref<768xf32, #tpu.memory_space<vmem>>, vector<16xf32>,
      "tpu.region"() ({
        %run_scoped3A = tpu.sem_alloc : memref<!tpu.dma_semaphore, #tpu.memory_space<semaphore_mem>>
        %dma_start3A_777 = arith.constant 0 : i32
        %dma_start3A_778 = tpu.memref_slice %arg7[%add3A_11, %dma_start3A_777] : memref<512x768xf32, #tpu.memory_space<hbm>> -> memref<1x768xf32, #tpu.memory_space<hbm>>
        %dma_start3A_779 = tpu.memref_squeeze %dma_start3A_778 : memref<1x768xf32, #tpu.memory_space<hbm>> -> memref<768xf32, #tpu.memory_space<hbm>>
        %dma_start3A_780 = arith.constant 0 : i32
        %dma_start3A_781 = tpu.memref_slice %arg7[%add3A_11, %dma_start3A_780] : memref<512x768xf32, #tpu.memory_space<hbm>> -> memref<1x768xf32, #tpu.memory_space<hbm>>
        %dma_start3A_782 = tpu.memref_squeeze %dma_start3A_781 : memref<1x768xf32, #tpu.memory_space<hbm>> -> memref<768xf32, #tpu.memory_space<hbm>>
        tpu.enqueue_dma source(%arg15 : memref<768xf32, #tpu.memory_space<vmem>>) target(%dma_start3A_782 : memref<768xf32, #tpu.memory_space<hbm>>) target_semaphore(%run_scoped3A : memref<!tpu.dma_semaphore, #tpu.memory_space<semaphore_mem>>)
        %dma_wait3A_783 = arith.constant 0 : i32
        %dma_wait3A_784 = tpu.memref_slice %arg7[%add3A_11, %dma_wait3A_783] : memref<512x768xf32, #tpu.memory_space<hbm>> -> memref<1x768xf32, #tpu.memory_space<hbm>>
        %dma_wait3A_785 = tpu.memref_squeeze %dma_wait3A_784 : memref<1x768xf32, #tpu.memory_space<hbm>> -> memref<768xf32, #tpu.memory_space<hbm>>
        %dma_wait3A_786 = arith.constant 0 : i32
        %dma_wait3A_787 = tpu.memref_slice %arg7[%add3A_11, %dma_wait3A_786] : memref<512x768xf32, #tpu.memory_space<hbm>> -> memref<1x768xf32, #tpu.memory_space<hbm>>
        %dma_wait3A_788 = tpu.memref_squeeze %dma_wait3A_787 : memref<1x768xf32, #tpu.memory_space<hbm>> -> memref<768xf32, #tpu.memory_space<hbm>>
        tpu.wait_dma2 semaphore(%run_scoped3A : memref<!tpu.dma_semaphore, #tpu.memory_space<semaphore_mem>>) src(%arg15 : memref<768xf32, #tpu.memory_space<vmem>>) dst(%dma_wait3A_788 : memref<768xf32, #tpu.memory_space<hbm>>)
        tpu.yield
      }) : () -> ()
      %dma_wait3A_758 = arith.constant 0 : i32
      %dma_wait3A_759 = arith.constant 0 : i32
      %dma_wait3A_760 = tpu.memref_slice %arg6[%dma_wait3A_758, %dma_wait3A_759] : memref<80000x128xf32, #tpu.memory_space<hbm>> -> memref<80000x128xf32, #tpu.memory_space<hbm>>
      tpu.wait_indirect_dma semaphore(%arg20 : memref<!tpu.dma_semaphore, #tpu.memory_space<semaphore_mem>>) src(%dma_wait3A_760 : memref<80000x128xf32, #tpu.memory_space<hbm>>) dst(%arg16 : memref<64x128xf32, #tpu.memory_space<vmem>>)
      %lt3A_761 = arith.constant 3 : i32
      %lt3A_762 = vector.broadcast %lt3A_761 : i32 to vector<16xi32>
      %lt3A_763 = arith.cmpi slt, %iota3A, %lt3A_762 : vector<16xi32>
      %get3A_764 = arith.constant 0 : index
      %get3A_765 = tpu.vector_load %arg18[%get3A_764] {strides = array<i32>} : memref<16xf32, #tpu.memory_space<vmem>>, vector<16xf32>,
      %jit3A_766 = arith.constant 0.000000e+00 : f32
      %broadcast_in_dim3A_767 = vector.broadcast %jit3A_766 : f32 to vector<16xf32>
      %select_n3A_768 = arith.select %lt3A_763, %get3A_765, %broadcast_in_dim3A_767 : vector<16xi1>, vector<16xf32>
      %scan3A_769 = arith.constant 0 : i32
      %scan3A_770 = arith.constant 0 : i32
      %scan3A_771 = arith.constant 64 : i32
      %scan3A_772 = arith.addi %scan3A_770, %scan3A_771 : i32
      %scan3A_773 = arith.constant 1 : i32
      %scan3A_774 = scf.for %scan3A_777 = %scan3A_770 to %scan3A_772 step %scan3A_773 iter_args(%scan3A_778 = %scan3A_769) -> (i32)  : i32 {
        %get3A_779 = arith.index_cast %scan3A_777 : i32 to index
        %get3A_780 = arith.constant 0 : index
        %get3A_781 = tpu.vector_load %arg16[%get3A_779, %get3A_780] {strides = array<i32>} : memref<64x128xf32, #tpu.memory_space<vmem>>, vector<16xf32>,
        %sub3A_782 = arith.subf %get3A_781, %select_n3A_768 : vector<16xf32>
        %swap3A_783 = arith.index_cast %scan3A_777 : i32 to index
        %swap3A_784 = arith.constant 0 : index
        %swap3A_785 = tpu.vector_load %arg17[%swap3A_783, %swap3A_784] {strides = array<i32>} : memref<64x16xf32, #tpu.memory_space<vmem>>, vector<16xf32>,
        tpu.vector_store %arg17[%swap3A_783, %swap3A_784], %sub3A_782 {strides = array<i32>} : memref<64x16xf32, #tpu.memory_space<vmem>>, vector<16xf32>,
        %scan3A_786 = arith.constant 0 : i32
        scf.yield %scan3A_786 : i32
      }
      %scan3A_775 = arith.constant 64 : i32
      "tpu.region"() ({
        %run_scoped3A = tpu.sem_alloc : memref<!tpu.dma_semaphore, #tpu.memory_space<semaphore_mem>>
        %dma_start3A_777 = arith.constant 0 : i32
        %dma_start3A_778 = arith.constant 0 : i32
        %dma_start3A_779 = tpu.memref_slice %arg8[%add3A_11, %dma_start3A_777, %dma_start3A_778] : memref<512x64x16xf32, #tpu.memory_space<hbm>> -> memref<1x64x16xf32, #tpu.memory_space<hbm>>
        %dma_start3A_780 = tpu.memref_squeeze %dma_start3A_779 : memref<1x64x16xf32, #tpu.memory_space<hbm>> -> memref<64x16xf32, #tpu.memory_space<hbm>>
        %dma_start3A_781 = arith.constant 0 : i32
        %dma_start3A_782 = arith.constant 0 : i32
        %dma_start3A_783 = tpu.memref_slice %arg8[%add3A_11, %dma_start3A_781, %dma_start3A_782] : memref<512x64x16xf32, #tpu.memory_space<hbm>> -> memref<1x64x16xf32, #tpu.memory_space<hbm>>
        %dma_start3A_784 = tpu.memref_squeeze %dma_start3A_783 : memref<1x64x16xf32, #tpu.memory_space<hbm>> -> memref<64x16xf32, #tpu.memory_space<hbm>>
        tpu.enqueue_dma source(%arg17 : memref<64x16xf32, #tpu.memory_space<vmem>>) target(%dma_start3A_784 : memref<64x16xf32, #tpu.memory_space<hbm>>) target_semaphore(%run_scoped3A : memref<!tpu.dma_semaphore, #tpu.memory_space<semaphore_mem>>)
        %dma_wait3A_785 = arith.constant 0 : i32
        %dma_wait3A_786 = arith.constant 0 : i32
        %dma_wait3A_787 = tpu.memref_slice %arg8[%add3A_11, %dma_wait3A_785, %dma_wait3A_786] : memref<512x64x16xf32, #tpu.memory_space<hbm>> -> memref<1x64x16xf32, #tpu.memory_space<hbm>>
        %dma_wait3A_788 = tpu.memref_squeeze %dma_wait3A_787 : memref<1x64x16xf32, #tpu.memory_space<hbm>> -> memref<64x16xf32, #tpu.memory_space<hbm>>
        %dma_wait3A_789 = arith.constant 0 : i32
        %dma_wait3A_790 = arith.constant 0 : i32
        %dma_wait3A_791 = tpu.memref_slice %arg8[%add3A_11, %dma_wait3A_789, %dma_wait3A_790] : memref<512x64x16xf32, #tpu.memory_space<hbm>> -> memref<1x64x16xf32, #tpu.memory_space<hbm>>
        %dma_wait3A_792 = tpu.memref_squeeze %dma_wait3A_791 : memref<1x64x16xf32, #tpu.memory_space<hbm>> -> memref<64x16xf32, #tpu.memory_space<hbm>>
        tpu.wait_dma2 semaphore(%run_scoped3A : memref<!tpu.dma_semaphore, #tpu.memory_space<semaphore_mem>>) src(%arg17 : memref<64x16xf32, #tpu.memory_space<vmem>>) dst(%dma_wait3A_792 : memref<64x16xf32, #tpu.memory_space<hbm>>)
        tpu.yield
      }) : () -> ()
      %scan3A_776 = arith.constant 0 : i32
      scf.yield %scan3A_776 : i32
    }
    %scan3A_6 = arith.constant 16 : i32
    return
  }
}

module attributes {stable_mosaic.version = 14 : i64} {
  func.func @_fps_body(%arg0: memref<2x3x320x128xf32, #tpu.memory_space<vmem>>, %arg1: memref<512x128xf32, #tpu.memory_space<vmem>>, %arg2: memref<2x320x128xf32, #tpu.memory_space<vmem>>) attributes {dimension_semantics = [], scalar_prefetch = 0 : i64, scratch_operands = 1 : i64, tpu.core_type = #tpu.core_type<tc>} {
    %iota3A = tpu.iota {dimensions = array<i32: 0>} : vector<320x128xi32>
    %mul3A = arith.constant 128 : i32
    %mul3A_0 = vector.broadcast %mul3A : i32 to vector<320x128xi32>
    %mul3A_1 = arith.muli %iota3A, %mul3A_0 : vector<320x128xi32>
    %iota3A_2 = tpu.iota {dimensions = array<i32: 1>} : vector<320x128xi32>
    %add3A = arith.addi %mul3A_1, %iota3A_2 : vector<320x128xi32>
    %lt3A = arith.constant 40000 : i32
    %lt3A_3 = vector.broadcast %lt3A : i32 to vector<320x128xi32>
    %lt3A_4 = arith.cmpi slt, %add3A, %lt3A_3 : vector<320x128xi32>
    %iota3A_5 = tpu.iota {dimensions = array<i32: 1>} : vector<1x128xi32>
    %jit3A = arith.constant 1.000000e+10 : f32
    %jit3A_6 = arith.constant -1.000000e+00 : f32
    %broadcast_in_dim3A = vector.broadcast %jit3A : f32 to vector<320x128xf32>
    %broadcast_in_dim3A_7 = vector.broadcast %jit3A_6 : f32 to vector<320x128xf32>
    %select_n3A = arith.select %lt3A_4, %broadcast_in_dim3A, %broadcast_in_dim3A_7 : vector<320x128xi1>, vector<320x128xf32>
    %swap3A = arith.constant 0 : index
    %swap3A_8 = arith.constant 0 : index
    %swap3A_9 = arith.constant 0 : index
    %swap3A_10 = vector.load %arg2[%swap3A, %swap3A_8, %swap3A_9] : memref<2x320x128xf32, #tpu.memory_space<vmem>>, vector<1x320x128xf32>
    %swap3A_11 = vector.shape_cast %swap3A_10 : vector<1x320x128xf32> to vector<320x128xf32>
    %swap3A_12 = vector.shape_cast %select_n3A : vector<320x128xf32> to vector<1x320x128xf32>
    tpu.vector_store %arg2[%swap3A, %swap3A_8, %swap3A_9], %swap3A_12 {strides = array<i32>} : memref<2x320x128xf32, #tpu.memory_space<vmem>>, vector<1x320x128xf32>,
    %jit3A_13 = arith.constant 1.000000e+10 : f32
    %jit3A_14 = arith.constant -1.000000e+00 : f32
    %broadcast_in_dim3A_15 = vector.broadcast %jit3A_13 : f32 to vector<320x128xf32>
    %broadcast_in_dim3A_16 = vector.broadcast %jit3A_14 : f32 to vector<320x128xf32>
    %select_n3A_17 = arith.select %lt3A_4, %broadcast_in_dim3A_15, %broadcast_in_dim3A_16 : vector<320x128xi1>, vector<320x128xf32>
    %swap3A_18 = arith.constant 1 : index
    %swap3A_19 = arith.constant 0 : index
    %swap3A_20 = arith.constant 0 : index
    %swap3A_21 = vector.load %arg2[%swap3A_18, %swap3A_19, %swap3A_20] : memref<2x320x128xf32, #tpu.memory_space<vmem>>, vector<1x320x128xf32>
    %swap3A_22 = vector.shape_cast %swap3A_21 : vector<1x320x128xf32> to vector<320x128xf32>
    %swap3A_23 = vector.shape_cast %select_n3A_17 : vector<320x128xf32> to vector<1x320x128xf32>
    tpu.vector_store %arg2[%swap3A_18, %swap3A_19, %swap3A_20], %swap3A_23 {strides = array<i32>} : memref<2x320x128xf32, #tpu.memory_space<vmem>>, vector<1x320x128xf32>,
    %scan3A = arith.constant 0 : i32
    %scan3A_24 = arith.constant 0 : i32
    %scan3A_25 = arith.constant 0 : i32
    %scan3A_26 = arith.constant 256 : i32
    %scan3A_27 = arith.addi %scan3A_25, %scan3A_26 : i32
    %scan3A_28 = arith.constant 1 : i32
    %scan3A_29:2 = scf.for %scan3A_31 = %scan3A_25 to %scan3A_27 step %scan3A_28 iter_args(%scan3A_32 = %scan3A, %scan3A_33 = %scan3A_24) -> (i32, i32)  : i32 {
      %jit3A_34 = arith.constant 128 : i32
      %div3A = arith.divsi %scan3A_32, %jit3A_34 : i32
      %sign3A = arith.constant 0 : i32
      %sign3A_35 = arith.cmpi sgt, %scan3A_32, %sign3A : i32
      %sign3A_36 = arith.extui %sign3A_35 : i1 to i32
      %sign3A_37 = arith.constant 0 : i32
      %sign3A_38 = arith.cmpi slt, %scan3A_32, %sign3A_37 : i32
      %sign3A_39 = arith.extui %sign3A_38 : i1 to i32
      %sign3A_40 = arith.subi %sign3A_36, %sign3A_39 : i32
      %sign3A_41 = arith.constant 0 : i32
      %sign3A_42 = arith.cmpi sgt, %jit3A_34, %sign3A_41 : i32
      %sign3A_43 = arith.extui %sign3A_42 : i1 to i32
      %sign3A_44 = arith.constant 0 : i32
      %sign3A_45 = arith.cmpi slt, %jit3A_34, %sign3A_44 : i32
      %sign3A_46 = arith.extui %sign3A_45 : i1 to i32
      %sign3A_47 = arith.subi %sign3A_43, %sign3A_46 : i32
      %ne3A = arith.cmpi ne, %sign3A_40, %sign3A_47 : i32
      %rem3A = arith.remsi %scan3A_32, %jit3A_34 : i32
      %ne3A_48 = arith.constant 0 : i32
      %ne3A_49 = arith.cmpi ne, %rem3A, %ne3A_48 : i32
      %and3A = arith.andi %ne3A, %ne3A_49 : i1
      %sub3A = arith.constant 1 : i32
      %sub3A_50 = arith.subi %div3A, %sub3A : i32
      %select_n3A_51 = arith.select %and3A, %sub3A_50, %div3A : i32
      %mul3A_52 = arith.constant 128 : i32
      %mul3A_53 = arith.muli %select_n3A_51, %mul3A_52 : i32
      %sub3A_54 = arith.subi %scan3A_32, %mul3A_53 : i32
      %get3A = arith.constant 0 : index
      %get3A_55 = arith.constant 0 : index
      %get3A_56 = arith.index_cast %select_n3A_51 : i32 to index
      %get3A_57 = arith.constant 0 : index
      %get3A_58 = vector.load %arg0[%get3A, %get3A_55, %get3A_56, %get3A_57] : memref<2x3x320x128xf32, #tpu.memory_space<vmem>>, vector<1x1x1x128xf32>
      %get3A_59 = vector.shape_cast %get3A_58 : vector<1x1x1x128xf32> to vector<1x128xf32>
      %get3A_60 = arith.constant 0 : index
      %get3A_61 = arith.constant 1 : index
      %get3A_62 = arith.index_cast %select_n3A_51 : i32 to index
      %get3A_63 = arith.constant 0 : index
      %get3A_64 = vector.load %arg0[%get3A_60, %get3A_61, %get3A_62, %get3A_63] : memref<2x3x320x128xf32, #tpu.memory_space<vmem>>, vector<1x1x1x128xf32>
      %get3A_65 = vector.shape_cast %get3A_64 : vector<1x1x1x128xf32> to vector<1x128xf32>
      %get3A_66 = arith.constant 0 : index
      %get3A_67 = arith.constant 2 : index
      %get3A_68 = arith.index_cast %select_n3A_51 : i32 to index
      %get3A_69 = arith.constant 0 : index
      %get3A_70 = vector.load %arg0[%get3A_66, %get3A_67, %get3A_68, %get3A_69] : memref<2x3x320x128xf32, #tpu.memory_space<vmem>>, vector<1x1x1x128xf32>
      %get3A_71 = vector.shape_cast %get3A_70 : vector<1x1x1x128xf32> to vector<1x128xf32>
      %eq3A = vector.broadcast %sub3A_54 : i32 to vector<1x128xi32>
      %eq3A_72 = arith.cmpi eq, %iota3A_5, %eq3A : vector<1x128xi32>
      %jit3A_73 = arith.constant 0.000000e+00 : f32
      %broadcast_in_dim3A_74 = vector.broadcast %jit3A_73 : f32 to vector<1x128xf32>
      %select_n3A_75 = arith.select %eq3A_72, %get3A_59, %broadcast_in_dim3A_74 : vector<1x128xi1>, vector<1x128xf32>
      %reduce_sum3A = vector.shape_cast %select_n3A_75 : vector<1x128xf32> to vector<1x1x128xf32>
      %reduce_sum3A_76 = arith.constant dense<0.000000e+00> : vector<1xf32>
      %reduce_sum3A_77 = vector.multi_reduction <add>, %reduce_sum3A, %reduce_sum3A_76 [1, 2] : vector<1x1x128xf32> to vector<1xf32>
      %reduce_sum3A_78 = vector.shape_cast %reduce_sum3A_77 : vector<1xf32> to vector<1x1x1xf32>
      %reduce_sum3A_79 = vector.extract %reduce_sum3A_78[0, 0, 0] : f32 from vector<1x1x1xf32>
      %jit3A_80 = arith.constant 0.000000e+00 : f32
      %broadcast_in_dim3A_81 = vector.broadcast %jit3A_80 : f32 to vector<1x128xf32>
      %select_n3A_82 = arith.select %eq3A_72, %get3A_65, %broadcast_in_dim3A_81 : vector<1x128xi1>, vector<1x128xf32>
      %reduce_sum3A_83 = vector.shape_cast %select_n3A_82 : vector<1x128xf32> to vector<1x1x128xf32>
      %reduce_sum3A_84 = arith.constant dense<0.000000e+00> : vector<1xf32>
      %reduce_sum3A_85 = vector.multi_reduction <add>, %reduce_sum3A_83, %reduce_sum3A_84 [1, 2] : vector<1x1x128xf32> to vector<1xf32>
      %reduce_sum3A_86 = vector.shape_cast %reduce_sum3A_85 : vector<1xf32> to vector<1x1x1xf32>
      %reduce_sum3A_87 = vector.extract %reduce_sum3A_86[0, 0, 0] : f32 from vector<1x1x1xf32>
      %jit3A_88 = arith.constant 0.000000e+00 : f32
      %broadcast_in_dim3A_89 = vector.broadcast %jit3A_88 : f32 to vector<1x128xf32>
      %select_n3A_90 = arith.select %eq3A_72, %get3A_71, %broadcast_in_dim3A_89 : vector<1x128xi1>, vector<1x128xf32>
      %reduce_sum3A_91 = vector.shape_cast %select_n3A_90 : vector<1x128xf32> to vector<1x1x128xf32>
      %reduce_sum3A_92 = arith.constant dense<0.000000e+00> : vector<1xf32>
      %reduce_sum3A_93 = vector.multi_reduction <add>, %reduce_sum3A_91, %reduce_sum3A_92 [1, 2] : vector<1x1x128xf32> to vector<1xf32>
      %reduce_sum3A_94 = vector.shape_cast %reduce_sum3A_93 : vector<1xf32> to vector<1x1x1xf32>
      %reduce_sum3A_95 = vector.extract %reduce_sum3A_94[0, 0, 0] : f32 from vector<1x1x1xf32>
      %mul3A_96 = arith.mulf %reduce_sum3A_79, %reduce_sum3A_79 : f32
      %mul3A_97 = arith.mulf %reduce_sum3A_87, %reduce_sum3A_87 : f32
      %add3A_98 = arith.addf %mul3A_96, %mul3A_97 : f32
      %mul3A_99 = arith.mulf %reduce_sum3A_95, %reduce_sum3A_95 : f32
      %add3A_100 = arith.addf %add3A_98, %mul3A_99 : f32
      %eq3A_101 = arith.constant 0 : i32
      %eq3A_102 = vector.broadcast %eq3A_101 : i32 to vector<1x128xi32>
      %eq3A_103 = arith.cmpi eq, %iota3A_5, %eq3A_102 : vector<1x128xi32>
      %eq3A_104 = arith.constant 1 : i32
      %eq3A_105 = vector.broadcast %eq3A_104 : i32 to vector<1x128xi32>
      %eq3A_106 = arith.cmpi eq, %iota3A_5, %eq3A_105 : vector<1x128xi32>
      %eq3A_107 = arith.constant 2 : i32
      %eq3A_108 = vector.broadcast %eq3A_107 : i32 to vector<1x128xi32>
      %eq3A_109 = arith.cmpi eq, %iota3A_5, %eq3A_108 : vector<1x128xi32>
      %eq3A_110 = arith.constant 3 : i32
      %eq3A_111 = vector.broadcast %eq3A_110 : i32 to vector<1x128xi32>
      %eq3A_112 = arith.cmpi eq, %iota3A_5, %eq3A_111 : vector<1x128xi32>
      %jit3A_113 = arith.constant 0.000000e+00 : f32
      %broadcast_in_dim3A_114 = vector.broadcast %add3A_100 : f32 to vector<1x128xf32>
      %broadcast_in_dim3A_115 = vector.broadcast %jit3A_113 : f32 to vector<1x128xf32>
      %select_n3A_116 = arith.select %eq3A_112, %broadcast_in_dim3A_114, %broadcast_in_dim3A_115 : vector<1x128xi1>, vector<1x128xf32>
      %broadcast_in_dim3A_117 = vector.broadcast %reduce_sum3A_95 : f32 to vector<1x128xf32>
      %select_n3A_118 = arith.select %eq3A_109, %broadcast_in_dim3A_117, %select_n3A_116 : vector<1x128xi1>, vector<1x128xf32>
      %broadcast_in_dim3A_119 = vector.broadcast %reduce_sum3A_87 : f32 to vector<1x128xf32>
      %select_n3A_120 = arith.select %eq3A_106, %broadcast_in_dim3A_119, %select_n3A_118 : vector<1x128xi1>, vector<1x128xf32>
      %broadcast_in_dim3A_121 = vector.broadcast %reduce_sum3A_79 : f32 to vector<1x128xf32>
      %select_n3A_122 = arith.select %eq3A_103, %broadcast_in_dim3A_121, %select_n3A_120 : vector<1x128xi1>, vector<1x128xf32>
      %add3A_123 = arith.constant 0 : i32
      %add3A_124 = arith.addi %add3A_123, %scan3A_31 : i32
      %swap3A_125 = arith.index_cast %add3A_124 : i32 to index
      %swap3A_126 = arith.constant 0 : index
      %swap3A_127 = vector.load %arg1[%swap3A_125, %swap3A_126] : memref<512x128xf32, #tpu.memory_space<vmem>>, vector<1x128xf32>
      tpu.vector_store %arg1[%swap3A_125, %swap3A_126], %select_n3A_122 {strides = array<i32>} : memref<512x128xf32, #tpu.memory_space<vmem>>, vector<1x128xf32>,
      %get3A_128 = arith.constant 0 : index
      %get3A_129 = arith.constant 0 : index
      %get3A_130 = arith.constant 0 : index
      %get3A_131 = arith.constant 0 : index
      %get3A_132 = vector.load %arg0[%get3A_128, %get3A_129, %get3A_130, %get3A_131] : memref<2x3x320x128xf32, #tpu.memory_space<vmem>>, vector<1x1x320x128xf32>
      %get3A_133 = vector.shape_cast %get3A_132 : vector<1x1x320x128xf32> to vector<320x128xf32>
      %sub3A_134 = vector.broadcast %reduce_sum3A_79 : f32 to vector<320x128xf32>
      %sub3A_135 = arith.subf %get3A_133, %sub3A_134 : vector<320x128xf32>
      %get3A_136 = arith.constant 0 : index
      %get3A_137 = arith.constant 1 : index
      %get3A_138 = arith.constant 0 : index
      %get3A_139 = arith.constant 0 : index
      %get3A_140 = vector.load %arg0[%get3A_136, %get3A_137, %get3A_138, %get3A_139] : memref<2x3x320x128xf32, #tpu.memory_space<vmem>>, vector<1x1x320x128xf32>
      %get3A_141 = vector.shape_cast %get3A_140 : vector<1x1x320x128xf32> to vector<320x128xf32>
      %sub3A_142 = vector.broadcast %reduce_sum3A_87 : f32 to vector<320x128xf32>
      %sub3A_143 = arith.subf %get3A_141, %sub3A_142 : vector<320x128xf32>
      %get3A_144 = arith.constant 0 : index
      %get3A_145 = arith.constant 2 : index
      %get3A_146 = arith.constant 0 : index
      %get3A_147 = arith.constant 0 : index
      %get3A_148 = vector.load %arg0[%get3A_144, %get3A_145, %get3A_146, %get3A_147] : memref<2x3x320x128xf32, #tpu.memory_space<vmem>>, vector<1x1x320x128xf32>
      %get3A_149 = vector.shape_cast %get3A_148 : vector<1x1x320x128xf32> to vector<320x128xf32>
      %sub3A_150 = vector.broadcast %reduce_sum3A_95 : f32 to vector<320x128xf32>
      %sub3A_151 = arith.subf %get3A_149, %sub3A_150 : vector<320x128xf32>
      %mul3A_152 = arith.mulf %sub3A_135, %sub3A_135 : vector<320x128xf32>
      %mul3A_153 = arith.mulf %sub3A_143, %sub3A_143 : vector<320x128xf32>
      %add3A_154 = arith.addf %mul3A_152, %mul3A_153 : vector<320x128xf32>
      %mul3A_155 = arith.mulf %sub3A_151, %sub3A_151 : vector<320x128xf32>
      %add3A_156 = arith.addf %add3A_154, %mul3A_155 : vector<320x128xf32>
      %get3A_157 = arith.constant 0 : index
      %get3A_158 = arith.constant 0 : index
      %get3A_159 = arith.constant 0 : index
      %get3A_160 = vector.load %arg2[%get3A_157, %get3A_158, %get3A_159] : memref<2x320x128xf32, #tpu.memory_space<vmem>>, vector<1x320x128xf32>
      %get3A_161 = vector.shape_cast %get3A_160 : vector<1x320x128xf32> to vector<320x128xf32>
      %min3A = arith.minimumf %get3A_161, %add3A_156 : vector<320x128xf32>
      %swap3A_162 = arith.constant 0 : index
      %swap3A_163 = arith.constant 0 : index
      %swap3A_164 = arith.constant 0 : index
      %swap3A_165 = vector.load %arg2[%swap3A_162, %swap3A_163, %swap3A_164] : memref<2x320x128xf32, #tpu.memory_space<vmem>>, vector<1x320x128xf32>
      %swap3A_166 = vector.shape_cast %swap3A_165 : vector<1x320x128xf32> to vector<320x128xf32>
      %swap3A_167 = vector.shape_cast %min3A : vector<320x128xf32> to vector<1x320x128xf32>
      tpu.vector_store %arg2[%swap3A_162, %swap3A_163, %swap3A_164], %swap3A_167 {strides = array<i32>} : memref<2x320x128xf32, #tpu.memory_space<vmem>>, vector<1x320x128xf32>,
      %reduce_max3A = arith.constant dense<0xFF800000> : vector<128xf32>
      %reduce_max3A_168 = vector.multi_reduction <maximumf>, %min3A, %reduce_max3A [0] : vector<320x128xf32> to vector<128xf32>
      %broadcast_in_dim3A_169 = vector.shape_cast %reduce_max3A_168 : vector<128xf32> to vector<1x128xf32>
      %reduce_max3A_170 = vector.shape_cast %broadcast_in_dim3A_169 : vector<1x128xf32> to vector<1x1x128xf32>
      %reduce_max3A_171 = arith.constant dense<0xFF800000> : vector<1xf32>
      %reduce_max3A_172 = vector.multi_reduction <maximumf>, %reduce_max3A_170, %reduce_max3A_171 [1, 2] : vector<1x1x128xf32> to vector<1xf32>
      %reduce_max3A_173 = vector.shape_cast %reduce_max3A_172 : vector<1xf32> to vector<1x1x1xf32>
      %reduce_max3A_174 = vector.extract %reduce_max3A_173[0, 0, 0] : f32 from vector<1x1x1xf32>
      %eq3A_175 = vector.broadcast %reduce_max3A_174 : f32 to vector<320x128xf32>
      %eq3A_176 = arith.cmpf oeq, %min3A, %eq3A_175 : vector<320x128xf32>
      %jit3A_177 = arith.constant 1073741824 : i32
      %broadcast_in_dim3A_178 = vector.broadcast %jit3A_177 : i32 to vector<320x128xi32>
      %select_n3A_179 = arith.select %eq3A_176, %add3A, %broadcast_in_dim3A_178 : vector<320x128xi1>, vector<320x128xi32>
      %reduce_min3A = vector.shape_cast %select_n3A_179 : vector<320x128xi32> to vector<1x320x128xi32>
      %reduce_min3A_180 = arith.constant dense<2147483647> : vector<1xi32>
      %reduce_min3A_181 = vector.multi_reduction <minsi>, %reduce_min3A, %reduce_min3A_180 [1, 2] : vector<1x320x128xi32> to vector<1xi32>
      %reduce_min3A_182 = vector.shape_cast %reduce_min3A_181 : vector<1xi32> to vector<1x1x1xi32>
      %reduce_min3A_183 = vector.extract %reduce_min3A_182[0, 0, 0] : i32 from vector<1x1x1xi32>
      %jit3A_184 = arith.constant 128 : i32
      %div3A_185 = arith.divsi %scan3A_33, %jit3A_184 : i32
      %sign3A_186 = arith.constant 0 : i32
      %sign3A_187 = arith.cmpi sgt, %scan3A_33, %sign3A_186 : i32
      %sign3A_188 = arith.extui %sign3A_187 : i1 to i32
      %sign3A_189 = arith.constant 0 : i32
      %sign3A_190 = arith.cmpi slt, %scan3A_33, %sign3A_189 : i32
      %sign3A_191 = arith.extui %sign3A_190 : i1 to i32
      %sign3A_192 = arith.subi %sign3A_188, %sign3A_191 : i32
      %sign3A_193 = arith.constant 0 : i32
      %sign3A_194 = arith.cmpi sgt, %jit3A_184, %sign3A_193 : i32
      %sign3A_195 = arith.extui %sign3A_194 : i1 to i32
      %sign3A_196 = arith.constant 0 : i32
      %sign3A_197 = arith.cmpi slt, %jit3A_184, %sign3A_196 : i32
      %sign3A_198 = arith.extui %sign3A_197 : i1 to i32
      %sign3A_199 = arith.subi %sign3A_195, %sign3A_198 : i32
      %ne3A_200 = arith.cmpi ne, %sign3A_192, %sign3A_199 : i32
      %rem3A_201 = arith.remsi %scan3A_33, %jit3A_184 : i32
      %ne3A_202 = arith.constant 0 : i32
      %ne3A_203 = arith.cmpi ne, %rem3A_201, %ne3A_202 : i32
      %and3A_204 = arith.andi %ne3A_200, %ne3A_203 : i1
      %sub3A_205 = arith.constant 1 : i32
      %sub3A_206 = arith.subi %div3A_185, %sub3A_205 : i32
      %select_n3A_207 = arith.select %and3A_204, %sub3A_206, %div3A_185 : i32
      %mul3A_208 = arith.constant 128 : i32
      %mul3A_209 = arith.muli %select_n3A_207, %mul3A_208 : i32
      %sub3A_210 = arith.subi %scan3A_33, %mul3A_209 : i32
      %get3A_211 = arith.constant 1 : index
      %get3A_212 = arith.constant 0 : index
      %get3A_213 = arith.index_cast %select_n3A_207 : i32 to index
      %get3A_214 = arith.constant 0 : index
      %get3A_215 = vector.load %arg0[%get3A_211, %get3A_212, %get3A_213, %get3A_214] : memref<2x3x320x128xf32, #tpu.memory_space<vmem>>, vector<1x1x1x128xf32>
      %get3A_216 = vector.shape_cast %get3A_215 : vector<1x1x1x128xf32> to vector<1x128xf32>
      %get3A_217 = arith.constant 1 : index
      %get3A_218 = arith.constant 1 : index
      %get3A_219 = arith.index_cast %select_n3A_207 : i32 to index
      %get3A_220 = arith.constant 0 : index
      %get3A_221 = vector.load %arg0[%get3A_217, %get3A_218, %get3A_219, %get3A_220] : memref<2x3x320x128xf32, #tpu.memory_space<vmem>>, vector<1x1x1x128xf32>
      %get3A_222 = vector.shape_cast %get3A_221 : vector<1x1x1x128xf32> to vector<1x128xf32>
      %get3A_223 = arith.constant 1 : index
      %get3A_224 = arith.constant 2 : index
      %get3A_225 = arith.index_cast %select_n3A_207 : i32 to index
      %get3A_226 = arith.constant 0 : index
      %get3A_227 = vector.load %arg0[%get3A_223, %get3A_224, %get3A_225, %get3A_226] : memref<2x3x320x128xf32, #tpu.memory_space<vmem>>, vector<1x1x1x128xf32>
      %get3A_228 = vector.shape_cast %get3A_227 : vector<1x1x1x128xf32> to vector<1x128xf32>
      %eq3A_229 = vector.broadcast %sub3A_210 : i32 to vector<1x128xi32>
      %eq3A_230 = arith.cmpi eq, %iota3A_5, %eq3A_229 : vector<1x128xi32>
      %jit3A_231 = arith.constant 0.000000e+00 : f32
      %broadcast_in_dim3A_232 = vector.broadcast %jit3A_231 : f32 to vector<1x128xf32>
      %select_n3A_233 = arith.select %eq3A_230, %get3A_216, %broadcast_in_dim3A_232 : vector<1x128xi1>, vector<1x128xf32>
      %reduce_sum3A_234 = vector.shape_cast %select_n3A_233 : vector<1x128xf32> to vector<1x1x128xf32>
      %reduce_sum3A_235 = arith.constant dense<0.000000e+00> : vector<1xf32>
      %reduce_sum3A_236 = vector.multi_reduction <add>, %reduce_sum3A_234, %reduce_sum3A_235 [1, 2] : vector<1x1x128xf32> to vector<1xf32>
      %reduce_sum3A_237 = vector.shape_cast %reduce_sum3A_236 : vector<1xf32> to vector<1x1x1xf32>
      %reduce_sum3A_238 = vector.extract %reduce_sum3A_237[0, 0, 0] : f32 from vector<1x1x1xf32>
      %jit3A_239 = arith.constant 0.000000e+00 : f32
      %broadcast_in_dim3A_240 = vector.broadcast %jit3A_239 : f32 to vector<1x128xf32>
      %select_n3A_241 = arith.select %eq3A_230, %get3A_222, %broadcast_in_dim3A_240 : vector<1x128xi1>, vector<1x128xf32>
      %reduce_sum3A_242 = vector.shape_cast %select_n3A_241 : vector<1x128xf32> to vector<1x1x128xf32>
      %reduce_sum3A_243 = arith.constant dense<0.000000e+00> : vector<1xf32>
      %reduce_sum3A_244 = vector.multi_reduction <add>, %reduce_sum3A_242, %reduce_sum3A_243 [1, 2] : vector<1x1x128xf32> to vector<1xf32>
      %reduce_sum3A_245 = vector.shape_cast %reduce_sum3A_244 : vector<1xf32> to vector<1x1x1xf32>
      %reduce_sum3A_246 = vector.extract %reduce_sum3A_245[0, 0, 0] : f32 from vector<1x1x1xf32>
      %jit3A_247 = arith.constant 0.000000e+00 : f32
      %broadcast_in_dim3A_248 = vector.broadcast %jit3A_247 : f32 to vector<1x128xf32>
      %select_n3A_249 = arith.select %eq3A_230, %get3A_228, %broadcast_in_dim3A_248 : vector<1x128xi1>, vector<1x128xf32>
      %reduce_sum3A_250 = vector.shape_cast %select_n3A_249 : vector<1x128xf32> to vector<1x1x128xf32>
      %reduce_sum3A_251 = arith.constant dense<0.000000e+00> : vector<1xf32>
      %reduce_sum3A_252 = vector.multi_reduction <add>, %reduce_sum3A_250, %reduce_sum3A_251 [1, 2] : vector<1x1x128xf32> to vector<1xf32>
      %reduce_sum3A_253 = vector.shape_cast %reduce_sum3A_252 : vector<1xf32> to vector<1x1x1xf32>
      %reduce_sum3A_254 = vector.extract %reduce_sum3A_253[0, 0, 0] : f32 from vector<1x1x1xf32>
      %mul3A_255 = arith.mulf %reduce_sum3A_238, %reduce_sum3A_238 : f32
      %mul3A_256 = arith.mulf %reduce_sum3A_246, %reduce_sum3A_246 : f32
      %add3A_257 = arith.addf %mul3A_255, %mul3A_256 : f32
      %mul3A_258 = arith.mulf %reduce_sum3A_254, %reduce_sum3A_254 : f32
      %add3A_259 = arith.addf %add3A_257, %mul3A_258 : f32
      %eq3A_260 = arith.constant 0 : i32
      %eq3A_261 = vector.broadcast %eq3A_260 : i32 to vector<1x128xi32>
      %eq3A_262 = arith.cmpi eq, %iota3A_5, %eq3A_261 : vector<1x128xi32>
      %eq3A_263 = arith.constant 1 : i32
      %eq3A_264 = vector.broadcast %eq3A_263 : i32 to vector<1x128xi32>
      %eq3A_265 = arith.cmpi eq, %iota3A_5, %eq3A_264 : vector<1x128xi32>
      %eq3A_266 = arith.constant 2 : i32
      %eq3A_267 = vector.broadcast %eq3A_266 : i32 to vector<1x128xi32>
      %eq3A_268 = arith.cmpi eq, %iota3A_5, %eq3A_267 : vector<1x128xi32>
      %eq3A_269 = arith.constant 3 : i32
      %eq3A_270 = vector.broadcast %eq3A_269 : i32 to vector<1x128xi32>
      %eq3A_271 = arith.cmpi eq, %iota3A_5, %eq3A_270 : vector<1x128xi32>
      %jit3A_272 = arith.constant 0.000000e+00 : f32
      %broadcast_in_dim3A_273 = vector.broadcast %add3A_259 : f32 to vector<1x128xf32>
      %broadcast_in_dim3A_274 = vector.broadcast %jit3A_272 : f32 to vector<1x128xf32>
      %select_n3A_275 = arith.select %eq3A_271, %broadcast_in_dim3A_273, %broadcast_in_dim3A_274 : vector<1x128xi1>, vector<1x128xf32>
      %broadcast_in_dim3A_276 = vector.broadcast %reduce_sum3A_254 : f32 to vector<1x128xf32>
      %select_n3A_277 = arith.select %eq3A_268, %broadcast_in_dim3A_276, %select_n3A_275 : vector<1x128xi1>, vector<1x128xf32>
      %broadcast_in_dim3A_278 = vector.broadcast %reduce_sum3A_246 : f32 to vector<1x128xf32>
      %select_n3A_279 = arith.select %eq3A_265, %broadcast_in_dim3A_278, %select_n3A_277 : vector<1x128xi1>, vector<1x128xf32>
      %broadcast_in_dim3A_280 = vector.broadcast %reduce_sum3A_238 : f32 to vector<1x128xf32>
      %select_n3A_281 = arith.select %eq3A_262, %broadcast_in_dim3A_280, %select_n3A_279 : vector<1x128xi1>, vector<1x128xf32>
      %add3A_282 = arith.constant 256 : i32
      %add3A_283 = arith.addi %add3A_282, %scan3A_31 : i32
      %swap3A_284 = arith.index_cast %add3A_283 : i32 to index
      %swap3A_285 = arith.constant 0 : index
      %swap3A_286 = vector.load %arg1[%swap3A_284, %swap3A_285] : memref<512x128xf32, #tpu.memory_space<vmem>>, vector<1x128xf32>
      tpu.vector_store %arg1[%swap3A_284, %swap3A_285], %select_n3A_281 {strides = array<i32>} : memref<512x128xf32, #tpu.memory_space<vmem>>, vector<1x128xf32>,
      %get3A_287 = arith.constant 1 : index
      %get3A_288 = arith.constant 0 : index
      %get3A_289 = arith.constant 0 : index
      %get3A_290 = arith.constant 0 : index
      %get3A_291 = vector.load %arg0[%get3A_287, %get3A_288, %get3A_289, %get3A_290] : memref<2x3x320x128xf32, #tpu.memory_space<vmem>>, vector<1x1x320x128xf32>
      %get3A_292 = vector.shape_cast %get3A_291 : vector<1x1x320x128xf32> to vector<320x128xf32>
      %sub3A_293 = vector.broadcast %reduce_sum3A_238 : f32 to vector<320x128xf32>
      %sub3A_294 = arith.subf %get3A_292, %sub3A_293 : vector<320x128xf32>
      %get3A_295 = arith.constant 1 : index
      %get3A_296 = arith.constant 1 : index
      %get3A_297 = arith.constant 0 : index
      %get3A_298 = arith.constant 0 : index
      %get3A_299 = vector.load %arg0[%get3A_295, %get3A_296, %get3A_297, %get3A_298] : memref<2x3x320x128xf32, #tpu.memory_space<vmem>>, vector<1x1x320x128xf32>
      %get3A_300 = vector.shape_cast %get3A_299 : vector<1x1x320x128xf32> to vector<320x128xf32>
      %sub3A_301 = vector.broadcast %reduce_sum3A_246 : f32 to vector<320x128xf32>
      %sub3A_302 = arith.subf %get3A_300, %sub3A_301 : vector<320x128xf32>
      %get3A_303 = arith.constant 1 : index
      %get3A_304 = arith.constant 2 : index
      %get3A_305 = arith.constant 0 : index
      %get3A_306 = arith.constant 0 : index
      %get3A_307 = vector.load %arg0[%get3A_303, %get3A_304, %get3A_305, %get3A_306] : memref<2x3x320x128xf32, #tpu.memory_space<vmem>>, vector<1x1x320x128xf32>
      %get3A_308 = vector.shape_cast %get3A_307 : vector<1x1x320x128xf32> to vector<320x128xf32>
      %sub3A_309 = vector.broadcast %reduce_sum3A_254 : f32 to vector<320x128xf32>
      %sub3A_310 = arith.subf %get3A_308, %sub3A_309 : vector<320x128xf32>
      %mul3A_311 = arith.mulf %sub3A_294, %sub3A_294 : vector<320x128xf32>
      %mul3A_312 = arith.mulf %sub3A_302, %sub3A_302 : vector<320x128xf32>
      %add3A_313 = arith.addf %mul3A_311, %mul3A_312 : vector<320x128xf32>
      %mul3A_314 = arith.mulf %sub3A_310, %sub3A_310 : vector<320x128xf32>
      %add3A_315 = arith.addf %add3A_313, %mul3A_314 : vector<320x128xf32>
      %get3A_316 = arith.constant 1 : index
      %get3A_317 = arith.constant 0 : index
      %get3A_318 = arith.constant 0 : index
      %get3A_319 = vector.load %arg2[%get3A_316, %get3A_317, %get3A_318] : memref<2x320x128xf32, #tpu.memory_space<vmem>>, vector<1x320x128xf32>
      %get3A_320 = vector.shape_cast %get3A_319 : vector<1x320x128xf32> to vector<320x128xf32>
      %min3A_321 = arith.minimumf %get3A_320, %add3A_315 : vector<320x128xf32>
      %swap3A_322 = arith.constant 1 : index
      %swap3A_323 = arith.constant 0 : index
      %swap3A_324 = arith.constant 0 : index
      %swap3A_325 = vector.load %arg2[%swap3A_322, %swap3A_323, %swap3A_324] : memref<2x320x128xf32, #tpu.memory_space<vmem>>, vector<1x320x128xf32>
      %swap3A_326 = vector.shape_cast %swap3A_325 : vector<1x320x128xf32> to vector<320x128xf32>
      %swap3A_327 = vector.shape_cast %min3A_321 : vector<320x128xf32> to vector<1x320x128xf32>
      tpu.vector_store %arg2[%swap3A_322, %swap3A_323, %swap3A_324], %swap3A_327 {strides = array<i32>} : memref<2x320x128xf32, #tpu.memory_space<vmem>>, vector<1x320x128xf32>,
      %reduce_max3A_328 = arith.constant dense<0xFF800000> : vector<128xf32>
      %reduce_max3A_329 = vector.multi_reduction <maximumf>, %min3A_321, %reduce_max3A_328 [0] : vector<320x128xf32> to vector<128xf32>
      %broadcast_in_dim3A_330 = vector.shape_cast %reduce_max3A_329 : vector<128xf32> to vector<1x128xf32>
      %reduce_max3A_331 = vector.shape_cast %broadcast_in_dim3A_330 : vector<1x128xf32> to vector<1x1x128xf32>
      %reduce_max3A_332 = arith.constant dense<0xFF800000> : vector<1xf32>
      %reduce_max3A_333 = vector.multi_reduction <maximumf>, %reduce_max3A_331, %reduce_max3A_332 [1, 2] : vector<1x1x128xf32> to vector<1xf32>
      %reduce_max3A_334 = vector.shape_cast %reduce_max3A_333 : vector<1xf32> to vector<1x1x1xf32>
      %reduce_max3A_335 = vector.extract %reduce_max3A_334[0, 0, 0] : f32 from vector<1x1x1xf32>
      %eq3A_336 = vector.broadcast %reduce_max3A_335 : f32 to vector<320x128xf32>
      %eq3A_337 = arith.cmpf oeq, %min3A_321, %eq3A_336 : vector<320x128xf32>
      %jit3A_338 = arith.constant 1073741824 : i32
      %broadcast_in_dim3A_339 = vector.broadcast %jit3A_338 : i32 to vector<320x128xi32>
      %select_n3A_340 = arith.select %eq3A_337, %add3A, %broadcast_in_dim3A_339 : vector<320x128xi1>, vector<320x128xi32>
      %reduce_min3A_341 = vector.shape_cast %select_n3A_340 : vector<320x128xi32> to vector<1x320x128xi32>
      %reduce_min3A_342 = arith.constant dense<2147483647> : vector<1xi32>
      %reduce_min3A_343 = vector.multi_reduction <minsi>, %reduce_min3A_341, %reduce_min3A_342 [1, 2] : vector<1x320x128xi32> to vector<1xi32>
      %reduce_min3A_344 = vector.shape_cast %reduce_min3A_343 : vector<1xi32> to vector<1x1x1xi32>
      %reduce_min3A_345 = vector.extract %reduce_min3A_344[0, 0, 0] : i32 from vector<1x1x1xi32>
      scf.yield %reduce_min3A_183, %reduce_min3A_345 : i32, i32
    }
    %scan3A_30 = arith.constant 256 : i32
    return
  }
}

module attributes {stable_mosaic.version = 14 : i64} {
  func.func @_d2_body(%arg0: i32, %arg1: i32, %arg2: memref<64x128xf32, #tpu.memory_space<vmem>>, %arg3: memref<1x8x5120xf32, #tpu.memory_space<vmem>>, %arg4: memref<1x1x5120xf32, #tpu.memory_space<vmem>>, %arg5: memref<64x40x128xf32, #tpu.memory_space<vmem>>, %arg6: memref<1x64x40xf32, #tpu.memory_space<vmem>>) attributes {dimension_semantics = [#tpu.dimension_semantics<arbitrary>, #tpu.dimension_semantics<arbitrary>], iteration_bounds = array<i64: 8, 8>, scalar_prefetch = 0 : i64, scratch_operands = 0 : i64, tpu.core_type = #tpu.core_type<tc>, window_params = [{transform_indices = @transform_0, window_bounds = array<i64: 64, 128>}, {transform_indices = @transform_1, window_bounds = array<i64: 1, 8, 5120>}, {transform_indices = @transform_2, window_bounds = array<i64: 1, 1, 5120>}, {transform_indices = @transform_3, window_bounds = array<i64: 64, 40, 128>}, {transform_indices = @transform_4, window_bounds = array<i64: 1, 64, 40>}]} {
    %iota3A = tpu.iota {dimensions = array<i32: 1>} : vector<64x8xi32>
    %lt3A = arith.constant 3 : i32
    %lt3A_0 = vector.broadcast %lt3A : i32 to vector<64x8xi32>
    %lt3A_1 = arith.cmpi slt, %iota3A, %lt3A_0 : vector<64x8xi32>
    %get3A = arith.constant 0 : index
    %get3A_2 = arith.constant 0 : index
    %get3A_3 = vector.load %arg2[%get3A, %get3A_2] : memref<64x128xf32, #tpu.memory_space<vmem>>, vector<64x8xf32>
    %jit3A = arith.constant 0.000000e+00 : f32
    %broadcast_in_dim3A = vector.broadcast %jit3A : f32 to vector<64x8xf32>
    %select_n3A = arith.select %lt3A_1, %get3A_3, %broadcast_in_dim3A : vector<64x8xi1>, vector<64x8xf32>
    %get3A_4 = arith.constant 0 : index
    %get3A_5 = arith.constant 0 : index
    %get3A_6 = arith.constant 0 : index
    %get3A_7 = vector.load %arg3[%get3A_4, %get3A_5, %get3A_6] : memref<1x8x5120xf32, #tpu.memory_space<vmem>>, vector<1x8x5120xf32>
    %get3A_8 = vector.shape_cast %get3A_7 : vector<1x8x5120xf32> to vector<8x5120xf32>
    %dot_general3A = arith.constant dense<0.000000e+00> : vector<64x5120xf32>
    %dot_general3A_9 = tpu.matmul %select_n3A, %get3A_8, %dot_general3A {dimension_numbers = #tpu.dot_dimension_numbers<[1], [0], [0], [1], [0, 0, 1, 1], [], []>, transpose_lhs_hint = false} : vector<64x8xf32>, vector<8x5120xf32>, vector<64x5120xf32> -> vector<64x5120xf32>
    %get3A_10 = arith.constant 0 : index
    %get3A_11 = arith.constant 3 : index
    %get3A_12 = vector.load %arg2[%get3A_10, %get3A_11] : memref<64x128xf32, #tpu.memory_space<vmem>>, vector<64x1xf32>
    %mul3A = arith.constant 2.000000e+00 : f32
    %mul3A_13 = vector.broadcast %mul3A : f32 to vector<64x5120xf32>
    %mul3A_14 = arith.mulf %mul3A_13, %dot_general3A_9 : vector<64x5120xf32>
    %sub3A = vector.broadcast %get3A_12 : vector<64x1xf32> to vector<64x5120xf32>
    %sub3A_15 = arith.subf %sub3A, %mul3A_14 : vector<64x5120xf32>
    %get3A_16 = arith.constant 0 : index
    %get3A_17 = arith.constant 0 : index
    %get3A_18 = arith.constant 0 : index
    %get3A_19 = vector.load %arg4[%get3A_16, %get3A_17, %get3A_18] : memref<1x1x5120xf32, #tpu.memory_space<vmem>>, vector<1x1x5120xf32>
    %get3A_20 = vector.shape_cast %get3A_19 : vector<1x1x5120xf32> to vector<1x5120xf32>
    %add3A = vector.broadcast %get3A_20 : vector<1x5120xf32> to vector<64x5120xf32>
    %add3A_21 = arith.addf %sub3A_15, %add3A : vector<64x5120xf32>
    %iota3A_22 = tpu.iota {dimensions = array<i32: 1>} : vector<64x5120xi32>
    %mul3A_23 = arith.constant 5120 : i32
    %mul3A_24 = arith.muli %arg1, %mul3A_23 : i32
    %add3A_25 = vector.broadcast %mul3A_24 : i32 to vector<64x5120xi32>
    %add3A_26 = arith.addi %iota3A_22, %add3A_25 : vector<64x5120xi32>
    %lt3A_27 = arith.constant 40000 : i32
    %lt3A_28 = vector.broadcast %lt3A_27 : i32 to vector<64x5120xi32>
    %lt3A_29 = arith.cmpi slt, %add3A_26, %lt3A_28 : vector<64x5120xi32>
    %jit3A_30 = arith.constant 3.40282347E+38 : f32
    %broadcast_in_dim3A_31 = vector.broadcast %jit3A_30 : f32 to vector<64x5120xf32>
    %select_n3A_32 = arith.select %lt3A_29, %add3A_21, %broadcast_in_dim3A_31 : vector<64x5120xi1>, vector<64x5120xf32>
    %reshape3A = vector.shape_cast %select_n3A_32 : vector<64x5120xf32> to vector<64x40x128xf32>
    %swap3A = arith.constant 0 : index
    %swap3A_33 = arith.constant 0 : index
    %swap3A_34 = arith.constant 0 : index
    %swap3A_35 = vector.load %arg5[%swap3A, %swap3A_33, %swap3A_34] : memref<64x40x128xf32, #tpu.memory_space<vmem>>, vector<64x40x128xf32>
    tpu.vector_store %arg5[%swap3A, %swap3A_33, %swap3A_34], %reshape3A {strides = array<i32>} : memref<64x40x128xf32, #tpu.memory_space<vmem>>, vector<64x40x128xf32>,
    %reduce_min3A = arith.constant dense<0x7F800000> : vector<64x40xf32>
    %reduce_min3A_36 = vector.multi_reduction <minimumf>, %reshape3A, %reduce_min3A [2] : vector<64x40x128xf32> to vector<64x40xf32>
    %swap3A_37 = arith.constant 0 : index
    %swap3A_38 = arith.constant 0 : index
    %swap3A_39 = arith.constant 0 : index
    %swap3A_40 = vector.load %arg6[%swap3A_37, %swap3A_38, %swap3A_39] : memref<1x64x40xf32, #tpu.memory_space<vmem>>, vector<1x64x40xf32>
    %swap3A_41 = vector.shape_cast %swap3A_40 : vector<1x64x40xf32> to vector<64x40xf32>
    %swap3A_42 = vector.shape_cast %reduce_min3A_36 : vector<64x40xf32> to vector<1x64x40xf32>
    tpu.vector_store %arg6[%swap3A_37, %swap3A_38, %swap3A_39], %swap3A_42 {strides = array<i32>} : memref<1x64x40xf32, #tpu.memory_space<vmem>>, vector<1x64x40xf32>,
    return
  }
  func.func @transform_0(%arg0: i32, %arg1: i32) -> (i32, i32) {
    %c0_i32 = arith.constant 0 : i32
    %c0_i32_0 = arith.constant 0 : i32
    return %arg0, %c0_i32 : i32, i32
  }
  func.func @transform_1(%arg0: i32, %arg1: i32) -> (i32, i32, i32) {
    %jit3A = arith.constant 4 : i32
    %div3A = arith.divsi %arg0, %jit3A : i32
    %sign3A = arith.constant 0 : i32
    %sign3A_0 = arith.cmpi sgt, %arg0, %sign3A : i32
    %sign3A_1 = arith.extui %sign3A_0 : i1 to i32
    %sign3A_2 = arith.constant 0 : i32
    %sign3A_3 = arith.cmpi slt, %arg0, %sign3A_2 : i32
    %sign3A_4 = arith.extui %sign3A_3 : i1 to i32
    %sign3A_5 = arith.subi %sign3A_1, %sign3A_4 : i32
    %sign3A_6 = arith.constant 0 : i32
    %sign3A_7 = arith.cmpi sgt, %jit3A, %sign3A_6 : i32
    %sign3A_8 = arith.extui %sign3A_7 : i1 to i32
    %sign3A_9 = arith.constant 0 : i32
    %sign3A_10 = arith.cmpi slt, %jit3A, %sign3A_9 : i32
    %sign3A_11 = arith.extui %sign3A_10 : i1 to i32
    %sign3A_12 = arith.subi %sign3A_8, %sign3A_11 : i32
    %ne3A = arith.cmpi ne, %sign3A_5, %sign3A_12 : i32
    %rem3A = arith.remsi %arg0, %jit3A : i32
    %ne3A_13 = arith.constant 0 : i32
    %ne3A_14 = arith.cmpi ne, %rem3A, %ne3A_13 : i32
    %and3A = arith.andi %ne3A, %ne3A_14 : i1
    %sub3A = arith.constant 1 : i32
    %sub3A_15 = arith.subi %div3A, %sub3A : i32
    %select_n3A = arith.select %and3A, %sub3A_15, %div3A : i32
    %c0_i32 = arith.constant 0 : i32
    %c0_i32_16 = arith.constant 0 : i32
    return %select_n3A, %c0_i32, %arg1 : i32, i32, i32
  }
  func.func @transform_2(%arg0: i32, %arg1: i32) -> (i32, i32, i32) {
    %jit3A = arith.constant 4 : i32
    %div3A = arith.divsi %arg0, %jit3A : i32
    %sign3A = arith.constant 0 : i32
    %sign3A_0 = arith.cmpi sgt, %arg0, %sign3A : i32
    %sign3A_1 = arith.extui %sign3A_0 : i1 to i32
    %sign3A_2 = arith.constant 0 : i32
    %sign3A_3 = arith.cmpi slt, %arg0, %sign3A_2 : i32
    %sign3A_4 = arith.extui %sign3A_3 : i1 to i32
    %sign3A_5 = arith.subi %sign3A_1, %sign3A_4 : i32
    %sign3A_6 = arith.constant 0 : i32
    %sign3A_7 = arith.cmpi sgt, %jit3A, %sign3A_6 : i32
    %sign3A_8 = arith.extui %sign3A_7 : i1 to i32
    %sign3A_9 = arith.constant 0 : i32
    %sign3A_10 = arith.cmpi slt, %jit3A, %sign3A_9 : i32
    %sign3A_11 = arith.extui %sign3A_10 : i1 to i32
    %sign3A_12 = arith.subi %sign3A_8, %sign3A_11 : i32
    %ne3A = arith.cmpi ne, %sign3A_5, %sign3A_12 : i32
    %rem3A = arith.remsi %arg0, %jit3A : i32
    %ne3A_13 = arith.constant 0 : i32
    %ne3A_14 = arith.cmpi ne, %rem3A, %ne3A_13 : i32
    %and3A = arith.andi %ne3A, %ne3A_14 : i1
    %sub3A = arith.constant 1 : i32
    %sub3A_15 = arith.subi %div3A, %sub3A : i32
    %select_n3A = arith.select %and3A, %sub3A_15, %div3A : i32
    %c0_i32 = arith.constant 0 : i32
    %c0_i32_16 = arith.constant 0 : i32
    return %select_n3A, %c0_i32, %arg1 : i32, i32, i32
  }
  func.func @transform_3(%arg0: i32, %arg1: i32) -> (i32, i32, i32) {
    %c0_i32 = arith.constant 0 : i32
    %c0_i32_0 = arith.constant 0 : i32
    return %arg0, %arg1, %c0_i32 : i32, i32, i32
  }
  func.func @transform_4(%arg0: i32, %arg1: i32) -> (i32, i32, i32) {
    %c0_i32 = arith.constant 0 : i32
    %c0_i32_0 = arith.constant 0 : i32
    return %arg1, %arg0, %c0_i32 : i32, i32, i32
  }
}

</mosaic_0001>

<sc_bundles>
// kernel: kernel.5.cloned.1.call-start
scs
__scs_entry_jumppad:
0x0: {  	(pc) =	sbr.rel $0x88, $3  }
0x1: {  	(tag) =	ssettag $0x0;
	lr =	simm.s32 $0x1  }
0x2: {  	[smem:$0x3F9F] =	sst lr;
	_ =	strace $0xD0000000  }
0x3: {  	_ = 	snop  }
0x4: {  	_ = 	snop  }
0x5: {  	_ = 	snop  }
0x6: {  	_ = 	snop  }
0x7: {  	_ = 	snop  }
__scs_overlays_trampoline_lowered:
0x8: {  	[smem:$0x3FAE] =	sst s0  }
0x9: {  	[smem:$0x3FAF] =	sst s1  }
0xa: {  	[smem:$0x3FB0] =	sst s2  }
0xb: {  	[smem:$0x3FB1] =	sst s3  }
0xc: {  	[smem:$0x3FB2] =	sst s4  }
0xd: {  	[smem:$0x3FB3] =	sst s5  }
0xe: {  	[smem:$0x3FB4] =	sst s6  }
0xf: {  	[smem:$0x3FB5] =	sst s7  }
0x10: {  	[smem:$0x3FB6] =	sst s8  }
0x11: {  	[smem:$0x3FB7] =	sst s9;
	s0 =	simm.s32 @!p0 $0x0  }
0x12: {  	s1 =	sld [smem:$0x3F9D];
	s0 =	simm.s32 @p0 $0x1  }
0x13: {  	[smem:$0x3FB8] =	sst s0;
	s0 =	simm.s32 @!p1 $0x0  }
0x14: {  	s2 =	sld [smem:$0x3F9C];
	s0 =	simm.s32 @p1 $0x1  }
0x15: {  	[smem:$0x3FB9] =	sst s0;
	s0 =	simm.s32 @!p2 $0x0  }
0x16: {  	s3 =	sld [smem:$0x3FDB];
	s0 =	simm.s32 @p2 $0x1  }
0x17: {  	s4 =	simm.s32 $0x1BF5;
	[smem:$0x3FBB] =	sst s0  }
0x18: {  	s0 =	sld [smem:$0x3F9E];
	_ =	swait.ge [sflag:s4], $0x0  }
0x19: {  	s7 =	sld [smem:$0x3F9F]  }
0x1a: {  	s8 =	sadd.s32 $0xFFFFE003, lr  }
0x1b: {  	s9 =	sadd.s32 $0xFFFFFEF7, lr;
	s5 =	simm.s32 $0xFFFFFFFF;
	p2 =	slt.u32 s8, $0xFFFFF086  }
0x1c: {  	p1 =	slt.u32 s9, $0xF7A;
	s5 =	simm.s32 @!p2 $0x0  }
0x1d: {  	s5 =	simm.s32 @p1 $0x1;
	p0 =	seq.s32 s7, s2  }
0x1e: {  	s7 =	smul.u32 @!p0 $0xF7A, s2;
	p2 =	seq.s32 @!p0 s5, $0x0  }
0x1f: {  	s9 =	smul.u32 $0xF7A, s1;
	s8 =	simm.s32 @!p0 $0x1BF5;
	p2 =	por !p2, p0  }
0x20: {  	[sflag:s8] =	ssyncset.s32 @!p0 $0xFFFFF086;
	s6 =	sadd.s32 @!p0 s3, s7;
	s7 =	simm.s32 @!p0 $0x108  }
0x21: {  	s3 =	sadd.s32 s3, s9;
	s6 =	sadd.s32 @!p0 $0x88, s6;
	s7 =	simm.s32 @p2 $0x1082  }
0x22: {  	[simem:s7], [sflag:s8] =	dma.local @!p0 [hbm:s6], $0xF7A  }
0x23: {  	s9 =	sor.u32 $0xD0000000, s2;
	s6 =	simm.s32 $0x108;
	_ =	swait.ge @!p0 [sflag:s8], $0x0  }
0x24: {  	s3 =	sadd.s32 $0x88, s3;
	s6 =	simm.s32 @!p1 $0x1082;
	[sflag:s4] =	ssyncset.s32 $0xFFFFF086  }
0x25: {  	[simem:s6], [sflag:s4] =	dma.local [hbm:s3], $0xF7A  }
0x26: {  	[smem:$0x3F9F] =	sst s1;
	(tag) =	ssettag s2;
	_ =	strace s9  }
0x27: {  	s1 =	sld [smem:$0x3FAF]  }
0x28: {  	s2 =	sld [smem:$0x3FB0]  }
0x29: {  	s4 =	sld [smem:$0x3FB2]  }
0x2a: {  	p0 =	seq.s32 s5, $0x0;
	s5 =	sld [smem:$0x3FB3]  }
0x2b: {  	s6 =	sld [smem:$0x3FB4]  }
0x2c: {  	s7 =	sld [smem:$0x3FB5]  }
0x2d: {  	s3 =	simm.s32 $0x108;
	s8 =	sld [smem:$0x3FB6]  }
0x2e: {  	s3 =	simm.s32 @!p0 $0x1082;
	s9 =	sld [smem:$0x3FB7]  }
0x2f: {  	lr =	sadd.s32 s0, s3;
	s0 =	sld [smem:$0x3FAE]  }
0x30: {  	s3 =	sld [smem:$0x3FB1]  }
0x31: {  	[smem:$0x3FBA] =	sst s10  }
0x32: {  	s10 =	sld [smem:$0x3FB8];
	_ =	sdelay $0x3  }
0x33: {  	p0 =	seq.s32 s10, $0x1;
	s10 =	sld [smem:$0x3FBA];
	_ =	sdelay $0x3  }
0x34: {  	[smem:$0x3FBA] =	sst s10  }
0x35: {  	s10 =	sld [smem:$0x3FB9];
	_ =	sdelay $0x3  }
0x36: {  	p1 =	seq.s32 s10, $0x1;
	s10 =	sld [smem:$0x3FBA];
	_ =	sdelay $0x3  }
0x37: {  	[smem:$0x3FBA] =	sst s10  }
0x38: {  	s10 =	sld [smem:$0x3FBB]  }
0x39: {  	_ = 	snop;
	(pc) =	sbr.ind lr, $3  }
0x3a: {  	_ = 	snop  }
0x3b: {  	_ = 	snop  }
0x3c: {  	p2 =	seq.s32 s10, $0x1;
	s10 =	sld [smem:$0x3FBA]  }
0x3d: {  	_ =	shalt  }
0x3e: {  	_ =	shalt  }
0x3f: {  	_ =	shalt  }
0x40: {  	_ =	shalt  }
0x41: {  	_ =	shalt  }
0x42: {  	_ =	shalt  }
0x43: {  	_ =	shalt  }
0x44: {  	_ =	shalt  }
0x45: {  	_ =	shalt  }
0x46: {  	_ =	shalt  }
0x47: {  	_ =	shalt  }
0x48: {  	_ =	shalt  }
0x49: {  	_ =	shalt  }
0x4a: {  	_ =	shalt  }
0x4b: {  	_ =	shalt  }
0x4c: {  	_ =	shalt  }
0x4d: {  	_ =	shalt  }
0x4e: {  	_ =	shalt  }
0x4f: {  	_ =	shalt  }
0x50: {  	_ =	shalt  }
0x51: {  	_ =	shalt  }
0x52: {  	_ =	shalt  }
0x53: {  	_ =	shalt  }
0x54: {  	_ =	shalt  }
0x55: {  	_ =	shalt  }
0x56: {  	_ =	shalt  }
0x57: {  	_ =	shalt  }
0x58: {  	_ =	shalt  }
0x59: {  	_ =	shalt  }
0x5a: {  	_ =	shalt  }
0x5b: {  	_ =	shalt  }
0x5c: {  	_ =	shalt  }
0x5d: {  	_ =	shalt  }
0x5e: {  	_ =	shalt  }
0x5f: {  	_ =	shalt  }
0x60: {  	_ =	shalt  }
0x61: {  	_ =	shalt  }
0x62: {  	_ =	shalt  }
0x63: {  	_ =	shalt  }
0x64: {  	_ =	shalt  }
0x65: {  	_ =	shalt  }
0x66: {  	_ =	shalt  }
0x67: {  	_ =	shalt  }
0x68: {  	_ =	shalt  }
0x69: {  	_ =	shalt  }
0x6a: {  	_ =	shalt  }
0x6b: {  	_ =	shalt  }
0x6c: {  	_ =	shalt  }
0x6d: {  	_ =	shalt  }
0x6e: {  	_ =	shalt  }
0x6f: {  	_ =	shalt  }
0x70: {  	_ =	shalt  }
0x71: {  	_ =	shalt  }
0x72: {  	_ =	shalt  }
0x73: {  	_ =	shalt  }
0x74: {  	_ =	shalt  }
0x75: {  	_ =	shalt  }
0x76: {  	_ =	shalt  }
0x77: {  	_ =	shalt  }
0x78: {  	_ =	shalt  }
0x79: {  	_ =	shalt  }
0x7a: {  	_ =	shalt  }
0x7b: {  	_ =	shalt  }
0x7c: {  	_ =	shalt  }
0x7d: {  	_ =	shalt  }
0x7e: {  	_ =	shalt  }
0x7f: {  	_ =	shalt  }
0x80: {  	_ =	shalt  }
0x81: {  	_ =	shalt  }
0x82: {  	_ =	shalt  }
0x83: {  	_ =	shalt  }
0x84: {  	_ =	shalt  }
0x85: {  	_ =	shalt  }
0x86: {  	_ =	shalt  }
0x87: {  	_ =	shalt  }
.Lfunc_end0:
.L_simem_size_0:
called_computation_lowered:
.L_overlay_start_0:
0x88: {  	s2 =	sld [smem:$0x3FD9]  }
0x89: {  	s3 =	sld [smem:$0x3FFE];
	_ =	sdelay $0x1  }
0x8a: {  	s1 =	srdreg.scid  }
0x8b: {  	s0 =	sand.u32 $0x1, s1  }
0x8c: {  	s14 =	sshll.u32 s0, $0xA;
	s2 =	sadd.s32 s3, s2  }
0x8d: {  	s2 =	sadd.s32 s2, s14  }
0x8e: {  	[smem:$0x3FC6] =	sst s2  }
0x8f: {  	_ = 	snop  }
0x90: {  	s2 =	sld [smem:$0x3FD0];
	_ =	sdelay $0x2  }
0x91: {  	s4 =	simm.s32 $0xA;
	s5 =	simm.s32 $0x10;
	s15 =	sld [smem:$0x3FC8]  }
0x92: {  	[smem:s5], [sflag:s4] =	dma.local [hbm:s2], $0x1  }
0x93: {  	_ =	swait.eq [sflag:s4], $0x1  }
0x94: {  	[sflag:s4] =	ssyncset.done $0x0  }
0x95: {  	[sflag:s4] =	ssyncadd.s32 $0xFFFFFFFF  }
0x96: {  	s16 =	sld [smem:$0x10];
	(tm) =	ssettm $0x1  }
0x97: {  	s17 =	sld [smem:$0x3FFB];
	_ =	sdelay $0x3  }
0x98: {  	_ =	strace s17  }
0x99: {  	s4 =	sld [smem:$0x3FFC];
	_ =	sdelay $0x3  }
0x9a: {  	_ =	strace s4  }
0x9b: {  	s4 =	sld [smem:$0x3FFD];
	_ =	sdelay $0x3  }
0x9c: {  	_ =	strace s4  }
0x9d: {  	_ =	strace $0x8FFFFFFF  }
0x9e: {  	s18 =	sld [smem:$0x3FDB];
	_ =	sdelay $0x1  }
0x9f: {  	s19 =	simm.s32 $_scs_section_size  }
0xa0: {  	s6 =	simm.s32 $_size__tile_overlayer_lowered;
	s7 =	simm.s32 $_tile_overlayer_lowered  }
0xa1: {  	s22 =	simm.s32 $0x1BFF;
	s21 =	sshll.u32 s7, $0x1;
	s4 =	sadd.s32 s19, s18  }
0xa2: {  	s8 =	simm.s32 $0x0;
	s20 =	sshll.u32 s6, $0x1;
	s6 =	sadd.s32 s21, s4  }
0xa3: {  	[timem:s8], [sflag:s22] =	dma.local [hbm:s6], s20  }
0xa4: {  	_ =	swait.ge [sflag:s22], s20  }
0xa5: {  	s5 =	ssub.s32 $0x0, s20;
	[sflag:s22] =	ssyncset.done $0x0  }
0xa6: {  	[sflag:s22] =	ssyncadd.s32 s5;
	_ =	sdelay $0x1  }
0xa7: {  	s23 =	simm.s32 $0x1B8B  }
0xa8: {  	_ =	swait.ge [sflag:s23], $0x1  }
0xa9: {  	[sflag:s23] =	ssyncset.done $0x0  }
0xaa: {  	s25 =	simm.s32 $0x1B8E;
	s24 =	sld [smem:$0x3FFE];
	[sflag:s23] =	ssyncadd.s32 $0xFFFFFFFF  }
0xab: {  	s26 =	simm.s32 $execute0_lowered;
	[smem:$0x3FD2] =	sst s25  }
0xac: {  	s6 =	sshll.u32 s26, $0x1;
	_ =	strace $0x80000046;
	[dreg:$0x1] =	wrdreg $0xFFFFFFFF  }
0xad: {  	s28 =	simm.s32 $_size_execute0_lowered;
	s4 =	sadd.s32 s4, s6;
	[dreg:$0x0] =	wrdreg $0x0  }
0xae: {  	s6 =	sshll.u32 s28, $0x1;
	[dreg:$0x2] =	wrdreg s4  }
0xaf: {  	[dreg:$0x3] =	wrdreg s6  }
0xb0: {  	[dreg:$0x4] =	wrdreg $0xC0  }
0xb1: {  	_ =	task [dreg:s8], $0x5FFFF  }
0xb2: {  	[dreg:$0x1] =	wrdreg $0xFFFFFFFF  }
0xb3: {  	[dreg:$0x0] =	wrdreg $0x60  }
0xb4: {  	[dreg:$0x2] =	wrdreg s24  }
0xb5: {  	[dreg:$0x3] =	wrdreg s15  }
0xb6: {  	[dreg:$0x4] =	wrdreg s16  }
0xb7: {  	[dreg:$0x5] =	wrdreg $0x9  }
0xb8: {  	_ =	task.clear_ibuf [dreg:s8], $0x6FFFF;
	_ =	strace $0x90000046  }
0xb9: {  	s29 =	simm.s32 $0x9;
	_ =	strace $0x80000048  }
0xba: {  	_ =	swait.ge [sflag:s29], $0x1  }
0xbb: {  	[sflag:s29] =	ssyncadd.s32 $0xFFFFFFFF  }
0xbc: {  	_ =	strace $0x90000048  }
0xbd: {  	_ =	sfence  }
0xbe: {  	s30 =	sld [smem:$0x0];
	_ =	sdelay $0x2  }
0xbf: {  	s31 =	sshll.u32 s1, $0xD;
	s1 =	sshrl.u32 s1, $0x2  }
0xc0: {  	s3 =	sand.u32 $0x4000, s31;
	s1 =	sadd.s32 s1, s30  }
0xc1: {  	s0 =	sor.u32 s3, s0;
	s1 =	sshll.u32 s1, $0x11  }
0xc2: {  	s0 =	sor.u32 s1, s0  }
0xc3: {  	s0 =	sadd.s32 $0x8F2B, s0  }
0xc4: {  	[sflag:s0] =	ssyncadd.remote.s32 $0x1  }
0xc5: {  	_ =	sfence.sel $0xFFFF  }
0xc6: {  	[dreg:$0x0] =	wrdreg $0xFFFFFFFF;
	(pc) =	sbr.abs _section_cstart, $3  }
0xc7: {  	[dreg:$0x1] =	wrdreg $0xFFFFFFFF  }
0xc8: {  	_ =	task.clear_ibuf [dreg:s8], $0x2FFFF;
	_ =	strace $0x9FFFFFFF  }
0xc9: {  	(tm) =	ssettm $0x7FFFFFFF  }
tec
execute0_lowered:
.L_overlay_start_1:
0x0: {  	(tag) =	ssettag $0x1  }
0x1: {  	s0 =	rddreg [dreg:$0x0]  }
0x2: {  	s5 =	rddreg [dreg:$0x1];
	s3 =	simm.s32 $0x0  }
0x3: {  	s1 =	srdreg.scid;
	s6 =	stileid.u32;
	s12 =	simm.s32 $0x3  }
0x4: {  	s13 =	simm.s32 $0x80;
	s15 =	simm.s32 $0x400;
	s17 =	simm.s32 $0x17280  }
0x5: {  	s30 =	simm.s32 $0x172B0;
	s7 =	simm.s32 $0x17440;
	s8 =	simm.s32 $0x17450  }
0x6: {  	s14 =	simm.s32 $0x17460;
	s28 =	simm.s32 $0x174E0;
	s29 =	simm.s32 $0x174F0  }
0x7: {  	s31 =	simm.s32 $0x17500;
	s9 =	simm.s32 $0x0;
	[smem:$0x7FF] =	sst s3  }
0x8: {  	s1 =	sand.u32 $0x1, s1;
	s2 =	sadd.s32 $0x273600, s0;
	s18 =	sadd.s32 $0x600, s0  }
0x9: {  	s4 =	sadd.s32 $0x138E00, s0;
	_ =	strace $0x80000047;
	[dreg:$0x4] =	wrdreg s2  }
0xa: {  	s20 =	sadd.s32 $0x13AE00, s0;
	s0 =	sadd.s32 $0x6600, s0;
	[dreg:$0x5] =	wrdreg s18  }
0xb: {  	s23 =	sshll.u32 s6, $0x5;
	s24 =	sshrl.u32 s6, $0x3;
	[dreg:$0x6] =	wrdreg s4  }
0xc: {  	s25 =	sadd.s32 $0x100, s5;
	s26 =	sadd.s32 $0x200, s5;
	[dreg:$0x7] =	wrdreg s20  }
0xd: {  	s5 =	simm.s32 $0x17420;
	s6 =	simm.s32 $0x17430;
	[dreg:$0x8] =	wrdreg s0  }
0xe: {  	s19 =	ssub.s32 $0x2, s1;
	s1 =	sshll.u32 s1, $0x4;
	[dreg:$0xb] =	wrdreg s25  }
0xf: {  	s11 =	smul.u32 $0x9C40, s24;
	[dreg:$0xc] =	wrdreg s26;
	s2 =	simm.s32 $0x173F0  }
0x10: {  	s18 =	simm.s32 $0x17400;
	s4 =	simm.s32 $0x17410;
	s20 =	simm.s32 $0x17480  }
.Ltmp0:
0x11: {  	s24 =	simm.s32 $0x174B0;
	s25 =	simm.s32 $0x174C0;
	(pc) =	sbr.rel .LBB2_1-.Ltmp0, $4  }
0x12: {  	v0 =	vlaneseq.u32;
	v1 =	vimm.s32 $0xF;
	v2 =	vimm.s32 $0x0;
	s26 =	simm.s32 $0x174D0;
	s21 =	sshrl.u32 s19, $0x1;
	s1 =	sor.u32 s1, s23  }
0x13: {  	v3 =	vimm.s32 $0x7FFFFFFF;
	vm0 =	vmmov $0xffff;
	v4 =	vmul.u32 $0xFFFFFFFF, v0;
	s23 =	simm.s32 $0x17490;
	s22 =	ssub.s32 s19, s21;
	[dreg:$0x9] =	wrdreg s1  }
0x14: {  	v8 =	vimm.f32 $0.0e+00;
	v6 =	vshrl.u32 v0, $0x3;
	v5 =	vand.u32 $0x7, v0;
	s19 =	simm.s32 $0x17470;
	[dreg:$0xa] =	wrdreg s11;
	s0 =	smax.u32 s22, $0x1  }
0x15: {  	v7 =	vor.u32 $0x8, v0;
	v6 =	vmul.u32 $0x8, v6;
	v4 =	vadd.s32 $0x7FFFFFFF, v4;
	s22 =	simm.s32 $0x174A0;
	[dreg:$0xd] =	wrdreg s0;
	s0 =	simm.s32 $0xA180  }
.LBB2_26:
0x16: {  	s9 =	rddreg [dreg:$0xe]  }
0x17: {  	s1 =	rddreg [dreg:$0xd];
	s9 =	sadd.s32 $0x1, s9  }
0x18: {  	p0 =	sne.s32 s9, s1  }
.Ltmp1:
0x19: {  	_ = 	snop;
	(pc) =	sbr.rel @!p0 .LBB2_27-.Ltmp1, $1  }
0x1a: {  	_ =	sdelay $0x3  }
.LBB2_1:
0x1b: {  	[dreg:$0xe] =	wrdreg s9;
	s10 =	simm.s32 $0x0  }
.LBB2_2:
0x1c: {  	s1 =	rddreg [dreg:$0x9]  }
0x1d: {  	s9 =	rddreg [dreg:$0x4];
	s16 =	sadd.s32 s1, s10  }
0x1e: {  	[dreg:$0xf] =	wrdreg s10;
	s1 =	smul.u32 $0x1400, s16  }
0x1f: {  	s10 =	sshll.u32 s10, $0x7;
	[dreg:$0x10] =	wrdreg s16;
	s16 =	sshrl.u32 s16, $0x3  }
0x20: {  	s10 =	sand.u32 $0x380, s10;
	s21 =	smul.u32 $0xC00, s16;
	s1 =	sadd.s32 s9, s1  }
0x21: {  	[tilespmem:s3], [sflag:$0x3] =	stream.linear.gather [hbm4b:s1+s3], $0xA000, $0x38;
	[tilespmem:$0x1B600] =	vst v63  }
0x22: {  	s1 =	sor.u32 s10, s21;
	_ =	swait.ge [sflag:s12], $0xA000  }
0x23: {  	s1 =	sshrl.u32 s1, $0x3;
	[sflag:s12] =	ssyncset.done $0x0;
	s21 =	rddreg [dreg:$0x5]  }
0x24: {  	[sflag:s12] =	ssyncadd.s32 $0xFFFF6000;
	s1 =	sadd.s32 s21, s1;
	s21 =	simm.s32 $0xA000  }
0x25: {  	[tilespmem:s21], [sflag:$0x3] =	stream.strided.gather [hbm4b:s1+s13], $0x180, s15, s13, $0x38;
	[tilespmem:$0x1B600] =	vst v63  }
0x26: {  	[dreg:$0x12] =	wrdreg s16;
	s15 =	sshll.u32 s16, $0xA  }
0x27: {  	s21 =	simm.s32 $0x1B580;
	_ =	swait.ge [sflag:s12], $0x180;
	s1 =	sor.u32 s10, s15  }
0x28: {  	[sflag:s12] =	ssyncset.done $0x0;
	s1 =	sshrl.u32 s1, $0x3;
	s16 =	rddreg [dreg:$0x6]  }
0x29: {  	[dreg:$0x11] =	wrdreg s10;
	[sflag:s12] =	ssyncadd.s32 $0xFFFFFE80;
	s1 =	sadd.s32 s16, s1  }
0x2a: {  	[tilespmem:s21], [sflag:$0x3] =	stream.linear.gather [hbm4b:s1+s3], $0x80, $0x38;
	[tilespmem:$0x1B600] =	vst v63  }
0x2b: {  	_ =	swait.ge [sflag:s12], $0x80  }
0x2c: {  	[sflag:s12] =	ssyncset.done $0x0  }
0x2d: {  	[sflag:s12] =	ssyncadd.s32 $0xFFFFFF80  }
0x2e: {  	v9 =	vld [tilespmem:$0xA000]  }
0x2f: {  	v10 =	vld [tilespmem:$0xA040]  }
0x30: {  	v11 =	vld [tilespmem:$0xA080]  }
0x31: {  	v12 =	vld [tilespmem:$0xA0C0]  }
0x32: {  	v13 =	vld [tilespmem:$0xA100]  }
0x33: {  	v14 =	vld [tilespmem:$0xA010]  }
0x34: {  	v15 =	vld [tilespmem:$0xA050]  }
0x35: {  	v16 =	vld [tilespmem:$0xA090]  }
0x36: {  	v17 =	vld [tilespmem:$0xA0D0]  }
0x37: {  	v18 =	vld [tilespmem:$0xA110]  }
0x38: {  	v19 =	vld [tilespmem:$0xA020]  }
0x39: {  	v20 =	vld [tilespmem:$0xA060]  }
0x3a: {  	v21 =	vld [tilespmem:$0xA0A0]  }
0x3b: {  	v22 =	vld [tilespmem:$0xA0E0]  }
0x3c: {  	v23 =	vld [tilespmem:$0xA120]  }
0x3d: {  	v24 =	vld [tilespmem:$0xA030]  }
0x3e: {  	v25 =	vld [tilespmem:$0xA070]  }
0x3f: {  	v9 =	vmin.f32 v9, v10;
	v10 =	vld [tilespmem:$0xA0B0]  }
0x40: {  	v9 =	vmin.f32 v9, v11;
	v11 =	vld [tilespmem:$0xA0F0]  }
0x41: {  	v59 =	vld [tilespmem:$0xA130]  }
0x42: {  	v60 =	vmin.f32 v14, v15;
	v61 =	vmin.f32 v19, v20  }
0x43: {  	v62 =	vmin.f32 v24, v25;
	v14 =	vmin.f32 v61, v21;
	v9 =	vmin.f32 v9, v12  }
0x44: {  	v9 =	vmin.f32 v9, v13;
	v13 =	vmin.f32 v60, v16;
	v10 =	vmin.f32 v62, v10  }
0x45: {  	v14 =	vmin.f32 v14, v22;
	v13 =	vmin.f32 v13, v17;
	v10 =	vmin.f32 v10, v11  }
0x46: {  	v63 =	vmin.f32 v14, v23;
	v11 =	vmin.f32 v13, v18;
	v10 =	vmin.f32 v10, v59  }
0x47: {  	v9 =	vmax.f32 v9, v11;
	v10 =	vmax.f32 v63, v10  }
0x48: {  	v9 =	vmax.f32 v9, v10  }
0x49: {  	v10 =	vshra.s32 v9, $0x1F  }
0x4a: {  	v9 =	vxor.u32 $0x80000000, v9;
	v10 =	vand.u32 $0x7FFFFFFF, v10  }
0x4b: {  	v9 =	vxor.u32 v9, v10  }
0x4c: {  	(xrf0) =	vmax.scan.msk.u32 $0xffff, v9;
	_ =	sdelay $0x5  }
0x4d: {  	v9, _, _ =	vpop (xrf0)  }
0x4e: {  	v9 =	vxor.u32 $0x80000000, v9  }
0x4f: {  	v9 =	vperm.xlane v9, v1;
	_ =	sdelay $0x1  }
0x50: {  	v10 =	vshra.s32 v9, $0x1F  }
0x51: {  	v11 =	vand.u32 $0x7FFFFFFF, v10  }
0x52: {  	s9 =	simm.s32 $0x40;
	s1 =	simm.s32 $0x70;
	v10 =	vimm.s32 $0x0;
	v9 =	vxor.u32 v9, v11  }
.LBB2_3:
0x53: {  	v11 =	vld [tilespmem:s9+$0xFFFFFFC0];
	_ =	sdelay $0x4  }
0x54: {  	vm1 =	vle.f32 v11, v9  }
0x55: {  	v11 =	vsel vm1, $0x1, v2  }
0x56: {  	(xrf0) =	vadd.scan.msk.s32 $0xffff, v11;
	_ =	sdelay $0x5  }
0x57: {  	v11, _, _ =	vpop (xrf0)  }
0x58: {  	v11 =	vadd.s32 v11, v10  }
0x59: {  	v11 =	vadd.s32 $0xFFFFFFFF, v11  }
0x5a: {  	vm2 =	vlt.s32 v11, $0x7FF  }
0x5b: {  	v11 =	vnsel vm2, $0x7FF, v11;
	_ =	sdelay $0x2  }
0x5c: {  	s10 =	sadd.s32 $0xFFFFFF90, s1  }
0x5d: {  	v12 =	vor.u32 s10, v0  }
0x5e: {  	[tilespmem:v11+s0+$0x0] =	vst.idx.msk vm1, v12  }
0x5f: {  	v11 =	vld [tilespmem:s9+$0xFFFFFFD0];
	_ =	sdelay $0x4  }
0x60: {  	vm2 =	vle.f32 v11, v9  }
0x61: {  	v11 =	vsel vm2, $0x1, v2  }
0x62: {  	(xrf0) =	vadd.scan.msk.s32 $0xffff, v11;
	_ =	sdelay $0x1  }
0x63: {  	v11 =	vmpcnt.ones.xlane vm1;
	_ =	sdelay $0x3  }
0x64: {  	v10 =	vadd.s32 v10, v11;
	v11, _, _ =	vpop (xrf0)  }
0x65: {  	v11 =	vadd.s32 v11, v10  }
0x66: {  	v11 =	vadd.s32 $0xFFFFFFFF, v11  }
0x67: {  	vm1 =	vlt.s32 v11, $0x7FF  }
0x68: {  	v11 =	vnsel vm1, $0x7FF, v11;
	_ =	sdelay $0x2  }
0x69: {  	s21 =	sadd.s32 $0xFFFFFFA0, s1  }
0x6a: {  	v57 =	vor.u32 s21, v0  }
0x6b: {  	[tilespmem:v11+s0+$0x0] =	vst.idx.msk vm2, v57  }
0x6c: {  	v11 =	vld [tilespmem:s9+$0xFFFFFFE0];
	_ =	sdelay $0x4  }
0x6d: {  	vm1 =	vle.f32 v11, v9  }
0x6e: {  	v11 =	vsel vm1, $0x1, v2  }
0x6f: {  	(xrf0) =	vadd.scan.msk.s32 $0xffff, v11;
	_ =	sdelay $0x1  }
0x70: {  	v11 =	vmpcnt.ones.xlane vm2;
	_ =	sdelay $0x3  }
0x71: {  	v10 =	vadd.s32 v10, v11;
	v11, _, _ =	vpop (xrf0)  }
0x72: {  	v11 =	vadd.s32 v11, v10  }
0x73: {  	v11 =	vadd.s32 $0xFFFFFFFF, v11  }
0x74: {  	vm2 =	vlt.s32 v11, $0x7FF  }
0x75: {  	v11 =	vnsel vm2, $0x7FF, v11;
	_ =	sdelay $0x2  }
0x76: {  	s12 =	sadd.s32 $0xFFFFFFB0, s1  }
0x77: {  	v58 =	vor.u32 s12, v0  }
0x78: {  	[tilespmem:v11+s0+$0x0] =	vst.idx.msk vm1, v58  }
0x79: {  	v11 =	vld [tilespmem:s9+$0xFFFFFFF0];
	_ =	sdelay $0x4  }
0x7a: {  	vm2 =	vle.f32 v11, v9  }
0x7b: {  	v11 =	vsel vm2, $0x1, v2  }
0x7c: {  	(xrf0) =	vadd.scan.msk.s32 $0xffff, v11;
	_ =	sdelay $0x1  }
0x7d: {  	v11 =	vmpcnt.ones.xlane vm1;
	_ =	sdelay $0x3  }
0x7e: {  	v10 =	vadd.s32 v10, v11;
	v11, _, _ =	vpop (xrf0)  }
0x7f: {  	v11 =	vadd.s32 v11, v10  }
0x80: {  	v11 =	vadd.s32 $0xFFFFFFFF, v11  }
0x81: {  	vm1 =	vlt.s32 v11, $0x7FF  }
0x82: {  	v11 =	vnsel vm1, $0x7FF, v11;
	_ =	sdelay $0x2  }
0x83: {  	s13 =	sadd.s32 $0xFFFFFFC0, s1  }
0x84: {  	v59 =	vor.u32 s13, v0  }
0x85: {  	[tilespmem:v11+s0+$0x0] =	vst.idx.msk vm2, v59  }
0x86: {  	v11 =	vld [tilespmem:s9+$0x0];
	_ =	sdelay $0x4  }
0x87: {  	vm1 =	vle.f32 v11, v9  }
0x88: {  	v11 =	vsel vm1, $0x1, v2  }
0x89: {  	(xrf0) =	vadd.scan.msk.s32 $0xffff, v11;
	_ =	sdelay $0x1  }
0x8a: {  	v11 =	vmpcnt.ones.xlane vm2;
	_ =	sdelay $0x3  }
0x8b: {  	v10 =	vadd.s32 v10, v11;
	v11, _, _ =	vpop (xrf0)  }
0x8c: {  	v11 =	vadd.s32 v11, v10  }
0x8d: {  	v11 =	vadd.s32 $0xFFFFFFFF, v11  }
0x8e: {  	vm2 =	vlt.s32 v11, $0x7FF  }
0x8f: {  	v11 =	vnsel vm2, $0x7FF, v11;
	_ =	sdelay $0x2  }
0x90: {  	s15 =	sadd.s32 $0xFFFFFFD0, s1  }
0x91: {  	v60 =	vor.u32 s15, v0  }
0x92: {  	[tilespmem:v11+s0+$0x0] =	vst.idx.msk vm1, v60  }
0x93: {  	v11 =	vld [tilespmem:s9+$0x10];
	_ =	sdelay $0x4  }
0x94: {  	vm2 =	vle.f32 v11, v9  }
0x95: {  	v11 =	vsel vm2, $0x1, v2  }
0x96: {  	(xrf0) =	vadd.scan.msk.s32 $0xffff, v11;
	_ =	sdelay $0x1  }
0x97: {  	v11 =	vmpcnt.ones.xlane vm1;
	_ =	sdelay $0x3  }
0x98: {  	v10 =	vadd.s32 v10, v11;
	v11, _, _ =	vpop (xrf0)  }
0x99: {  	v11 =	vadd.s32 v11, v10  }
0x9a: {  	v11 =	vadd.s32 $0xFFFFFFFF, v11  }
0x9b: {  	vm1 =	vlt.s32 v11, $0x7FF  }
0x9c: {  	v11 =	vnsel vm1, $0x7FF, v11;
	_ =	sdelay $0x2  }
0x9d: {  	s16 =	sadd.s32 $0xFFFFFFE0, s1  }
0x9e: {  	v61 =	vor.u32 s16, v0  }
0x9f: {  	[tilespmem:v11+s0+$0x0] =	vst.idx.msk vm2, v61  }
0xa0: {  	v11 =	vld [tilespmem:s9+$0x20];
	_ =	sdelay $0x4  }
0xa1: {  	vm1 =	vle.f32 v11, v9  }
0xa2: {  	v11 =	vsel vm1, $0x1, v2  }
0xa3: {  	(xrf0) =	vadd.scan.msk.s32 $0xffff, v11;
	_ =	sdelay $0x1  }
0xa4: {  	v11 =	vmpcnt.ones.xlane vm2;
	_ =	sdelay $0x3  }
0xa5: {  	v10 =	vadd.s32 v10, v11;
	v11, _, _ =	vpop (xrf0)  }
0xa6: {  	v11 =	vadd.s32 v11, v10  }
0xa7: {  	v11 =	vadd.s32 $0xFFFFFFFF, v11  }
0xa8: {  	vm2 =	vlt.s32 v11, $0x7FF  }
0xa9: {  	v11 =	vnsel vm2, $0x7FF, v11;
	_ =	sdelay $0x2  }
0xaa: {  	s21 =	sadd.s32 $0xFFFFFFF0, s1  }
0xab: {  	v62 =	vor.u32 s21, v0  }
0xac: {  	[tilespmem:v11+s0+$0x0] =	vst.idx.msk vm1, v62  }
0xad: {  	v11 =	vld [tilespmem:s9+$0x30];
	_ =	sdelay $0x4  }
0xae: {  	vm2 =	vle.f32 v11, v9  }
0xaf: {  	v11 =	vsel vm2, $0x1, v2  }
0xb0: {  	(xrf0) =	vadd.scan.msk.s32 $0xffff, v11;
	_ =	sdelay $0x1  }
0xb1: {  	v11 =	vmpcnt.ones.xlane vm1;
	_ =	sdelay $0x3  }
0xb2: {  	v10 =	vadd.s32 v10, v11;
	v11, _, _ =	vpop (xrf0)  }
0xb3: {  	v11 =	vadd.s32 v11, v10  }
0xb4: {  	v11 =	vadd.s32 $0xFFFFFFFF, v11  }
0xb5: {  	vm1 =	vlt.s32 v11, $0x7FF  }
0xb6: {  	p0 =	sne.s32 s1, $0x9FF0;
	v11 =	vnsel vm1, $0x7FF, v11  }
.Ltmp2:
0xb7: {  	_ = 	snop;
	(pc) =	sbr.rel @p0 .LBB2_3-.Ltmp2, $4  }
0xb8: {  	_ = 	snop  }
0xb9: {  	v63 =	vmpcnt.ones.xlane vm2  }
0xba: {  	v13 =	vor.u32 s1, v0  }
0xbb: {  	s1 =	sadd.s32 $0x80, s1;
	s9 =	sadd.s32 $0x80, s9;
	v10 =	vadd.s32 v10, v63;
	[tilespmem:v11+s0+$0x0] =	vst.idx.msk vm2, v13  }
0xbc: {  	vm1 =	vlt.s32 v10, $0x800  }
0xbd: {  	v9 =	vnsel vm1, $0x800, v10  }
0xbe: {  	(v2sf) =	vpush v9, $0x0;
	_ =	sdelay $0xe  }
0xbf: {  	s1 =	spop (v2sf)  }
0xc0: {  	s1 =	sadd.s32 $0xF, s1  }
0xc1: {  	s9 =	sand.u32 $0xF, s1  }
0xc2: {  	s21 =	sshra.s32 s1, $0x1F;
	p1 =	slt.s32 s1, $0x1;
	p0 =	sne.s32 s9, $0x0  }
0xc3: {  	s9 =	sshrl.u32 s21, $0x1C;
	p0 =	por !p1, !p0  }
0xc4: {  	s1 =	sadd.s32 s9, s1;
	s9 =	simm.s32 $0x1;
	p0 =	por !p0, !p0  }
0xc5: {  	s1 =	sshra.s32 s1, $0x4;
	s9 =	simm.s32 @!p0 $0x0  }
0xc6: {  	s1 =	ssub.s32 s1, s9  }
0xc7: {  	p0 =	slt.s32 s1, $0x1  }
.Ltmp3:
0xc8: {  	_ = 	snop;
	(pc) =	sbr.rel @p0 .LBB2_11-.Ltmp3, $1  }
0xc9: {  	_ =	sdelay $0x3  }
0xca: {  	p1 =	sne.s32 s1, $0x1  }
.Ltmp4:
0xcb: {  	_ = 	snop;
	(pc) =	sbr.rel @!p1 .LBB2_6-.Ltmp4, $3  }
0xcc: {  	_ =	sdelay $0x1  }
0xcd: {  	s12 =	simm.s32 $0xA180;
	s9 =	simm.s32 $0xA980  }
0xce: {  	s10 =	simm.s32 $0x0;
	p0 =	por $0x0, $0x0;
	v10 =	vld [tilespmem:s12+$0x0];
	s12 =	sadd.s32 $0xFFFFFFFF, s1  }
0xcf: {  	_ = 	snop  }
0xd0: {  	v11 =	vor.u32 s10, v0  }
0xd1: {  	vm1 =	vlt.s32 v11, v9;
	_ =	sdelay $0x5  }
0xd2: {  	v10 =	vld.idx.msk [tilespmem:v10+s3+$0x0], vm1;
	_ =	sdelay $0x4  }
0xd3: {  	p1 =	sne.s32 s12, $0x1;
	v11 =	vshra.s32 v10, $0x1F  }
.Ltmp5:
0xd4: {  	v11 =	vand.u32 $0x7FFFFFFF, v11;
	(pc) =	sbr.rel @!p1 .LBB2_8-.Ltmp5, $4  }
0xd5: {  	v10 =	vxor.u32 v10, v11  }
0xd6: {  	v10 =	vnsel vm1, $0x7FFFFFFF, v10  }
0xd7: {  	s13 =	simm.s32 $0xA190;
	s15 =	sadd.s32 $0xFFFFFFFF, s12;
	[tilespmem:s9+$0x0] =	vst v10  }
0xd8: {  	s10 =	simm.s32 $0x10;
	p0 =	por $0x1, $0x1;
	s12 =	simm.s32 $0xA980;
	v10 =	vld [tilespmem:s13+$0x0]  }
.LBB2_9:
0xd9: {  	p1 =	sne.s32 s15, $0x1;
	v11 =	vor.u32 s10, v0  }
0xda: {  	vm1 =	vlt.s32 v11, v9;
	_ =	sdelay $0x5  }
0xdb: {  	v10 =	vld.idx.msk [tilespmem:v10+s3+$0x0], vm1;
	_ =	sdelay $0x5  }
0xdc: {  	v11 =	vshra.s32 v10, $0x1F  }
.Ltmp6:
0xdd: {  	v11 =	vand.u32 $0x7FFFFFFF, v11;
	(pc) =	sbr.rel @p1 .LBB2_9-.Ltmp6, $4  }
0xde: {  	v10 =	vxor.u32 v10, v11  }
0xdf: {  	s12 =	sadd.s32 $0x10, s12;
	v10 =	vnsel vm1, $0x7FFFFFFF, v10  }
0xe0: {  	s13 =	sadd.s32 $0x10, s13;
	[tilespmem:s12+$0x0] =	vst v10  }
0xe1: {  	s15 =	sadd.s32 $0xFFFFFFFF, s15;
	s10 =	sadd.s32 $0x10, s10;
	v10 =	vld [tilespmem:s13+$0x0]  }
.LBB2_10:
0xe2: {  	_ = 	snop  }
0xe3: {  	v11 =	vor.u32 s10, v0  }
0xe4: {  	vm1 =	vlt.s32 v11, v9;
	_ =	sdelay $0x5  }
0xe5: {  	v9 =	vld.idx.msk [tilespmem:v10+s3+$0x0], vm1;
	_ =	sdelay $0x4  }
0xe6: {  	v10 =	vshra.s32 v9, $0x1F  }
0xe7: {  	v10 =	vand.u32 $0x7FFFFFFF, v10  }
0xe8: {  	s10 =	sadd.s32 @p0 $0x10, s12;
	v9 =	vxor.u32 v9, v10  }
0xe9: {  	s9 =	smov.u32 @p0 s10;
	v9 =	vnsel vm1, $0x7FFFFFFF, v9  }
0xea: {  	[tilespmem:s9+$0x0] =	vst v9  }
.LBB2_11:
0xeb: {  	s9 =	sadd.s32 $0x3, s1  }
0xec: {  	s15 =	sshll.u32 s1, $0x6;
	s10 =	sand.u32 $0x3, s9  }
0xed: {  	p0 =	slt.s32 s1, $0xFFFFFFFE;
	s16 =	sshra.s32 s15, $0x2;
	p1 =	sne.s32 s10, $0x0  }
.Ltmp7:
0xee: {  	s21 =	sshrl.u32 s9, $0x1E;
	p0 =	por !p0, !p1;
	(pc) =	sbr.rel .LBB2_12-.Ltmp7, $4  }
0xef: {  	s1 =	sadd.s32 s21, s9;
	s9 =	simm.s32 $0x1;
	p0 =	por !p0, !p0  }
0xf0: {  	[tilespmem:s16+$0xA980] =	vst v3;
	s1 =	sshra.s32 s1, $0x2;
	s9 =	simm.s32 @!p0 $0x0  }
0xf1: {  	s3 =	simm.s32 $0x17510;
	[tilespmem:s16+$0xA990] =	vst v3;
	s1 =	ssub.s32 s1, s9  }
0xf2: {  	[tilespmem:s16+$0xA9A0] =	vst v3;
	s10 =	simm.s32 $0x0;
	s9 =	simm.s32 $0x0;
	p0 =	slt.s32 s1, $0x1  }
.LBB2_13:
0xf3: {  	v10 =	vmov v4  }
.LBB2_20:
0xf4: {  	v11 =	vxor.u32 $0x7FFFFFFF, v9  }
0xf5: {  	(xrf0) =	vmax.scan.msk.u32 $0xffff, v11;
	_ =	sdelay $0x5  }
0xf6: {  	v11, _, _ =	vpop (xrf0)  }
0xf7: {  	v11 =	vxor.u32 $0x80000000, v11  }
0xf8: {  	v11 =	vperm.xlane v11, v1;
	_ =	sdelay $0x1  }
0xf9: {  	v9 =	vxor.u32 v9, v11  }
0xfa: {  	vm1 =	veq.s32 v9, $0xFFFFFFFF  }
0xfb: {  	v9 =	vnsel vm1, $0x0, v10  }
0xfc: {  	(xrf0) =	vmax.scan.msk.u32 $0xffff, v9;
	_ =	sdelay $0x5  }
0xfd: {  	v9, _, _ =	vpop (xrf0)  }
0xfe: {  	v9 =	vxor.u32 $0x80000000, v9  }
0xff: {  	v9 =	vperm.xlane v9, v1;
	_ =	sdelay $0x1  }
0x100: {  	(v2sf) =	vpush v9, $0x0;
	_ =	sdelay $0xe  }
0x101: {  	s12 =	spop (v2sf)  }
0x102: {  	s13 =	sxor.u32 $0xFFFFFFFF, s12;
	s15 =	sand.u32 $0xF, s12  }
0x103: {  	p1 =	sgt.s32 s12, $0xFFFFFFFE;
	s21 =	sshra.s32 s13, $0x1F;
	p2 =	sne.s32 s15, $0xF  }
0x104: {  	s12 =	sshrl.u32 s21, $0x1C;
	p1 =	por !p1, !p2  }
0x105: {  	s15 =	simm.s32 $0x1;
	s12 =	sadd.s32 s12, s13;
	p1 =	por !p1, !p1  }
0x106: {  	s12 =	sshrl.u32 s12, $0x4;
	s15 =	simm.s32 @!p1 $0x0  }
0x107: {  	s12 =	ssub.s32 s12, s15  }
0x108: {  	s12 =	sshll.u32 s12, $0x4  }
0x109: {  	v9 =	vld [tilespmem:s12+$0xA180];
	_ =	sdelay $0x1  }
0x10a: {  	s13 =	ssub.s32 s13, s12  }
0x10b: {  	v10 =	vmov s13  }
0x10c: {  	vm1 =	veq.s32 v10, v0  }
0x10d: {  	v9 =	vnsel vm1, $0x0, v9  }
0x10e: {  	(xrf0) =	vadd.scan.msk.s32 $0xffff, v9;
	_ =	sdelay $0x5  }
0x10f: {  	v9, _, _ =	vpop (xrf0)  }
0x110: {  	(v2sf) =	vpush v9, $0xF;
	_ =	sdelay $0x4  }
0x111: {  	v9 =	vld [tilespmem:s12+$0xA980];
	_ =	sdelay $0x4  }
0x112: {  	v9 =	vsel vm1, $0x7FFFFFFF, v9  }
0x113: {  	s0 =	sand.u32 $0x30, s10;
	[tilespmem:s12+$0xA980] =	vst v9  }
0x114: {  	s15 =	sand.u32 $0xF, s10;
	s10 =	sadd.s32 $0x1, s10;
	v9 =	vld [tilespmem:s0+$0xB200]  }
0x115: {  	p1 =	sne.s32 s10, $0x40  }
.Ltmp8:
0x116: {  	_ = 	snop;
	(pc) =	sbr.rel @!p1 .LBB2_21-.Ltmp8, $4  }
0x117: {  	v10 =	vmov s15;
	s16 =	spop (v2sf)  }
0x118: {  	vm1 =	veq.s32 v10, v0;
	s21 =	sadd.s32 s11, s16  }
0x119: {  	v9 =	vsel vm1, s21, v9  }
0x11a: {  	[tilespmem:s0+$0xB200] =	vst v9  }
.LBB2_12:
.Ltmp9:
0x11b: {  	(pc) =	sbr.rel @p0 .LBB2_13-.Ltmp9, $2  }
0x11c: {  	_ =	sdelay $0x2  }
0x11d: {  	v9 =	vimm.s32 $0x7FFFFFFF  }
0x11e: {  	p2 =	sne.s32 s1, $0x1  }
.Ltmp10:
0x11f: {  	_ = 	snop;
	(pc) =	sbr.rel @!p2 .LBB2_15-.Ltmp10, $3  }
0x120: {  	_ =	sdelay $0x1  }
0x121: {  	s12 =	simm.s32 $0xA9A0  }
0x122: {  	v10 =	vimm.s32 $0x0;
	s13 =	sadd.s32 $0xFFFFFFFF, s1;
	p1 =	por $0x0, $0x0;
	v11 =	vld [tilespmem:s12+$0xFFFFFFE0]  }
0x123: {  	_ = 	snop  }
0x124: {  	v14 =	vld [tilespmem:s12+$0xFFFFFFF0]  }
0x125: {  	p2 =	sne.s32 s13, $0x1  }
.Ltmp11:
0x126: {  	v12 =	vld [tilespmem:s12+$0x0];
	(pc) =	sbr.rel @!p2 .LBB2_17-.Ltmp11, $4  }
0x127: {  	vm1 =	vlt.s32 v11, v9  }
0x128: {  	v13 =	vld [tilespmem:s12+$0x10];
	v15 =	vsel vm1, v11, v9  }
0x129: {  	s16 =	simm.s32 $0x1;
	s12 =	simm.s32 $0xA9E0;
	v16 =	vsel vm1, s9, v10;
	vm1 =	vlt.s32 v14, v15  }
0x12a: {  	s15 =	sadd.s32 $0xFFFFFFFF, s13;
	p1 =	por $0x1, $0x1;
	s13 =	simm.s32 $0x0;
	v11 =	vld [tilespmem:s12+$0xFFFFFFE0];
	v15 =	vsel vm1, v14, v15;
	v14 =	vsel vm1, s16, v16  }
.LBB2_18:
0x12b: {  	p2 =	sne.s32 s15, $0x1;
	s16 =	sadd.s32 $0x2, s13;
	vm1 =	vlt.s32 v12, v15  }
0x12c: {  	v16 =	vld [tilespmem:s12+$0xFFFFFFF0];
	v15 =	vsel vm1, v12, v15;
	v14 =	vsel vm1, s16, v14  }
0x12d: {  	s16 =	sadd.s32 $0x3, s13;
	vm1 =	vlt.s32 v13, v15  }
.Ltmp12:
0x12e: {  	v12 =	vld [tilespmem:s12+$0x0];
	v13 =	vsel vm1, v13, v15;
	v14 =	vsel vm1, s16, v14;
	(pc) =	sbr.rel @p2 .LBB2_18-.Ltmp12, $4  }
0x12f: {  	s13 =	sadd.s32 $0x4, s13;
	vm1 =	vlt.s32 v11, v13  }
0x130: {  	v15 =	vsel vm1, v11, v13;
	v14 =	vsel vm1, s13, v14;
	v13 =	vld [tilespmem:s12+$0x10]  }
0x131: {  	s16 =	sadd.s32 $0x1, s13;
	s12 =	sadd.s32 $0x40, s12;
	vm1 =	vlt.s32 v16, v15  }
0x132: {  	s15 =	sadd.s32 $0xFFFFFFFF, s15;
	v11 =	vld [tilespmem:s12+$0xFFFFFFE0];
	v15 =	vsel vm1, v16, v15;
	v14 =	vsel vm1, s16, v14  }
.LBB2_19:
0x133: {  	vm1 =	vlt.s32 @p1 v12, v15  }
0x134: {  	v12 =	vsel @p1 vm1, v12, v15  }
0x135: {  	v62 =	vld [tilespmem:s12+$0xFFFFFFF0];
	vm2 =	vlt.s32 @p1 v13, v12  }
0x136: {  	v12 =	vsel @p1 vm2, v13, v12  }
0x137: {  	v63 =	vld [tilespmem:s12+$0x0];
	v9 =	vpsel p1, v12, v9  }
0x138: {  	s15 =	sadd.s32 @p1 $0x2, s13;
	vm3 =	vlt.s32 v11, v9  }
0x139: {  	v12 =	vsel @p1 vm1, s15, v14;
	s15 =	sadd.s32 @p1 $0x3, s13;
	v9 =	vsel vm3, v11, v9;
	v11 =	vld [tilespmem:s12+$0x10]  }
0x13a: {  	v12 =	vsel @p1 vm2, s15, v12;
	s12 =	sadd.s32 @p1 $0x4, s13;
	s13 =	simm.s32 $0x0;
	vm1 =	vlt.s32 v62, v9  }
0x13b: {  	v10 =	vpsel p1, v12, v10;
	s13 =	smov.u32 @p1 s12;
	v9 =	vsel vm1, v62, v9  }
0x13c: {  	v10 =	vsel vm3, s13, v10;
	s12 =	sadd.s32 $0x1, s13;
	vm2 =	vlt.s32 v63, v9  }
.Ltmp13:
0x13d: {  	s16 =	sadd.s32 $0x2, s13;
	v10 =	vsel vm1, s12, v10;
	v9 =	vsel vm2, v63, v9;
	(pc) =	sbr.rel .LBB2_20-.Ltmp13, $4  }
0x13e: {  	s21 =	sadd.s32 $0x3, s13;
	v10 =	vsel vm2, s16, v10;
	vm1 =	vlt.s32 v11, v9  }
0x13f: {  	v10 =	vsel vm1, s21, v10  }
0x140: {  	v10 =	vshll.u32 v10, $0x4  }
0x141: {  	v9 =	vsel vm1, v11, v9;
	v10 =	vxor.u32 v4, v10  }
.LBB2_15:
.Ltmp14:
0x142: {  	(pc) =	sbr.rel .LBB2_19-.Ltmp14, $2  }
0x143: {  	_ =	sdelay $0x2  }
0x144: {  	s13 =	simm.s32 $0x0  }
.LBB2_17:
.Ltmp15:
0x145: {  	(pc) =	sbr.rel .LBB2_19-.Ltmp15, $2  }
0x146: {  	_ =	sdelay $0x2  }
0x147: {  	s13 =	simm.s32 $0x0  }
.LBB2_21:
0x148: {  	v9 =	vld [tilespmem:$0xB200];
	_ =	sdelay $0x4  }
0x149: {  	v10 =	vshrl.u32 v9, $0x3  }
0x14a: {  	v10 =	vmul.u32 $0x30, v10  }
0x14b: {  	v9 =	vand.u32 $0x7, v9  }
0x14c: {  	v9 =	vor.u32 v9, v10  }
0x14d: {  	v10 =	vperm.xlane v9, v5;
	_ =	sdelay $0x1  }
0x14e: {  	v10 =	vadd.s32 v6, v10;
	_ =	sdelay $0x3  }
0x14f: {  	s9 =	simm.s32 $0x0;
	s1 =	rddreg [dreg:$0x1];
	s10 =	simm.s32 $0xB280;
	v9 =	vperm.xlane v9, v7  }
0x150: {  	[tilespmem:s10], [sflag:$0x1] =	stream.indirect_vreg.gather [hbm4b:s1+s9], $0x80, v10, vm0, $0xb8;
	[tilespmem:$0x1B600] =	vst v63  }
0x151: {  	s11 =	simm.s32 $0xBA80;
	v9 =	vadd.s32 v6, v9;
	s10 =	rddreg [dreg:$0xb]  }
0x152: {  	[tilespmem:s11], [sflag:$0x1] =	stream.indirect_vreg.gather [hbm4b:s10+s9], $0x80, v10, vm0, $0xb8;
	[tilespmem:$0x1B600] =	vst v63  }
0x153: {  	s12 =	simm.s32 $0xC280;
	s11 =	rddreg [dreg:$0xc]  }
0x154: {  	[tilespmem:s12], [sflag:$0x1] =	stream.indirect_vreg.gather [hbm4b:s11+s9], $0x80, v10, vm0, $0xb8;
	[tilespmem:$0x1B600] =	vst v63  }
0x155: {  	s13 =	simm.s32 $0xCA80  }
0x156: {  	[tilespmem:s13], [sflag:$0x1] =	stream.indirect_vreg.gather [hbm4b:s1+s9], $0x80, v9, vm0, $0xb8;
	[tilespmem:$0x1B600] =	vst v63  }
0x157: {  	s15 =	simm.s32 $0xD280  }
0x158: {  	[tilespmem:s15], [sflag:$0x1] =	stream.indirect_vreg.gather [hbm4b:s10+s9], $0x80, v9, vm0, $0xb8;
	[tilespmem:$0x1B600] =	vst v63  }
0x159: {  	s16 =	simm.s32 $0xDA80  }
0x15a: {  	[tilespmem:s16], [sflag:$0x1] =	stream.indirect_vreg.gather [hbm4b:s11+s9], $0x80, v9, vm0, $0xb8;
	[tilespmem:$0x1B600] =	vst v63  }
0x15b: {  	v9 =	vld [tilespmem:$0xB210];
	_ =	sdelay $0x4  }
0x15c: {  	v10 =	vshrl.u32 v9, $0x3  }
0x15d: {  	v10 =	vmul.u32 $0x30, v10  }
0x15e: {  	v9 =	vand.u32 $0x7, v9  }
0x15f: {  	v9 =	vor.u32 v9, v10  }
0x160: {  	v10 =	vperm.xlane v9, v5;
	_ =	sdelay $0x1  }
0x161: {  	v10 =	vadd.s32 v6, v10;
	_ =	sdelay $0x3  }
0x162: {  	s21 =	simm.s32 $0xE280;
	v9 =	vperm.xlane v9, v7  }
0x163: {  	[tilespmem:s21], [sflag:$0x1] =	stream.indirect_vreg.gather [hbm4b:s1+s9], $0x80, v10, vm0, $0xb8;
	[tilespmem:$0x1B600] =	vst v63  }
0x164: {  	s0 =	simm.s32 $0xEA80;
	v9 =	vadd.s32 v6, v9  }
0x165: {  	[tilespmem:s0], [sflag:$0x1] =	stream.indirect_vreg.gather [hbm4b:s10+s9], $0x80, v10, vm0, $0xb8;
	[tilespmem:$0x1B600] =	vst v63  }
0x166: {  	s13 =	simm.s32 $0xF280  }
0x167: {  	[tilespmem:s13], [sflag:$0x1] =	stream.indirect_vreg.gather [hbm4b:s11+s9], $0x80, v10, vm0, $0xb8;
	[tilespmem:$0x1B600] =	vst v63  }
0x168: {  	s15 =	simm.s32 $0xFA80  }
0x169: {  	[tilespmem:s15], [sflag:$0x1] =	stream.indirect_vreg.gather [hbm4b:s1+s9], $0x80, v9, vm0, $0xb8;
	[tilespmem:$0x1B600] =	vst v63  }
0x16a: {  	s16 =	simm.s32 $0x10280  }
0x16b: {  	[tilespmem:s16], [sflag:$0x1] =	stream.indirect_vreg.gather [hbm4b:s10+s9], $0x80, v9, vm0, $0xb8;
	[tilespmem:$0x1B600] =	vst v63  }
0x16c: {  	s21 =	simm.s32 $0x10A80  }
0x16d: {  	[tilespmem:s21], [sflag:$0x1] =	stream.indirect_vreg.gather [hbm4b:s11+s9], $0x80, v9, vm0, $0xb8;
	[tilespmem:$0x1B600] =	vst v63  }
0x16e: {  	v9 =	vld [tilespmem:$0xB220];
	_ =	sdelay $0x4  }
0x16f: {  	v10 =	vshrl.u32 v9, $0x3  }
0x170: {  	v10 =	vmul.u32 $0x30, v10  }
0x171: {  	v9 =	vand.u32 $0x7, v9  }
0x172: {  	v9 =	vor.u32 v9, v10  }
0x173: {  	v10 =	vperm.xlane v9, v5;
	_ =	sdelay $0x1  }
0x174: {  	v10 =	vadd.s32 v6, v10;
	_ =	sdelay $0x3  }
0x175: {  	s0 =	simm.s32 $0x11280;
	v9 =	vperm.xlane v9, v7  }
0x176: {  	[tilespmem:s0], [sflag:$0x1] =	stream.indirect_vreg.gather [hbm4b:s1+s9], $0x80, v10, vm0, $0xb8;
	[tilespmem:$0x1B600] =	vst v63  }
0x177: {  	s13 =	simm.s32 $0x11A80;
	v9 =	vadd.s32 v6, v9  }
0x178: {  	[tilespmem:s13], [sflag:$0x1] =	stream.indirect_vreg.gather [hbm4b:s10+s9], $0x80, v10, vm0, $0xb8;
	[tilespmem:$0x1B600] =	vst v63  }
0x179: {  	s15 =	simm.s32 $0x12280  }
0x17a: {  	[tilespmem:s15], [sflag:$0x1] =	stream.indirect_vreg.gather [hbm4b:s11+s9], $0x80, v10, vm0, $0xb8;
	[tilespmem:$0x1B600] =	vst v63  }
0x17b: {  	s16 =	simm.s32 $0x12A80  }
0x17c: {  	[tilespmem:s16], [sflag:$0x1] =	stream.indirect_vreg.gather [hbm4b:s1+s9], $0x80, v9, vm0, $0xb8;
	[tilespmem:$0x1B600] =	vst v63  }
0x17d: {  	s21 =	simm.s32 $0x13280  }
0x17e: {  	[tilespmem:s21], [sflag:$0x1] =	stream.indirect_vreg.gather [hbm4b:s10+s9], $0x80, v9, vm0, $0xb8;
	[tilespmem:$0x1B600] =	vst v63  }
0x17f: {  	s0 =	simm.s32 $0x13A80  }
0x180: {  	[tilespmem:s0], [sflag:$0x1] =	stream.indirect_vreg.gather [hbm4b:s11+s9], $0x80, v9, vm0, $0xb8;
	[tilespmem:$0x1B600] =	vst v63  }
0x181: {  	v9 =	vld [tilespmem:$0xB230];
	_ =	sdelay $0x4  }
0x182: {  	v10 =	vshrl.u32 v9, $0x3  }
0x183: {  	v10 =	vmul.u32 $0x30, v10  }
0x184: {  	v9 =	vand.u32 $0x7, v9  }
0x185: {  	v9 =	vor.u32 v9, v10  }
0x186: {  	v10 =	vperm.xlane v9, v5;
	_ =	sdelay $0x1  }
0x187: {  	v10 =	vadd.s32 v6, v10;
	_ =	sdelay $0x3  }
0x188: {  	s13 =	simm.s32 $0x14280;
	v9 =	vperm.xlane v9, v7  }
0x189: {  	[tilespmem:s13], [sflag:$0x1] =	stream.indirect_vreg.gather [hbm4b:s1+s9], $0x80, v10, vm0, $0xb8;
	[tilespmem:$0x1B600] =	vst v63  }
0x18a: {  	s15 =	simm.s32 $0x14A80;
	v9 =	vadd.s32 v6, v9  }
0x18b: {  	[tilespmem:s15], [sflag:$0x1] =	stream.indirect_vreg.gather [hbm4b:s10+s9], $0x80, v10, vm0, $0xb8;
	[tilespmem:$0x1B600] =	vst v63  }
0x18c: {  	s16 =	simm.s32 $0x15280  }
0x18d: {  	[tilespmem:s16], [sflag:$0x1] =	stream.indirect_vreg.gather [hbm4b:s11+s9], $0x80, v10, vm0, $0xb8;
	[tilespmem:$0x1B600] =	vst v63  }
0x18e: {  	s21 =	simm.s32 $0x15A80  }
0x18f: {  	[tilespmem:s21], [sflag:$0x1] =	stream.indirect_vreg.gather [hbm4b:s1+s9], $0x80, v9, vm0, $0xb8;
	[tilespmem:$0x1B600] =	vst v63  }
0x190: {  	s0 =	simm.s32 $0x16280  }
0x191: {  	[tilespmem:s0], [sflag:$0x1] =	stream.indirect_vreg.gather [hbm4b:s10+s9], $0x80, v9, vm0, $0xb8;
	[tilespmem:$0x1B600] =	vst v63  }
0x192: {  	s12 =	rddreg [dreg:$0x7];
	s10 =	simm.s32 $0x16A80  }
0x193: {  	[tilespmem:s10], [sflag:$0x1] =	stream.indirect_vreg.gather [hbm4b:s11+s9], $0x80, v9, vm0, $0xb8;
	[tilespmem:$0x1B600] =	vst v63  }
0x194: {  	s13 =	simm.s32 $0x40;
	s15 =	simm.s32 $0xB200;
	s16 =	simm.s32 $0x17580  }
0x195: {  	[tilespmem:s16], [sflag:$0x2] =	stream.indirect.gather [hbm4b:s12+s13], $0x80, s15, s13, $0xb8;
	[tilespmem:$0x1B600] =	vst v63  }
0x196: {  	[tilespmem:$0x17280] =	vst v8  }
0x197: {  	[tilespmem:$0x17290] =	vst v8  }
0x198: {  	[tilespmem:$0x172A0] =	vst v8  }
0x199: {  	[tilespmem:$0x172B0] =	vst v8  }
0x19a: {  	[tilespmem:$0x172C0] =	vst v8  }
0x19b: {  	[tilespmem:$0x172D0] =	vst v8  }
0x19c: {  	[tilespmem:$0x172E0] =	vst v8  }
0x19d: {  	[tilespmem:$0x172F0] =	vst v8  }
0x19e: {  	[tilespmem:$0x17300] =	vst v8  }
0x19f: {  	[tilespmem:$0x17310] =	vst v8  }
0x1a0: {  	[tilespmem:$0x17320] =	vst v8  }
0x1a1: {  	[tilespmem:$0x17330] =	vst v8  }
0x1a2: {  	[tilespmem:$0x17340] =	vst v8  }
0x1a3: {  	[tilespmem:$0x17350] =	vst v8  }
0x1a4: {  	[tilespmem:$0x17360] =	vst v8  }
0x1a5: {  	[tilespmem:$0x17370] =	vst v8  }
0x1a6: {  	[tilespmem:$0x17380] =	vst v8  }
0x1a7: {  	[tilespmem:$0x17390] =	vst v8  }
0x1a8: {  	[tilespmem:$0x173A0] =	vst v8  }
0x1a9: {  	[tilespmem:$0x173B0] =	vst v8  }
0x1aa: {  	[tilespmem:$0x173C0] =	vst v8  }
0x1ab: {  	[tilespmem:$0x173D0] =	vst v8  }
0x1ac: {  	[tilespmem:$0x173E0] =	vst v8  }
0x1ad: {  	[tilespmem:$0x173F0] =	vst v8  }
0x1ae: {  	[tilespmem:$0x17400] =	vst v8  }
0x1af: {  	[tilespmem:$0x17410] =	vst v8  }
0x1b0: {  	[tilespmem:$0x17420] =	vst v8  }
0x1b1: {  	[tilespmem:$0x17430] =	vst v8  }
0x1b2: {  	[tilespmem:$0x17440] =	vst v8  }
0x1b3: {  	[tilespmem:$0x17450] =	vst v8  }
0x1b4: {  	[tilespmem:$0x17460] =	vst v8  }
0x1b5: {  	[tilespmem:$0x17470] =	vst v8  }
0x1b6: {  	[tilespmem:$0x17480] =	vst v8  }
0x1b7: {  	[tilespmem:$0x17490] =	vst v8  }
0x1b8: {  	[tilespmem:$0x174A0] =	vst v8  }
0x1b9: {  	[tilespmem:$0x174B0] =	vst v8  }
0x1ba: {  	[tilespmem:$0x174C0] =	vst v8  }
0x1bb: {  	[tilespmem:$0x174D0] =	vst v8  }
0x1bc: {  	[tilespmem:$0x174E0] =	vst v8  }
0x1bd: {  	[tilespmem:$0x174F0] =	vst v8  }
0x1be: {  	[tilespmem:$0x17500] =	vst v8  }
0x1bf: {  	[tilespmem:$0x17510] =	vst v8  }
0x1c0: {  	[tilespmem:$0x17520] =	vst v8  }
0x1c1: {  	[tilespmem:$0x17530] =	vst v8  }
0x1c2: {  	[tilespmem:$0x17540] =	vst v8  }
0x1c3: {  	[tilespmem:$0x17550] =	vst v8  }
0x1c4: {  	[tilespmem:$0x17560] =	vst v8  }
0x1c5: {  	s21 =	simm.s32 $0x1;
	[tilespmem:$0x17570] =	vst v8  }
0x1c6: {  	_ =	swait.ge [sflag:s21], $0xC000  }
0x1c7: {  	[sflag:s21] =	ssyncset.done $0x0  }
0x1c8: {  	s10 =	simm.s32 $0xFFFFFFFC;
	[sflag:s21] =	ssyncadd.s32 $0xFFFF4000  }
.LBB2_22:
0x1c9: {  	s10 =	sadd.s32 $0x4, s10  }
0x1ca: {  	s1 =	sshrl.u32 s10, $0x3  }
0x1cb: {  	s1 =	smul.u32 $0x6000, s1;
	_ =	sdelay $0x1  }
0x1cc: {  	s12 =	sshra.s32 s1, $0x2  }
0x1cd: {  	s21 =	sand.u32 $0x200, s9;
	s16 =	sadd.s32 $0xB280, s12  }
0x1ce: {  	s1 =	sadd.s32 s21, s16  }
0x1cf: {  	v9 =	vld [tilespmem:s1+$0x0];
	_ =	sdelay $0x4  }
0x1d0: {  	[tilespmem:s17+$0x0] =	vst.add.f32.msk $0xffff, v9  }
0x1d1: {  	v9 =	vld [tilespmem:s1+$0x10];
	_ =	sdelay $0x3  }
0x1d2: {  	s11 =	simm.s32 $0x17290  }
0x1d3: {  	[tilespmem:s11+$0x0] =	vst.add.f32.msk $0xffff, v9  }
0x1d4: {  	v9 =	vld [tilespmem:s1+$0x20];
	_ =	sdelay $0x3  }
0x1d5: {  	s0 =	simm.s32 $0x172A0  }
0x1d6: {  	[tilespmem:s0+$0x0] =	vst.add.f32.msk $0xffff, v9  }
0x1d7: {  	v9 =	vld [tilespmem:s1+$0x30];
	_ =	sdelay $0x4  }
0x1d8: {  	[tilespmem:s30+$0x0] =	vst.add.f32.msk $0xffff, v9  }
0x1d9: {  	v9 =	vld [tilespmem:s1+$0x40];
	_ =	sdelay $0x3  }
0x1da: {  	s15 =	simm.s32 $0x172C0  }
0x1db: {  	[tilespmem:s15+$0x0] =	vst.add.f32.msk $0xffff, v9  }
0x1dc: {  	v9 =	vld [tilespmem:s1+$0x50];
	_ =	sdelay $0x3  }
0x1dd: {  	s17 =	simm.s32 $0x172D0  }
0x1de: {  	[tilespmem:s17+$0x0] =	vst.add.f32.msk $0xffff, v9  }
0x1df: {  	v9 =	vld [tilespmem:s1+$0x60];
	_ =	sdelay $0x3  }
0x1e0: {  	s11 =	simm.s32 $0x172E0  }
0x1e1: {  	[tilespmem:s11+$0x0] =	vst.add.f32.msk $0xffff, v9  }
0x1e2: {  	v9 =	vld [tilespmem:s1+$0x70];
	_ =	sdelay $0x3  }
0x1e3: {  	s13 =	simm.s32 $0x172F0  }
0x1e4: {  	[tilespmem:s13+$0x0] =	vst.add.f32.msk $0xffff, v9  }
0x1e5: {  	v9 =	vld [tilespmem:s1+$0x400];
	_ =	sdelay $0x3  }
0x1e6: {  	s15 =	simm.s32 $0x17300  }
0x1e7: {  	[tilespmem:s15+$0x0] =	vst.add.f32.msk $0xffff, v9  }
0x1e8: {  	v9 =	vld [tilespmem:s1+$0x410];
	_ =	sdelay $0x3  }
0x1e9: {  	s17 =	simm.s32 $0x17310  }
0x1ea: {  	[tilespmem:s17+$0x0] =	vst.add.f32.msk $0xffff, v9  }
0x1eb: {  	v9 =	vld [tilespmem:s1+$0x420];
	_ =	sdelay $0x3  }
0x1ec: {  	s11 =	simm.s32 $0x17320  }
0x1ed: {  	[tilespmem:s11+$0x0] =	vst.add.f32.msk $0xffff, v9  }
0x1ee: {  	v9 =	vld [tilespmem:s1+$0x430];
	_ =	sdelay $0x3  }
0x1ef: {  	s13 =	simm.s32 $0x17330  }
0x1f0: {  	[tilespmem:s13+$0x0] =	vst.add.f32.msk $0xffff, v9  }
0x1f1: {  	v9 =	vld [tilespmem:s1+$0x440];
	_ =	sdelay $0x3  }
0x1f2: {  	s15 =	simm.s32 $0x17340  }
0x1f3: {  	[tilespmem:s15+$0x0] =	vst.add.f32.msk $0xffff, v9  }
0x1f4: {  	v9 =	vld [tilespmem:s1+$0x450];
	_ =	sdelay $0x3  }
0x1f5: {  	s17 =	simm.s32 $0x17350  }
0x1f6: {  	[tilespmem:s17+$0x0] =	vst.add.f32.msk $0xffff, v9  }
0x1f7: {  	v9 =	vld [tilespmem:s1+$0x460];
	_ =	sdelay $0x3  }
0x1f8: {  	s11 =	simm.s32 $0x17360  }
0x1f9: {  	[tilespmem:s11+$0x0] =	vst.add.f32.msk $0xffff, v9  }
0x1fa: {  	v9 =	vld [tilespmem:s1+$0x470];
	_ =	sdelay $0x3  }
0x1fb: {  	s13 =	simm.s32 $0x17370;
	s17 =	sadd.s32 $0xBA80, s12  }
0x1fc: {  	s1 =	sadd.s32 s21, s17;
	[tilespmem:s13+$0x0] =	vst.add.f32.msk $0xffff, v9  }
0x1fd: {  	v9 =	vld [tilespmem:s1+$0x0];
	_ =	sdelay $0x3  }
0x1fe: {  	s15 =	simm.s32 $0x17380  }
0x1ff: {  	[tilespmem:s15+$0x0] =	vst.add.f32.msk $0xffff, v9  }
0x200: {  	v9 =	vld [tilespmem:s1+$0x10];
	_ =	sdelay $0x3  }
0x201: {  	s11 =	simm.s32 $0x17390  }
0x202: {  	[tilespmem:s11+$0x0] =	vst.add.f32.msk $0xffff, v9  }
0x203: {  	v9 =	vld [tilespmem:s1+$0x20];
	_ =	sdelay $0x3  }
0x204: {  	s13 =	simm.s32 $0x173A0  }
0x205: {  	[tilespmem:s13+$0x0] =	vst.add.f32.msk $0xffff, v9  }
0x206: {  	v9 =	vld [tilespmem:s1+$0x30];
	_ =	sdelay $0x3  }
0x207: {  	s15 =	simm.s32 $0x173B0  }
0x208: {  	[tilespmem:s15+$0x0] =	vst.add.f32.msk $0xffff, v9  }
0x209: {  	v9 =	vld [tilespmem:s1+$0x40];
	_ =	sdelay $0x3  }
0x20a: {  	s11 =	simm.s32 $0x173C0  }
0x20b: {  	[tilespmem:s11+$0x0] =	vst.add.f32.msk $0xffff, v9  }
0x20c: {  	v9 =	vld [tilespmem:s1+$0x50];
	_ =	sdelay $0x3  }
0x20d: {  	s13 =	simm.s32 $0x173D0  }
0x20e: {  	[tilespmem:s13+$0x0] =	vst.add.f32.msk $0xffff, v9  }
0x20f: {  	v9 =	vld [tilespmem:s1+$0x60];
	_ =	sdelay $0x3  }
0x210: {  	s15 =	simm.s32 $0x173E0  }
0x211: {  	[tilespmem:s15+$0x0] =	vst.add.f32.msk $0xffff, v9  }
0x212: {  	v9 =	vld [tilespmem:s1+$0x70];
	_ =	sdelay $0x3  }
0x213: {  	s1 =	sadd.s32 $0xBE80, s12  }
0x214: {  	s13 =	sadd.s32 s21, s1;
	[tilespmem:s2+$0x0] =	vst.add.f32.msk $0xffff, v9  }
0x215: {  	v9 =	vld [tilespmem:s13+$0x0];
	_ =	sdelay $0x4  }
0x216: {  	[tilespmem:s18+$0x0] =	vst.add.f32.msk $0xffff, v9  }
0x217: {  	v9 =	vld [tilespmem:s13+$0x10];
	_ =	sdelay $0x4  }
0x218: {  	[tilespmem:s4+$0x0] =	vst.add.f32.msk $0xffff, v9  }
0x219: {  	v9 =	vld [tilespmem:s13+$0x20];
	_ =	sdelay $0x4  }
0x21a: {  	[tilespmem:s5+$0x0] =	vst.add.f32.msk $0xffff, v9  }
0x21b: {  	v9 =	vld [tilespmem:s13+$0x30];
	_ =	sdelay $0x4  }
0x21c: {  	[tilespmem:s6+$0x0] =	vst.add.f32.msk $0xffff, v9  }
0x21d: {  	v9 =	vld [tilespmem:s13+$0x40];
	_ =	sdelay $0x4  }
0x21e: {  	[tilespmem:s7+$0x0] =	vst.add.f32.msk $0xffff, v9  }
0x21f: {  	v9 =	vld [tilespmem:s13+$0x50];
	_ =	sdelay $0x4  }
0x220: {  	[tilespmem:s8+$0x0] =	vst.add.f32.msk $0xffff, v9  }
0x221: {  	v9 =	vld [tilespmem:s13+$0x60];
	_ =	sdelay $0x4  }
0x222: {  	[tilespmem:s14+$0x0] =	vst.add.f32.msk $0xffff, v9  }
0x223: {  	v9 =	vld [tilespmem:s13+$0x70];
	_ =	sdelay $0x3  }
0x224: {  	s15 =	sadd.s32 $0xC280, s12  }
0x225: {  	s18 =	sadd.s32 s21, s15;
	[tilespmem:s19+$0x0] =	vst.add.f32.msk $0xffff, v9  }
0x226: {  	v9 =	vld [tilespmem:s18+$0x0];
	_ =	sdelay $0x4  }
0x227: {  	[tilespmem:s20+$0x0] =	vst.add.f32.msk $0xffff, v9  }
0x228: {  	v9 =	vld [tilespmem:s18+$0x10];
	_ =	sdelay $0x4  }
0x229: {  	[tilespmem:s23+$0x0] =	vst.add.f32.msk $0xffff, v9  }
0x22a: {  	v9 =	vld [tilespmem:s18+$0x20];
	_ =	sdelay $0x4  }
0x22b: {  	[tilespmem:s22+$0x0] =	vst.add.f32.msk $0xffff, v9  }
0x22c: {  	v9 =	vld [tilespmem:s18+$0x30];
	_ =	sdelay $0x4  }
0x22d: {  	[tilespmem:s24+$0x0] =	vst.add.f32.msk $0xffff, v9  }
0x22e: {  	v9 =	vld [tilespmem:s18+$0x40];
	_ =	sdelay $0x4  }
0x22f: {  	[tilespmem:s25+$0x0] =	vst.add.f32.msk $0xffff, v9  }
0x230: {  	v9 =	vld [tilespmem:s18+$0x50];
	_ =	sdelay $0x4  }
0x231: {  	[tilespmem:s26+$0x0] =	vst.add.f32.msk $0xffff, v9  }
0x232: {  	v9 =	vld [tilespmem:s18+$0x60];
	_ =	sdelay $0x4  }
0x233: {  	[tilespmem:s28+$0x0] =	vst.add.f32.msk $0xffff, v9  }
0x234: {  	v9 =	vld [tilespmem:s18+$0x70];
	_ =	sdelay $0x3  }
0x235: {  	s12 =	sadd.s32 $0xC680, s12  }
0x236: {  	s19 =	sadd.s32 s21, s12;
	[tilespmem:s29+$0x0] =	vst.add.f32.msk $0xffff, v9  }
0x237: {  	v9 =	vld [tilespmem:s19+$0x0];
	_ =	sdelay $0x4  }
0x238: {  	[tilespmem:s31+$0x0] =	vst.add.f32.msk $0xffff, v9  }
0x239: {  	v9 =	vld [tilespmem:s19+$0x10];
	_ =	sdelay $0x4  }
0x23a: {  	[tilespmem:s3+$0x0] =	vst.add.f32.msk $0xffff, v9  }
0x23b: {  	v9 =	vld [tilespmem:s19+$0x20];
	_ =	sdelay $0x3  }
0x23c: {  	s20 =	simm.s32 $0x17520  }
0x23d: {  	[tilespmem:s20+$0x0] =	vst.add.f32.msk $0xffff, v9  }
0x23e: {  	v9 =	vld [tilespmem:s19+$0x30];
	_ =	sdelay $0x3  }
0x23f: {  	s22 =	simm.s32 $0x17530  }
0x240: {  	[tilespmem:s22+$0x0] =	vst.add.f32.msk $0xffff, v9  }
0x241: {  	v9 =	vld [tilespmem:s19+$0x40];
	_ =	sdelay $0x3  }
0x242: {  	s23 =	simm.s32 $0x17540  }
0x243: {  	[tilespmem:s23+$0x0] =	vst.add.f32.msk $0xffff, v9  }
0x244: {  	v9 =	vld [tilespmem:s19+$0x50];
	_ =	sdelay $0x3  }
0x245: {  	s24 =	simm.s32 $0x17550  }
0x246: {  	[tilespmem:s24+$0x0] =	vst.add.f32.msk $0xffff, v9  }
0x247: {  	v9 =	vld [tilespmem:s19+$0x60];
	_ =	sdelay $0x3  }
0x248: {  	s25 =	simm.s32 $0x17560  }
0x249: {  	[tilespmem:s25+$0x0] =	vst.add.f32.msk $0xffff, v9  }
0x24a: {  	v9 =	vld [tilespmem:s19+$0x70];
	_ =	sdelay $0x3  }
0x24b: {  	s13 =	sor.u32 $0x80, s21;
	s26 =	simm.s32 $0x17570  }
0x24c: {  	s11 =	sadd.s32 s13, s16;
	[tilespmem:s26+$0x0] =	vst.add.f32.msk $0xffff, v9  }
0x24d: {  	v9 =	vld [tilespmem:s11+$0x0];
	_ =	sdelay $0x3  }
0x24e: {  	s2 =	simm.s32 $0x17280  }
0x24f: {  	[tilespmem:s2+$0x0] =	vst.add.f32.msk $0xffff, v9  }
0x250: {  	v9 =	vld [tilespmem:s11+$0x10];
	_ =	sdelay $0x3  }
0x251: {  	s18 =	simm.s32 $0x17290  }
0x252: {  	[tilespmem:s18+$0x0] =	vst.add.f32.msk $0xffff, v9  }
0x253: {  	v9 =	vld [tilespmem:s11+$0x20];
	_ =	sdelay $0x3  }
0x254: {  	s30 =	simm.s32 $0x172A0  }
0x255: {  	[tilespmem:s30+$0x0] =	vst.add.f32.msk $0xffff, v9  }
0x256: {  	v9 =	vld [tilespmem:s11+$0x30];
	_ =	sdelay $0x3  }
0x257: {  	s2 =	simm.s32 $0x172B0  }
0x258: {  	[tilespmem:s2+$0x0] =	vst.add.f32.msk $0xffff, v9  }
0x259: {  	v9 =	vld [tilespmem:s11+$0x40];
	_ =	sdelay $0x3  }
0x25a: {  	s18 =	simm.s32 $0x172C0  }
0x25b: {  	[tilespmem:s18+$0x0] =	vst.add.f32.msk $0xffff, v9  }
0x25c: {  	v9 =	vld [tilespmem:s11+$0x50];
	_ =	sdelay $0x3  }
0x25d: {  	s18 =	simm.s32 $0x172D0  }
0x25e: {  	[tilespmem:s18+$0x0] =	vst.add.f32.msk $0xffff, v9  }
0x25f: {  	v9 =	vld [tilespmem:s11+$0x60];
	_ =	sdelay $0x3  }
0x260: {  	s18 =	simm.s32 $0x172E0  }
0x261: {  	[tilespmem:s18+$0x0] =	vst.add.f32.msk $0xffff, v9  }
0x262: {  	v9 =	vld [tilespmem:s11+$0x70];
	_ =	sdelay $0x3  }
0x263: {  	s18 =	simm.s32 $0x172F0  }
0x264: {  	[tilespmem:s18+$0x0] =	vst.add.f32.msk $0xffff, v9  }
0x265: {  	v9 =	vld [tilespmem:s11+$0x400];
	_ =	sdelay $0x3  }
0x266: {  	s18 =	simm.s32 $0x17300  }
0x267: {  	[tilespmem:s18+$0x0] =	vst.add.f32.msk $0xffff, v9  }
0x268: {  	v9 =	vld [tilespmem:s11+$0x410];
	_ =	sdelay $0x3  }
0x269: {  	s18 =	simm.s32 $0x17310  }
0x26a: {  	[tilespmem:s18+$0x0] =	vst.add.f32.msk $0xffff, v9  }
0x26b: {  	v9 =	vld [tilespmem:s11+$0x420];
	_ =	sdelay $0x3  }
0x26c: {  	s18 =	simm.s32 $0x17320  }
0x26d: {  	[tilespmem:s18+$0x0] =	vst.add.f32.msk $0xffff, v9  }
0x26e: {  	v9 =	vld [tilespmem:s11+$0x430];
	_ =	sdelay $0x3  }
0x26f: {  	s18 =	simm.s32 $0x17330  }
0x270: {  	[tilespmem:s18+$0x0] =	vst.add.f32.msk $0xffff, v9  }
0x271: {  	v9 =	vld [tilespmem:s11+$0x440];
	_ =	sdelay $0x3  }
0x272: {  	s18 =	simm.s32 $0x17340  }
0x273: {  	[tilespmem:s18+$0x0] =	vst.add.f32.msk $0xffff, v9  }
0x274: {  	v9 =	vld [tilespmem:s11+$0x450];
	_ =	sdelay $0x3  }
0x275: {  	s18 =	simm.s32 $0x17350  }
0x276: {  	[tilespmem:s18+$0x0] =	vst.add.f32.msk $0xffff, v9  }
0x277: {  	v9 =	vld [tilespmem:s11+$0x460];
	_ =	sdelay $0x3  }
0x278: {  	s18 =	simm.s32 $0x17360  }
0x279: {  	[tilespmem:s18+$0x0] =	vst.add.f32.msk $0xffff, v9  }
0x27a: {  	v9 =	vld [tilespmem:s11+$0x470];
	_ =	sdelay $0x3  }
0x27b: {  	s18 =	simm.s32 $0x17370  }
0x27c: {  	s11 =	sadd.s32 s13, s17;
	[tilespmem:s18+$0x0] =	vst.add.f32.msk $0xffff, v9  }
0x27d: {  	v9 =	vld [tilespmem:s11+$0x0];
	_ =	sdelay $0x3  }
0x27e: {  	s18 =	simm.s32 $0x17380  }
0x27f: {  	[tilespmem:s18+$0x0] =	vst.add.f32.msk $0xffff, v9  }
0x280: {  	v9 =	vld [tilespmem:s11+$0x10];
	_ =	sdelay $0x3  }
0x281: {  	s18 =	simm.s32 $0x17390  }
0x282: {  	[tilespmem:s18+$0x0] =	vst.add.f32.msk $0xffff, v9  }
0x283: {  	v9 =	vld [tilespmem:s11+$0x20];
	_ =	sdelay $0x3  }
0x284: {  	s18 =	simm.s32 $0x173A0  }
0x285: {  	[tilespmem:s18+$0x0] =	vst.add.f32.msk $0xffff, v9  }
0x286: {  	v9 =	vld [tilespmem:s11+$0x30];
	_ =	sdelay $0x3  }
0x287: {  	s18 =	simm.s32 $0x173B0  }
0x288: {  	[tilespmem:s18+$0x0] =	vst.add.f32.msk $0xffff, v9  }
0x289: {  	v9 =	vld [tilespmem:s11+$0x40];
	_ =	sdelay $0x3  }
0x28a: {  	s18 =	simm.s32 $0x173C0  }
0x28b: {  	[tilespmem:s18+$0x0] =	vst.add.f32.msk $0xffff, v9  }
0x28c: {  	v9 =	vld [tilespmem:s11+$0x50];
	_ =	sdelay $0x3  }
0x28d: {  	s18 =	simm.s32 $0x173D0  }
0x28e: {  	[tilespmem:s18+$0x0] =	vst.add.f32.msk $0xffff, v9  }
0x28f: {  	v9 =	vld [tilespmem:s11+$0x60];
	_ =	sdelay $0x3  }
0x290: {  	s0 =	simm.s32 $0x173E0  }
0x291: {  	[tilespmem:s0+$0x0] =	vst.add.f32.msk $0xffff, v9  }
0x292: {  	v9 =	vld [tilespmem:s11+$0x70];
	_ =	sdelay $0x3  }
0x293: {  	s31 =	simm.s32 $0x173F0  }
0x294: {  	s11 =	sadd.s32 s13, s1;
	[tilespmem:s31+$0x0] =	vst.add.f32.msk $0xffff, v9  }
0x295: {  	v9 =	vld [tilespmem:s11+$0x0];
	_ =	sdelay $0x3  }
0x296: {  	s18 =	simm.s32 $0x17400  }
0x297: {  	[tilespmem:s18+$0x0] =	vst.add.f32.msk $0xffff, v9  }
0x298: {  	v9 =	vld [tilespmem:s11+$0x10];
	_ =	sdelay $0x3  }
0x299: {  	s3 =	simm.s32 $0x17410  }
0x29a: {  	[tilespmem:s3+$0x0] =	vst.add.f32.msk $0xffff, v9  }
0x29b: {  	v9 =	vld [tilespmem:s11+$0x20];
	_ =	sdelay $0x3  }
0x29c: {  	s4 =	simm.s32 $0x17420  }
0x29d: {  	[tilespmem:s4+$0x0] =	vst.add.f32.msk $0xffff, v9  }
0x29e: {  	v9 =	vld [tilespmem:s11+$0x30];
	_ =	sdelay $0x3  }
0x29f: {  	s5 =	simm.s32 $0x17430  }
0x2a0: {  	[tilespmem:s5+$0x0] =	vst.add.f32.msk $0xffff, v9  }
0x2a1: {  	v9 =	vld [tilespmem:s11+$0x40];
	_ =	sdelay $0x3  }
0x2a2: {  	s6 =	simm.s32 $0x17440  }
0x2a3: {  	[tilespmem:s6+$0x0] =	vst.add.f32.msk $0xffff, v9  }
0x2a4: {  	v9 =	vld [tilespmem:s11+$0x50];
	_ =	sdelay $0x3  }
0x2a5: {  	s7 =	simm.s32 $0x17450  }
0x2a6: {  	[tilespmem:s7+$0x0] =	vst.add.f32.msk $0xffff, v9  }
0x2a7: {  	v9 =	vld [tilespmem:s11+$0x60];
	_ =	sdelay $0x3  }
0x2a8: {  	s8 =	simm.s32 $0x17460  }
0x2a9: {  	[tilespmem:s8+$0x0] =	vst.add.f32.msk $0xffff, v9  }
0x2aa: {  	v9 =	vld [tilespmem:s11+$0x70];
	_ =	sdelay $0x3  }
0x2ab: {  	s14 =	simm.s32 $0x17470  }
0x2ac: {  	s18 =	sadd.s32 s13, s15;
	[tilespmem:s14+$0x0] =	vst.add.f32.msk $0xffff, v9  }
0x2ad: {  	v9 =	vld [tilespmem:s18+$0x0];
	_ =	sdelay $0x3  }
0x2ae: {  	s19 =	simm.s32 $0x17480  }
0x2af: {  	[tilespmem:s19+$0x0] =	vst.add.f32.msk $0xffff, v9  }
0x2b0: {  	v9 =	vld [tilespmem:s18+$0x10];
	_ =	sdelay $0x3  }
0x2b1: {  	s20 =	simm.s32 $0x17490  }
0x2b2: {  	[tilespmem:s20+$0x0] =	vst.add.f32.msk $0xffff, v9  }
0x2b3: {  	v9 =	vld [tilespmem:s18+$0x20];
	_ =	sdelay $0x3  }
0x2b4: {  	s22 =	simm.s32 $0x174A0  }
0x2b5: {  	[tilespmem:s22+$0x0] =	vst.add.f32.msk $0xffff, v9  }
0x2b6: {  	v9 =	vld [tilespmem:s18+$0x30];
	_ =	sdelay $0x3  }
0x2b7: {  	s23 =	simm.s32 $0x174B0  }
0x2b8: {  	[tilespmem:s23+$0x0] =	vst.add.f32.msk $0xffff, v9  }
0x2b9: {  	v9 =	vld [tilespmem:s18+$0x40];
	_ =	sdelay $0x3  }
0x2ba: {  	s24 =	simm.s32 $0x174C0  }
0x2bb: {  	[tilespmem:s24+$0x0] =	vst.add.f32.msk $0xffff, v9  }
0x2bc: {  	v9 =	vld [tilespmem:s18+$0x50];
	_ =	sdelay $0x3  }
0x2bd: {  	s25 =	simm.s32 $0x174D0  }
0x2be: {  	[tilespmem:s25+$0x0] =	vst.add.f32.msk $0xffff, v9  }
0x2bf: {  	v9 =	vld [tilespmem:s18+$0x60];
	_ =	sdelay $0x3  }
0x2c0: {  	s26 =	simm.s32 $0x174E0  }
0x2c1: {  	[tilespmem:s26+$0x0] =	vst.add.f32.msk $0xffff, v9  }
0x2c2: {  	v9 =	vld [tilespmem:s18+$0x70];
	_ =	sdelay $0x3  }
0x2c3: {  	s28 =	simm.s32 $0x174F0  }
0x2c4: {  	s23 =	sadd.s32 s13, s12;
	[tilespmem:s28+$0x0] =	vst.add.f32.msk $0xffff, v9  }
0x2c5: {  	v9 =	vld [tilespmem:s23+$0x0];
	_ =	sdelay $0x3  }
0x2c6: {  	s29 =	simm.s32 $0x17500  }
0x2c7: {  	[tilespmem:s29+$0x0] =	vst.add.f32.msk $0xffff, v9  }
0x2c8: {  	v9 =	vld [tilespmem:s23+$0x10];
	_ =	sdelay $0x3  }
0x2c9: {  	s24 =	simm.s32 $0x17510  }
0x2ca: {  	[tilespmem:s24+$0x0] =	vst.add.f32.msk $0xffff, v9  }
0x2cb: {  	v9 =	vld [tilespmem:s23+$0x20];
	_ =	sdelay $0x3  }
0x2cc: {  	s25 =	simm.s32 $0x17520  }
0x2cd: {  	[tilespmem:s25+$0x0] =	vst.add.f32.msk $0xffff, v9  }
0x2ce: {  	v9 =	vld [tilespmem:s23+$0x30];
	_ =	sdelay $0x3  }
0x2cf: {  	s26 =	simm.s32 $0x17530  }
0x2d0: {  	[tilespmem:s26+$0x0] =	vst.add.f32.msk $0xffff, v9  }
0x2d1: {  	v9 =	vld [tilespmem:s23+$0x40];
	_ =	sdelay $0x3  }
0x2d2: {  	s3 =	simm.s32 $0x17540  }
0x2d3: {  	[tilespmem:s3+$0x0] =	vst.add.f32.msk $0xffff, v9  }
0x2d4: {  	v9 =	vld [tilespmem:s23+$0x50];
	_ =	sdelay $0x3  }
0x2d5: {  	s4 =	simm.s32 $0x17550  }
0x2d6: {  	[tilespmem:s4+$0x0] =	vst.add.f32.msk $0xffff, v9  }
0x2d7: {  	v9 =	vld [tilespmem:s23+$0x60];
	_ =	sdelay $0x3  }
0x2d8: {  	s5 =	simm.s32 $0x17560  }
0x2d9: {  	[tilespmem:s5+$0x0] =	vst.add.f32.msk $0xffff, v9  }
0x2da: {  	v9 =	vld [tilespmem:s23+$0x70];
	_ =	sdelay $0x3  }
0x2db: {  	s6 =	simm.s32 $0x17570;
	s13 =	sor.u32 $0x100, s21  }
0x2dc: {  	s11 =	sadd.s32 s13, s16;
	[tilespmem:s6+$0x0] =	vst.add.f32.msk $0xffff, v9  }
0x2dd: {  	v9 =	vld [tilespmem:s11+$0x0];
	_ =	sdelay $0x3  }
0x2de: {  	s7 =	simm.s32 $0x17280  }
0x2df: {  	[tilespmem:s7+$0x0] =	vst.add.f32.msk $0xffff, v9  }
0x2e0: {  	v9 =	vld [tilespmem:s11+$0x10];
	_ =	sdelay $0x3  }
0x2e1: {  	s8 =	simm.s32 $0x17290  }
0x2e2: {  	[tilespmem:s8+$0x0] =	vst.add.f32.msk $0xffff, v9  }
0x2e3: {  	v9 =	vld [tilespmem:s11+$0x20];
	_ =	sdelay $0x3  }
0x2e4: {  	s22 =	simm.s32 $0x172A0  }
0x2e5: {  	[tilespmem:s22+$0x0] =	vst.add.f32.msk $0xffff, v9  }
0x2e6: {  	v9 =	vld [tilespmem:s11+$0x30];
	_ =	sdelay $0x4  }
0x2e7: {  	[tilespmem:s2+$0x0] =	vst.add.f32.msk $0xffff, v9  }
0x2e8: {  	v9 =	vld [tilespmem:s11+$0x40];
	_ =	sdelay $0x3  }
0x2e9: {  	s14 =	simm.s32 $0x172C0  }
0x2ea: {  	[tilespmem:s14+$0x0] =	vst.add.f32.msk $0xffff, v9  }
0x2eb: {  	v9 =	vld [tilespmem:s11+$0x50];
	_ =	sdelay $0x3  }
0x2ec: {  	s19 =	simm.s32 $0x172D0  }
0x2ed: {  	[tilespmem:s19+$0x0] =	vst.add.f32.msk $0xffff, v9  }
0x2ee: {  	v9 =	vld [tilespmem:s11+$0x60];
	_ =	sdelay $0x3  }
0x2ef: {  	s20 =	simm.s32 $0x172E0  }
0x2f0: {  	[tilespmem:s20+$0x0] =	vst.add.f32.msk $0xffff, v9  }
0x2f1: {  	v9 =	vld [tilespmem:s11+$0x70];
	_ =	sdelay $0x3  }
0x2f2: {  	s23 =	simm.s32 $0x172F0  }
0x2f3: {  	[tilespmem:s23+$0x0] =	vst.add.f32.msk $0xffff, v9  }
0x2f4: {  	v9 =	vld [tilespmem:s11+$0x400];
	_ =	sdelay $0x3  }
0x2f5: {  	s24 =	simm.s32 $0x17300  }
0x2f6: {  	[tilespmem:s24+$0x0] =	vst.add.f32.msk $0xffff, v9  }
0x2f7: {  	v9 =	vld [tilespmem:s11+$0x410];
	_ =	sdelay $0x3  }
0x2f8: {  	s25 =	simm.s32 $0x17310  }
0x2f9: {  	[tilespmem:s25+$0x0] =	vst.add.f32.msk $0xffff, v9  }
0x2fa: {  	v9 =	vld [tilespmem:s11+$0x420];
	_ =	sdelay $0x3  }
0x2fb: {  	s26 =	simm.s32 $0x17320  }
0x2fc: {  	[tilespmem:s26+$0x0] =	vst.add.f32.msk $0xffff, v9  }
0x2fd: {  	v9 =	vld [tilespmem:s11+$0x430];
	_ =	sdelay $0x3  }
0x2fe: {  	s3 =	simm.s32 $0x17330  }
0x2ff: {  	[tilespmem:s3+$0x0] =	vst.add.f32.msk $0xffff, v9  }
0x300: {  	v9 =	vld [tilespmem:s11+$0x440];
	_ =	sdelay $0x3  }
0x301: {  	s4 =	simm.s32 $0x17340  }
0x302: {  	[tilespmem:s4+$0x0] =	vst.add.f32.msk $0xffff, v9  }
0x303: {  	v9 =	vld [tilespmem:s11+$0x450];
	_ =	sdelay $0x3  }
0x304: {  	s5 =	simm.s32 $0x17350  }
0x305: {  	[tilespmem:s5+$0x0] =	vst.add.f32.msk $0xffff, v9  }
0x306: {  	v9 =	vld [tilespmem:s11+$0x460];
	_ =	sdelay $0x3  }
0x307: {  	s6 =	simm.s32 $0x17360  }
0x308: {  	[tilespmem:s6+$0x0] =	vst.add.f32.msk $0xffff, v9  }
0x309: {  	v9 =	vld [tilespmem:s11+$0x470];
	_ =	sdelay $0x3  }
0x30a: {  	s7 =	simm.s32 $0x17370  }
0x30b: {  	s8 =	sadd.s32 s13, s17;
	[tilespmem:s7+$0x0] =	vst.add.f32.msk $0xffff, v9  }
0x30c: {  	v9 =	vld [tilespmem:s8+$0x0];
	_ =	sdelay $0x3  }
0x30d: {  	s14 =	simm.s32 $0x17380  }
0x30e: {  	[tilespmem:s14+$0x0] =	vst.add.f32.msk $0xffff, v9  }
0x30f: {  	v9 =	vld [tilespmem:s8+$0x10];
	_ =	sdelay $0x3  }
0x310: {  	s19 =	simm.s32 $0x17390  }
0x311: {  	[tilespmem:s19+$0x0] =	vst.add.f32.msk $0xffff, v9  }
0x312: {  	v9 =	vld [tilespmem:s8+$0x20];
	_ =	sdelay $0x3  }
0x313: {  	s20 =	simm.s32 $0x173A0  }
0x314: {  	[tilespmem:s20+$0x0] =	vst.add.f32.msk $0xffff, v9  }
0x315: {  	v9 =	vld [tilespmem:s8+$0x30];
	_ =	sdelay $0x3  }
0x316: {  	s23 =	simm.s32 $0x173B0  }
0x317: {  	[tilespmem:s23+$0x0] =	vst.add.f32.msk $0xffff, v9  }
0x318: {  	v9 =	vld [tilespmem:s8+$0x40];
	_ =	sdelay $0x3  }
0x319: {  	s24 =	simm.s32 $0x173C0  }
0x31a: {  	[tilespmem:s24+$0x0] =	vst.add.f32.msk $0xffff, v9  }
0x31b: {  	v9 =	vld [tilespmem:s8+$0x50];
	_ =	sdelay $0x3  }
0x31c: {  	s25 =	simm.s32 $0x173D0  }
0x31d: {  	[tilespmem:s25+$0x0] =	vst.add.f32.msk $0xffff, v9  }
0x31e: {  	v9 =	vld [tilespmem:s8+$0x60];
	_ =	sdelay $0x3  }
0x31f: {  	s18 =	simm.s32 $0x173E0  }
0x320: {  	[tilespmem:s18+$0x0] =	vst.add.f32.msk $0xffff, v9  }
0x321: {  	v9 =	vld [tilespmem:s8+$0x70];
	_ =	sdelay $0x4  }
0x322: {  	s11 =	sadd.s32 s13, s1;
	[tilespmem:s31+$0x0] =	vst.add.f32.msk $0xffff, v9  }
0x323: {  	v9 =	vld [tilespmem:s11+$0x0];
	_ =	sdelay $0x3  }
0x324: {  	s26 =	simm.s32 $0x17400  }
0x325: {  	[tilespmem:s26+$0x0] =	vst.add.f32.msk $0xffff, v9  }
0x326: {  	v9 =	vld [tilespmem:s11+$0x10];
	_ =	sdelay $0x3  }
0x327: {  	s4 =	simm.s32 $0x17410  }
0x328: {  	[tilespmem:s4+$0x0] =	vst.add.f32.msk $0xffff, v9  }
0x329: {  	v9 =	vld [tilespmem:s11+$0x20];
	_ =	sdelay $0x3  }
0x32a: {  	s5 =	simm.s32 $0x17420  }
0x32b: {  	[tilespmem:s5+$0x0] =	vst.add.f32.msk $0xffff, v9  }
0x32c: {  	v9 =	vld [tilespmem:s11+$0x30];
	_ =	sdelay $0x3  }
0x32d: {  	s6 =	simm.s32 $0x17430  }
0x32e: {  	[tilespmem:s6+$0x0] =	vst.add.f32.msk $0xffff, v9  }
0x32f: {  	v9 =	vld [tilespmem:s11+$0x40];
	_ =	sdelay $0x3  }
0x330: {  	s7 =	simm.s32 $0x17440  }
0x331: {  	[tilespmem:s7+$0x0] =	vst.add.f32.msk $0xffff, v9  }
0x332: {  	v9 =	vld [tilespmem:s11+$0x50];
	_ =	sdelay $0x3  }
0x333: {  	s8 =	simm.s32 $0x17450  }
0x334: {  	[tilespmem:s8+$0x0] =	vst.add.f32.msk $0xffff, v9  }
0x335: {  	v9 =	vld [tilespmem:s11+$0x60];
	_ =	sdelay $0x3  }
0x336: {  	s14 =	simm.s32 $0x17460  }
0x337: {  	[tilespmem:s14+$0x0] =	vst.add.f32.msk $0xffff, v9  }
0x338: {  	v9 =	vld [tilespmem:s11+$0x70];
	_ =	sdelay $0x3  }
0x339: {  	s19 =	simm.s32 $0x17470  }
0x33a: {  	s0 =	sadd.s32 s13, s15;
	[tilespmem:s19+$0x0] =	vst.add.f32.msk $0xffff, v9  }
0x33b: {  	v9 =	vld [tilespmem:s0+$0x0];
	_ =	sdelay $0x3  }
0x33c: {  	s20 =	simm.s32 $0x17480  }
0x33d: {  	[tilespmem:s20+$0x0] =	vst.add.f32.msk $0xffff, v9  }
0x33e: {  	v9 =	vld [tilespmem:s0+$0x10];
	_ =	sdelay $0x3  }
0x33f: {  	s23 =	simm.s32 $0x17490  }
0x340: {  	[tilespmem:s23+$0x0] =	vst.add.f32.msk $0xffff, v9  }
0x341: {  	v9 =	vld [tilespmem:s0+$0x20];
	_ =	sdelay $0x3  }
0x342: {  	s3 =	simm.s32 $0x174A0  }
0x343: {  	[tilespmem:s3+$0x0] =	vst.add.f32.msk $0xffff, v9  }
0x344: {  	v9 =	vld [tilespmem:s0+$0x30];
	_ =	sdelay $0x3  }
0x345: {  	s24 =	simm.s32 $0x174B0  }
0x346: {  	[tilespmem:s24+$0x0] =	vst.add.f32.msk $0xffff, v9  }
0x347: {  	v9 =	vld [tilespmem:s0+$0x40];
	_ =	sdelay $0x3  }
0x348: {  	s25 =	simm.s32 $0x174C0  }
0x349: {  	[tilespmem:s25+$0x0] =	vst.add.f32.msk $0xffff, v9  }
0x34a: {  	v9 =	vld [tilespmem:s0+$0x50];
	_ =	sdelay $0x3  }
0x34b: {  	s26 =	simm.s32 $0x174D0  }
0x34c: {  	[tilespmem:s26+$0x0] =	vst.add.f32.msk $0xffff, v9  }
0x34d: {  	v9 =	vld [tilespmem:s0+$0x60];
	_ =	sdelay $0x3  }
0x34e: {  	s28 =	simm.s32 $0x174E0  }
0x34f: {  	[tilespmem:s28+$0x0] =	vst.add.f32.msk $0xffff, v9  }
0x350: {  	v9 =	vld [tilespmem:s0+$0x70];
	_ =	sdelay $0x3  }
0x351: {  	s29 =	simm.s32 $0x174F0  }
0x352: {  	s11 =	sadd.s32 s13, s12;
	[tilespmem:s29+$0x0] =	vst.add.f32.msk $0xffff, v9  }
0x353: {  	v9 =	vld [tilespmem:s11+$0x0];
	_ =	sdelay $0x3  }
0x354: {  	s31 =	simm.s32 $0x17500  }
0x355: {  	[tilespmem:s31+$0x0] =	vst.add.f32.msk $0xffff, v9  }
0x356: {  	v9 =	vld [tilespmem:s11+$0x10];
	_ =	sdelay $0x3  }
0x357: {  	s13 =	simm.s32 $0x17510  }
0x358: {  	[tilespmem:s13+$0x0] =	vst.add.f32.msk $0xffff, v9  }
0x359: {  	v9 =	vld [tilespmem:s11+$0x20];
	_ =	sdelay $0x3  }
0x35a: {  	s13 =	simm.s32 $0x17520  }
0x35b: {  	[tilespmem:s13+$0x0] =	vst.add.f32.msk $0xffff, v9  }
0x35c: {  	v9 =	vld [tilespmem:s11+$0x30];
	_ =	sdelay $0x3  }
0x35d: {  	s13 =	simm.s32 $0x17530  }
0x35e: {  	[tilespmem:s13+$0x0] =	vst.add.f32.msk $0xffff, v9  }
0x35f: {  	v9 =	vld [tilespmem:s11+$0x40];
	_ =	sdelay $0x3  }
0x360: {  	s13 =	simm.s32 $0x17540  }
0x361: {  	[tilespmem:s13+$0x0] =	vst.add.f32.msk $0xffff, v9  }
0x362: {  	v9 =	vld [tilespmem:s11+$0x50];
	_ =	sdelay $0x3  }
0x363: {  	s13 =	simm.s32 $0x17550  }
0x364: {  	[tilespmem:s13+$0x0] =	vst.add.f32.msk $0xffff, v9  }
0x365: {  	v9 =	vld [tilespmem:s11+$0x60];
	_ =	sdelay $0x3  }
0x366: {  	s13 =	simm.s32 $0x17560  }
0x367: {  	[tilespmem:s13+$0x0] =	vst.add.f32.msk $0xffff, v9  }
0x368: {  	v9 =	vld [tilespmem:s11+$0x70];
	_ =	sdelay $0x3  }
0x369: {  	s13 =	sor.u32 $0x180, s21;
	s11 =	simm.s32 $0x17570  }
0x36a: {  	[tilespmem:s11+$0x0] =	vst.add.f32.msk $0xffff, v9;
	s11 =	sadd.s32 s13, s16  }
0x36b: {  	v9 =	vld [tilespmem:s11+$0x0];
	_ =	sdelay $0x3  }
0x36c: {  	s16 =	simm.s32 $0x17280  }
0x36d: {  	[tilespmem:s16+$0x0] =	vst.add.f32.msk $0xffff, v9  }
0x36e: {  	v9 =	vld [tilespmem:s11+$0x10];
	_ =	sdelay $0x3  }
0x36f: {  	s16 =	simm.s32 $0x17290  }
0x370: {  	[tilespmem:s16+$0x0] =	vst.add.f32.msk $0xffff, v9  }
0x371: {  	v9 =	vld [tilespmem:s11+$0x20];
	_ =	sdelay $0x4  }
0x372: {  	[tilespmem:s22+$0x0] =	vst.add.f32.msk $0xffff, v9  }
0x373: {  	v9 =	vld [tilespmem:s11+$0x30];
	_ =	sdelay $0x4  }
0x374: {  	[tilespmem:s2+$0x0] =	vst.add.f32.msk $0xffff, v9  }
0x375: {  	v9 =	vld [tilespmem:s11+$0x40];
	_ =	sdelay $0x3  }
0x376: {  	s21 =	simm.s32 $0x172C0  }
0x377: {  	[tilespmem:s21+$0x0] =	vst.add.f32.msk $0xffff, v9  }
0x378: {  	v9 =	vld [tilespmem:s11+$0x50];
	_ =	sdelay $0x3  }
0x379: {  	s0 =	simm.s32 $0x172D0  }
0x37a: {  	[tilespmem:s0+$0x0] =	vst.add.f32.msk $0xffff, v9  }
0x37b: {  	v9 =	vld [tilespmem:s11+$0x60];
	_ =	sdelay $0x3  }
0x37c: {  	s22 =	simm.s32 $0x172E0  }
0x37d: {  	[tilespmem:s22+$0x0] =	vst.add.f32.msk $0xffff, v9  }
0x37e: {  	v9 =	vld [tilespmem:s11+$0x70];
	_ =	sdelay $0x3  }
0x37f: {  	s22 =	simm.s32 $0x172F0  }
0x380: {  	[tilespmem:s22+$0x0] =	vst.add.f32.msk $0xffff, v9  }
0x381: {  	v9 =	vld [tilespmem:s11+$0x400];
	_ =	sdelay $0x3  }
0x382: {  	s2 =	simm.s32 $0x17300  }
0x383: {  	[tilespmem:s2+$0x0] =	vst.add.f32.msk $0xffff, v9  }
0x384: {  	v9 =	vld [tilespmem:s11+$0x410];
	_ =	sdelay $0x3  }
0x385: {  	s2 =	simm.s32 $0x17310  }
0x386: {  	[tilespmem:s2+$0x0] =	vst.add.f32.msk $0xffff, v9  }
0x387: {  	v9 =	vld [tilespmem:s11+$0x420];
	_ =	sdelay $0x3  }
0x388: {  	s0 =	simm.s32 $0x17320  }
0x389: {  	[tilespmem:s0+$0x0] =	vst.add.f32.msk $0xffff, v9  }
0x38a: {  	v9 =	vld [tilespmem:s11+$0x430];
	_ =	sdelay $0x3  }
0x38b: {  	s22 =	simm.s32 $0x17330  }
0x38c: {  	[tilespmem:s22+$0x0] =	vst.add.f32.msk $0xffff, v9  }
0x38d: {  	v9 =	vld [tilespmem:s11+$0x440];
	_ =	sdelay $0x3  }
0x38e: {  	s0 =	simm.s32 $0x17340  }
0x38f: {  	[tilespmem:s0+$0x0] =	vst.add.f32.msk $0xffff, v9  }
0x390: {  	v9 =	vld [tilespmem:s11+$0x450];
	_ =	sdelay $0x3  }
0x391: {  	s22 =	simm.s32 $0x17350  }
0x392: {  	[tilespmem:s22+$0x0] =	vst.add.f32.msk $0xffff, v9  }
0x393: {  	v9 =	vld [tilespmem:s11+$0x460];
	_ =	sdelay $0x3  }
0x394: {  	s22 =	simm.s32 $0x17360  }
0x395: {  	[tilespmem:s22+$0x0] =	vst.add.f32.msk $0xffff, v9  }
0x396: {  	v9 =	vld [tilespmem:s11+$0x470];
	_ =	sdelay $0x3  }
0x397: {  	s22 =	simm.s32 $0x17370  }
0x398: {  	s11 =	sadd.s32 s13, s17;
	[tilespmem:s22+$0x0] =	vst.add.f32.msk $0xffff, v9  }
0x399: {  	v9 =	vld [tilespmem:s11+$0x0];
	_ =	sdelay $0x3  }
0x39a: {  	s22 =	simm.s32 $0x17380  }
0x39b: {  	[tilespmem:s22+$0x0] =	vst.add.f32.msk $0xffff, v9  }
0x39c: {  	v9 =	vld [tilespmem:s11+$0x10];
	_ =	sdelay $0x3  }
0x39d: {  	s22 =	simm.s32 $0x17390  }
0x39e: {  	[tilespmem:s22+$0x0] =	vst.add.f32.msk $0xffff, v9  }
0x39f: {  	v9 =	vld [tilespmem:s11+$0x20];
	_ =	sdelay $0x3  }
0x3a0: {  	s22 =	simm.s32 $0x173A0  }
0x3a1: {  	[tilespmem:s22+$0x0] =	vst.add.f32.msk $0xffff, v9  }
0x3a2: {  	v9 =	vld [tilespmem:s11+$0x30];
	_ =	sdelay $0x3  }
0x3a3: {  	s22 =	simm.s32 $0x173B0  }
0x3a4: {  	[tilespmem:s22+$0x0] =	vst.add.f32.msk $0xffff, v9  }
0x3a5: {  	v9 =	vld [tilespmem:s11+$0x40];
	_ =	sdelay $0x3  }
0x3a6: {  	s22 =	simm.s32 $0x173C0  }
0x3a7: {  	[tilespmem:s22+$0x0] =	vst.add.f32.msk $0xffff, v9  }
0x3a8: {  	v9 =	vld [tilespmem:s11+$0x50];
	_ =	sdelay $0x3  }
0x3a9: {  	s2 =	simm.s32 $0x173D0  }
0x3aa: {  	[tilespmem:s2+$0x0] =	vst.add.f32.msk $0xffff, v9  }
0x3ab: {  	v9 =	vld [tilespmem:s11+$0x60];
	_ =	sdelay $0x4  }
0x3ac: {  	[tilespmem:s18+$0x0] =	vst.add.f32.msk $0xffff, v9  }
0x3ad: {  	v9 =	vld [tilespmem:s11+$0x70];
	_ =	sdelay $0x3  }
0x3ae: {  	s2 =	simm.s32 $0x173F0  }
0x3af: {  	s1 =	sadd.s32 s13, s1;
	[tilespmem:s2+$0x0] =	vst.add.f32.msk $0xffff, v9  }
0x3b0: {  	v9 =	vld [tilespmem:s1+$0x0];
	_ =	sdelay $0x3  }
0x3b1: {  	s18 =	simm.s32 $0x17400  }
0x3b2: {  	[tilespmem:s18+$0x0] =	vst.add.f32.msk $0xffff, v9  }
0x3b3: {  	v9 =	vld [tilespmem:s1+$0x10];
	_ =	sdelay $0x4  }
0x3b4: {  	[tilespmem:s4+$0x0] =	vst.add.f32.msk $0xffff, v9  }
0x3b5: {  	v9 =	vld [tilespmem:s1+$0x20];
	_ =	sdelay $0x4  }
0x3b6: {  	[tilespmem:s5+$0x0] =	vst.add.f32.msk $0xffff, v9  }
0x3b7: {  	v9 =	vld [tilespmem:s1+$0x30];
	_ =	sdelay $0x4  }
0x3b8: {  	[tilespmem:s6+$0x0] =	vst.add.f32.msk $0xffff, v9  }
0x3b9: {  	v9 =	vld [tilespmem:s1+$0x40];
	_ =	sdelay $0x4  }
0x3ba: {  	[tilespmem:s7+$0x0] =	vst.add.f32.msk $0xffff, v9  }
0x3bb: {  	v9 =	vld [tilespmem:s1+$0x50];
	_ =	sdelay $0x4  }
0x3bc: {  	[tilespmem:s8+$0x0] =	vst.add.f32.msk $0xffff, v9  }
0x3bd: {  	v9 =	vld [tilespmem:s1+$0x60];
	_ =	sdelay $0x4  }
0x3be: {  	[tilespmem:s14+$0x0] =	vst.add.f32.msk $0xffff, v9  }
0x3bf: {  	v9 =	vld [tilespmem:s1+$0x70];
	_ =	sdelay $0x4  }
0x3c0: {  	s11 =	sadd.s32 s13, s15;
	[tilespmem:s19+$0x0] =	vst.add.f32.msk $0xffff, v9  }
0x3c1: {  	v9 =	vld [tilespmem:s11+$0x0];
	_ =	sdelay $0x4  }
0x3c2: {  	[tilespmem:s20+$0x0] =	vst.add.f32.msk $0xffff, v9  }
0x3c3: {  	v9 =	vld [tilespmem:s11+$0x10];
	_ =	sdelay $0x4  }
0x3c4: {  	[tilespmem:s23+$0x0] =	vst.add.f32.msk $0xffff, v9  }
0x3c5: {  	v9 =	vld [tilespmem:s11+$0x20];
	_ =	sdelay $0x4  }
0x3c6: {  	[tilespmem:s3+$0x0] =	vst.add.f32.msk $0xffff, v9  }
0x3c7: {  	v9 =	vld [tilespmem:s11+$0x30];
	_ =	sdelay $0x4  }
0x3c8: {  	[tilespmem:s24+$0x0] =	vst.add.f32.msk $0xffff, v9  }
0x3c9: {  	v9 =	vld [tilespmem:s11+$0x40];
	_ =	sdelay $0x4  }
0x3ca: {  	[tilespmem:s25+$0x0] =	vst.add.f32.msk $0xffff, v9  }
0x3cb: {  	v9 =	vld [tilespmem:s11+$0x50];
	_ =	sdelay $0x4  }
0x3cc: {  	[tilespmem:s26+$0x0] =	vst.add.f32.msk $0xffff, v9  }
0x3cd: {  	v9 =	vld [tilespmem:s11+$0x60];
	_ =	sdelay $0x4  }
0x3ce: {  	[tilespmem:s28+$0x0] =	vst.add.f32.msk $0xffff, v9  }
0x3cf: {  	v9 =	vld [tilespmem:s11+$0x70];
	_ =	sdelay $0x4  }
0x3d0: {  	s1 =	sadd.s32 s13, s12;
	[tilespmem:s29+$0x0] =	vst.add.f32.msk $0xffff, v9  }
0x3d1: {  	v9 =	vld [tilespmem:s1+$0x0];
	_ =	sdelay $0x4  }
0x3d2: {  	[tilespmem:s31+$0x0] =	vst.add.f32.msk $0xffff, v9  }
0x3d3: {  	v9 =	vld [tilespmem:s1+$0x10];
	_ =	sdelay $0x3  }
0x3d4: {  	s3 =	simm.s32 $0x17510  }
0x3d5: {  	[tilespmem:s3+$0x0] =	vst.add.f32.msk $0xffff, v9  }
0x3d6: {  	v9 =	vld [tilespmem:s1+$0x20];
	_ =	sdelay $0x3  }
0x3d7: {  	s16 =	simm.s32 $0x17520  }
0x3d8: {  	[tilespmem:s16+$0x0] =	vst.add.f32.msk $0xffff, v9  }
0x3d9: {  	v9 =	vld [tilespmem:s1+$0x30];
	_ =	sdelay $0x3  }
0x3da: {  	s21 =	simm.s32 $0x17530  }
0x3db: {  	[tilespmem:s21+$0x0] =	vst.add.f32.msk $0xffff, v9  }
0x3dc: {  	v9 =	vld [tilespmem:s1+$0x40];
	_ =	sdelay $0x3  }
0x3dd: {  	s21 =	simm.s32 $0x17540  }
0x3de: {  	[tilespmem:s21+$0x0] =	vst.add.f32.msk $0xffff, v9  }
0x3df: {  	v9 =	vld [tilespmem:s1+$0x50];
	_ =	sdelay $0x3  }
0x3e0: {  	s16 =	simm.s32 $0x17550  }
0x3e1: {  	[tilespmem:s16+$0x0] =	vst.add.f32.msk $0xffff, v9  }
0x3e2: {  	v9 =	vld [tilespmem:s1+$0x60];
	_ =	sdelay $0x3  }
0x3e3: {  	s15 =	simm.s32 $0x17560  }
0x3e4: {  	[tilespmem:s15+$0x0] =	vst.add.f32.msk $0xffff, v9  }
0x3e5: {  	p0 =	slt.u32 s10, $0x3C;
	v9 =	vld [tilespmem:s1+$0x70]  }
.Ltmp16:
0x3e6: {  	_ = 	snop;
	(pc) =	sbr.rel @p0 .LBB2_22-.Ltmp16, $3  }
0x3e7: {  	_ =	sdelay $0x1  }
0x3e8: {  	s9 =	sadd.s32 $0x200, s9;
	s13 =	simm.s32 $0x17570  }
0x3e9: {  	s30 =	simm.s32 $0x172B0;
	s17 =	simm.s32 $0x17280;
	s22 =	simm.s32 $0x174A0;
	[tilespmem:s13+$0x0] =	vst.add.f32.msk $0xffff, v9  }
0x3ea: {  	v9 =	vld [tilespmem:$0x17280]  }
0x3eb: {  	v10 =	vld [tilespmem:$0x17290]  }
0x3ec: {  	v11 =	vld [tilespmem:$0x172A0]  }
0x3ed: {  	v12 =	vld [tilespmem:$0x172B0]  }
0x3ee: {  	v13 =	vld [tilespmem:$0x172C0]  }
0x3ef: {  	v14 =	vld [tilespmem:$0x172D0];
	v9 =	vmul.f32 $1.562500000e-02, v9  }
0x3f0: {  	v15 =	vld [tilespmem:$0x172E0];
	v10 =	vmul.f32 $1.562500000e-02, v10  }
0x3f1: {  	[tilespmem:$0x17280] =	vst v9;
	v9 =	vmul.f32 $1.562500000e-02, v11;
	v11 =	vld [tilespmem:$0x172F0]  }
0x3f2: {  	v32 =	vld [tilespmem:$0x17300];
	[tilespmem:$0x17290] =	vst v10;
	v10 =	vmul.f32 $1.562500000e-02, v12  }
0x3f3: {  	v33 =	vld [tilespmem:$0x17310];
	[tilespmem:$0x172A0] =	vst v9;
	v9 =	vmul.f32 $1.562500000e-02, v13  }
0x3f4: {  	v34 =	vld [tilespmem:$0x17320];
	[tilespmem:$0x172B0] =	vst v10;
	v10 =	vmul.f32 $1.562500000e-02, v14  }
0x3f5: {  	v35 =	vld [tilespmem:$0x17330];
	[tilespmem:$0x172C0] =	vst v9;
	v9 =	vmul.f32 $1.562500000e-02, v15  }
0x3f6: {  	[tilespmem:$0x172D0] =	vst v10;
	v10 =	vmul.f32 $1.562500000e-02, v11;
	v11 =	vld [tilespmem:$0x17340]  }
0x3f7: {  	v36 =	vld [tilespmem:$0x17350];
	[tilespmem:$0x172E0] =	vst v9;
	v9 =	vmul.f32 $1.562500000e-02, v32  }
0x3f8: {  	v37 =	vld [tilespmem:$0x17360];
	[tilespmem:$0x172F0] =	vst v10;
	v10 =	vmul.f32 $1.562500000e-02, v33  }
0x3f9: {  	v38 =	vld [tilespmem:$0x17370];
	[tilespmem:$0x17300] =	vst v9;
	v9 =	vmul.f32 $1.562500000e-02, v34  }
0x3fa: {  	v39 =	vld [tilespmem:$0x17380];
	[tilespmem:$0x17310] =	vst v10;
	v10 =	vmul.f32 $1.562500000e-02, v35  }
0x3fb: {  	[tilespmem:$0x17320] =	vst v9;
	v9 =	vmul.f32 $1.562500000e-02, v11;
	v11 =	vld [tilespmem:$0x17390]  }
0x3fc: {  	v40 =	vld [tilespmem:$0x173A0];
	[tilespmem:$0x17330] =	vst v10;
	v10 =	vmul.f32 $1.562500000e-02, v36  }
0x3fd: {  	v41 =	vld [tilespmem:$0x173B0];
	[tilespmem:$0x17340] =	vst v9;
	v9 =	vmul.f32 $1.562500000e-02, v37  }
0x3fe: {  	v42 =	vld [tilespmem:$0x173C0];
	[tilespmem:$0x17350] =	vst v10;
	v10 =	vmul.f32 $1.562500000e-02, v38  }
0x3ff: {  	v43 =	vld [tilespmem:$0x173D0];
	[tilespmem:$0x17360] =	vst v9;
	v9 =	vmul.f32 $1.562500000e-02, v39  }
0x400: {  	[tilespmem:$0x17370] =	vst v10;
	v10 =	vmul.f32 $1.562500000e-02, v11;
	v11 =	vld [tilespmem:$0x173E0]  }
0x401: {  	v44 =	vld [tilespmem:$0x173F0];
	[tilespmem:$0x17380] =	vst v9;
	v9 =	vmul.f32 $1.562500000e-02, v40  }
0x402: {  	v45 =	vld [tilespmem:$0x17400];
	[tilespmem:$0x17390] =	vst v10;
	v10 =	vmul.f32 $1.562500000e-02, v41  }
0x403: {  	v46 =	vld [tilespmem:$0x17410];
	[tilespmem:$0x173A0] =	vst v9;
	v9 =	vmul.f32 $1.562500000e-02, v42  }
0x404: {  	v47 =	vld [tilespmem:$0x17420];
	[tilespmem:$0x173B0] =	vst v10;
	v10 =	vmul.f32 $1.562500000e-02, v43  }
0x405: {  	[tilespmem:$0x173C0] =	vst v9;
	v9 =	vmul.f32 $1.562500000e-02, v11;
	v11 =	vld [tilespmem:$0x17430]  }
0x406: {  	v48 =	vld [tilespmem:$0x17440];
	[tilespmem:$0x173D0] =	vst v10;
	v10 =	vmul.f32 $1.562500000e-02, v44  }
0x407: {  	v49 =	vld [tilespmem:$0x17450];
	[tilespmem:$0x173E0] =	vst v9;
	v9 =	vmul.f32 $1.562500000e-02, v45  }
0x408: {  	v50 =	vld [tilespmem:$0x17460];
	[tilespmem:$0x173F0] =	vst v10;
	v10 =	vmul.f32 $1.562500000e-02, v46  }
0x409: {  	v51 =	vld [tilespmem:$0x17470];
	[tilespmem:$0x17400] =	vst v9;
	v9 =	vmul.f32 $1.562500000e-02, v47  }
0x40a: {  	[tilespmem:$0x17410] =	vst v10;
	v10 =	vmul.f32 $1.562500000e-02, v11;
	v11 =	vld [tilespmem:$0x17480]  }
0x40b: {  	v52 =	vld [tilespmem:$0x17490];
	[tilespmem:$0x17420] =	vst v9;
	v9 =	vmul.f32 $1.562500000e-02, v48  }
0x40c: {  	v53 =	vld [tilespmem:$0x174A0];
	[tilespmem:$0x17430] =	vst v10;
	v10 =	vmul.f32 $1.562500000e-02, v49  }
0x40d: {  	v54 =	vld [tilespmem:$0x174B0];
	[tilespmem:$0x17440] =	vst v9;
	v9 =	vmul.f32 $1.562500000e-02, v50  }
0x40e: {  	v55 =	vld [tilespmem:$0x174C0];
	[tilespmem:$0x17450] =	vst v10;
	v10 =	vmul.f32 $1.562500000e-02, v51  }
0x40f: {  	[tilespmem:$0x17460] =	vst v9;
	v9 =	vmul.f32 $1.562500000e-02, v11;
	v11 =	vld [tilespmem:$0x174D0]  }
0x410: {  	v56 =	vld [tilespmem:$0x174E0];
	[tilespmem:$0x17470] =	vst v10;
	v10 =	vmul.f32 $1.562500000e-02, v52  }
0x411: {  	v57 =	vld [tilespmem:$0x174F0];
	[tilespmem:$0x17480] =	vst v9;
	v9 =	vmul.f32 $1.562500000e-02, v53  }
0x412: {  	v58 =	vld [tilespmem:$0x17500];
	[tilespmem:$0x17490] =	vst v10;
	v10 =	vmul.f32 $1.562500000e-02, v54  }
0x413: {  	v59 =	vld [tilespmem:$0x17510];
	[tilespmem:$0x174A0] =	vst v9;
	v9 =	vmul.f32 $1.562500000e-02, v55  }
0x414: {  	[tilespmem:$0x174B0] =	vst v10;
	v10 =	vmul.f32 $1.562500000e-02, v11;
	v11 =	vld [tilespmem:$0x17520]  }
0x415: {  	v60 =	vld [tilespmem:$0x17530];
	[tilespmem:$0x174C0] =	vst v9;
	v9 =	vmul.f32 $1.562500000e-02, v56  }
0x416: {  	v61 =	vld [tilespmem:$0x17540];
	[tilespmem:$0x174D0] =	vst v10;
	v10 =	vmul.f32 $1.562500000e-02, v57  }
0x417: {  	v62 =	vld [tilespmem:$0x17550];
	[tilespmem:$0x174E0] =	vst v9;
	v9 =	vmul.f32 $1.562500000e-02, v58  }
0x418: {  	v63 =	vld [tilespmem:$0x17560];
	[tilespmem:$0x174F0] =	vst v10;
	v10 =	vmul.f32 $1.562500000e-02, v59  }
0x419: {  	[tilespmem:$0x17500] =	vst v9;
	v9 =	vmul.f32 $1.562500000e-02, v11;
	v11 =	vld [tilespmem:$0x17570]  }
0x41a: {  	[tilespmem:$0x17510] =	vst v10;
	v10 =	vmul.f32 $1.562500000e-02, v60  }
0x41b: {  	s0 =	rddreg [dreg:$0x12];
	[tilespmem:$0x17520] =	vst v9;
	v9 =	vmul.f32 $1.562500000e-02, v61  }
0x41c: {  	s1 =	smul.u32 $0x1800, s0;
	[tilespmem:$0x17530] =	vst v10;
	v10 =	vmul.f32 $1.562500000e-02, v62  }
0x41d: {  	s16 =	rddreg [dreg:$0x11];
	[tilespmem:$0x17540] =	vst v9;
	v9 =	vmul.f32 $1.562500000e-02, v63  }
0x41e: {  	s1 =	sor.u32 s16, s1;
	[tilespmem:$0x17550] =	vst v10;
	v10 =	vmul.f32 $1.562500000e-02, v11  }
0x41f: {  	s9 =	rddreg [dreg:$0x2];
	s13 =	simm.s32 $0x80;
	s1 =	sshrl.u32 s1, $0x3;
	[tilespmem:$0x17560] =	vst v9  }
0x420: {  	s15 =	simm.s32 $0x400;
	s12 =	simm.s32 $0x3;
	s1 =	sadd.s32 s9, s1;
	[tilespmem:$0x17570] =	vst v10  }
0x421: {  	[hbm4b:s1+s13] =	stream.strided.scatter [tilespmem:s17], [sflag:$0x3], $0x300, s15, s13, $0x38;
	[tilespmem:$0x1B600] =	vst v63  }
0x422: {  	_ =	swait.ge [sflag:s12], $0x300  }
0x423: {  	[sflag:s12] =	ssyncset.done $0x0  }
0x424: {  	s21 =	simm.s32 $0x2;
	[sflag:s12] =	ssyncadd.s32 $0xFFFFFD00  }
0x425: {  	_ =	swait.ge [sflag:s21], $0x2000  }
0x426: {  	[sflag:s21] =	ssyncset.done $0x0  }
0x427: {  	[sflag:s21] =	ssyncadd.s32 $0xFFFFE000  }
0x428: {  	v9 =	vld [tilespmem:$0x1B580];
	_ =	sdelay $0x2  }
0x429: {  	s1 =	simm.s32 $0x0  }
0x42a: {  	vm1 =	vmmov $0x7;
	v10 =	vld [tilespmem:s1+$0x17580]  }
0x42b: {  	s9 =	simm.s32 $0x200;
	v9 =	vnsel vm1, $0x0, v9  }
.LBB2_24:
0x42c: {  	p0 =	sne.s32 s9, $0x7E00  }
.Ltmp17:
0x42d: {  	_ = 	snop;
	(pc) =	sbr.rel @p0 .LBB2_24-.Ltmp17, $4  }
0x42e: {  	_ = 	snop  }
0x42f: {  	s10 =	sshra.s32 s9, $0x2;
	s9 =	sadd.s32 $0x200, s9;
	v11 =	vsub.f32 v10, v9  }
0x430: {  	v10 =	vld [tilespmem:s10+$0x17580]  }
0x431: {  	[tilespmem:s1+$0x19580] =	vst v11;
	s1 =	smov.u32 s10  }
0x432: {  	_ =	sdelay $0x2  }
0x433: {  	s0 =	rddreg [dreg:$0x10];
	v9 =	vsub.f32 v10, v9  }
0x434: {  	s16 =	rddreg [dreg:$0x8];
	s9 =	sshll.u32 s0, $0xA  }
0x435: {  	s3 =	simm.s32 $0x0;
	s21 =	simm.s32 $0x19580;
	[tilespmem:s1+$0x19580] =	vst v9;
	s1 =	sadd.s32 s16, s9  }
0x436: {  	[hbm4b:s1+s3] =	stream.linear.scatter [tilespmem:s21], [sflag:$0x3], $0x2000, $0x38;
	[tilespmem:$0x1B600] =	vst v63  }
0x437: {  	_ =	swait.ge [sflag:s12], $0x2000  }
0x438: {  	s10 =	rddreg [dreg:$0xf]  }
0x439: {  	s10 =	sadd.s32 $0x1, s10  }
0x43a: {  	p0 =	sne.s32 s10, $0x10  }
.Ltmp18:
0x43b: {  	_ = 	snop;
	(pc) =	sbr.rel @p0 .LBB2_2-.Ltmp18, $4  }
.Ltmp19:
0x43c: {  	_ = 	snop;
	(pc) =	sbr.rel @!p0 .LBB2_26-.Ltmp19, $4  }
0x43d: {  	_ = 	snop  }
0x43e: {  	[sflag:s12] =	ssyncset.done $0x0  }
0x43f: {  	s0 =	simm.s32 $0xA180;
	s11 =	rddreg [dreg:$0xa];
	[sflag:s12] =	ssyncadd.s32 $0xFFFFE000  }
0x440: {  	_ = 	snop  }
.LBB2_6:
.Ltmp20:
0x441: {  	(pc) =	sbr.rel .LBB2_10-.Ltmp20, $2  }
0x442: {  	_ =	sdelay $0x2  }
0x443: {  	s12 =	simm.s32 $0xA980  }
.LBB2_8:
.Ltmp21:
0x444: {  	(pc) =	sbr.rel .LBB2_10-.Ltmp21, $2  }
0x445: {  	_ =	sdelay $0x2  }
0x446: {  	s12 =	simm.s32 $0xA980  }
.LBB2_27:
0x447: {  	_ =	sfence.sel $0x180000  }
0x448: {  	[bflag:$0x0] =	sbarrier.arrive $0xFFFF  }
0x449: {  	_ =	strace $0x90000047  }
0x44a: {  	s0 =	stileid.u32;
	[bflag:$0x2] =	sbarrier.arrive $0xFFFF  }
0x44b: {  	p0 =	sne.s32 s0, $0x0;
	s0 =	rddreg [dreg:$0x3]  }
0x44c: {  	s0 =	sadd.s32 @!p0 $0x100000, s0  }
0x44d: {  	[sflag:s0] =	ssyncadd.tile.s32 @!p0 $0x1;
	_ =	shalt  }
.Lfunc_end2:
_tile_overlayer_lowered:
.L_overlay_start_2:
0x44e: {  	(tag) =	ssettag $0x2  }
0x44f: {  	s0 =	rddreg [dreg:$0x0];
	s2 =	stileid.u32  }
0x450: {  	s1 =	rddreg [dreg:$0x1];
	p0 =	sne.s32 s2, $0x0  }
0x451: {  	s3 =	rddreg [dreg:$0x2];
	[bflag:$0x3] =	sbarrier.arrive $0xFFFF;
	s2 =	simm.s32 @!p0 $0x1C03  }
0x452: {  	[timem:s3], [sflag:s2] =	dma.local @!p0 [hbm:s0], s1  }
0x453: {  	s0 =	simm.s32 @!p0 $0x3  }
0x454: {  	_ =	swait.ge @!p0 [sflag:s0], s1  }
0x455: {  	s1 =	ssub.s32 @!p0 $0x0, s1;
	[sflag:s0] =	ssyncset.done @!p0 $0x0  }
0x456: {  	[sflag:s0] =	ssyncadd.s32 @!p0 s1  }
0x457: {  	[bflag:$0x3] =	sbarrier.arrive $0xFFFF  }
0x458: {  	_ =	shalt  }

</sc_bundles>
